<compile_context>
chip_gen: v7x
topology: tpu7x:2x2x1
jax: 0.10.2.dev20260603
libtpu: 0.0.44.dev20260713+nightly
codegen_flags: <defaults>
</compile_context>

<pallas_src>
import functools

import jax
import jax.numpy as jnp
from jax import lax
from jax.experimental import pallas as pl
from jax.experimental.pallas import tpu as pltpu
from jax.experimental.pallas import tpu_sc as plsc

N, L, D = 1600, 77, 768
N_CTX = 8
CTX_POS = 1
NC, NS = 2, 16
NW = NC * NS
LANES = 16
CHD = D // LANES

SLABS = L - N_CTX
HALF = N // 2
QUART = N // 4
NCH = 40
HCH = HALF // NCH
QCH = QUART // NCH
DEPTH = 3

CXB = 16
MSK_W0 = 26
MBC = 128
MBLK = N // MBC

_mesh = plsc.VectorSubcoreMesh(core_axis_name="c", subcore_axis_name="s")


@functools.partial(
    pl.kernel,
    mesh=_mesh,
    out_type=[
        jax.ShapeDtypeStruct((L, N, D), jnp.float32),
        jax.ShapeDtypeStruct((L, N), jnp.int32),
    ],
    scratch_types=[
        pltpu.VMEM_SHARED((NS, DEPTH, NCH, D), jnp.float32),
        pltpu.VMEM((CXB, D), jnp.float32),
        pltpu.VMEM((L, MBC + 64), jnp.int32),
        pltpu.VMEM((N_CTX, D), jnp.float32),
        pltpu.SemaphoreType.DMA,
        pltpu.SemaphoreType.DMA,
        pltpu.SemaphoreType.DMA,
        pltpu.SemaphoreType.DMA,
        pltpu.SemaphoreType.DMA,
        pltpu.SemaphoreType.DMA,
        pltpu.SemaphoreType.DMA,
        pltpu.SemaphoreType.DMA,
    ],
)
def _assemble(emb, ctx, msk, out_emb, out_msk, sp_v, b_v, m_v, c_v,
              semG0, semG1, semG2, semS0, semS1, semS2, semC, semM):
    sid = lax.axis_index("s")
    wid = sid * NC + lax.axis_index("c")
    semG = (semG0, semG1, semG2)
    semS = (semS0, semS1, semS2)

    def gchunk(s, l_src, n0):
        return pltpu.make_async_copy(
            emb.at[l_src, pl.ds(n0, NCH)], sp_v.at[sid, s], semG[s])

    def schunk(s, l_dst, n0):
        return pltpu.make_async_copy(
            sp_v.at[sid, s], out_emb.at[l_dst, pl.ds(n0, NCH)], semS[s])

    def run_unit(l_src, l_dst, nbase, nchunks):
        for c in range(nchunks):
            s = c % DEPTH
            if c >= DEPTH:
                schunk(s, l_dst, nbase + NCH * (c - DEPTH)).wait()
            gchunk(s, l_src, nbase + NCH * c).start()
            if c >= 2:
                s2 = (c - 2) % DEPTH
                gchunk(s2, l_src, nbase + NCH * (c - 2)).wait()
                schunk(s2, l_dst, nbase + NCH * (c - 2)).start()
        for c in (nchunks - 2, nchunks - 1):
            s2 = c % DEPTH
            gchunk(s2, l_src, nbase + NCH * c).wait()
            schunk(s2, l_dst, nbase + NCH * c).start()
        for c in range(nchunks - DEPTH, nchunks):
            schunk(c % DEPTH, l_dst, nbase + NCH * c).wait()

    def unit_body(k, carry):
        u = wid + NW * k
        slab = u // 2
        l_dst = jnp.where(slab == 0, 0, slab + N_CTX)
        run_unit(slab, l_dst, (u % 2) * HALF, HCH)
        return carry

    lax.fori_loop(0, 4, unit_body, 0)

    @pl.when(wid < 20)
    def _extras():
        e = 128 + wid // 2
        slab = e // 2
        nbase = (e % 2) * HALF + (wid % 2) * QUART
        run_unit(slab, slab + N_CTX, nbase, QCH)

    j = wid // 4
    l_ctx = CTX_POS + j
    nb_ctx = (wid % 4) * QUART
    pltpu.sync_copy(ctx, c_v)

    def repl(kk, carry):
        val = c_v[j, pl.ds(kk * LANES, LANES)]
        for r in range(CXB):
            b_v[r, pl.ds(kk * LANES, LANES)] = val
        return carry

    lax.fori_loop(0, CHD, repl, 0)
    ctx_cps = [
        pltpu.make_async_copy(
            b_v, out_emb.at[l_ctx, pl.ds(nb_ctx + CXB * c, CXB)], semC)
        for c in range(QUART // CXB)
    ]
    for cp in ctx_cps:
        cp.start()
    for cp in ctx_cps:
        cp.wait()

    ones16 = jnp.full((LANES,), 1, jnp.int32)

    def mask_block(n0, col0, ncols):
        gin = pltpu.make_async_copy(
            msk.at[pl.ds(0, L), pl.ds(n0, ncols)],
            m_v.at[pl.ds(0, L), pl.ds(col0, ncols)], semM)
        gin.start()
        gin.wait()
        nck = ncols // LANES

        def shrow(t, carry):
            i = (L - 1) - t
            for kk in range(nck):
                m_v[i, pl.ds(col0 + kk * LANES, LANES)] = \
                    m_v[i - N_CTX, pl.ds(col0 + kk * LANES, LANES)]
            return carry

        lax.fori_loop(0, L - CTX_POS - N_CTX, shrow, 0)
        for r in range(CTX_POS, CTX_POS + N_CTX):
            for kk in range(nck):
                m_v[r, pl.ds(col0 + kk * LANES, LANES)] = ones16
        gout = pltpu.make_async_copy(
            m_v.at[pl.ds(0, L), pl.ds(col0, ncols)],
            out_msk.at[pl.ds(0, L), pl.ds(n0, ncols)], semM)
        gout.start()
        gout.wait()

    @pl.when(jnp.logical_and(wid >= MSK_W0, wid < NW))
    def _mask():
        def mb(k, carry):
            u = (wid - MSK_W0) + 6 * k
            mask_block(MBC * u, 0, MBC)
            return carry

        lax.fori_loop(0, 2, mb, 0)

    @pl.when(wid == MSK_W0)
    def _mask_last():
        mask_block(MBC * MBLK, MBC, N - MBC * MBLK)


def kernel(token_emb_fixed, ctx, attn_mask, positional_embedding):
    del positional_embedding
    emb_t = jnp.transpose(token_emb_fixed, (1, 0, 2))
    msk_t = attn_mask.T
    out_t, outm_t = _assemble(emb_t, ctx, msk_t)
    return jnp.transpose(out_t, (1, 0, 2)), outm_t.T

# --- scband reference (transcript-rebuilt; emitter-appended) ---
"""Pipeline reference for scband-prompt-learner-67611375174154 (READ-ONLY COPY).

The authoritative reference and input builder live on the scoring server;
editing this copy changes nothing except your own understanding.
"""

import jax, jax.numpy as jnp
import numpy as np

N_CTX = 8
CTX_POS = 1


def setup_inputs(seed: int = 0) -> dict:
    key = jax.random.key(seed)
    k1, k2, k3, k4 = jax.random.split(key, 4)
    N, L, d = 1600, 77, 768
    token_emb_fixed = jax.random.normal(k1, (N, L, d), dtype=jnp.float32)
    ctx = jax.random.normal(k2, (N_CTX, d), dtype=jnp.float32) * 0.02
    attn_mask = jax.random.randint(k3, (N, L), 0, 2).astype(jnp.int32)
    positional_embedding = jax.random.normal(k4, (L, d), dtype=jnp.float32)
    return {
        "token_emb_fixed": token_emb_fixed,
        "ctx": ctx,
        "attn_mask": attn_mask,
        "positional_embedding": positional_embedding,
    }


def reference(token_emb_fixed, ctx, attn_mask, positional_embedding):
    # Faithful port of PromptLearner.compose_embeds
    N, L, d = token_emb_fixed.shape
    prefix = token_emb_fixed[:, :CTX_POS, :]
    suffix = token_emb_fixed[:, CTX_POS:, :]
    if N_CTX > 0:
        ctx_exp = jnp.broadcast_to(ctx[None, :, :], (N, N_CTX, d))
        embeds = jnp.concatenate([prefix, ctx_exp, suffix], axis=1)
        ones_ctx = jnp.ones((N, N_CTX), dtype=attn_mask.dtype)
        mask = jnp.concatenate(
            [attn_mask[:, :CTX_POS], ones_ctx, attn_mask[:, CTX_POS:]], axis=1
        )
    else:
        embeds = jnp.concatenate([prefix, suffix], axis=1)
        mask = jnp.concatenate(
            [attn_mask[:, :CTX_POS], attn_mask[:, CTX_POS:]], axis=1
        )
    max_length = positional_embedding.shape[0]
    if embeds.shape[1] > max_length:
        embeds = embeds[:, :max_length, :]
        mask = mask[:, :max_length]
    elif embeds.shape[1] < max_length:
        pad_amt = max_length - embeds.shape[1]
        embeds = jnp.pad(embeds, ((0, 0), (0, pad_amt), (0, 0)))
        mask = jnp.pad(mask, ((0, 0), (0, pad_amt)))
    return embeds, mask

if __name__ == "__main__":
    import jax
    _d = setup_inputs()
    print(jax.jit(kernel)(*tuple(_d.values())))

</pallas_src>

<mosaic_0001>
#map = affine_map<(d0, d1) -> (0, 0, 0)>
#map1 = affine_map<(d0, d1) -> (0, 0)>
module attributes {stable_mosaic.version = 14 : i64} {
  func.func @_assemble(%arg0: i32, %arg1: i32, %arg2: memref<77x1600x768xf32, #tpu.memory_space<hbm>>, %arg3: memref<8x768xf32, #tpu.memory_space<hbm>>, %arg4: memref<77x1600xi32, #tpu.memory_space<hbm>>, %arg5: memref<77x1600x768xf32, #tpu.memory_space<hbm>>, %arg6: memref<77x1600xi32, #tpu.memory_space<hbm>>, %arg7: memref<16x3x40x768xf32, #tpu.memory_space<vmem_shared>>, %arg8: memref<16x768xf32, #tpu.memory_space<vmem>>, %arg9: memref<77x192xi32, #tpu.memory_space<vmem>>, %arg10: memref<8x768xf32, #tpu.memory_space<vmem>>, %arg11: memref<!tpu.dma_semaphore, #tpu.memory_space<semaphore_mem>>, %arg12: memref<!tpu.dma_semaphore, #tpu.memory_space<semaphore_mem>>, %arg13: memref<!tpu.dma_semaphore, #tpu.memory_space<semaphore_mem>>, %arg14: memref<!tpu.dma_semaphore, #tpu.memory_space<semaphore_mem>>, %arg15: memref<!tpu.dma_semaphore, #tpu.memory_space<semaphore_mem>>, %arg16: memref<!tpu.dma_semaphore, #tpu.memory_space<semaphore_mem>>, %arg17: memref<!tpu.dma_semaphore, #tpu.memory_space<semaphore_mem>>, %arg18: memref<!tpu.dma_semaphore, #tpu.memory_space<semaphore_mem>>) attributes {dimension_semantics = [#tpu.dimension_semantics<core_parallel>, #tpu.dimension_semantics<subcore_parallel>], iteration_bounds = array<i64: 2, 16>, scalar_prefetch = 0 : i64, scratch_operands = 12 : i64, tpu.core_type = #tpu.core_type<sc_vector_subcore>, window_params = [{transform_indices = #map}, {transform_indices = #map1}, {transform_indices = #map1}, {transform_indices = #map}, {transform_indices = #map1}]} {
    %mul3A = arith.constant 2 : i32
    %mul3A_0 = arith.muli %arg1, %mul3A : i32
    %add3A = arith.addi %mul3A_0, %arg0 : i32
    %scan3A = arith.constant 0 : i32
    %scan3A_1 = arith.constant 0 : i32
    %scan3A_2 = arith.constant 4 : i32
    %scan3A_3 = arith.addi %scan3A_1, %scan3A_2 : i32
    %scan3A_4 = arith.constant 1 : i32
    scf.for %scan3A_410 = %scan3A_1 to %scan3A_3 step %scan3A_4  : i32 {
      %mul3A_411 = arith.constant 32 : i32
      %mul3A_412 = arith.muli %mul3A_411, %scan3A_410 : i32
      %add3A_413 = arith.addi %add3A, %mul3A_412 : i32
      %jit3A_414 = arith.constant 2 : i32
      %div3A_415 = arith.divsi %add3A_413, %jit3A_414 : i32
      %sign3A_416 = arith.constant 0 : i32
      %sign3A_417 = arith.cmpi sgt, %add3A_413, %sign3A_416 : i32
      %sign3A_418 = arith.extui %sign3A_417 : i1 to i32
      %sign3A_419 = arith.constant 0 : i32
      %sign3A_420 = arith.cmpi slt, %add3A_413, %sign3A_419 : i32
      %sign3A_421 = arith.extui %sign3A_420 : i1 to i32
      %sign3A_422 = arith.subi %sign3A_418, %sign3A_421 : i32
      %sign3A_423 = arith.constant 0 : i32
      %sign3A_424 = arith.cmpi sgt, %jit3A_414, %sign3A_423 : i32
      %sign3A_425 = arith.extui %sign3A_424 : i1 to i32
      %sign3A_426 = arith.constant 0 : i32
      %sign3A_427 = arith.cmpi slt, %jit3A_414, %sign3A_426 : i32
      %sign3A_428 = arith.extui %sign3A_427 : i1 to i32
      %sign3A_429 = arith.subi %sign3A_425, %sign3A_428 : i32
      %ne3A_430 = arith.cmpi ne, %sign3A_422, %sign3A_429 : i32
      %rem3A_431 = arith.remsi %add3A_413, %jit3A_414 : i32
      %ne3A_432 = arith.constant 0 : i32
      %ne3A_433 = arith.cmpi ne, %rem3A_431, %ne3A_432 : i32
      %and3A_434 = arith.andi %ne3A_430, %ne3A_433 : i1
      %sub3A_435 = arith.constant 1 : i32
      %sub3A_436 = arith.subi %div3A_415, %sub3A_435 : i32
      %select_n3A_437 = arith.select %and3A_434, %sub3A_436, %div3A_415 : i32
      %eq3A_438 = arith.constant 0 : i32
      %eq3A_439 = arith.cmpi eq, %select_n3A_437, %eq3A_438 : i32
      %add3A_440 = arith.constant 8 : i32
      %add3A_441 = arith.addi %select_n3A_437, %add3A_440 : i32
      %jit3A_442 = arith.constant 0 : i32
      %select_n3A_443 = arith.select %eq3A_439, %jit3A_442, %add3A_441 : i32
      %jit3A_444 = arith.constant 2 : i32
      %eq3A_445 = arith.constant 0 : i32
      %eq3A_446 = arith.cmpi eq, %jit3A_444, %eq3A_445 : i32
      %jit3A_447 = arith.constant 1 : i32
      %select_n3A_448 = arith.select %eq3A_446, %jit3A_447, %jit3A_444 : i32
      %rem3A_449 = arith.remsi %add3A_413, %select_n3A_448 : i32
      %ne3A_450 = arith.constant 0 : i32
      %ne3A_451 = arith.cmpi ne, %rem3A_449, %ne3A_450 : i32
      %lt3A_452 = arith.constant 0 : i32
      %lt3A_453 = arith.cmpi slt, %rem3A_449, %lt3A_452 : i32
      %lt3A_454 = arith.constant 0 : i32
      %lt3A_455 = arith.cmpi slt, %select_n3A_448, %lt3A_454 : i32
      %ne3A_456 = arith.xori %lt3A_453, %lt3A_455 : i1
      %and3A_457 = arith.andi %ne3A_456, %ne3A_451 : i1
      %add3A_458 = arith.addi %rem3A_449, %select_n3A_448 : i32
      %select_n3A_459 = arith.select %and3A_457, %add3A_458, %rem3A_449 : i32
      %mul3A_460 = arith.constant 800 : i32
      %mul3A_461 = arith.muli %select_n3A_459, %mul3A_460 : i32
      %add3A_462 = arith.constant 0 : i32
      %add3A_463 = arith.addi %mul3A_461, %add3A_462 : i32
      %dma_start3A_464 = arith.constant 0 : i32
      %dma_start3A_465 = arith.constant 0 : i32
      %dma_start3A_466 = arith.constant 0 : i32
      %dma_start3A_467 = tpu.memref_slice %arg7[%arg1, %dma_start3A_464, %dma_start3A_465, %dma_start3A_466] : memref<16x3x40x768xf32, #tpu.memory_space<vmem_shared>> -> memref<1x1x40x768xf32, #tpu.memory_space<vmem_shared>>
      %dma_start3A_468 = tpu.memref_squeeze %dma_start3A_467 : memref<1x1x40x768xf32, #tpu.memory_space<vmem_shared>> -> memref<40x768xf32, #tpu.memory_space<vmem_shared>>
      %dma_start3A_469 = arith.constant 0 : i32
      %dma_start3A_470 = tpu.memref_slice %arg2[%select_n3A_437, %add3A_463, %dma_start3A_469] : memref<77x1600x768xf32, #tpu.memory_space<hbm>> -> memref<1x40x768xf32, #tpu.memory_space<hbm>>
      %dma_start3A_471 = tpu.memref_squeeze %dma_start3A_470 : memref<1x40x768xf32, #tpu.memory_space<hbm>> -> memref<40x768xf32, #tpu.memory_space<hbm>>
      tpu.enqueue_dma source(%dma_start3A_471 : memref<40x768xf32, #tpu.memory_space<hbm>>) target(%dma_start3A_468 : memref<40x768xf32, #tpu.memory_space<vmem_shared>>) target_semaphore(%arg11 : memref<!tpu.dma_semaphore, #tpu.memory_space<semaphore_mem>>)
      %add3A_472 = arith.constant 40 : i32
      %add3A_473 = arith.addi %mul3A_461, %add3A_472 : i32
      %dma_start3A_474 = arith.constant 1 : i32
      %dma_start3A_475 = arith.constant 0 : i32
      %dma_start3A_476 = arith.constant 0 : i32
      %dma_start3A_477 = tpu.memref_slice %arg7[%arg1, %dma_start3A_474, %dma_start3A_475, %dma_start3A_476] : memref<16x3x40x768xf32, #tpu.memory_space<vmem_shared>> -> memref<1x1x40x768xf32, #tpu.memory_space<vmem_shared>>
      %dma_start3A_478 = tpu.memref_squeeze %dma_start3A_477 : memref<1x1x40x768xf32, #tpu.memory_space<vmem_shared>> -> memref<40x768xf32, #tpu.memory_space<vmem_shared>>
      %dma_start3A_479 = arith.constant 0 : i32
      %dma_start3A_480 = tpu.memref_slice %arg2[%select_n3A_437, %add3A_473, %dma_start3A_479] : memref<77x1600x768xf32, #tpu.memory_space<hbm>> -> memref<1x40x768xf32, #tpu.memory_space<hbm>>
      %dma_start3A_481 = tpu.memref_squeeze %dma_start3A_480 : memref<1x40x768xf32, #tpu.memory_space<hbm>> -> memref<40x768xf32, #tpu.memory_space<hbm>>
      tpu.enqueue_dma source(%dma_start3A_481 : memref<40x768xf32, #tpu.memory_space<hbm>>) target(%dma_start3A_478 : memref<40x768xf32, #tpu.memory_space<vmem_shared>>) target_semaphore(%arg12 : memref<!tpu.dma_semaphore, #tpu.memory_space<semaphore_mem>>)
      %add3A_482 = arith.constant 80 : i32
      %add3A_483 = arith.addi %mul3A_461, %add3A_482 : i32
      %dma_start3A_484 = arith.constant 2 : i32
      %dma_start3A_485 = arith.constant 0 : i32
      %dma_start3A_486 = arith.constant 0 : i32
      %dma_start3A_487 = tpu.memref_slice %arg7[%arg1, %dma_start3A_484, %dma_start3A_485, %dma_start3A_486] : memref<16x3x40x768xf32, #tpu.memory_space<vmem_shared>> -> memref<1x1x40x768xf32, #tpu.memory_space<vmem_shared>>
      %dma_start3A_488 = tpu.memref_squeeze %dma_start3A_487 : memref<1x1x40x768xf32, #tpu.memory_space<vmem_shared>> -> memref<40x768xf32, #tpu.memory_space<vmem_shared>>
      %dma_start3A_489 = arith.constant 0 : i32
      %dma_start3A_490 = tpu.memref_slice %arg2[%select_n3A_437, %add3A_483, %dma_start3A_489] : memref<77x1600x768xf32, #tpu.memory_space<hbm>> -> memref<1x40x768xf32, #tpu.memory_space<hbm>>
      %dma_start3A_491 = tpu.memref_squeeze %dma_start3A_490 : memref<1x40x768xf32, #tpu.memory_space<hbm>> -> memref<40x768xf32, #tpu.memory_space<hbm>>
      tpu.enqueue_dma source(%dma_start3A_491 : memref<40x768xf32, #tpu.memory_space<hbm>>) target(%dma_start3A_488 : memref<40x768xf32, #tpu.memory_space<vmem_shared>>) target_semaphore(%arg13 : memref<!tpu.dma_semaphore, #tpu.memory_space<semaphore_mem>>)
      %add3A_492 = arith.constant 0 : i32
      %add3A_493 = arith.addi %mul3A_461, %add3A_492 : i32
      %dma_wait3A_494 = arith.constant 0 : i32
      %dma_wait3A_495 = arith.constant 0 : i32
      %dma_wait3A_496 = arith.constant 0 : i32
      %dma_wait3A_497 = tpu.memref_slice %arg7[%arg1, %dma_wait3A_494, %dma_wait3A_495, %dma_wait3A_496] : memref<16x3x40x768xf32, #tpu.memory_space<vmem_shared>> -> memref<1x1x40x768xf32, #tpu.memory_space<vmem_shared>>
      %dma_wait3A_498 = tpu.memref_squeeze %dma_wait3A_497 : memref<1x1x40x768xf32, #tpu.memory_space<vmem_shared>> -> memref<40x768xf32, #tpu.memory_space<vmem_shared>>
      %dma_wait3A_499 = arith.constant 0 : i32
      %dma_wait3A_500 = tpu.memref_slice %arg2[%select_n3A_437, %add3A_493, %dma_wait3A_499] : memref<77x1600x768xf32, #tpu.memory_space<hbm>> -> memref<1x40x768xf32, #tpu.memory_space<hbm>>
      %dma_wait3A_501 = tpu.memref_squeeze %dma_wait3A_500 : memref<1x40x768xf32, #tpu.memory_space<hbm>> -> memref<40x768xf32, #tpu.memory_space<hbm>>
      tpu.wait_dma2 semaphore(%arg11 : memref<!tpu.dma_semaphore, #tpu.memory_space<semaphore_mem>>) src(%dma_wait3A_501 : memref<40x768xf32, #tpu.memory_space<hbm>>) dst(%dma_wait3A_498 : memref<40x768xf32, #tpu.memory_space<vmem_shared>>)
      %add3A_502 = arith.constant 0 : i32
      %add3A_503 = arith.addi %mul3A_461, %add3A_502 : i32
      %dma_start3A_504 = arith.constant 0 : i32
      %dma_start3A_505 = arith.constant 0 : i32
      %dma_start3A_506 = tpu.memref_slice %arg5[%select_n3A_443, %add3A_503, %dma_start3A_505] : memref<77x1600x768xf32, #tpu.memory_space<hbm>> -> memref<1x40x768xf32, #tpu.memory_space<hbm>>
      %dma_start3A_507 = tpu.memref_squeeze %dma_start3A_506 : memref<1x40x768xf32, #tpu.memory_space<hbm>> -> memref<40x768xf32, #tpu.memory_space<hbm>>
      %dma_start3A_508 = arith.constant 0 : i32
      %dma_start3A_509 = arith.constant 0 : i32
      %dma_start3A_510 = tpu.memref_slice %arg7[%arg1, %dma_start3A_504, %dma_start3A_508, %dma_start3A_509] : memref<16x3x40x768xf32, #tpu.memory_space<vmem_shared>> -> memref<1x1x40x768xf32, #tpu.memory_space<vmem_shared>>
      %dma_start3A_511 = tpu.memref_squeeze %dma_start3A_510 : memref<1x1x40x768xf32, #tpu.memory_space<vmem_shared>> -> memref<40x768xf32, #tpu.memory_space<vmem_shared>>
      tpu.enqueue_dma source(%dma_start3A_511 : memref<40x768xf32, #tpu.memory_space<vmem_shared>>) target(%dma_start3A_507 : memref<40x768xf32, #tpu.memory_space<hbm>>) target_semaphore(%arg14 : memref<!tpu.dma_semaphore, #tpu.memory_space<semaphore_mem>>)
      %add3A_512 = arith.constant 0 : i32
      %add3A_513 = arith.addi %mul3A_461, %add3A_512 : i32
      %dma_wait3A_514 = arith.constant 0 : i32
      %dma_wait3A_515 = arith.constant 0 : i32
      %dma_wait3A_516 = tpu.memref_slice %arg5[%select_n3A_443, %add3A_513, %dma_wait3A_515] : memref<77x1600x768xf32, #tpu.memory_space<hbm>> -> memref<1x40x768xf32, #tpu.memory_space<hbm>>
      %dma_wait3A_517 = tpu.memref_squeeze %dma_wait3A_516 : memref<1x40x768xf32, #tpu.memory_space<hbm>> -> memref<40x768xf32, #tpu.memory_space<hbm>>
      %dma_wait3A_518 = arith.constant 0 : i32
      %dma_wait3A_519 = arith.constant 0 : i32
      %dma_wait3A_520 = tpu.memref_slice %arg7[%arg1, %dma_wait3A_514, %dma_wait3A_518, %dma_wait3A_519] : memref<16x3x40x768xf32, #tpu.memory_space<vmem_shared>> -> memref<1x1x40x768xf32, #tpu.memory_space<vmem_shared>>
      %dma_wait3A_521 = tpu.memref_squeeze %dma_wait3A_520 : memref<1x1x40x768xf32, #tpu.memory_space<vmem_shared>> -> memref<40x768xf32, #tpu.memory_space<vmem_shared>>
      tpu.wait_dma2 semaphore(%arg14 : memref<!tpu.dma_semaphore, #tpu.memory_space<semaphore_mem>>) src(%dma_wait3A_521 : memref<40x768xf32, #tpu.memory_space<vmem_shared>>) dst(%dma_wait3A_517 : memref<40x768xf32, #tpu.memory_space<hbm>>)
      %add3A_522 = arith.constant 120 : i32
      %add3A_523 = arith.addi %mul3A_461, %add3A_522 : i32
      %dma_start3A_524 = arith.constant 0 : i32
      %dma_start3A_525 = arith.constant 0 : i32
      %dma_start3A_526 = arith.constant 0 : i32
      %dma_start3A_527 = tpu.memref_slice %arg7[%arg1, %dma_start3A_524, %dma_start3A_525, %dma_start3A_526] : memref<16x3x40x768xf32, #tpu.memory_space<vmem_shared>> -> memref<1x1x40x768xf32, #tpu.memory_space<vmem_shared>>
      %dma_start3A_528 = tpu.memref_squeeze %dma_start3A_527 : memref<1x1x40x768xf32, #tpu.memory_space<vmem_shared>> -> memref<40x768xf32, #tpu.memory_space<vmem_shared>>
      %dma_start3A_529 = arith.constant 0 : i32
      %dma_start3A_530 = tpu.memref_slice %arg2[%select_n3A_437, %add3A_523, %dma_start3A_529] : memref<77x1600x768xf32, #tpu.memory_space<hbm>> -> memref<1x40x768xf32, #tpu.memory_space<hbm>>
      %dma_start3A_531 = tpu.memref_squeeze %dma_start3A_530 : memref<1x40x768xf32, #tpu.memory_space<hbm>> -> memref<40x768xf32, #tpu.memory_space<hbm>>
      tpu.enqueue_dma source(%dma_start3A_531 : memref<40x768xf32, #tpu.memory_space<hbm>>) target(%dma_start3A_528 : memref<40x768xf32, #tpu.memory_space<vmem_shared>>) target_semaphore(%arg11 : memref<!tpu.dma_semaphore, #tpu.memory_space<semaphore_mem>>)
      %add3A_532 = arith.constant 40 : i32
      %add3A_533 = arith.addi %mul3A_461, %add3A_532 : i32
      %dma_wait3A_534 = arith.constant 1 : i32
      %dma_wait3A_535 = arith.constant 0 : i32
      %dma_wait3A_536 = arith.constant 0 : i32
      %dma_wait3A_537 = tpu.memref_slice %arg7[%arg1, %dma_wait3A_534, %dma_wait3A_535, %dma_wait3A_536] : memref<16x3x40x768xf32, #tpu.memory_space<vmem_shared>> -> memref<1x1x40x768xf32, #tpu.memory_space<vmem_shared>>
      %dma_wait3A_538 = tpu.memref_squeeze %dma_wait3A_537 : memref<1x1x40x768xf32, #tpu.memory_space<vmem_shared>> -> memref<40x768xf32, #tpu.memory_space<vmem_shared>>
      %dma_wait3A_539 = arith.constant 0 : i32
      %dma_wait3A_540 = tpu.memref_slice %arg2[%select_n3A_437, %add3A_533, %dma_wait3A_539] : memref<77x1600x768xf32, #tpu.memory_space<hbm>> -> memref<1x40x768xf32, #tpu.memory_space<hbm>>
      %dma_wait3A_541 = tpu.memref_squeeze %dma_wait3A_540 : memref<1x40x768xf32, #tpu.memory_space<hbm>> -> memref<40x768xf32, #tpu.memory_space<hbm>>
      tpu.wait_dma2 semaphore(%arg12 : memref<!tpu.dma_semaphore, #tpu.memory_space<semaphore_mem>>) src(%dma_wait3A_541 : memref<40x768xf32, #tpu.memory_space<hbm>>) dst(%dma_wait3A_538 : memref<40x768xf32, #tpu.memory_space<vmem_shared>>)
      %add3A_542 = arith.constant 40 : i32
      %add3A_543 = arith.addi %mul3A_461, %add3A_542 : i32
      %dma_start3A_544 = arith.constant 1 : i32
      %dma_start3A_545 = arith.constant 0 : i32
      %dma_start3A_546 = tpu.memref_slice %arg5[%select_n3A_443, %add3A_543, %dma_start3A_545] : memref<77x1600x768xf32, #tpu.memory_space<hbm>> -> memref<1x40x768xf32, #tpu.memory_space<hbm>>
      %dma_start3A_547 = tpu.memref_squeeze %dma_start3A_546 : memref<1x40x768xf32, #tpu.memory_space<hbm>> -> memref<40x768xf32, #tpu.memory_space<hbm>>
      %dma_start3A_548 = arith.constant 0 : i32
      %dma_start3A_549 = arith.constant 0 : i32
      %dma_start3A_550 = tpu.memref_slice %arg7[%arg1, %dma_start3A_544, %dma_start3A_548, %dma_start3A_549] : memref<16x3x40x768xf32, #tpu.memory_space<vmem_shared>> -> memref<1x1x40x768xf32, #tpu.memory_space<vmem_shared>>
      %dma_start3A_551 = tpu.memref_squeeze %dma_start3A_550 : memref<1x1x40x768xf32, #tpu.memory_space<vmem_shared>> -> memref<40x768xf32, #tpu.memory_space<vmem_shared>>
      tpu.enqueue_dma source(%dma_start3A_551 : memref<40x768xf32, #tpu.memory_space<vmem_shared>>) target(%dma_start3A_547 : memref<40x768xf32, #tpu.memory_space<hbm>>) target_semaphore(%arg15 : memref<!tpu.dma_semaphore, #tpu.memory_space<semaphore_mem>>)
      %add3A_552 = arith.constant 40 : i32
      %add3A_553 = arith.addi %mul3A_461, %add3A_552 : i32
      %dma_wait3A_554 = arith.constant 1 : i32
      %dma_wait3A_555 = arith.constant 0 : i32
      %dma_wait3A_556 = tpu.memref_slice %arg5[%select_n3A_443, %add3A_553, %dma_wait3A_555] : memref<77x1600x768xf32, #tpu.memory_space<hbm>> -> memref<1x40x768xf32, #tpu.memory_space<hbm>>
      %dma_wait3A_557 = tpu.memref_squeeze %dma_wait3A_556 : memref<1x40x768xf32, #tpu.memory_space<hbm>> -> memref<40x768xf32, #tpu.memory_space<hbm>>
      %dma_wait3A_558 = arith.constant 0 : i32
      %dma_wait3A_559 = arith.constant 0 : i32
      %dma_wait3A_560 = tpu.memref_slice %arg7[%arg1, %dma_wait3A_554, %dma_wait3A_558, %dma_wait3A_559] : memref<16x3x40x768xf32, #tpu.memory_space<vmem_shared>> -> memref<1x1x40x768xf32, #tpu.memory_space<vmem_shared>>
      %dma_wait3A_561 = tpu.memref_squeeze %dma_wait3A_560 : memref<1x1x40x768xf32, #tpu.memory_space<vmem_shared>> -> memref<40x768xf32, #tpu.memory_space<vmem_shared>>
      tpu.wait_dma2 semaphore(%arg15 : memref<!tpu.dma_semaphore, #tpu.memory_space<semaphore_mem>>) src(%dma_wait3A_561 : memref<40x768xf32, #tpu.memory_space<vmem_shared>>) dst(%dma_wait3A_557 : memref<40x768xf32, #tpu.memory_space<hbm>>)
      %add3A_562 = arith.constant 160 : i32
      %add3A_563 = arith.addi %mul3A_461, %add3A_562 : i32
      %dma_start3A_564 = arith.constant 1 : i32
      %dma_start3A_565 = arith.constant 0 : i32
      %dma_start3A_566 = arith.constant 0 : i32
      %dma_start3A_567 = tpu.memref_slice %arg7[%arg1, %dma_start3A_564, %dma_start3A_565, %dma_start3A_566] : memref<16x3x40x768xf32, #tpu.memory_space<vmem_shared>> -> memref<1x1x40x768xf32, #tpu.memory_space<vmem_shared>>
      %dma_start3A_568 = tpu.memref_squeeze %dma_start3A_567 : memref<1x1x40x768xf32, #tpu.memory_space<vmem_shared>> -> memref<40x768xf32, #tpu.memory_space<vmem_shared>>
      %dma_start3A_569 = arith.constant 0 : i32
      %dma_start3A_570 = tpu.memref_slice %arg2[%select_n3A_437, %add3A_563, %dma_start3A_569] : memref<77x1600x768xf32, #tpu.memory_space<hbm>> -> memref<1x40x768xf32, #tpu.memory_space<hbm>>
      %dma_start3A_571 = tpu.memref_squeeze %dma_start3A_570 : memref<1x40x768xf32, #tpu.memory_space<hbm>> -> memref<40x768xf32, #tpu.memory_space<hbm>>
      tpu.enqueue_dma source(%dma_start3A_571 : memref<40x768xf32, #tpu.memory_space<hbm>>) target(%dma_start3A_568 : memref<40x768xf32, #tpu.memory_space<vmem_shared>>) target_semaphore(%arg12 : memref<!tpu.dma_semaphore, #tpu.memory_space<semaphore_mem>>)
      %add3A_572 = arith.constant 80 : i32
      %add3A_573 = arith.addi %mul3A_461, %add3A_572 : i32
      %dma_wait3A_574 = arith.constant 2 : i32
      %dma_wait3A_575 = arith.constant 0 : i32
      %dma_wait3A_576 = arith.constant 0 : i32
      %dma_wait3A_577 = tpu.memref_slice %arg7[%arg1, %dma_wait3A_574, %dma_wait3A_575, %dma_wait3A_576] : memref<16x3x40x768xf32, #tpu.memory_space<vmem_shared>> -> memref<1x1x40x768xf32, #tpu.memory_space<vmem_shared>>
      %dma_wait3A_578 = tpu.memref_squeeze %dma_wait3A_577 : memref<1x1x40x768xf32, #tpu.memory_space<vmem_shared>> -> memref<40x768xf32, #tpu.memory_space<vmem_shared>>
      %dma_wait3A_579 = arith.constant 0 : i32
      %dma_wait3A_580 = tpu.memref_slice %arg2[%select_n3A_437, %add3A_573, %dma_wait3A_579] : memref<77x1600x768xf32, #tpu.memory_space<hbm>> -> memref<1x40x768xf32, #tpu.memory_space<hbm>>
      %dma_wait3A_581 = tpu.memref_squeeze %dma_wait3A_580 : memref<1x40x768xf32, #tpu.memory_space<hbm>> -> memref<40x768xf32, #tpu.memory_space<hbm>>
      tpu.wait_dma2 semaphore(%arg13 : memref<!tpu.dma_semaphore, #tpu.memory_space<semaphore_mem>>) src(%dma_wait3A_581 : memref<40x768xf32, #tpu.memory_space<hbm>>) dst(%dma_wait3A_578 : memref<40x768xf32, #tpu.memory_space<vmem_shared>>)
      %add3A_582 = arith.constant 80 : i32
      %add3A_583 = arith.addi %mul3A_461, %add3A_582 : i32
      %dma_start3A_584 = arith.constant 2 : i32
      %dma_start3A_585 = arith.constant 0 : i32
      %dma_start3A_586 = tpu.memref_slice %arg5[%select_n3A_443, %add3A_583, %dma_start3A_585] : memref<77x1600x768xf32, #tpu.memory_space<hbm>> -> memref<1x40x768xf32, #tpu.memory_space<hbm>>
      %dma_start3A_587 = tpu.memref_squeeze %dma_start3A_586 : memref<1x40x768xf32, #tpu.memory_space<hbm>> -> memref<40x768xf32, #tpu.memory_space<hbm>>
      %dma_start3A_588 = arith.constant 0 : i32
      %dma_start3A_589 = arith.constant 0 : i32
      %dma_start3A_590 = tpu.memref_slice %arg7[%arg1, %dma_start3A_584, %dma_start3A_588, %dma_start3A_589] : memref<16x3x40x768xf32, #tpu.memory_space<vmem_shared>> -> memref<1x1x40x768xf32, #tpu.memory_space<vmem_shared>>
      %dma_start3A_591 = tpu.memref_squeeze %dma_start3A_590 : memref<1x1x40x768xf32, #tpu.memory_space<vmem_shared>> -> memref<40x768xf32, #tpu.memory_space<vmem_shared>>
      tpu.enqueue_dma source(%dma_start3A_591 : memref<40x768xf32, #tpu.memory_space<vmem_shared>>) target(%dma_start3A_587 : memref<40x768xf32, #tpu.memory_space<hbm>>) target_semaphore(%arg16 : memref<!tpu.dma_semaphore, #tpu.memory_space<semaphore_mem>>)
      %add3A_592 = arith.constant 80 : i32
      %add3A_593 = arith.addi %mul3A_461, %add3A_592 : i32
      %dma_wait3A_594 = arith.constant 2 : i32
      %dma_wait3A_595 = arith.constant 0 : i32
      %dma_wait3A_596 = tpu.memref_slice %arg5[%select_n3A_443, %add3A_593, %dma_wait3A_595] : memref<77x1600x768xf32, #tpu.memory_space<hbm>> -> memref<1x40x768xf32, #tpu.memory_space<hbm>>
      %dma_wait3A_597 = tpu.memref_squeeze %dma_wait3A_596 : memref<1x40x768xf32, #tpu.memory_space<hbm>> -> memref<40x768xf32, #tpu.memory_space<hbm>>
      %dma_wait3A_598 = arith.constant 0 : i32
      %dma_wait3A_599 = arith.constant 0 : i32
      %dma_wait3A_600 = tpu.memref_slice %arg7[%arg1, %dma_wait3A_594, %dma_wait3A_598, %dma_wait3A_599] : memref<16x3x40x768xf32, #tpu.memory_space<vmem_shared>> -> memref<1x1x40x768xf32, #tpu.memory_space<vmem_shared>>
      %dma_wait3A_601 = tpu.memref_squeeze %dma_wait3A_600 : memref<1x1x40x768xf32, #tpu.memory_space<vmem_shared>> -> memref<40x768xf32, #tpu.memory_space<vmem_shared>>
      tpu.wait_dma2 semaphore(%arg16 : memref<!tpu.dma_semaphore, #tpu.memory_space<semaphore_mem>>) src(%dma_wait3A_601 : memref<40x768xf32, #tpu.memory_space<vmem_shared>>) dst(%dma_wait3A_597 : memref<40x768xf32, #tpu.memory_space<hbm>>)
      %add3A_602 = arith.constant 200 : i32
      %add3A_603 = arith.addi %mul3A_461, %add3A_602 : i32
      %dma_start3A_604 = arith.constant 2 : i32
      %dma_start3A_605 = arith.constant 0 : i32
      %dma_start3A_606 = arith.constant 0 : i32
      %dma_start3A_607 = tpu.memref_slice %arg7[%arg1, %dma_start3A_604, %dma_start3A_605, %dma_start3A_606] : memref<16x3x40x768xf32, #tpu.memory_space<vmem_shared>> -> memref<1x1x40x768xf32, #tpu.memory_space<vmem_shared>>
      %dma_start3A_608 = tpu.memref_squeeze %dma_start3A_607 : memref<1x1x40x768xf32, #tpu.memory_space<vmem_shared>> -> memref<40x768xf32, #tpu.memory_space<vmem_shared>>
      %dma_start3A_609 = arith.constant 0 : i32
      %dma_start3A_610 = tpu.memref_slice %arg2[%select_n3A_437, %add3A_603, %dma_start3A_609] : memref<77x1600x768xf32, #tpu.memory_space<hbm>> -> memref<1x40x768xf32, #tpu.memory_space<hbm>>
      %dma_start3A_611 = tpu.memref_squeeze %dma_start3A_610 : memref<1x40x768xf32, #tpu.memory_space<hbm>> -> memref<40x768xf32, #tpu.memory_space<hbm>>
      tpu.enqueue_dma source(%dma_start3A_611 : memref<40x768xf32, #tpu.memory_space<hbm>>) target(%dma_start3A_608 : memref<40x768xf32, #tpu.memory_space<vmem_shared>>) target_semaphore(%arg13 : memref<!tpu.dma_semaphore, #tpu.memory_space<semaphore_mem>>)
      %add3A_612 = arith.constant 120 : i32
      %add3A_613 = arith.addi %mul3A_461, %add3A_612 : i32
      %dma_wait3A_614 = arith.constant 0 : i32
      %dma_wait3A_615 = arith.constant 0 : i32
      %dma_wait3A_616 = arith.constant 0 : i32
      %dma_wait3A_617 = tpu.memref_slice %arg7[%arg1, %dma_wait3A_614, %dma_wait3A_615, %dma_wait3A_616] : memref<16x3x40x768xf32, #tpu.memory_space<vmem_shared>> -> memref<1x1x40x768xf32, #tpu.memory_space<vmem_shared>>
      %dma_wait3A_618 = tpu.memref_squeeze %dma_wait3A_617 : memref<1x1x40x768xf32, #tpu.memory_space<vmem_shared>> -> memref<40x768xf32, #tpu.memory_space<vmem_shared>>
      %dma_wait3A_619 = arith.constant 0 : i32
      %dma_wait3A_620 = tpu.memref_slice %arg2[%select_n3A_437, %add3A_613, %dma_wait3A_619] : memref<77x1600x768xf32, #tpu.memory_space<hbm>> -> memref<1x40x768xf32, #tpu.memory_space<hbm>>
      %dma_wait3A_621 = tpu.memref_squeeze %dma_wait3A_620 : memref<1x40x768xf32, #tpu.memory_space<hbm>> -> memref<40x768xf32, #tpu.memory_space<hbm>>
      tpu.wait_dma2 semaphore(%arg11 : memref<!tpu.dma_semaphore, #tpu.memory_space<semaphore_mem>>) src(%dma_wait3A_621 : memref<40x768xf32, #tpu.memory_space<hbm>>) dst(%dma_wait3A_618 : memref<40x768xf32, #tpu.memory_space<vmem_shared>>)
      %add3A_622 = arith.constant 120 : i32
      %add3A_623 = arith.addi %mul3A_461, %add3A_622 : i32
      %dma_start3A_624 = arith.constant 0 : i32
      %dma_start3A_625 = arith.constant 0 : i32
      %dma_start3A_626 = tpu.memref_slice %arg5[%select_n3A_443, %add3A_623, %dma_start3A_625] : memref<77x1600x768xf32, #tpu.memory_space<hbm>> -> memref<1x40x768xf32, #tpu.memory_space<hbm>>
      %dma_start3A_627 = tpu.memref_squeeze %dma_start3A_626 : memref<1x40x768xf32, #tpu.memory_space<hbm>> -> memref<40x768xf32, #tpu.memory_space<hbm>>
      %dma_start3A_628 = arith.constant 0 : i32
      %dma_start3A_629 = arith.constant 0 : i32
      %dma_start3A_630 = tpu.memref_slice %arg7[%arg1, %dma_start3A_624, %dma_start3A_628, %dma_start3A_629] : memref<16x3x40x768xf32, #tpu.memory_space<vmem_shared>> -> memref<1x1x40x768xf32, #tpu.memory_space<vmem_shared>>
      %dma_start3A_631 = tpu.memref_squeeze %dma_start3A_630 : memref<1x1x40x768xf32, #tpu.memory_space<vmem_shared>> -> memref<40x768xf32, #tpu.memory_space<vmem_shared>>
      tpu.enqueue_dma source(%dma_start3A_631 : memref<40x768xf32, #tpu.memory_space<vmem_shared>>) target(%dma_start3A_627 : memref<40x768xf32, #tpu.memory_space<hbm>>) target_semaphore(%arg14 : memref<!tpu.dma_semaphore, #tpu.memory_space<semaphore_mem>>)
      %add3A_632 = arith.constant 120 : i32
      %add3A_633 = arith.addi %mul3A_461, %add3A_632 : i32
      %dma_wait3A_634 = arith.constant 0 : i32
      %dma_wait3A_635 = arith.constant 0 : i32
      %dma_wait3A_636 = tpu.memref_slice %arg5[%select_n3A_443, %add3A_633, %dma_wait3A_635] : memref<77x1600x768xf32, #tpu.memory_space<hbm>> -> memref<1x40x768xf32, #tpu.memory_space<hbm>>
      %dma_wait3A_637 = tpu.memref_squeeze %dma_wait3A_636 : memref<1x40x768xf32, #tpu.memory_space<hbm>> -> memref<40x768xf32, #tpu.memory_space<hbm>>
      %dma_wait3A_638 = arith.constant 0 : i32
      %dma_wait3A_639 = arith.constant 0 : i32
      %dma_wait3A_640 = tpu.memref_slice %arg7[%arg1, %dma_wait3A_634, %dma_wait3A_638, %dma_wait3A_639] : memref<16x3x40x768xf32, #tpu.memory_space<vmem_shared>> -> memref<1x1x40x768xf32, #tpu.memory_space<vmem_shared>>
      %dma_wait3A_641 = tpu.memref_squeeze %dma_wait3A_640 : memref<1x1x40x768xf32, #tpu.memory_space<vmem_shared>> -> memref<40x768xf32, #tpu.memory_space<vmem_shared>>
      tpu.wait_dma2 semaphore(%arg14 : memref<!tpu.dma_semaphore, #tpu.memory_space<semaphore_mem>>) src(%dma_wait3A_641 : memref<40x768xf32, #tpu.memory_space<vmem_shared>>) dst(%dma_wait3A_637 : memref<40x768xf32, #tpu.memory_space<hbm>>)
      %add3A_642 = arith.constant 240 : i32
      %add3A_643 = arith.addi %mul3A_461, %add3A_642 : i32
      %dma_start3A_644 = arith.constant 0 : i32
      %dma_start3A_645 = arith.constant 0 : i32
      %dma_start3A_646 = arith.constant 0 : i32
      %dma_start3A_647 = tpu.memref_slice %arg7[%arg1, %dma_start3A_644, %dma_start3A_645, %dma_start3A_646] : memref<16x3x40x768xf32, #tpu.memory_space<vmem_shared>> -> memref<1x1x40x768xf32, #tpu.memory_space<vmem_shared>>
      %dma_start3A_648 = tpu.memref_squeeze %dma_start3A_647 : memref<1x1x40x768xf32, #tpu.memory_space<vmem_shared>> -> memref<40x768xf32, #tpu.memory_space<vmem_shared>>
      %dma_start3A_649 = arith.constant 0 : i32
      %dma_start3A_650 = tpu.memref_slice %arg2[%select_n3A_437, %add3A_643, %dma_start3A_649] : memref<77x1600x768xf32, #tpu.memory_space<hbm>> -> memref<1x40x768xf32, #tpu.memory_space<hbm>>
      %dma_start3A_651 = tpu.memref_squeeze %dma_start3A_650 : memref<1x40x768xf32, #tpu.memory_space<hbm>> -> memref<40x768xf32, #tpu.memory_space<hbm>>
      tpu.enqueue_dma source(%dma_start3A_651 : memref<40x768xf32, #tpu.memory_space<hbm>>) target(%dma_start3A_648 : memref<40x768xf32, #tpu.memory_space<vmem_shared>>) target_semaphore(%arg11 : memref<!tpu.dma_semaphore, #tpu.memory_space<semaphore_mem>>)
      %add3A_652 = arith.constant 160 : i32
      %add3A_653 = arith.addi %mul3A_461, %add3A_652 : i32
      %dma_wait3A_654 = arith.constant 1 : i32
      %dma_wait3A_655 = arith.constant 0 : i32
      %dma_wait3A_656 = arith.constant 0 : i32
      %dma_wait3A_657 = tpu.memref_slice %arg7[%arg1, %dma_wait3A_654, %dma_wait3A_655, %dma_wait3A_656] : memref<16x3x40x768xf32, #tpu.memory_space<vmem_shared>> -> memref<1x1x40x768xf32, #tpu.memory_space<vmem_shared>>
      %dma_wait3A_658 = tpu.memref_squeeze %dma_wait3A_657 : memref<1x1x40x768xf32, #tpu.memory_space<vmem_shared>> -> memref<40x768xf32, #tpu.memory_space<vmem_shared>>
      %dma_wait3A_659 = arith.constant 0 : i32
      %dma_wait3A_660 = tpu.memref_slice %arg2[%select_n3A_437, %add3A_653, %dma_wait3A_659] : memref<77x1600x768xf32, #tpu.memory_space<hbm>> -> memref<1x40x768xf32, #tpu.memory_space<hbm>>
      %dma_wait3A_661 = tpu.memref_squeeze %dma_wait3A_660 : memref<1x40x768xf32, #tpu.memory_space<hbm>> -> memref<40x768xf32, #tpu.memory_space<hbm>>
      tpu.wait_dma2 semaphore(%arg12 : memref<!tpu.dma_semaphore, #tpu.memory_space<semaphore_mem>>) src(%dma_wait3A_661 : memref<40x768xf32, #tpu.memory_space<hbm>>) dst(%dma_wait3A_658 : memref<40x768xf32, #tpu.memory_space<vmem_shared>>)
      %add3A_662 = arith.constant 160 : i32
      %add3A_663 = arith.addi %mul3A_461, %add3A_662 : i32
      %dma_start3A_664 = arith.constant 1 : i32
      %dma_start3A_665 = arith.constant 0 : i32
      %dma_start3A_666 = tpu.memref_slice %arg5[%select_n3A_443, %add3A_663, %dma_start3A_665] : memref<77x1600x768xf32, #tpu.memory_space<hbm>> -> memref<1x40x768xf32, #tpu.memory_space<hbm>>
      %dma_start3A_667 = tpu.memref_squeeze %dma_start3A_666 : memref<1x40x768xf32, #tpu.memory_space<hbm>> -> memref<40x768xf32, #tpu.memory_space<hbm>>
      %dma_start3A_668 = arith.constant 0 : i32
      %dma_start3A_669 = arith.constant 0 : i32
      %dma_start3A_670 = tpu.memref_slice %arg7[%arg1, %dma_start3A_664, %dma_start3A_668, %dma_start3A_669] : memref<16x3x40x768xf32, #tpu.memory_space<vmem_shared>> -> memref<1x1x40x768xf32, #tpu.memory_space<vmem_shared>>
      %dma_start3A_671 = tpu.memref_squeeze %dma_start3A_670 : memref<1x1x40x768xf32, #tpu.memory_space<vmem_shared>> -> memref<40x768xf32, #tpu.memory_space<vmem_shared>>
      tpu.enqueue_dma source(%dma_start3A_671 : memref<40x768xf32, #tpu.memory_space<vmem_shared>>) target(%dma_start3A_667 : memref<40x768xf32, #tpu.memory_space<hbm>>) target_semaphore(%arg15 : memref<!tpu.dma_semaphore, #tpu.memory_space<semaphore_mem>>)
      %add3A_672 = arith.constant 160 : i32
      %add3A_673 = arith.addi %mul3A_461, %add3A_672 : i32
      %dma_wait3A_674 = arith.constant 1 : i32
      %dma_wait3A_675 = arith.constant 0 : i32
      %dma_wait3A_676 = tpu.memref_slice %arg5[%select_n3A_443, %add3A_673, %dma_wait3A_675] : memref<77x1600x768xf32, #tpu.memory_space<hbm>> -> memref<1x40x768xf32, #tpu.memory_space<hbm>>
      %dma_wait3A_677 = tpu.memref_squeeze %dma_wait3A_676 : memref<1x40x768xf32, #tpu.memory_space<hbm>> -> memref<40x768xf32, #tpu.memory_space<hbm>>
      %dma_wait3A_678 = arith.constant 0 : i32
      %dma_wait3A_679 = arith.constant 0 : i32
      %dma_wait3A_680 = tpu.memref_slice %arg7[%arg1, %dma_wait3A_674, %dma_wait3A_678, %dma_wait3A_679] : memref<16x3x40x768xf32, #tpu.memory_space<vmem_shared>> -> memref<1x1x40x768xf32, #tpu.memory_space<vmem_shared>>
      %dma_wait3A_681 = tpu.memref_squeeze %dma_wait3A_680 : memref<1x1x40x768xf32, #tpu.memory_space<vmem_shared>> -> memref<40x768xf32, #tpu.memory_space<vmem_shared>>
      tpu.wait_dma2 semaphore(%arg15 : memref<!tpu.dma_semaphore, #tpu.memory_space<semaphore_mem>>) src(%dma_wait3A_681 : memref<40x768xf32, #tpu.memory_space<vmem_shared>>) dst(%dma_wait3A_677 : memref<40x768xf32, #tpu.memory_space<hbm>>)
      %add3A_682 = arith.constant 280 : i32
      %add3A_683 = arith.addi %mul3A_461, %add3A_682 : i32
      %dma_start3A_684 = arith.constant 1 : i32
      %dma_start3A_685 = arith.constant 0 : i32
      %dma_start3A_686 = arith.constant 0 : i32
      %dma_start3A_687 = tpu.memref_slice %arg7[%arg1, %dma_start3A_684, %dma_start3A_685, %dma_start3A_686] : memref<16x3x40x768xf32, #tpu.memory_space<vmem_shared>> -> memref<1x1x40x768xf32, #tpu.memory_space<vmem_shared>>
      %dma_start3A_688 = tpu.memref_squeeze %dma_start3A_687 : memref<1x1x40x768xf32, #tpu.memory_space<vmem_shared>> -> memref<40x768xf32, #tpu.memory_space<vmem_shared>>
      %dma_start3A_689 = arith.constant 0 : i32
      %dma_start3A_690 = tpu.memref_slice %arg2[%select_n3A_437, %add3A_683, %dma_start3A_689] : memref<77x1600x768xf32, #tpu.memory_space<hbm>> -> memref<1x40x768xf32, #tpu.memory_space<hbm>>
      %dma_start3A_691 = tpu.memref_squeeze %dma_start3A_690 : memref<1x40x768xf32, #tpu.memory_space<hbm>> -> memref<40x768xf32, #tpu.memory_space<hbm>>
      tpu.enqueue_dma source(%dma_start3A_691 : memref<40x768xf32, #tpu.memory_space<hbm>>) target(%dma_start3A_688 : memref<40x768xf32, #tpu.memory_space<vmem_shared>>) target_semaphore(%arg12 : memref<!tpu.dma_semaphore, #tpu.memory_space<semaphore_mem>>)
      %add3A_692 = arith.constant 200 : i32
      %add3A_693 = arith.addi %mul3A_461, %add3A_692 : i32
      %dma_wait3A_694 = arith.constant 2 : i32
      %dma_wait3A_695 = arith.constant 0 : i32
      %dma_wait3A_696 = arith.constant 0 : i32
      %dma_wait3A_697 = tpu.memref_slice %arg7[%arg1, %dma_wait3A_694, %dma_wait3A_695, %dma_wait3A_696] : memref<16x3x40x768xf32, #tpu.memory_space<vmem_shared>> -> memref<1x1x40x768xf32, #tpu.memory_space<vmem_shared>>
      %dma_wait3A_698 = tpu.memref_squeeze %dma_wait3A_697 : memref<1x1x40x768xf32, #tpu.memory_space<vmem_shared>> -> memref<40x768xf32, #tpu.memory_space<vmem_shared>>
      %dma_wait3A_699 = arith.constant 0 : i32
      %dma_wait3A_700 = tpu.memref_slice %arg2[%select_n3A_437, %add3A_693, %dma_wait3A_699] : memref<77x1600x768xf32, #tpu.memory_space<hbm>> -> memref<1x40x768xf32, #tpu.memory_space<hbm>>
      %dma_wait3A_701 = tpu.memref_squeeze %dma_wait3A_700 : memref<1x40x768xf32, #tpu.memory_space<hbm>> -> memref<40x768xf32, #tpu.memory_space<hbm>>
      tpu.wait_dma2 semaphore(%arg13 : memref<!tpu.dma_semaphore, #tpu.memory_space<semaphore_mem>>) src(%dma_wait3A_701 : memref<40x768xf32, #tpu.memory_space<hbm>>) dst(%dma_wait3A_698 : memref<40x768xf32, #tpu.memory_space<vmem_shared>>)
      %add3A_702 = arith.constant 200 : i32
      %add3A_703 = arith.addi %mul3A_461, %add3A_702 : i32
      %dma_start3A_704 = arith.constant 2 : i32
      %dma_start3A_705 = arith.constant 0 : i32
      %dma_start3A_706 = tpu.memref_slice %arg5[%select_n3A_443, %add3A_703, %dma_start3A_705] : memref<77x1600x768xf32, #tpu.memory_space<hbm>> -> memref<1x40x768xf32, #tpu.memory_space<hbm>>
      %dma_start3A_707 = tpu.memref_squeeze %dma_start3A_706 : memref<1x40x768xf32, #tpu.memory_space<hbm>> -> memref<40x768xf32, #tpu.memory_space<hbm>>
      %dma_start3A_708 = arith.constant 0 : i32
      %dma_start3A_709 = arith.constant 0 : i32
      %dma_start3A_710 = tpu.memref_slice %arg7[%arg1, %dma_start3A_704, %dma_start3A_708, %dma_start3A_709] : memref<16x3x40x768xf32, #tpu.memory_space<vmem_shared>> -> memref<1x1x40x768xf32, #tpu.memory_space<vmem_shared>>
      %dma_start3A_711 = tpu.memref_squeeze %dma_start3A_710 : memref<1x1x40x768xf32, #tpu.memory_space<vmem_shared>> -> memref<40x768xf32, #tpu.memory_space<vmem_shared>>
      tpu.enqueue_dma source(%dma_start3A_711 : memref<40x768xf32, #tpu.memory_space<vmem_shared>>) target(%dma_start3A_707 : memref<40x768xf32, #tpu.memory_space<hbm>>) target_semaphore(%arg16 : memref<!tpu.dma_semaphore, #tpu.memory_space<semaphore_mem>>)
      %add3A_712 = arith.constant 200 : i32
      %add3A_713 = arith.addi %mul3A_461, %add3A_712 : i32
      %dma_wait3A_714 = arith.constant 2 : i32
      %dma_wait3A_715 = arith.constant 0 : i32
      %dma_wait3A_716 = tpu.memref_slice %arg5[%select_n3A_443, %add3A_713, %dma_wait3A_715] : memref<77x1600x768xf32, #tpu.memory_space<hbm>> -> memref<1x40x768xf32, #tpu.memory_space<hbm>>
      %dma_wait3A_717 = tpu.memref_squeeze %dma_wait3A_716 : memref<1x40x768xf32, #tpu.memory_space<hbm>> -> memref<40x768xf32, #tpu.memory_space<hbm>>
      %dma_wait3A_718 = arith.constant 0 : i32
      %dma_wait3A_719 = arith.constant 0 : i32
      %dma_wait3A_720 = tpu.memref_slice %arg7[%arg1, %dma_wait3A_714, %dma_wait3A_718, %dma_wait3A_719] : memref<16x3x40x768xf32, #tpu.memory_space<vmem_shared>> -> memref<1x1x40x768xf32, #tpu.memory_space<vmem_shared>>
      %dma_wait3A_721 = tpu.memref_squeeze %dma_wait3A_720 : memref<1x1x40x768xf32, #tpu.memory_space<vmem_shared>> -> memref<40x768xf32, #tpu.memory_space<vmem_shared>>
      tpu.wait_dma2 semaphore(%arg16 : memref<!tpu.dma_semaphore, #tpu.memory_space<semaphore_mem>>) src(%dma_wait3A_721 : memref<40x768xf32, #tpu.memory_space<vmem_shared>>) dst(%dma_wait3A_717 : memref<40x768xf32, #tpu.memory_space<hbm>>)
      %add3A_722 = arith.constant 320 : i32
      %add3A_723 = arith.addi %mul3A_461, %add3A_722 : i32
      %dma_start3A_724 = arith.constant 2 : i32
      %dma_start3A_725 = arith.constant 0 : i32
      %dma_start3A_726 = arith.constant 0 : i32
      %dma_start3A_727 = tpu.memref_slice %arg7[%arg1, %dma_start3A_724, %dma_start3A_725, %dma_start3A_726] : memref<16x3x40x768xf32, #tpu.memory_space<vmem_shared>> -> memref<1x1x40x768xf32, #tpu.memory_space<vmem_shared>>
      %dma_start3A_728 = tpu.memref_squeeze %dma_start3A_727 : memref<1x1x40x768xf32, #tpu.memory_space<vmem_shared>> -> memref<40x768xf32, #tpu.memory_space<vmem_shared>>
      %dma_start3A_729 = arith.constant 0 : i32
      %dma_start3A_730 = tpu.memref_slice %arg2[%select_n3A_437, %add3A_723, %dma_start3A_729] : memref<77x1600x768xf32, #tpu.memory_space<hbm>> -> memref<1x40x768xf32, #tpu.memory_space<hbm>>
      %dma_start3A_731 = tpu.memref_squeeze %dma_start3A_730 : memref<1x40x768xf32, #tpu.memory_space<hbm>> -> memref<40x768xf32, #tpu.memory_space<hbm>>
      tpu.enqueue_dma source(%dma_start3A_731 : memref<40x768xf32, #tpu.memory_space<hbm>>) target(%dma_start3A_728 : memref<40x768xf32, #tpu.memory_space<vmem_shared>>) target_semaphore(%arg13 : memref<!tpu.dma_semaphore, #tpu.memory_space<semaphore_mem>>)
      %add3A_732 = arith.constant 240 : i32
      %add3A_733 = arith.addi %mul3A_461, %add3A_732 : i32
      %dma_wait3A_734 = arith.constant 0 : i32
      %dma_wait3A_735 = arith.constant 0 : i32
      %dma_wait3A_736 = arith.constant 0 : i32
      %dma_wait3A_737 = tpu.memref_slice %arg7[%arg1, %dma_wait3A_734, %dma_wait3A_735, %dma_wait3A_736] : memref<16x3x40x768xf32, #tpu.memory_space<vmem_shared>> -> memref<1x1x40x768xf32, #tpu.memory_space<vmem_shared>>
      %dma_wait3A_738 = tpu.memref_squeeze %dma_wait3A_737 : memref<1x1x40x768xf32, #tpu.memory_space<vmem_shared>> -> memref<40x768xf32, #tpu.memory_space<vmem_shared>>
      %dma_wait3A_739 = arith.constant 0 : i32
      %dma_wait3A_740 = tpu.memref_slice %arg2[%select_n3A_437, %add3A_733, %dma_wait3A_739] : memref<77x1600x768xf32, #tpu.memory_space<hbm>> -> memref<1x40x768xf32, #tpu.memory_space<hbm>>
      %dma_wait3A_741 = tpu.memref_squeeze %dma_wait3A_740 : memref<1x40x768xf32, #tpu.memory_space<hbm>> -> memref<40x768xf32, #tpu.memory_space<hbm>>
      tpu.wait_dma2 semaphore(%arg11 : memref<!tpu.dma_semaphore, #tpu.memory_space<semaphore_mem>>) src(%dma_wait3A_741 : memref<40x768xf32, #tpu.memory_space<hbm>>) dst(%dma_wait3A_738 : memref<40x768xf32, #tpu.memory_space<vmem_shared>>)
      %add3A_742 = arith.constant 240 : i32
      %add3A_743 = arith.addi %mul3A_461, %add3A_742 : i32
      %dma_start3A_744 = arith.constant 0 : i32
      %dma_start3A_745 = arith.constant 0 : i32
      %dma_start3A_746 = tpu.memref_slice %arg5[%select_n3A_443, %add3A_743, %dma_start3A_745] : memref<77x1600x768xf32, #tpu.memory_space<hbm>> -> memref<1x40x768xf32, #tpu.memory_space<hbm>>
      %dma_start3A_747 = tpu.memref_squeeze %dma_start3A_746 : memref<1x40x768xf32, #tpu.memory_space<hbm>> -> memref<40x768xf32, #tpu.memory_space<hbm>>
      %dma_start3A_748 = arith.constant 0 : i32
      %dma_start3A_749 = arith.constant 0 : i32
      %dma_start3A_750 = tpu.memref_slice %arg7[%arg1, %dma_start3A_744, %dma_start3A_748, %dma_start3A_749] : memref<16x3x40x768xf32, #tpu.memory_space<vmem_shared>> -> memref<1x1x40x768xf32, #tpu.memory_space<vmem_shared>>
      %dma_start3A_751 = tpu.memref_squeeze %dma_start3A_750 : memref<1x1x40x768xf32, #tpu.memory_space<vmem_shared>> -> memref<40x768xf32, #tpu.memory_space<vmem_shared>>
      tpu.enqueue_dma source(%dma_start3A_751 : memref<40x768xf32, #tpu.memory_space<vmem_shared>>) target(%dma_start3A_747 : memref<40x768xf32, #tpu.memory_space<hbm>>) target_semaphore(%arg14 : memref<!tpu.dma_semaphore, #tpu.memory_space<semaphore_mem>>)
      %add3A_752 = arith.constant 240 : i32
      %add3A_753 = arith.addi %mul3A_461, %add3A_752 : i32
      %dma_wait3A_754 = arith.constant 0 : i32
      %dma_wait3A_755 = arith.constant 0 : i32
      %dma_wait3A_756 = tpu.memref_slice %arg5[%select_n3A_443, %add3A_753, %dma_wait3A_755] : memref<77x1600x768xf32, #tpu.memory_space<hbm>> -> memref<1x40x768xf32, #tpu.memory_space<hbm>>
      %dma_wait3A_757 = tpu.memref_squeeze %dma_wait3A_756 : memref<1x40x768xf32, #tpu.memory_space<hbm>> -> memref<40x768xf32, #tpu.memory_space<hbm>>
      %dma_wait3A_758 = arith.constant 0 : i32
      %dma_wait3A_759 = arith.constant 0 : i32
      %dma_wait3A_760 = tpu.memref_slice %arg7[%arg1, %dma_wait3A_754, %dma_wait3A_758, %dma_wait3A_759] : memref<16x3x40x768xf32, #tpu.memory_space<vmem_shared>> -> memref<1x1x40x768xf32, #tpu.memory_space<vmem_shared>>
      %dma_wait3A_761 = tpu.memref_squeeze %dma_wait3A_760 : memref<1x1x40x768xf32, #tpu.memory_space<vmem_shared>> -> memref<40x768xf32, #tpu.memory_space<vmem_shared>>
      tpu.wait_dma2 semaphore(%arg14 : memref<!tpu.dma_semaphore, #tpu.memory_space<semaphore_mem>>) src(%dma_wait3A_761 : memref<40x768xf32, #tpu.memory_space<vmem_shared>>) dst(%dma_wait3A_757 : memref<40x768xf32, #tpu.memory_space<hbm>>)
      %add3A_762 = arith.constant 360 : i32
      %add3A_763 = arith.addi %mul3A_461, %add3A_762 : i32
      %dma_start3A_764 = arith.constant 0 : i32
      %dma_start3A_765 = arith.constant 0 : i32
      %dma_start3A_766 = arith.constant 0 : i32
      %dma_start3A_767 = tpu.memref_slice %arg7[%arg1, %dma_start3A_764, %dma_start3A_765, %dma_start3A_766] : memref<16x3x40x768xf32, #tpu.memory_space<vmem_shared>> -> memref<1x1x40x768xf32, #tpu.memory_space<vmem_shared>>
      %dma_start3A_768 = tpu.memref_squeeze %dma_start3A_767 : memref<1x1x40x768xf32, #tpu.memory_space<vmem_shared>> -> memref<40x768xf32, #tpu.memory_space<vmem_shared>>
      %dma_start3A_769 = arith.constant 0 : i32
      %dma_start3A_770 = tpu.memref_slice %arg2[%select_n3A_437, %add3A_763, %dma_start3A_769] : memref<77x1600x768xf32, #tpu.memory_space<hbm>> -> memref<1x40x768xf32, #tpu.memory_space<hbm>>
      %dma_start3A_771 = tpu.memref_squeeze %dma_start3A_770 : memref<1x40x768xf32, #tpu.memory_space<hbm>> -> memref<40x768xf32, #tpu.memory_space<hbm>>
      tpu.enqueue_dma source(%dma_start3A_771 : memref<40x768xf32, #tpu.memory_space<hbm>>) target(%dma_start3A_768 : memref<40x768xf32, #tpu.memory_space<vmem_shared>>) target_semaphore(%arg11 : memref<!tpu.dma_semaphore, #tpu.memory_space<semaphore_mem>>)
      %add3A_772 = arith.constant 280 : i32
      %add3A_773 = arith.addi %mul3A_461, %add3A_772 : i32
      %dma_wait3A_774 = arith.constant 1 : i32
      %dma_wait3A_775 = arith.constant 0 : i32
      %dma_wait3A_776 = arith.constant 0 : i32
      %dma_wait3A_777 = tpu.memref_slice %arg7[%arg1, %dma_wait3A_774, %dma_wait3A_775, %dma_wait3A_776] : memref<16x3x40x768xf32, #tpu.memory_space<vmem_shared>> -> memref<1x1x40x768xf32, #tpu.memory_space<vmem_shared>>
      %dma_wait3A_778 = tpu.memref_squeeze %dma_wait3A_777 : memref<1x1x40x768xf32, #tpu.memory_space<vmem_shared>> -> memref<40x768xf32, #tpu.memory_space<vmem_shared>>
      %dma_wait3A_779 = arith.constant 0 : i32
      %dma_wait3A_780 = tpu.memref_slice %arg2[%select_n3A_437, %add3A_773, %dma_wait3A_779] : memref<77x1600x768xf32, #tpu.memory_space<hbm>> -> memref<1x40x768xf32, #tpu.memory_space<hbm>>
      %dma_wait3A_781 = tpu.memref_squeeze %dma_wait3A_780 : memref<1x40x768xf32, #tpu.memory_space<hbm>> -> memref<40x768xf32, #tpu.memory_space<hbm>>
      tpu.wait_dma2 semaphore(%arg12 : memref<!tpu.dma_semaphore, #tpu.memory_space<semaphore_mem>>) src(%dma_wait3A_781 : memref<40x768xf32, #tpu.memory_space<hbm>>) dst(%dma_wait3A_778 : memref<40x768xf32, #tpu.memory_space<vmem_shared>>)
      %add3A_782 = arith.constant 280 : i32
      %add3A_783 = arith.addi %mul3A_461, %add3A_782 : i32
      %dma_start3A_784 = arith.constant 1 : i32
      %dma_start3A_785 = arith.constant 0 : i32
      %dma_start3A_786 = tpu.memref_slice %arg5[%select_n3A_443, %add3A_783, %dma_start3A_785] : memref<77x1600x768xf32, #tpu.memory_space<hbm>> -> memref<1x40x768xf32, #tpu.memory_space<hbm>>
      %dma_start3A_787 = tpu.memref_squeeze %dma_start3A_786 : memref<1x40x768xf32, #tpu.memory_space<hbm>> -> memref<40x768xf32, #tpu.memory_space<hbm>>
      %dma_start3A_788 = arith.constant 0 : i32
      %dma_start3A_789 = arith.constant 0 : i32
      %dma_start3A_790 = tpu.memref_slice %arg7[%arg1, %dma_start3A_784, %dma_start3A_788, %dma_start3A_789] : memref<16x3x40x768xf32, #tpu.memory_space<vmem_shared>> -> memref<1x1x40x768xf32, #tpu.memory_space<vmem_shared>>
      %dma_start3A_791 = tpu.memref_squeeze %dma_start3A_790 : memref<1x1x40x768xf32, #tpu.memory_space<vmem_shared>> -> memref<40x768xf32, #tpu.memory_space<vmem_shared>>
      tpu.enqueue_dma source(%dma_start3A_791 : memref<40x768xf32, #tpu.memory_space<vmem_shared>>) target(%dma_start3A_787 : memref<40x768xf32, #tpu.memory_space<hbm>>) target_semaphore(%arg15 : memref<!tpu.dma_semaphore, #tpu.memory_space<semaphore_mem>>)
      %add3A_792 = arith.constant 280 : i32
      %add3A_793 = arith.addi %mul3A_461, %add3A_792 : i32
      %dma_wait3A_794 = arith.constant 1 : i32
      %dma_wait3A_795 = arith.constant 0 : i32
      %dma_wait3A_796 = tpu.memref_slice %arg5[%select_n3A_443, %add3A_793, %dma_wait3A_795] : memref<77x1600x768xf32, #tpu.memory_space<hbm>> -> memref<1x40x768xf32, #tpu.memory_space<hbm>>
      %dma_wait3A_797 = tpu.memref_squeeze %dma_wait3A_796 : memref<1x40x768xf32, #tpu.memory_space<hbm>> -> memref<40x768xf32, #tpu.memory_space<hbm>>
      %dma_wait3A_798 = arith.constant 0 : i32
      %dma_wait3A_799 = arith.constant 0 : i32
      %dma_wait3A_800 = tpu.memref_slice %arg7[%arg1, %dma_wait3A_794, %dma_wait3A_798, %dma_wait3A_799] : memref<16x3x40x768xf32, #tpu.memory_space<vmem_shared>> -> memref<1x1x40x768xf32, #tpu.memory_space<vmem_shared>>
      %dma_wait3A_801 = tpu.memref_squeeze %dma_wait3A_800 : memref<1x1x40x768xf32, #tpu.memory_space<vmem_shared>> -> memref<40x768xf32, #tpu.memory_space<vmem_shared>>
      tpu.wait_dma2 semaphore(%arg15 : memref<!tpu.dma_semaphore, #tpu.memory_space<semaphore_mem>>) src(%dma_wait3A_801 : memref<40x768xf32, #tpu.memory_space<vmem_shared>>) dst(%dma_wait3A_797 : memref<40x768xf32, #tpu.memory_space<hbm>>)
      %add3A_802 = arith.constant 400 : i32
      %add3A_803 = arith.addi %mul3A_461, %add3A_802 : i32
      %dma_start3A_804 = arith.constant 1 : i32
      %dma_start3A_805 = arith.constant 0 : i32
      %dma_start3A_806 = arith.constant 0 : i32
      %dma_start3A_807 = tpu.memref_slice %arg7[%arg1, %dma_start3A_804, %dma_start3A_805, %dma_start3A_806] : memref<16x3x40x768xf32, #tpu.memory_space<vmem_shared>> -> memref<1x1x40x768xf32, #tpu.memory_space<vmem_shared>>
      %dma_start3A_808 = tpu.memref_squeeze %dma_start3A_807 : memref<1x1x40x768xf32, #tpu.memory_space<vmem_shared>> -> memref<40x768xf32, #tpu.memory_space<vmem_shared>>
      %dma_start3A_809 = arith.constant 0 : i32
      %dma_start3A_810 = tpu.memref_slice %arg2[%select_n3A_437, %add3A_803, %dma_start3A_809] : memref<77x1600x768xf32, #tpu.memory_space<hbm>> -> memref<1x40x768xf32, #tpu.memory_space<hbm>>
      %dma_start3A_811 = tpu.memref_squeeze %dma_start3A_810 : memref<1x40x768xf32, #tpu.memory_space<hbm>> -> memref<40x768xf32, #tpu.memory_space<hbm>>
      tpu.enqueue_dma source(%dma_start3A_811 : memref<40x768xf32, #tpu.memory_space<hbm>>) target(%dma_start3A_808 : memref<40x768xf32, #tpu.memory_space<vmem_shared>>) target_semaphore(%arg12 : memref<!tpu.dma_semaphore, #tpu.memory_space<semaphore_mem>>)
      %add3A_812 = arith.constant 320 : i32
      %add3A_813 = arith.addi %mul3A_461, %add3A_812 : i32
      %dma_wait3A_814 = arith.constant 2 : i32
      %dma_wait3A_815 = arith.constant 0 : i32
      %dma_wait3A_816 = arith.constant 0 : i32
      %dma_wait3A_817 = tpu.memref_slice %arg7[%arg1, %dma_wait3A_814, %dma_wait3A_815, %dma_wait3A_816] : memref<16x3x40x768xf32, #tpu.memory_space<vmem_shared>> -> memref<1x1x40x768xf32, #tpu.memory_space<vmem_shared>>
      %dma_wait3A_818 = tpu.memref_squeeze %dma_wait3A_817 : memref<1x1x40x768xf32, #tpu.memory_space<vmem_shared>> -> memref<40x768xf32, #tpu.memory_space<vmem_shared>>
      %dma_wait3A_819 = arith.constant 0 : i32
      %dma_wait3A_820 = tpu.memref_slice %arg2[%select_n3A_437, %add3A_813, %dma_wait3A_819] : memref<77x1600x768xf32, #tpu.memory_space<hbm>> -> memref<1x40x768xf32, #tpu.memory_space<hbm>>
      %dma_wait3A_821 = tpu.memref_squeeze %dma_wait3A_820 : memref<1x40x768xf32, #tpu.memory_space<hbm>> -> memref<40x768xf32, #tpu.memory_space<hbm>>
      tpu.wait_dma2 semaphore(%arg13 : memref<!tpu.dma_semaphore, #tpu.memory_space<semaphore_mem>>) src(%dma_wait3A_821 : memref<40x768xf32, #tpu.memory_space<hbm>>) dst(%dma_wait3A_818 : memref<40x768xf32, #tpu.memory_space<vmem_shared>>)
      %add3A_822 = arith.constant 320 : i32
      %add3A_823 = arith.addi %mul3A_461, %add3A_822 : i32
      %dma_start3A_824 = arith.constant 2 : i32
      %dma_start3A_825 = arith.constant 0 : i32
      %dma_start3A_826 = tpu.memref_slice %arg5[%select_n3A_443, %add3A_823, %dma_start3A_825] : memref<77x1600x768xf32, #tpu.memory_space<hbm>> -> memref<1x40x768xf32, #tpu.memory_space<hbm>>
      %dma_start3A_827 = tpu.memref_squeeze %dma_start3A_826 : memref<1x40x768xf32, #tpu.memory_space<hbm>> -> memref<40x768xf32, #tpu.memory_space<hbm>>
      %dma_start3A_828 = arith.constant 0 : i32
      %dma_start3A_829 = arith.constant 0 : i32
      %dma_start3A_830 = tpu.memref_slice %arg7[%arg1, %dma_start3A_824, %dma_start3A_828, %dma_start3A_829] : memref<16x3x40x768xf32, #tpu.memory_space<vmem_shared>> -> memref<1x1x40x768xf32, #tpu.memory_space<vmem_shared>>
      %dma_start3A_831 = tpu.memref_squeeze %dma_start3A_830 : memref<1x1x40x768xf32, #tpu.memory_space<vmem_shared>> -> memref<40x768xf32, #tpu.memory_space<vmem_shared>>
      tpu.enqueue_dma source(%dma_start3A_831 : memref<40x768xf32, #tpu.memory_space<vmem_shared>>) target(%dma_start3A_827 : memref<40x768xf32, #tpu.memory_space<hbm>>) target_semaphore(%arg16 : memref<!tpu.dma_semaphore, #tpu.memory_space<semaphore_mem>>)
      %add3A_832 = arith.constant 320 : i32
      %add3A_833 = arith.addi %mul3A_461, %add3A_832 : i32
      %dma_wait3A_834 = arith.constant 2 : i32
      %dma_wait3A_835 = arith.constant 0 : i32
      %dma_wait3A_836 = tpu.memref_slice %arg5[%select_n3A_443, %add3A_833, %dma_wait3A_835] : memref<77x1600x768xf32, #tpu.memory_space<hbm>> -> memref<1x40x768xf32, #tpu.memory_space<hbm>>
      %dma_wait3A_837 = tpu.memref_squeeze %dma_wait3A_836 : memref<1x40x768xf32, #tpu.memory_space<hbm>> -> memref<40x768xf32, #tpu.memory_space<hbm>>
      %dma_wait3A_838 = arith.constant 0 : i32
      %dma_wait3A_839 = arith.constant 0 : i32
      %dma_wait3A_840 = tpu.memref_slice %arg7[%arg1, %dma_wait3A_834, %dma_wait3A_838, %dma_wait3A_839] : memref<16x3x40x768xf32, #tpu.memory_space<vmem_shared>> -> memref<1x1x40x768xf32, #tpu.memory_space<vmem_shared>>
      %dma_wait3A_841 = tpu.memref_squeeze %dma_wait3A_840 : memref<1x1x40x768xf32, #tpu.memory_space<vmem_shared>> -> memref<40x768xf32, #tpu.memory_space<vmem_shared>>
      tpu.wait_dma2 semaphore(%arg16 : memref<!tpu.dma_semaphore, #tpu.memory_space<semaphore_mem>>) src(%dma_wait3A_841 : memref<40x768xf32, #tpu.memory_space<vmem_shared>>) dst(%dma_wait3A_837 : memref<40x768xf32, #tpu.memory_space<hbm>>)
      %add3A_842 = arith.constant 440 : i32
      %add3A_843 = arith.addi %mul3A_461, %add3A_842 : i32
      %dma_start3A_844 = arith.constant 2 : i32
      %dma_start3A_845 = arith.constant 0 : i32
      %dma_start3A_846 = arith.constant 0 : i32
      %dma_start3A_847 = tpu.memref_slice %arg7[%arg1, %dma_start3A_844, %dma_start3A_845, %dma_start3A_846] : memref<16x3x40x768xf32, #tpu.memory_space<vmem_shared>> -> memref<1x1x40x768xf32, #tpu.memory_space<vmem_shared>>
      %dma_start3A_848 = tpu.memref_squeeze %dma_start3A_847 : memref<1x1x40x768xf32, #tpu.memory_space<vmem_shared>> -> memref<40x768xf32, #tpu.memory_space<vmem_shared>>
      %dma_start3A_849 = arith.constant 0 : i32
      %dma_start3A_850 = tpu.memref_slice %arg2[%select_n3A_437, %add3A_843, %dma_start3A_849] : memref<77x1600x768xf32, #tpu.memory_space<hbm>> -> memref<1x40x768xf32, #tpu.memory_space<hbm>>
      %dma_start3A_851 = tpu.memref_squeeze %dma_start3A_850 : memref<1x40x768xf32, #tpu.memory_space<hbm>> -> memref<40x768xf32, #tpu.memory_space<hbm>>
      tpu.enqueue_dma source(%dma_start3A_851 : memref<40x768xf32, #tpu.memory_space<hbm>>) target(%dma_start3A_848 : memref<40x768xf32, #tpu.memory_space<vmem_shared>>) target_semaphore(%arg13 : memref<!tpu.dma_semaphore, #tpu.memory_space<semaphore_mem>>)
      %add3A_852 = arith.constant 360 : i32
      %add3A_853 = arith.addi %mul3A_461, %add3A_852 : i32
      %dma_wait3A_854 = arith.constant 0 : i32
      %dma_wait3A_855 = arith.constant 0 : i32
      %dma_wait3A_856 = arith.constant 0 : i32
      %dma_wait3A_857 = tpu.memref_slice %arg7[%arg1, %dma_wait3A_854, %dma_wait3A_855, %dma_wait3A_856] : memref<16x3x40x768xf32, #tpu.memory_space<vmem_shared>> -> memref<1x1x40x768xf32, #tpu.memory_space<vmem_shared>>
      %dma_wait3A_858 = tpu.memref_squeeze %dma_wait3A_857 : memref<1x1x40x768xf32, #tpu.memory_space<vmem_shared>> -> memref<40x768xf32, #tpu.memory_space<vmem_shared>>
      %dma_wait3A_859 = arith.constant 0 : i32
      %dma_wait3A_860 = tpu.memref_slice %arg2[%select_n3A_437, %add3A_853, %dma_wait3A_859] : memref<77x1600x768xf32, #tpu.memory_space<hbm>> -> memref<1x40x768xf32, #tpu.memory_space<hbm>>
      %dma_wait3A_861 = tpu.memref_squeeze %dma_wait3A_860 : memref<1x40x768xf32, #tpu.memory_space<hbm>> -> memref<40x768xf32, #tpu.memory_space<hbm>>
      tpu.wait_dma2 semaphore(%arg11 : memref<!tpu.dma_semaphore, #tpu.memory_space<semaphore_mem>>) src(%dma_wait3A_861 : memref<40x768xf32, #tpu.memory_space<hbm>>) dst(%dma_wait3A_858 : memref<40x768xf32, #tpu.memory_space<vmem_shared>>)
      %add3A_862 = arith.constant 360 : i32
      %add3A_863 = arith.addi %mul3A_461, %add3A_862 : i32
      %dma_start3A_864 = arith.constant 0 : i32
      %dma_start3A_865 = arith.constant 0 : i32
      %dma_start3A_866 = tpu.memref_slice %arg5[%select_n3A_443, %add3A_863, %dma_start3A_865] : memref<77x1600x768xf32, #tpu.memory_space<hbm>> -> memref<1x40x768xf32, #tpu.memory_space<hbm>>
      %dma_start3A_867 = tpu.memref_squeeze %dma_start3A_866 : memref<1x40x768xf32, #tpu.memory_space<hbm>> -> memref<40x768xf32, #tpu.memory_space<hbm>>
      %dma_start3A_868 = arith.constant 0 : i32
      %dma_start3A_869 = arith.constant 0 : i32
      %dma_start3A_870 = tpu.memref_slice %arg7[%arg1, %dma_start3A_864, %dma_start3A_868, %dma_start3A_869] : memref<16x3x40x768xf32, #tpu.memory_space<vmem_shared>> -> memref<1x1x40x768xf32, #tpu.memory_space<vmem_shared>>
      %dma_start3A_871 = tpu.memref_squeeze %dma_start3A_870 : memref<1x1x40x768xf32, #tpu.memory_space<vmem_shared>> -> memref<40x768xf32, #tpu.memory_space<vmem_shared>>
      tpu.enqueue_dma source(%dma_start3A_871 : memref<40x768xf32, #tpu.memory_space<vmem_shared>>) target(%dma_start3A_867 : memref<40x768xf32, #tpu.memory_space<hbm>>) target_semaphore(%arg14 : memref<!tpu.dma_semaphore, #tpu.memory_space<semaphore_mem>>)
      %add3A_872 = arith.constant 360 : i32
      %add3A_873 = arith.addi %mul3A_461, %add3A_872 : i32
      %dma_wait3A_874 = arith.constant 0 : i32
      %dma_wait3A_875 = arith.constant 0 : i32
      %dma_wait3A_876 = tpu.memref_slice %arg5[%select_n3A_443, %add3A_873, %dma_wait3A_875] : memref<77x1600x768xf32, #tpu.memory_space<hbm>> -> memref<1x40x768xf32, #tpu.memory_space<hbm>>
      %dma_wait3A_877 = tpu.memref_squeeze %dma_wait3A_876 : memref<1x40x768xf32, #tpu.memory_space<hbm>> -> memref<40x768xf32, #tpu.memory_space<hbm>>
      %dma_wait3A_878 = arith.constant 0 : i32
      %dma_wait3A_879 = arith.constant 0 : i32
      %dma_wait3A_880 = tpu.memref_slice %arg7[%arg1, %dma_wait3A_874, %dma_wait3A_878, %dma_wait3A_879] : memref<16x3x40x768xf32, #tpu.memory_space<vmem_shared>> -> memref<1x1x40x768xf32, #tpu.memory_space<vmem_shared>>
      %dma_wait3A_881 = tpu.memref_squeeze %dma_wait3A_880 : memref<1x1x40x768xf32, #tpu.memory_space<vmem_shared>> -> memref<40x768xf32, #tpu.memory_space<vmem_shared>>
      tpu.wait_dma2 semaphore(%arg14 : memref<!tpu.dma_semaphore, #tpu.memory_space<semaphore_mem>>) src(%dma_wait3A_881 : memref<40x768xf32, #tpu.memory_space<vmem_shared>>) dst(%dma_wait3A_877 : memref<40x768xf32, #tpu.memory_space<hbm>>)
      %add3A_882 = arith.constant 480 : i32
      %add3A_883 = arith.addi %mul3A_461, %add3A_882 : i32
      %dma_start3A_884 = arith.constant 0 : i32
      %dma_start3A_885 = arith.constant 0 : i32
      %dma_start3A_886 = arith.constant 0 : i32
      %dma_start3A_887 = tpu.memref_slice %arg7[%arg1, %dma_start3A_884, %dma_start3A_885, %dma_start3A_886] : memref<16x3x40x768xf32, #tpu.memory_space<vmem_shared>> -> memref<1x1x40x768xf32, #tpu.memory_space<vmem_shared>>
      %dma_start3A_888 = tpu.memref_squeeze %dma_start3A_887 : memref<1x1x40x768xf32, #tpu.memory_space<vmem_shared>> -> memref<40x768xf32, #tpu.memory_space<vmem_shared>>
      %dma_start3A_889 = arith.constant 0 : i32
      %dma_start3A_890 = tpu.memref_slice %arg2[%select_n3A_437, %add3A_883, %dma_start3A_889] : memref<77x1600x768xf32, #tpu.memory_space<hbm>> -> memref<1x40x768xf32, #tpu.memory_space<hbm>>
      %dma_start3A_891 = tpu.memref_squeeze %dma_start3A_890 : memref<1x40x768xf32, #tpu.memory_space<hbm>> -> memref<40x768xf32, #tpu.memory_space<hbm>>
      tpu.enqueue_dma source(%dma_start3A_891 : memref<40x768xf32, #tpu.memory_space<hbm>>) target(%dma_start3A_888 : memref<40x768xf32, #tpu.memory_space<vmem_shared>>) target_semaphore(%arg11 : memref<!tpu.dma_semaphore, #tpu.memory_space<semaphore_mem>>)
      %add3A_892 = arith.constant 400 : i32
      %add3A_893 = arith.addi %mul3A_461, %add3A_892 : i32
      %dma_wait3A_894 = arith.constant 1 : i32
      %dma_wait3A_895 = arith.constant 0 : i32
      %dma_wait3A_896 = arith.constant 0 : i32
      %dma_wait3A_897 = tpu.memref_slice %arg7[%arg1, %dma_wait3A_894, %dma_wait3A_895, %dma_wait3A_896] : memref<16x3x40x768xf32, #tpu.memory_space<vmem_shared>> -> memref<1x1x40x768xf32, #tpu.memory_space<vmem_shared>>
      %dma_wait3A_898 = tpu.memref_squeeze %dma_wait3A_897 : memref<1x1x40x768xf32, #tpu.memory_space<vmem_shared>> -> memref<40x768xf32, #tpu.memory_space<vmem_shared>>
      %dma_wait3A_899 = arith.constant 0 : i32
      %dma_wait3A_900 = tpu.memref_slice %arg2[%select_n3A_437, %add3A_893, %dma_wait3A_899] : memref<77x1600x768xf32, #tpu.memory_space<hbm>> -> memref<1x40x768xf32, #tpu.memory_space<hbm>>
      %dma_wait3A_901 = tpu.memref_squeeze %dma_wait3A_900 : memref<1x40x768xf32, #tpu.memory_space<hbm>> -> memref<40x768xf32, #tpu.memory_space<hbm>>
      tpu.wait_dma2 semaphore(%arg12 : memref<!tpu.dma_semaphore, #tpu.memory_space<semaphore_mem>>) src(%dma_wait3A_901 : memref<40x768xf32, #tpu.memory_space<hbm>>) dst(%dma_wait3A_898 : memref<40x768xf32, #tpu.memory_space<vmem_shared>>)
      %add3A_902 = arith.constant 400 : i32
      %add3A_903 = arith.addi %mul3A_461, %add3A_902 : i32
      %dma_start3A_904 = arith.constant 1 : i32
      %dma_start3A_905 = arith.constant 0 : i32
      %dma_start3A_906 = tpu.memref_slice %arg5[%select_n3A_443, %add3A_903, %dma_start3A_905] : memref<77x1600x768xf32, #tpu.memory_space<hbm>> -> memref<1x40x768xf32, #tpu.memory_space<hbm>>
      %dma_start3A_907 = tpu.memref_squeeze %dma_start3A_906 : memref<1x40x768xf32, #tpu.memory_space<hbm>> -> memref<40x768xf32, #tpu.memory_space<hbm>>
      %dma_start3A_908 = arith.constant 0 : i32
      %dma_start3A_909 = arith.constant 0 : i32
      %dma_start3A_910 = tpu.memref_slice %arg7[%arg1, %dma_start3A_904, %dma_start3A_908, %dma_start3A_909] : memref<16x3x40x768xf32, #tpu.memory_space<vmem_shared>> -> memref<1x1x40x768xf32, #tpu.memory_space<vmem_shared>>
      %dma_start3A_911 = tpu.memref_squeeze %dma_start3A_910 : memref<1x1x40x768xf32, #tpu.memory_space<vmem_shared>> -> memref<40x768xf32, #tpu.memory_space<vmem_shared>>
      tpu.enqueue_dma source(%dma_start3A_911 : memref<40x768xf32, #tpu.memory_space<vmem_shared>>) target(%dma_start3A_907 : memref<40x768xf32, #tpu.memory_space<hbm>>) target_semaphore(%arg15 : memref<!tpu.dma_semaphore, #tpu.memory_space<semaphore_mem>>)
      %add3A_912 = arith.constant 400 : i32
      %add3A_913 = arith.addi %mul3A_461, %add3A_912 : i32
      %dma_wait3A_914 = arith.constant 1 : i32
      %dma_wait3A_915 = arith.constant 0 : i32
      %dma_wait3A_916 = tpu.memref_slice %arg5[%select_n3A_443, %add3A_913, %dma_wait3A_915] : memref<77x1600x768xf32, #tpu.memory_space<hbm>> -> memref<1x40x768xf32, #tpu.memory_space<hbm>>
      %dma_wait3A_917 = tpu.memref_squeeze %dma_wait3A_916 : memref<1x40x768xf32, #tpu.memory_space<hbm>> -> memref<40x768xf32, #tpu.memory_space<hbm>>
      %dma_wait3A_918 = arith.constant 0 : i32
      %dma_wait3A_919 = arith.constant 0 : i32
      %dma_wait3A_920 = tpu.memref_slice %arg7[%arg1, %dma_wait3A_914, %dma_wait3A_918, %dma_wait3A_919] : memref<16x3x40x768xf32, #tpu.memory_space<vmem_shared>> -> memref<1x1x40x768xf32, #tpu.memory_space<vmem_shared>>
      %dma_wait3A_921 = tpu.memref_squeeze %dma_wait3A_920 : memref<1x1x40x768xf32, #tpu.memory_space<vmem_shared>> -> memref<40x768xf32, #tpu.memory_space<vmem_shared>>
      tpu.wait_dma2 semaphore(%arg15 : memref<!tpu.dma_semaphore, #tpu.memory_space<semaphore_mem>>) src(%dma_wait3A_921 : memref<40x768xf32, #tpu.memory_space<vmem_shared>>) dst(%dma_wait3A_917 : memref<40x768xf32, #tpu.memory_space<hbm>>)
      %add3A_922 = arith.constant 520 : i32
      %add3A_923 = arith.addi %mul3A_461, %add3A_922 : i32
      %dma_start3A_924 = arith.constant 1 : i32
      %dma_start3A_925 = arith.constant 0 : i32
      %dma_start3A_926 = arith.constant 0 : i32
      %dma_start3A_927 = tpu.memref_slice %arg7[%arg1, %dma_start3A_924, %dma_start3A_925, %dma_start3A_926] : memref<16x3x40x768xf32, #tpu.memory_space<vmem_shared>> -> memref<1x1x40x768xf32, #tpu.memory_space<vmem_shared>>
      %dma_start3A_928 = tpu.memref_squeeze %dma_start3A_927 : memref<1x1x40x768xf32, #tpu.memory_space<vmem_shared>> -> memref<40x768xf32, #tpu.memory_space<vmem_shared>>
      %dma_start3A_929 = arith.constant 0 : i32
      %dma_start3A_930 = tpu.memref_slice %arg2[%select_n3A_437, %add3A_923, %dma_start3A_929] : memref<77x1600x768xf32, #tpu.memory_space<hbm>> -> memref<1x40x768xf32, #tpu.memory_space<hbm>>
      %dma_start3A_931 = tpu.memref_squeeze %dma_start3A_930 : memref<1x40x768xf32, #tpu.memory_space<hbm>> -> memref<40x768xf32, #tpu.memory_space<hbm>>
      tpu.enqueue_dma source(%dma_start3A_931 : memref<40x768xf32, #tpu.memory_space<hbm>>) target(%dma_start3A_928 : memref<40x768xf32, #tpu.memory_space<vmem_shared>>) target_semaphore(%arg12 : memref<!tpu.dma_semaphore, #tpu.memory_space<semaphore_mem>>)
      %add3A_932 = arith.constant 440 : i32
      %add3A_933 = arith.addi %mul3A_461, %add3A_932 : i32
      %dma_wait3A_934 = arith.constant 2 : i32
      %dma_wait3A_935 = arith.constant 0 : i32
      %dma_wait3A_936 = arith.constant 0 : i32
      %dma_wait3A_937 = tpu.memref_slice %arg7[%arg1, %dma_wait3A_934, %dma_wait3A_935, %dma_wait3A_936] : memref<16x3x40x768xf32, #tpu.memory_space<vmem_shared>> -> memref<1x1x40x768xf32, #tpu.memory_space<vmem_shared>>
      %dma_wait3A_938 = tpu.memref_squeeze %dma_wait3A_937 : memref<1x1x40x768xf32, #tpu.memory_space<vmem_shared>> -> memref<40x768xf32, #tpu.memory_space<vmem_shared>>
      %dma_wait3A_939 = arith.constant 0 : i32
      %dma_wait3A_940 = tpu.memref_slice %arg2[%select_n3A_437, %add3A_933, %dma_wait3A_939] : memref<77x1600x768xf32, #tpu.memory_space<hbm>> -> memref<1x40x768xf32, #tpu.memory_space<hbm>>
      %dma_wait3A_941 = tpu.memref_squeeze %dma_wait3A_940 : memref<1x40x768xf32, #tpu.memory_space<hbm>> -> memref<40x768xf32, #tpu.memory_space<hbm>>
      tpu.wait_dma2 semaphore(%arg13 : memref<!tpu.dma_semaphore, #tpu.memory_space<semaphore_mem>>) src(%dma_wait3A_941 : memref<40x768xf32, #tpu.memory_space<hbm>>) dst(%dma_wait3A_938 : memref<40x768xf32, #tpu.memory_space<vmem_shared>>)
      %add3A_942 = arith.constant 440 : i32
      %add3A_943 = arith.addi %mul3A_461, %add3A_942 : i32
      %dma_start3A_944 = arith.constant 2 : i32
      %dma_start3A_945 = arith.constant 0 : i32
      %dma_start3A_946 = tpu.memref_slice %arg5[%select_n3A_443, %add3A_943, %dma_start3A_945] : memref<77x1600x768xf32, #tpu.memory_space<hbm>> -> memref<1x40x768xf32, #tpu.memory_space<hbm>>
      %dma_start3A_947 = tpu.memref_squeeze %dma_start3A_946 : memref<1x40x768xf32, #tpu.memory_space<hbm>> -> memref<40x768xf32, #tpu.memory_space<hbm>>
      %dma_start3A_948 = arith.constant 0 : i32
      %dma_start3A_949 = arith.constant 0 : i32
      %dma_start3A_950 = tpu.memref_slice %arg7[%arg1, %dma_start3A_944, %dma_start3A_948, %dma_start3A_949] : memref<16x3x40x768xf32, #tpu.memory_space<vmem_shared>> -> memref<1x1x40x768xf32, #tpu.memory_space<vmem_shared>>
      %dma_start3A_951 = tpu.memref_squeeze %dma_start3A_950 : memref<1x1x40x768xf32, #tpu.memory_space<vmem_shared>> -> memref<40x768xf32, #tpu.memory_space<vmem_shared>>
      tpu.enqueue_dma source(%dma_start3A_951 : memref<40x768xf32, #tpu.memory_space<vmem_shared>>) target(%dma_start3A_947 : memref<40x768xf32, #tpu.memory_space<hbm>>) target_semaphore(%arg16 : memref<!tpu.dma_semaphore, #tpu.memory_space<semaphore_mem>>)
      %add3A_952 = arith.constant 440 : i32
      %add3A_953 = arith.addi %mul3A_461, %add3A_952 : i32
      %dma_wait3A_954 = arith.constant 2 : i32
      %dma_wait3A_955 = arith.constant 0 : i32
      %dma_wait3A_956 = tpu.memref_slice %arg5[%select_n3A_443, %add3A_953, %dma_wait3A_955] : memref<77x1600x768xf32, #tpu.memory_space<hbm>> -> memref<1x40x768xf32, #tpu.memory_space<hbm>>
      %dma_wait3A_957 = tpu.memref_squeeze %dma_wait3A_956 : memref<1x40x768xf32, #tpu.memory_space<hbm>> -> memref<40x768xf32, #tpu.memory_space<hbm>>
      %dma_wait3A_958 = arith.constant 0 : i32
      %dma_wait3A_959 = arith.constant 0 : i32
      %dma_wait3A_960 = tpu.memref_slice %arg7[%arg1, %dma_wait3A_954, %dma_wait3A_958, %dma_wait3A_959] : memref<16x3x40x768xf32, #tpu.memory_space<vmem_shared>> -> memref<1x1x40x768xf32, #tpu.memory_space<vmem_shared>>
      %dma_wait3A_961 = tpu.memref_squeeze %dma_wait3A_960 : memref<1x1x40x768xf32, #tpu.memory_space<vmem_shared>> -> memref<40x768xf32, #tpu.memory_space<vmem_shared>>
      tpu.wait_dma2 semaphore(%arg16 : memref<!tpu.dma_semaphore, #tpu.memory_space<semaphore_mem>>) src(%dma_wait3A_961 : memref<40x768xf32, #tpu.memory_space<vmem_shared>>) dst(%dma_wait3A_957 : memref<40x768xf32, #tpu.memory_space<hbm>>)
      %add3A_962 = arith.constant 560 : i32
      %add3A_963 = arith.addi %mul3A_461, %add3A_962 : i32
      %dma_start3A_964 = arith.constant 2 : i32
      %dma_start3A_965 = arith.constant 0 : i32
      %dma_start3A_966 = arith.constant 0 : i32
      %dma_start3A_967 = tpu.memref_slice %arg7[%arg1, %dma_start3A_964, %dma_start3A_965, %dma_start3A_966] : memref<16x3x40x768xf32, #tpu.memory_space<vmem_shared>> -> memref<1x1x40x768xf32, #tpu.memory_space<vmem_shared>>
      %dma_start3A_968 = tpu.memref_squeeze %dma_start3A_967 : memref<1x1x40x768xf32, #tpu.memory_space<vmem_shared>> -> memref<40x768xf32, #tpu.memory_space<vmem_shared>>
      %dma_start3A_969 = arith.constant 0 : i32
      %dma_start3A_970 = tpu.memref_slice %arg2[%select_n3A_437, %add3A_963, %dma_start3A_969] : memref<77x1600x768xf32, #tpu.memory_space<hbm>> -> memref<1x40x768xf32, #tpu.memory_space<hbm>>
      %dma_start3A_971 = tpu.memref_squeeze %dma_start3A_970 : memref<1x40x768xf32, #tpu.memory_space<hbm>> -> memref<40x768xf32, #tpu.memory_space<hbm>>
      tpu.enqueue_dma source(%dma_start3A_971 : memref<40x768xf32, #tpu.memory_space<hbm>>) target(%dma_start3A_968 : memref<40x768xf32, #tpu.memory_space<vmem_shared>>) target_semaphore(%arg13 : memref<!tpu.dma_semaphore, #tpu.memory_space<semaphore_mem>>)
      %add3A_972 = arith.constant 480 : i32
      %add3A_973 = arith.addi %mul3A_461, %add3A_972 : i32
      %dma_wait3A_974 = arith.constant 0 : i32
      %dma_wait3A_975 = arith.constant 0 : i32
      %dma_wait3A_976 = arith.constant 0 : i32
      %dma_wait3A_977 = tpu.memref_slice %arg7[%arg1, %dma_wait3A_974, %dma_wait3A_975, %dma_wait3A_976] : memref<16x3x40x768xf32, #tpu.memory_space<vmem_shared>> -> memref<1x1x40x768xf32, #tpu.memory_space<vmem_shared>>
      %dma_wait3A_978 = tpu.memref_squeeze %dma_wait3A_977 : memref<1x1x40x768xf32, #tpu.memory_space<vmem_shared>> -> memref<40x768xf32, #tpu.memory_space<vmem_shared>>
      %dma_wait3A_979 = arith.constant 0 : i32
      %dma_wait3A_980 = tpu.memref_slice %arg2[%select_n3A_437, %add3A_973, %dma_wait3A_979] : memref<77x1600x768xf32, #tpu.memory_space<hbm>> -> memref<1x40x768xf32, #tpu.memory_space<hbm>>
      %dma_wait3A_981 = tpu.memref_squeeze %dma_wait3A_980 : memref<1x40x768xf32, #tpu.memory_space<hbm>> -> memref<40x768xf32, #tpu.memory_space<hbm>>
      tpu.wait_dma2 semaphore(%arg11 : memref<!tpu.dma_semaphore, #tpu.memory_space<semaphore_mem>>) src(%dma_wait3A_981 : memref<40x768xf32, #tpu.memory_space<hbm>>) dst(%dma_wait3A_978 : memref<40x768xf32, #tpu.memory_space<vmem_shared>>)
      %add3A_982 = arith.constant 480 : i32
      %add3A_983 = arith.addi %mul3A_461, %add3A_982 : i32
      %dma_start3A_984 = arith.constant 0 : i32
      %dma_start3A_985 = arith.constant 0 : i32
      %dma_start3A_986 = tpu.memref_slice %arg5[%select_n3A_443, %add3A_983, %dma_start3A_985] : memref<77x1600x768xf32, #tpu.memory_space<hbm>> -> memref<1x40x768xf32, #tpu.memory_space<hbm>>
      %dma_start3A_987 = tpu.memref_squeeze %dma_start3A_986 : memref<1x40x768xf32, #tpu.memory_space<hbm>> -> memref<40x768xf32, #tpu.memory_space<hbm>>
      %dma_start3A_988 = arith.constant 0 : i32
      %dma_start3A_989 = arith.constant 0 : i32
      %dma_start3A_990 = tpu.memref_slice %arg7[%arg1, %dma_start3A_984, %dma_start3A_988, %dma_start3A_989] : memref<16x3x40x768xf32, #tpu.memory_space<vmem_shared>> -> memref<1x1x40x768xf32, #tpu.memory_space<vmem_shared>>
      %dma_start3A_991 = tpu.memref_squeeze %dma_start3A_990 : memref<1x1x40x768xf32, #tpu.memory_space<vmem_shared>> -> memref<40x768xf32, #tpu.memory_space<vmem_shared>>
      tpu.enqueue_dma source(%dma_start3A_991 : memref<40x768xf32, #tpu.memory_space<vmem_shared>>) target(%dma_start3A_987 : memref<40x768xf32, #tpu.memory_space<hbm>>) target_semaphore(%arg14 : memref<!tpu.dma_semaphore, #tpu.memory_space<semaphore_mem>>)
      %add3A_992 = arith.constant 480 : i32
      %add3A_993 = arith.addi %mul3A_461, %add3A_992 : i32
      %dma_wait3A_994 = arith.constant 0 : i32
      %dma_wait3A_995 = arith.constant 0 : i32
      %dma_wait3A_996 = tpu.memref_slice %arg5[%select_n3A_443, %add3A_993, %dma_wait3A_995] : memref<77x1600x768xf32, #tpu.memory_space<hbm>> -> memref<1x40x768xf32, #tpu.memory_space<hbm>>
      %dma_wait3A_997 = tpu.memref_squeeze %dma_wait3A_996 : memref<1x40x768xf32, #tpu.memory_space<hbm>> -> memref<40x768xf32, #tpu.memory_space<hbm>>
      %dma_wait3A_998 = arith.constant 0 : i32
      %dma_wait3A_999 = arith.constant 0 : i32
      %dma_wait3A_1000 = tpu.memref_slice %arg7[%arg1, %dma_wait3A_994, %dma_wait3A_998, %dma_wait3A_999] : memref<16x3x40x768xf32, #tpu.memory_space<vmem_shared>> -> memref<1x1x40x768xf32, #tpu.memory_space<vmem_shared>>
      %dma_wait3A_1001 = tpu.memref_squeeze %dma_wait3A_1000 : memref<1x1x40x768xf32, #tpu.memory_space<vmem_shared>> -> memref<40x768xf32, #tpu.memory_space<vmem_shared>>
      tpu.wait_dma2 semaphore(%arg14 : memref<!tpu.dma_semaphore, #tpu.memory_space<semaphore_mem>>) src(%dma_wait3A_1001 : memref<40x768xf32, #tpu.memory_space<vmem_shared>>) dst(%dma_wait3A_997 : memref<40x768xf32, #tpu.memory_space<hbm>>)
      %add3A_1002 = arith.constant 600 : i32
      %add3A_1003 = arith.addi %mul3A_461, %add3A_1002 : i32
      %dma_start3A_1004 = arith.constant 0 : i32
      %dma_start3A_1005 = arith.constant 0 : i32
      %dma_start3A_1006 = arith.constant 0 : i32
      %dma_start3A_1007 = tpu.memref_slice %arg7[%arg1, %dma_start3A_1004, %dma_start3A_1005, %dma_start3A_1006] : memref<16x3x40x768xf32, #tpu.memory_space<vmem_shared>> -> memref<1x1x40x768xf32, #tpu.memory_space<vmem_shared>>
      %dma_start3A_1008 = tpu.memref_squeeze %dma_start3A_1007 : memref<1x1x40x768xf32, #tpu.memory_space<vmem_shared>> -> memref<40x768xf32, #tpu.memory_space<vmem_shared>>
      %dma_start3A_1009 = arith.constant 0 : i32
      %dma_start3A_1010 = tpu.memref_slice %arg2[%select_n3A_437, %add3A_1003, %dma_start3A_1009] : memref<77x1600x768xf32, #tpu.memory_space<hbm>> -> memref<1x40x768xf32, #tpu.memory_space<hbm>>
      %dma_start3A_1011 = tpu.memref_squeeze %dma_start3A_1010 : memref<1x40x768xf32, #tpu.memory_space<hbm>> -> memref<40x768xf32, #tpu.memory_space<hbm>>
      tpu.enqueue_dma source(%dma_start3A_1011 : memref<40x768xf32, #tpu.memory_space<hbm>>) target(%dma_start3A_1008 : memref<40x768xf32, #tpu.memory_space<vmem_shared>>) target_semaphore(%arg11 : memref<!tpu.dma_semaphore, #tpu.memory_space<semaphore_mem>>)
      %add3A_1012 = arith.constant 520 : i32
      %add3A_1013 = arith.addi %mul3A_461, %add3A_1012 : i32
      %dma_wait3A_1014 = arith.constant 1 : i32
      %dma_wait3A_1015 = arith.constant 0 : i32
      %dma_wait3A_1016 = arith.constant 0 : i32
      %dma_wait3A_1017 = tpu.memref_slice %arg7[%arg1, %dma_wait3A_1014, %dma_wait3A_1015, %dma_wait3A_1016] : memref<16x3x40x768xf32, #tpu.memory_space<vmem_shared>> -> memref<1x1x40x768xf32, #tpu.memory_space<vmem_shared>>
      %dma_wait3A_1018 = tpu.memref_squeeze %dma_wait3A_1017 : memref<1x1x40x768xf32, #tpu.memory_space<vmem_shared>> -> memref<40x768xf32, #tpu.memory_space<vmem_shared>>
      %dma_wait3A_1019 = arith.constant 0 : i32
      %dma_wait3A_1020 = tpu.memref_slice %arg2[%select_n3A_437, %add3A_1013, %dma_wait3A_1019] : memref<77x1600x768xf32, #tpu.memory_space<hbm>> -> memref<1x40x768xf32, #tpu.memory_space<hbm>>
      %dma_wait3A_1021 = tpu.memref_squeeze %dma_wait3A_1020 : memref<1x40x768xf32, #tpu.memory_space<hbm>> -> memref<40x768xf32, #tpu.memory_space<hbm>>
      tpu.wait_dma2 semaphore(%arg12 : memref<!tpu.dma_semaphore, #tpu.memory_space<semaphore_mem>>) src(%dma_wait3A_1021 : memref<40x768xf32, #tpu.memory_space<hbm>>) dst(%dma_wait3A_1018 : memref<40x768xf32, #tpu.memory_space<vmem_shared>>)
      %add3A_1022 = arith.constant 520 : i32
      %add3A_1023 = arith.addi %mul3A_461, %add3A_1022 : i32
      %dma_start3A_1024 = arith.constant 1 : i32
      %dma_start3A_1025 = arith.constant 0 : i32
      %dma_start3A_1026 = tpu.memref_slice %arg5[%select_n3A_443, %add3A_1023, %dma_start3A_1025] : memref<77x1600x768xf32, #tpu.memory_space<hbm>> -> memref<1x40x768xf32, #tpu.memory_space<hbm>>
      %dma_start3A_1027 = tpu.memref_squeeze %dma_start3A_1026 : memref<1x40x768xf32, #tpu.memory_space<hbm>> -> memref<40x768xf32, #tpu.memory_space<hbm>>
      %dma_start3A_1028 = arith.constant 0 : i32
      %dma_start3A_1029 = arith.constant 0 : i32
      %dma_start3A_1030 = tpu.memref_slice %arg7[%arg1, %dma_start3A_1024, %dma_start3A_1028, %dma_start3A_1029] : memref<16x3x40x768xf32, #tpu.memory_space<vmem_shared>> -> memref<1x1x40x768xf32, #tpu.memory_space<vmem_shared>>
      %dma_start3A_1031 = tpu.memref_squeeze %dma_start3A_1030 : memref<1x1x40x768xf32, #tpu.memory_space<vmem_shared>> -> memref<40x768xf32, #tpu.memory_space<vmem_shared>>
      tpu.enqueue_dma source(%dma_start3A_1031 : memref<40x768xf32, #tpu.memory_space<vmem_shared>>) target(%dma_start3A_1027 : memref<40x768xf32, #tpu.memory_space<hbm>>) target_semaphore(%arg15 : memref<!tpu.dma_semaphore, #tpu.memory_space<semaphore_mem>>)
      %add3A_1032 = arith.constant 520 : i32
      %add3A_1033 = arith.addi %mul3A_461, %add3A_1032 : i32
      %dma_wait3A_1034 = arith.constant 1 : i32
      %dma_wait3A_1035 = arith.constant 0 : i32
      %dma_wait3A_1036 = tpu.memref_slice %arg5[%select_n3A_443, %add3A_1033, %dma_wait3A_1035] : memref<77x1600x768xf32, #tpu.memory_space<hbm>> -> memref<1x40x768xf32, #tpu.memory_space<hbm>>
      %dma_wait3A_1037 = tpu.memref_squeeze %dma_wait3A_1036 : memref<1x40x768xf32, #tpu.memory_space<hbm>> -> memref<40x768xf32, #tpu.memory_space<hbm>>
      %dma_wait3A_1038 = arith.constant 0 : i32
      %dma_wait3A_1039 = arith.constant 0 : i32
      %dma_wait3A_1040 = tpu.memref_slice %arg7[%arg1, %dma_wait3A_1034, %dma_wait3A_1038, %dma_wait3A_1039] : memref<16x3x40x768xf32, #tpu.memory_space<vmem_shared>> -> memref<1x1x40x768xf32, #tpu.memory_space<vmem_shared>>
      %dma_wait3A_1041 = tpu.memref_squeeze %dma_wait3A_1040 : memref<1x1x40x768xf32, #tpu.memory_space<vmem_shared>> -> memref<40x768xf32, #tpu.memory_space<vmem_shared>>
      tpu.wait_dma2 semaphore(%arg15 : memref<!tpu.dma_semaphore, #tpu.memory_space<semaphore_mem>>) src(%dma_wait3A_1041 : memref<40x768xf32, #tpu.memory_space<vmem_shared>>) dst(%dma_wait3A_1037 : memref<40x768xf32, #tpu.memory_space<hbm>>)
      %add3A_1042 = arith.constant 640 : i32
      %add3A_1043 = arith.addi %mul3A_461, %add3A_1042 : i32
      %dma_start3A_1044 = arith.constant 1 : i32
      %dma_start3A_1045 = arith.constant 0 : i32
      %dma_start3A_1046 = arith.constant 0 : i32
      %dma_start3A_1047 = tpu.memref_slice %arg7[%arg1, %dma_start3A_1044, %dma_start3A_1045, %dma_start3A_1046] : memref<16x3x40x768xf32, #tpu.memory_space<vmem_shared>> -> memref<1x1x40x768xf32, #tpu.memory_space<vmem_shared>>
      %dma_start3A_1048 = tpu.memref_squeeze %dma_start3A_1047 : memref<1x1x40x768xf32, #tpu.memory_space<vmem_shared>> -> memref<40x768xf32, #tpu.memory_space<vmem_shared>>
      %dma_start3A_1049 = arith.constant 0 : i32
      %dma_start3A_1050 = tpu.memref_slice %arg2[%select_n3A_437, %add3A_1043, %dma_start3A_1049] : memref<77x1600x768xf32, #tpu.memory_space<hbm>> -> memref<1x40x768xf32, #tpu.memory_space<hbm>>
      %dma_start3A_1051 = tpu.memref_squeeze %dma_start3A_1050 : memref<1x40x768xf32, #tpu.memory_space<hbm>> -> memref<40x768xf32, #tpu.memory_space<hbm>>
      tpu.enqueue_dma source(%dma_start3A_1051 : memref<40x768xf32, #tpu.memory_space<hbm>>) target(%dma_start3A_1048 : memref<40x768xf32, #tpu.memory_space<vmem_shared>>) target_semaphore(%arg12 : memref<!tpu.dma_semaphore, #tpu.memory_space<semaphore_mem>>)
      %add3A_1052 = arith.constant 560 : i32
      %add3A_1053 = arith.addi %mul3A_461, %add3A_1052 : i32
      %dma_wait3A_1054 = arith.constant 2 : i32
      %dma_wait3A_1055 = arith.constant 0 : i32
      %dma_wait3A_1056 = arith.constant 0 : i32
      %dma_wait3A_1057 = tpu.memref_slice %arg7[%arg1, %dma_wait3A_1054, %dma_wait3A_1055, %dma_wait3A_1056] : memref<16x3x40x768xf32, #tpu.memory_space<vmem_shared>> -> memref<1x1x40x768xf32, #tpu.memory_space<vmem_shared>>
      %dma_wait3A_1058 = tpu.memref_squeeze %dma_wait3A_1057 : memref<1x1x40x768xf32, #tpu.memory_space<vmem_shared>> -> memref<40x768xf32, #tpu.memory_space<vmem_shared>>
      %dma_wait3A_1059 = arith.constant 0 : i32
      %dma_wait3A_1060 = tpu.memref_slice %arg2[%select_n3A_437, %add3A_1053, %dma_wait3A_1059] : memref<77x1600x768xf32, #tpu.memory_space<hbm>> -> memref<1x40x768xf32, #tpu.memory_space<hbm>>
      %dma_wait3A_1061 = tpu.memref_squeeze %dma_wait3A_1060 : memref<1x40x768xf32, #tpu.memory_space<hbm>> -> memref<40x768xf32, #tpu.memory_space<hbm>>
      tpu.wait_dma2 semaphore(%arg13 : memref<!tpu.dma_semaphore, #tpu.memory_space<semaphore_mem>>) src(%dma_wait3A_1061 : memref<40x768xf32, #tpu.memory_space<hbm>>) dst(%dma_wait3A_1058 : memref<40x768xf32, #tpu.memory_space<vmem_shared>>)
      %add3A_1062 = arith.constant 560 : i32
      %add3A_1063 = arith.addi %mul3A_461, %add3A_1062 : i32
      %dma_start3A_1064 = arith.constant 2 : i32
      %dma_start3A_1065 = arith.constant 0 : i32
      %dma_start3A_1066 = tpu.memref_slice %arg5[%select_n3A_443, %add3A_1063, %dma_start3A_1065] : memref<77x1600x768xf32, #tpu.memory_space<hbm>> -> memref<1x40x768xf32, #tpu.memory_space<hbm>>
      %dma_start3A_1067 = tpu.memref_squeeze %dma_start3A_1066 : memref<1x40x768xf32, #tpu.memory_space<hbm>> -> memref<40x768xf32, #tpu.memory_space<hbm>>
      %dma_start3A_1068 = arith.constant 0 : i32
      %dma_start3A_1069 = arith.constant 0 : i32
      %dma_start3A_1070 = tpu.memref_slice %arg7[%arg1, %dma_start3A_1064, %dma_start3A_1068, %dma_start3A_1069] : memref<16x3x40x768xf32, #tpu.memory_space<vmem_shared>> -> memref<1x1x40x768xf32, #tpu.memory_space<vmem_shared>>
      %dma_start3A_1071 = tpu.memref_squeeze %dma_start3A_1070 : memref<1x1x40x768xf32, #tpu.memory_space<vmem_shared>> -> memref<40x768xf32, #tpu.memory_space<vmem_shared>>
      tpu.enqueue_dma source(%dma_start3A_1071 : memref<40x768xf32, #tpu.memory_space<vmem_shared>>) target(%dma_start3A_1067 : memref<40x768xf32, #tpu.memory_space<hbm>>) target_semaphore(%arg16 : memref<!tpu.dma_semaphore, #tpu.memory_space<semaphore_mem>>)
      %add3A_1072 = arith.constant 560 : i32
      %add3A_1073 = arith.addi %mul3A_461, %add3A_1072 : i32
      %dma_wait3A_1074 = arith.constant 2 : i32
      %dma_wait3A_1075 = arith.constant 0 : i32
      %dma_wait3A_1076 = tpu.memref_slice %arg5[%select_n3A_443, %add3A_1073, %dma_wait3A_1075] : memref<77x1600x768xf32, #tpu.memory_space<hbm>> -> memref<1x40x768xf32, #tpu.memory_space<hbm>>
      %dma_wait3A_1077 = tpu.memref_squeeze %dma_wait3A_1076 : memref<1x40x768xf32, #tpu.memory_space<hbm>> -> memref<40x768xf32, #tpu.memory_space<hbm>>
      %dma_wait3A_1078 = arith.constant 0 : i32
      %dma_wait3A_1079 = arith.constant 0 : i32
      %dma_wait3A_1080 = tpu.memref_slice %arg7[%arg1, %dma_wait3A_1074, %dma_wait3A_1078, %dma_wait3A_1079] : memref<16x3x40x768xf32, #tpu.memory_space<vmem_shared>> -> memref<1x1x40x768xf32, #tpu.memory_space<vmem_shared>>
      %dma_wait3A_1081 = tpu.memref_squeeze %dma_wait3A_1080 : memref<1x1x40x768xf32, #tpu.memory_space<vmem_shared>> -> memref<40x768xf32, #tpu.memory_space<vmem_shared>>
      tpu.wait_dma2 semaphore(%arg16 : memref<!tpu.dma_semaphore, #tpu.memory_space<semaphore_mem>>) src(%dma_wait3A_1081 : memref<40x768xf32, #tpu.memory_space<vmem_shared>>) dst(%dma_wait3A_1077 : memref<40x768xf32, #tpu.memory_space<hbm>>)
      %add3A_1082 = arith.constant 680 : i32
      %add3A_1083 = arith.addi %mul3A_461, %add3A_1082 : i32
      %dma_start3A_1084 = arith.constant 2 : i32
      %dma_start3A_1085 = arith.constant 0 : i32
      %dma_start3A_1086 = arith.constant 0 : i32
      %dma_start3A_1087 = tpu.memref_slice %arg7[%arg1, %dma_start3A_1084, %dma_start3A_1085, %dma_start3A_1086] : memref<16x3x40x768xf32, #tpu.memory_space<vmem_shared>> -> memref<1x1x40x768xf32, #tpu.memory_space<vmem_shared>>
      %dma_start3A_1088 = tpu.memref_squeeze %dma_start3A_1087 : memref<1x1x40x768xf32, #tpu.memory_space<vmem_shared>> -> memref<40x768xf32, #tpu.memory_space<vmem_shared>>
      %dma_start3A_1089 = arith.constant 0 : i32
      %dma_start3A_1090 = tpu.memref_slice %arg2[%select_n3A_437, %add3A_1083, %dma_start3A_1089] : memref<77x1600x768xf32, #tpu.memory_space<hbm>> -> memref<1x40x768xf32, #tpu.memory_space<hbm>>
      %dma_start3A_1091 = tpu.memref_squeeze %dma_start3A_1090 : memref<1x40x768xf32, #tpu.memory_space<hbm>> -> memref<40x768xf32, #tpu.memory_space<hbm>>
      tpu.enqueue_dma source(%dma_start3A_1091 : memref<40x768xf32, #tpu.memory_space<hbm>>) target(%dma_start3A_1088 : memref<40x768xf32, #tpu.memory_space<vmem_shared>>) target_semaphore(%arg13 : memref<!tpu.dma_semaphore, #tpu.memory_space<semaphore_mem>>)
      %add3A_1092 = arith.constant 600 : i32
      %add3A_1093 = arith.addi %mul3A_461, %add3A_1092 : i32
      %dma_wait3A_1094 = arith.constant 0 : i32
      %dma_wait3A_1095 = arith.constant 0 : i32
      %dma_wait3A_1096 = arith.constant 0 : i32
      %dma_wait3A_1097 = tpu.memref_slice %arg7[%arg1, %dma_wait3A_1094, %dma_wait3A_1095, %dma_wait3A_1096] : memref<16x3x40x768xf32, #tpu.memory_space<vmem_shared>> -> memref<1x1x40x768xf32, #tpu.memory_space<vmem_shared>>
      %dma_wait3A_1098 = tpu.memref_squeeze %dma_wait3A_1097 : memref<1x1x40x768xf32, #tpu.memory_space<vmem_shared>> -> memref<40x768xf32, #tpu.memory_space<vmem_shared>>
      %dma_wait3A_1099 = arith.constant 0 : i32
      %dma_wait3A_1100 = tpu.memref_slice %arg2[%select_n3A_437, %add3A_1093, %dma_wait3A_1099] : memref<77x1600x768xf32, #tpu.memory_space<hbm>> -> memref<1x40x768xf32, #tpu.memory_space<hbm>>
      %dma_wait3A_1101 = tpu.memref_squeeze %dma_wait3A_1100 : memref<1x40x768xf32, #tpu.memory_space<hbm>> -> memref<40x768xf32, #tpu.memory_space<hbm>>
      tpu.wait_dma2 semaphore(%arg11 : memref<!tpu.dma_semaphore, #tpu.memory_space<semaphore_mem>>) src(%dma_wait3A_1101 : memref<40x768xf32, #tpu.memory_space<hbm>>) dst(%dma_wait3A_1098 : memref<40x768xf32, #tpu.memory_space<vmem_shared>>)
      %add3A_1102 = arith.constant 600 : i32
      %add3A_1103 = arith.addi %mul3A_461, %add3A_1102 : i32
      %dma_start3A_1104 = arith.constant 0 : i32
      %dma_start3A_1105 = arith.constant 0 : i32
      %dma_start3A_1106 = tpu.memref_slice %arg5[%select_n3A_443, %add3A_1103, %dma_start3A_1105] : memref<77x1600x768xf32, #tpu.memory_space<hbm>> -> memref<1x40x768xf32, #tpu.memory_space<hbm>>
      %dma_start3A_1107 = tpu.memref_squeeze %dma_start3A_1106 : memref<1x40x768xf32, #tpu.memory_space<hbm>> -> memref<40x768xf32, #tpu.memory_space<hbm>>
      %dma_start3A_1108 = arith.constant 0 : i32
      %dma_start3A_1109 = arith.constant 0 : i32
      %dma_start3A_1110 = tpu.memref_slice %arg7[%arg1, %dma_start3A_1104, %dma_start3A_1108, %dma_start3A_1109] : memref<16x3x40x768xf32, #tpu.memory_space<vmem_shared>> -> memref<1x1x40x768xf32, #tpu.memory_space<vmem_shared>>
      %dma_start3A_1111 = tpu.memref_squeeze %dma_start3A_1110 : memref<1x1x40x768xf32, #tpu.memory_space<vmem_shared>> -> memref<40x768xf32, #tpu.memory_space<vmem_shared>>
      tpu.enqueue_dma source(%dma_start3A_1111 : memref<40x768xf32, #tpu.memory_space<vmem_shared>>) target(%dma_start3A_1107 : memref<40x768xf32, #tpu.memory_space<hbm>>) target_semaphore(%arg14 : memref<!tpu.dma_semaphore, #tpu.memory_space<semaphore_mem>>)
      %add3A_1112 = arith.constant 600 : i32
      %add3A_1113 = arith.addi %mul3A_461, %add3A_1112 : i32
      %dma_wait3A_1114 = arith.constant 0 : i32
      %dma_wait3A_1115 = arith.constant 0 : i32
      %dma_wait3A_1116 = tpu.memref_slice %arg5[%select_n3A_443, %add3A_1113, %dma_wait3A_1115] : memref<77x1600x768xf32, #tpu.memory_space<hbm>> -> memref<1x40x768xf32, #tpu.memory_space<hbm>>
      %dma_wait3A_1117 = tpu.memref_squeeze %dma_wait3A_1116 : memref<1x40x768xf32, #tpu.memory_space<hbm>> -> memref<40x768xf32, #tpu.memory_space<hbm>>
      %dma_wait3A_1118 = arith.constant 0 : i32
      %dma_wait3A_1119 = arith.constant 0 : i32
      %dma_wait3A_1120 = tpu.memref_slice %arg7[%arg1, %dma_wait3A_1114, %dma_wait3A_1118, %dma_wait3A_1119] : memref<16x3x40x768xf32, #tpu.memory_space<vmem_shared>> -> memref<1x1x40x768xf32, #tpu.memory_space<vmem_shared>>
      %dma_wait3A_1121 = tpu.memref_squeeze %dma_wait3A_1120 : memref<1x1x40x768xf32, #tpu.memory_space<vmem_shared>> -> memref<40x768xf32, #tpu.memory_space<vmem_shared>>
      tpu.wait_dma2 semaphore(%arg14 : memref<!tpu.dma_semaphore, #tpu.memory_space<semaphore_mem>>) src(%dma_wait3A_1121 : memref<40x768xf32, #tpu.memory_space<vmem_shared>>) dst(%dma_wait3A_1117 : memref<40x768xf32, #tpu.memory_space<hbm>>)
      %add3A_1122 = arith.constant 720 : i32
      %add3A_1123 = arith.addi %mul3A_461, %add3A_1122 : i32
      %dma_start3A_1124 = arith.constant 0 : i32
      %dma_start3A_1125 = arith.constant 0 : i32
      %dma_start3A_1126 = arith.constant 0 : i32
      %dma_start3A_1127 = tpu.memref_slice %arg7[%arg1, %dma_start3A_1124, %dma_start3A_1125, %dma_start3A_1126] : memref<16x3x40x768xf32, #tpu.memory_space<vmem_shared>> -> memref<1x1x40x768xf32, #tpu.memory_space<vmem_shared>>
      %dma_start3A_1128 = tpu.memref_squeeze %dma_start3A_1127 : memref<1x1x40x768xf32, #tpu.memory_space<vmem_shared>> -> memref<40x768xf32, #tpu.memory_space<vmem_shared>>
      %dma_start3A_1129 = arith.constant 0 : i32
      %dma_start3A_1130 = tpu.memref_slice %arg2[%select_n3A_437, %add3A_1123, %dma_start3A_1129] : memref<77x1600x768xf32, #tpu.memory_space<hbm>> -> memref<1x40x768xf32, #tpu.memory_space<hbm>>
      %dma_start3A_1131 = tpu.memref_squeeze %dma_start3A_1130 : memref<1x40x768xf32, #tpu.memory_space<hbm>> -> memref<40x768xf32, #tpu.memory_space<hbm>>
      tpu.enqueue_dma source(%dma_start3A_1131 : memref<40x768xf32, #tpu.memory_space<hbm>>) target(%dma_start3A_1128 : memref<40x768xf32, #tpu.memory_space<vmem_shared>>) target_semaphore(%arg11 : memref<!tpu.dma_semaphore, #tpu.memory_space<semaphore_mem>>)
      %add3A_1132 = arith.constant 640 : i32
      %add3A_1133 = arith.addi %mul3A_461, %add3A_1132 : i32
      %dma_wait3A_1134 = arith.constant 1 : i32
      %dma_wait3A_1135 = arith.constant 0 : i32
      %dma_wait3A_1136 = arith.constant 0 : i32
      %dma_wait3A_1137 = tpu.memref_slice %arg7[%arg1, %dma_wait3A_1134, %dma_wait3A_1135, %dma_wait3A_1136] : memref<16x3x40x768xf32, #tpu.memory_space<vmem_shared>> -> memref<1x1x40x768xf32, #tpu.memory_space<vmem_shared>>
      %dma_wait3A_1138 = tpu.memref_squeeze %dma_wait3A_1137 : memref<1x1x40x768xf32, #tpu.memory_space<vmem_shared>> -> memref<40x768xf32, #tpu.memory_space<vmem_shared>>
      %dma_wait3A_1139 = arith.constant 0 : i32
      %dma_wait3A_1140 = tpu.memref_slice %arg2[%select_n3A_437, %add3A_1133, %dma_wait3A_1139] : memref<77x1600x768xf32, #tpu.memory_space<hbm>> -> memref<1x40x768xf32, #tpu.memory_space<hbm>>
      %dma_wait3A_1141 = tpu.memref_squeeze %dma_wait3A_1140 : memref<1x40x768xf32, #tpu.memory_space<hbm>> -> memref<40x768xf32, #tpu.memory_space<hbm>>
      tpu.wait_dma2 semaphore(%arg12 : memref<!tpu.dma_semaphore, #tpu.memory_space<semaphore_mem>>) src(%dma_wait3A_1141 : memref<40x768xf32, #tpu.memory_space<hbm>>) dst(%dma_wait3A_1138 : memref<40x768xf32, #tpu.memory_space<vmem_shared>>)
      %add3A_1142 = arith.constant 640 : i32
      %add3A_1143 = arith.addi %mul3A_461, %add3A_1142 : i32
      %dma_start3A_1144 = arith.constant 1 : i32
      %dma_start3A_1145 = arith.constant 0 : i32
      %dma_start3A_1146 = tpu.memref_slice %arg5[%select_n3A_443, %add3A_1143, %dma_start3A_1145] : memref<77x1600x768xf32, #tpu.memory_space<hbm>> -> memref<1x40x768xf32, #tpu.memory_space<hbm>>
      %dma_start3A_1147 = tpu.memref_squeeze %dma_start3A_1146 : memref<1x40x768xf32, #tpu.memory_space<hbm>> -> memref<40x768xf32, #tpu.memory_space<hbm>>
      %dma_start3A_1148 = arith.constant 0 : i32
      %dma_start3A_1149 = arith.constant 0 : i32
      %dma_start3A_1150 = tpu.memref_slice %arg7[%arg1, %dma_start3A_1144, %dma_start3A_1148, %dma_start3A_1149] : memref<16x3x40x768xf32, #tpu.memory_space<vmem_shared>> -> memref<1x1x40x768xf32, #tpu.memory_space<vmem_shared>>
      %dma_start3A_1151 = tpu.memref_squeeze %dma_start3A_1150 : memref<1x1x40x768xf32, #tpu.memory_space<vmem_shared>> -> memref<40x768xf32, #tpu.memory_space<vmem_shared>>
      tpu.enqueue_dma source(%dma_start3A_1151 : memref<40x768xf32, #tpu.memory_space<vmem_shared>>) target(%dma_start3A_1147 : memref<40x768xf32, #tpu.memory_space<hbm>>) target_semaphore(%arg15 : memref<!tpu.dma_semaphore, #tpu.memory_space<semaphore_mem>>)
      %add3A_1152 = arith.constant 640 : i32
      %add3A_1153 = arith.addi %mul3A_461, %add3A_1152 : i32
      %dma_wait3A_1154 = arith.constant 1 : i32
      %dma_wait3A_1155 = arith.constant 0 : i32
      %dma_wait3A_1156 = tpu.memref_slice %arg5[%select_n3A_443, %add3A_1153, %dma_wait3A_1155] : memref<77x1600x768xf32, #tpu.memory_space<hbm>> -> memref<1x40x768xf32, #tpu.memory_space<hbm>>
      %dma_wait3A_1157 = tpu.memref_squeeze %dma_wait3A_1156 : memref<1x40x768xf32, #tpu.memory_space<hbm>> -> memref<40x768xf32, #tpu.memory_space<hbm>>
      %dma_wait3A_1158 = arith.constant 0 : i32
      %dma_wait3A_1159 = arith.constant 0 : i32
      %dma_wait3A_1160 = tpu.memref_slice %arg7[%arg1, %dma_wait3A_1154, %dma_wait3A_1158, %dma_wait3A_1159] : memref<16x3x40x768xf32, #tpu.memory_space<vmem_shared>> -> memref<1x1x40x768xf32, #tpu.memory_space<vmem_shared>>
      %dma_wait3A_1161 = tpu.memref_squeeze %dma_wait3A_1160 : memref<1x1x40x768xf32, #tpu.memory_space<vmem_shared>> -> memref<40x768xf32, #tpu.memory_space<vmem_shared>>
      tpu.wait_dma2 semaphore(%arg15 : memref<!tpu.dma_semaphore, #tpu.memory_space<semaphore_mem>>) src(%dma_wait3A_1161 : memref<40x768xf32, #tpu.memory_space<vmem_shared>>) dst(%dma_wait3A_1157 : memref<40x768xf32, #tpu.memory_space<hbm>>)
      %add3A_1162 = arith.constant 760 : i32
      %add3A_1163 = arith.addi %mul3A_461, %add3A_1162 : i32
      %dma_start3A_1164 = arith.constant 1 : i32
      %dma_start3A_1165 = arith.constant 0 : i32
      %dma_start3A_1166 = arith.constant 0 : i32
      %dma_start3A_1167 = tpu.memref_slice %arg7[%arg1, %dma_start3A_1164, %dma_start3A_1165, %dma_start3A_1166] : memref<16x3x40x768xf32, #tpu.memory_space<vmem_shared>> -> memref<1x1x40x768xf32, #tpu.memory_space<vmem_shared>>
      %dma_start3A_1168 = tpu.memref_squeeze %dma_start3A_1167 : memref<1x1x40x768xf32, #tpu.memory_space<vmem_shared>> -> memref<40x768xf32, #tpu.memory_space<vmem_shared>>
      %dma_start3A_1169 = arith.constant 0 : i32
      %dma_start3A_1170 = tpu.memref_slice %arg2[%select_n3A_437, %add3A_1163, %dma_start3A_1169] : memref<77x1600x768xf32, #tpu.memory_space<hbm>> -> memref<1x40x768xf32, #tpu.memory_space<hbm>>
      %dma_start3A_1171 = tpu.memref_squeeze %dma_start3A_1170 : memref<1x40x768xf32, #tpu.memory_space<hbm>> -> memref<40x768xf32, #tpu.memory_space<hbm>>
      tpu.enqueue_dma source(%dma_start3A_1171 : memref<40x768xf32, #tpu.memory_space<hbm>>) target(%dma_start3A_1168 : memref<40x768xf32, #tpu.memory_space<vmem_shared>>) target_semaphore(%arg12 : memref<!tpu.dma_semaphore, #tpu.memory_space<semaphore_mem>>)
      %add3A_1172 = arith.constant 680 : i32
      %add3A_1173 = arith.addi %mul3A_461, %add3A_1172 : i32
      %dma_wait3A_1174 = arith.constant 2 : i32
      %dma_wait3A_1175 = arith.constant 0 : i32
      %dma_wait3A_1176 = arith.constant 0 : i32
      %dma_wait3A_1177 = tpu.memref_slice %arg7[%arg1, %dma_wait3A_1174, %dma_wait3A_1175, %dma_wait3A_1176] : memref<16x3x40x768xf32, #tpu.memory_space<vmem_shared>> -> memref<1x1x40x768xf32, #tpu.memory_space<vmem_shared>>
      %dma_wait3A_1178 = tpu.memref_squeeze %dma_wait3A_1177 : memref<1x1x40x768xf32, #tpu.memory_space<vmem_shared>> -> memref<40x768xf32, #tpu.memory_space<vmem_shared>>
      %dma_wait3A_1179 = arith.constant 0 : i32
      %dma_wait3A_1180 = tpu.memref_slice %arg2[%select_n3A_437, %add3A_1173, %dma_wait3A_1179] : memref<77x1600x768xf32, #tpu.memory_space<hbm>> -> memref<1x40x768xf32, #tpu.memory_space<hbm>>
      %dma_wait3A_1181 = tpu.memref_squeeze %dma_wait3A_1180 : memref<1x40x768xf32, #tpu.memory_space<hbm>> -> memref<40x768xf32, #tpu.memory_space<hbm>>
      tpu.wait_dma2 semaphore(%arg13 : memref<!tpu.dma_semaphore, #tpu.memory_space<semaphore_mem>>) src(%dma_wait3A_1181 : memref<40x768xf32, #tpu.memory_space<hbm>>) dst(%dma_wait3A_1178 : memref<40x768xf32, #tpu.memory_space<vmem_shared>>)
      %add3A_1182 = arith.constant 680 : i32
      %add3A_1183 = arith.addi %mul3A_461, %add3A_1182 : i32
      %dma_start3A_1184 = arith.constant 2 : i32
      %dma_start3A_1185 = arith.constant 0 : i32
      %dma_start3A_1186 = tpu.memref_slice %arg5[%select_n3A_443, %add3A_1183, %dma_start3A_1185] : memref<77x1600x768xf32, #tpu.memory_space<hbm>> -> memref<1x40x768xf32, #tpu.memory_space<hbm>>
      %dma_start3A_1187 = tpu.memref_squeeze %dma_start3A_1186 : memref<1x40x768xf32, #tpu.memory_space<hbm>> -> memref<40x768xf32, #tpu.memory_space<hbm>>
      %dma_start3A_1188 = arith.constant 0 : i32
      %dma_start3A_1189 = arith.constant 0 : i32
      %dma_start3A_1190 = tpu.memref_slice %arg7[%arg1, %dma_start3A_1184, %dma_start3A_1188, %dma_start3A_1189] : memref<16x3x40x768xf32, #tpu.memory_space<vmem_shared>> -> memref<1x1x40x768xf32, #tpu.memory_space<vmem_shared>>
      %dma_start3A_1191 = tpu.memref_squeeze %dma_start3A_1190 : memref<1x1x40x768xf32, #tpu.memory_space<vmem_shared>> -> memref<40x768xf32, #tpu.memory_space<vmem_shared>>
      tpu.enqueue_dma source(%dma_start3A_1191 : memref<40x768xf32, #tpu.memory_space<vmem_shared>>) target(%dma_start3A_1187 : memref<40x768xf32, #tpu.memory_space<hbm>>) target_semaphore(%arg16 : memref<!tpu.dma_semaphore, #tpu.memory_space<semaphore_mem>>)
      %add3A_1192 = arith.constant 720 : i32
      %add3A_1193 = arith.addi %mul3A_461, %add3A_1192 : i32
      %dma_wait3A_1194 = arith.constant 0 : i32
      %dma_wait3A_1195 = arith.constant 0 : i32
      %dma_wait3A_1196 = arith.constant 0 : i32
      %dma_wait3A_1197 = tpu.memref_slice %arg7[%arg1, %dma_wait3A_1194, %dma_wait3A_1195, %dma_wait3A_1196] : memref<16x3x40x768xf32, #tpu.memory_space<vmem_shared>> -> memref<1x1x40x768xf32, #tpu.memory_space<vmem_shared>>
      %dma_wait3A_1198 = tpu.memref_squeeze %dma_wait3A_1197 : memref<1x1x40x768xf32, #tpu.memory_space<vmem_shared>> -> memref<40x768xf32, #tpu.memory_space<vmem_shared>>
      %dma_wait3A_1199 = arith.constant 0 : i32
      %dma_wait3A_1200 = tpu.memref_slice %arg2[%select_n3A_437, %add3A_1193, %dma_wait3A_1199] : memref<77x1600x768xf32, #tpu.memory_space<hbm>> -> memref<1x40x768xf32, #tpu.memory_space<hbm>>
      %dma_wait3A_1201 = tpu.memref_squeeze %dma_wait3A_1200 : memref<1x40x768xf32, #tpu.memory_space<hbm>> -> memref<40x768xf32, #tpu.memory_space<hbm>>
      tpu.wait_dma2 semaphore(%arg11 : memref<!tpu.dma_semaphore, #tpu.memory_space<semaphore_mem>>) src(%dma_wait3A_1201 : memref<40x768xf32, #tpu.memory_space<hbm>>) dst(%dma_wait3A_1198 : memref<40x768xf32, #tpu.memory_space<vmem_shared>>)
      %add3A_1202 = arith.constant 720 : i32
      %add3A_1203 = arith.addi %mul3A_461, %add3A_1202 : i32
      %dma_start3A_1204 = arith.constant 0 : i32
      %dma_start3A_1205 = arith.constant 0 : i32
      %dma_start3A_1206 = tpu.memref_slice %arg5[%select_n3A_443, %add3A_1203, %dma_start3A_1205] : memref<77x1600x768xf32, #tpu.memory_space<hbm>> -> memref<1x40x768xf32, #tpu.memory_space<hbm>>
      %dma_start3A_1207 = tpu.memref_squeeze %dma_start3A_1206 : memref<1x40x768xf32, #tpu.memory_space<hbm>> -> memref<40x768xf32, #tpu.memory_space<hbm>>
      %dma_start3A_1208 = arith.constant 0 : i32
      %dma_start3A_1209 = arith.constant 0 : i32
      %dma_start3A_1210 = tpu.memref_slice %arg7[%arg1, %dma_start3A_1204, %dma_start3A_1208, %dma_start3A_1209] : memref<16x3x40x768xf32, #tpu.memory_space<vmem_shared>> -> memref<1x1x40x768xf32, #tpu.memory_space<vmem_shared>>
      %dma_start3A_1211 = tpu.memref_squeeze %dma_start3A_1210 : memref<1x1x40x768xf32, #tpu.memory_space<vmem_shared>> -> memref<40x768xf32, #tpu.memory_space<vmem_shared>>
      tpu.enqueue_dma source(%dma_start3A_1211 : memref<40x768xf32, #tpu.memory_space<vmem_shared>>) target(%dma_start3A_1207 : memref<40x768xf32, #tpu.memory_space<hbm>>) target_semaphore(%arg14 : memref<!tpu.dma_semaphore, #tpu.memory_space<semaphore_mem>>)
      %add3A_1212 = arith.constant 760 : i32
      %add3A_1213 = arith.addi %mul3A_461, %add3A_1212 : i32
      %dma_wait3A_1214 = arith.constant 1 : i32
      %dma_wait3A_1215 = arith.constant 0 : i32
      %dma_wait3A_1216 = arith.constant 0 : i32
      %dma_wait3A_1217 = tpu.memref_slice %arg7[%arg1, %dma_wait3A_1214, %dma_wait3A_1215, %dma_wait3A_1216] : memref<16x3x40x768xf32, #tpu.memory_space<vmem_shared>> -> memref<1x1x40x768xf32, #tpu.memory_space<vmem_shared>>
      %dma_wait3A_1218 = tpu.memref_squeeze %dma_wait3A_1217 : memref<1x1x40x768xf32, #tpu.memory_space<vmem_shared>> -> memref<40x768xf32, #tpu.memory_space<vmem_shared>>
      %dma_wait3A_1219 = arith.constant 0 : i32
      %dma_wait3A_1220 = tpu.memref_slice %arg2[%select_n3A_437, %add3A_1213, %dma_wait3A_1219] : memref<77x1600x768xf32, #tpu.memory_space<hbm>> -> memref<1x40x768xf32, #tpu.memory_space<hbm>>
      %dma_wait3A_1221 = tpu.memref_squeeze %dma_wait3A_1220 : memref<1x40x768xf32, #tpu.memory_space<hbm>> -> memref<40x768xf32, #tpu.memory_space<hbm>>
      tpu.wait_dma2 semaphore(%arg12 : memref<!tpu.dma_semaphore, #tpu.memory_space<semaphore_mem>>) src(%dma_wait3A_1221 : memref<40x768xf32, #tpu.memory_space<hbm>>) dst(%dma_wait3A_1218 : memref<40x768xf32, #tpu.memory_space<vmem_shared>>)
      %add3A_1222 = arith.constant 760 : i32
      %add3A_1223 = arith.addi %mul3A_461, %add3A_1222 : i32
      %dma_start3A_1224 = arith.constant 1 : i32
      %dma_start3A_1225 = arith.constant 0 : i32
      %dma_start3A_1226 = tpu.memref_slice %arg5[%select_n3A_443, %add3A_1223, %dma_start3A_1225] : memref<77x1600x768xf32, #tpu.memory_space<hbm>> -> memref<1x40x768xf32, #tpu.memory_space<hbm>>
      %dma_start3A_1227 = tpu.memref_squeeze %dma_start3A_1226 : memref<1x40x768xf32, #tpu.memory_space<hbm>> -> memref<40x768xf32, #tpu.memory_space<hbm>>
      %dma_start3A_1228 = arith.constant 0 : i32
      %dma_start3A_1229 = arith.constant 0 : i32
      %dma_start3A_1230 = tpu.memref_slice %arg7[%arg1, %dma_start3A_1224, %dma_start3A_1228, %dma_start3A_1229] : memref<16x3x40x768xf32, #tpu.memory_space<vmem_shared>> -> memref<1x1x40x768xf32, #tpu.memory_space<vmem_shared>>
      %dma_start3A_1231 = tpu.memref_squeeze %dma_start3A_1230 : memref<1x1x40x768xf32, #tpu.memory_space<vmem_shared>> -> memref<40x768xf32, #tpu.memory_space<vmem_shared>>
      tpu.enqueue_dma source(%dma_start3A_1231 : memref<40x768xf32, #tpu.memory_space<vmem_shared>>) target(%dma_start3A_1227 : memref<40x768xf32, #tpu.memory_space<hbm>>) target_semaphore(%arg15 : memref<!tpu.dma_semaphore, #tpu.memory_space<semaphore_mem>>)
      %add3A_1232 = arith.constant 680 : i32
      %add3A_1233 = arith.addi %mul3A_461, %add3A_1232 : i32
      %dma_wait3A_1234 = arith.constant 2 : i32
      %dma_wait3A_1235 = arith.constant 0 : i32
      %dma_wait3A_1236 = tpu.memref_slice %arg5[%select_n3A_443, %add3A_1233, %dma_wait3A_1235] : memref<77x1600x768xf32, #tpu.memory_space<hbm>> -> memref<1x40x768xf32, #tpu.memory_space<hbm>>
      %dma_wait3A_1237 = tpu.memref_squeeze %dma_wait3A_1236 : memref<1x40x768xf32, #tpu.memory_space<hbm>> -> memref<40x768xf32, #tpu.memory_space<hbm>>
      %dma_wait3A_1238 = arith.constant 0 : i32
      %dma_wait3A_1239 = arith.constant 0 : i32
      %dma_wait3A_1240 = tpu.memref_slice %arg7[%arg1, %dma_wait3A_1234, %dma_wait3A_1238, %dma_wait3A_1239] : memref<16x3x40x768xf32, #tpu.memory_space<vmem_shared>> -> memref<1x1x40x768xf32, #tpu.memory_space<vmem_shared>>
      %dma_wait3A_1241 = tpu.memref_squeeze %dma_wait3A_1240 : memref<1x1x40x768xf32, #tpu.memory_space<vmem_shared>> -> memref<40x768xf32, #tpu.memory_space<vmem_shared>>
      tpu.wait_dma2 semaphore(%arg16 : memref<!tpu.dma_semaphore, #tpu.memory_space<semaphore_mem>>) src(%dma_wait3A_1241 : memref<40x768xf32, #tpu.memory_space<vmem_shared>>) dst(%dma_wait3A_1237 : memref<40x768xf32, #tpu.memory_space<hbm>>)
      %add3A_1242 = arith.constant 720 : i32
      %add3A_1243 = arith.addi %mul3A_461, %add3A_1242 : i32
      %dma_wait3A_1244 = arith.constant 0 : i32
      %dma_wait3A_1245 = arith.constant 0 : i32
      %dma_wait3A_1246 = tpu.memref_slice %arg5[%select_n3A_443, %add3A_1243, %dma_wait3A_1245] : memref<77x1600x768xf32, #tpu.memory_space<hbm>> -> memref<1x40x768xf32, #tpu.memory_space<hbm>>
      %dma_wait3A_1247 = tpu.memref_squeeze %dma_wait3A_1246 : memref<1x40x768xf32, #tpu.memory_space<hbm>> -> memref<40x768xf32, #tpu.memory_space<hbm>>
      %dma_wait3A_1248 = arith.constant 0 : i32
      %dma_wait3A_1249 = arith.constant 0 : i32
      %dma_wait3A_1250 = tpu.memref_slice %arg7[%arg1, %dma_wait3A_1244, %dma_wait3A_1248, %dma_wait3A_1249] : memref<16x3x40x768xf32, #tpu.memory_space<vmem_shared>> -> memref<1x1x40x768xf32, #tpu.memory_space<vmem_shared>>
      %dma_wait3A_1251 = tpu.memref_squeeze %dma_wait3A_1250 : memref<1x1x40x768xf32, #tpu.memory_space<vmem_shared>> -> memref<40x768xf32, #tpu.memory_space<vmem_shared>>
      tpu.wait_dma2 semaphore(%arg14 : memref<!tpu.dma_semaphore, #tpu.memory_space<semaphore_mem>>) src(%dma_wait3A_1251 : memref<40x768xf32, #tpu.memory_space<vmem_shared>>) dst(%dma_wait3A_1247 : memref<40x768xf32, #tpu.memory_space<hbm>>)
      %add3A_1252 = arith.constant 760 : i32
      %add3A_1253 = arith.addi %mul3A_461, %add3A_1252 : i32
      %dma_wait3A_1254 = arith.constant 1 : i32
      %dma_wait3A_1255 = arith.constant 0 : i32
      %dma_wait3A_1256 = tpu.memref_slice %arg5[%select_n3A_443, %add3A_1253, %dma_wait3A_1255] : memref<77x1600x768xf32, #tpu.memory_space<hbm>> -> memref<1x40x768xf32, #tpu.memory_space<hbm>>
      %dma_wait3A_1257 = tpu.memref_squeeze %dma_wait3A_1256 : memref<1x40x768xf32, #tpu.memory_space<hbm>> -> memref<40x768xf32, #tpu.memory_space<hbm>>
      %dma_wait3A_1258 = arith.constant 0 : i32
      %dma_wait3A_1259 = arith.constant 0 : i32
      %dma_wait3A_1260 = tpu.memref_slice %arg7[%arg1, %dma_wait3A_1254, %dma_wait3A_1258, %dma_wait3A_1259] : memref<16x3x40x768xf32, #tpu.memory_space<vmem_shared>> -> memref<1x1x40x768xf32, #tpu.memory_space<vmem_shared>>
      %dma_wait3A_1261 = tpu.memref_squeeze %dma_wait3A_1260 : memref<1x1x40x768xf32, #tpu.memory_space<vmem_shared>> -> memref<40x768xf32, #tpu.memory_space<vmem_shared>>
      tpu.wait_dma2 semaphore(%arg15 : memref<!tpu.dma_semaphore, #tpu.memory_space<semaphore_mem>>) src(%dma_wait3A_1261 : memref<40x768xf32, #tpu.memory_space<vmem_shared>>) dst(%dma_wait3A_1257 : memref<40x768xf32, #tpu.memory_space<hbm>>)
    }
    %scan3A_5 = arith.constant 4 : i32
    %lt3A = arith.constant 20 : i32
    %lt3A_6 = arith.cmpi slt, %add3A, %lt3A : i32
    %convert_element_type3A = arith.extui %lt3A_6 : i1 to i32
    %cond3A = arith.constant 0 : i32
    %cond3A_7 = arith.cmpi ne, %convert_element_type3A, %cond3A : i32
    scf.if %cond3A_7 {
      %jit3A_410 = arith.constant 2 : i32
      %div3A_411 = arith.divsi %add3A, %jit3A_410 : i32
      %sign3A_412 = arith.constant 0 : i32
      %sign3A_413 = arith.cmpi sgt, %add3A, %sign3A_412 : i32
      %sign3A_414 = arith.extui %sign3A_413 : i1 to i32
      %sign3A_415 = arith.constant 0 : i32
      %sign3A_416 = arith.cmpi slt, %add3A, %sign3A_415 : i32
      %sign3A_417 = arith.extui %sign3A_416 : i1 to i32
      %sign3A_418 = arith.subi %sign3A_414, %sign3A_417 : i32
      %sign3A_419 = arith.constant 0 : i32
      %sign3A_420 = arith.cmpi sgt, %jit3A_410, %sign3A_419 : i32
      %sign3A_421 = arith.extui %sign3A_420 : i1 to i32
      %sign3A_422 = arith.constant 0 : i32
      %sign3A_423 = arith.cmpi slt, %jit3A_410, %sign3A_422 : i32
      %sign3A_424 = arith.extui %sign3A_423 : i1 to i32
      %sign3A_425 = arith.subi %sign3A_421, %sign3A_424 : i32
      %ne3A_426 = arith.cmpi ne, %sign3A_418, %sign3A_425 : i32
      %rem3A_427 = arith.remsi %add3A, %jit3A_410 : i32
      %ne3A_428 = arith.constant 0 : i32
      %ne3A_429 = arith.cmpi ne, %rem3A_427, %ne3A_428 : i32
      %and3A_430 = arith.andi %ne3A_426, %ne3A_429 : i1
      %sub3A_431 = arith.constant 1 : i32
      %sub3A_432 = arith.subi %div3A_411, %sub3A_431 : i32
      %select_n3A_433 = arith.select %and3A_430, %sub3A_432, %div3A_411 : i32
      %add3A_434 = arith.constant 128 : i32
      %add3A_435 = arith.addi %add3A_434, %select_n3A_433 : i32
      %jit3A_436 = arith.constant 2 : i32
      %div3A_437 = arith.divsi %add3A_435, %jit3A_436 : i32
      %sign3A_438 = arith.constant 0 : i32
      %sign3A_439 = arith.cmpi sgt, %add3A_435, %sign3A_438 : i32
      %sign3A_440 = arith.extui %sign3A_439 : i1 to i32
      %sign3A_441 = arith.constant 0 : i32
      %sign3A_442 = arith.cmpi slt, %add3A_435, %sign3A_441 : i32
      %sign3A_443 = arith.extui %sign3A_442 : i1 to i32
      %sign3A_444 = arith.subi %sign3A_440, %sign3A_443 : i32
      %sign3A_445 = arith.constant 0 : i32
      %sign3A_446 = arith.cmpi sgt, %jit3A_436, %sign3A_445 : i32
      %sign3A_447 = arith.extui %sign3A_446 : i1 to i32
      %sign3A_448 = arith.constant 0 : i32
      %sign3A_449 = arith.cmpi slt, %jit3A_436, %sign3A_448 : i32
      %sign3A_450 = arith.extui %sign3A_449 : i1 to i32
      %sign3A_451 = arith.subi %sign3A_447, %sign3A_450 : i32
      %ne3A_452 = arith.cmpi ne, %sign3A_444, %sign3A_451 : i32
      %rem3A_453 = arith.remsi %add3A_435, %jit3A_436 : i32
      %ne3A_454 = arith.constant 0 : i32
      %ne3A_455 = arith.cmpi ne, %rem3A_453, %ne3A_454 : i32
      %and3A_456 = arith.andi %ne3A_452, %ne3A_455 : i1
      %sub3A_457 = arith.constant 1 : i32
      %sub3A_458 = arith.subi %div3A_437, %sub3A_457 : i32
      %select_n3A_459 = arith.select %and3A_456, %sub3A_458, %div3A_437 : i32
      %jit3A_460 = arith.constant 2 : i32
      %eq3A_461 = arith.constant 0 : i32
      %eq3A_462 = arith.cmpi eq, %jit3A_460, %eq3A_461 : i32
      %jit3A_463 = arith.constant 1 : i32
      %select_n3A_464 = arith.select %eq3A_462, %jit3A_463, %jit3A_460 : i32
      %rem3A_465 = arith.remsi %add3A_435, %select_n3A_464 : i32
      %ne3A_466 = arith.constant 0 : i32
      %ne3A_467 = arith.cmpi ne, %rem3A_465, %ne3A_466 : i32
      %lt3A_468 = arith.constant 0 : i32
      %lt3A_469 = arith.cmpi slt, %rem3A_465, %lt3A_468 : i32
      %lt3A_470 = arith.constant 0 : i32
      %lt3A_471 = arith.cmpi slt, %select_n3A_464, %lt3A_470 : i32
      %ne3A_472 = arith.xori %lt3A_469, %lt3A_471 : i1
      %and3A_473 = arith.andi %ne3A_472, %ne3A_467 : i1
      %add3A_474 = arith.addi %rem3A_465, %select_n3A_464 : i32
      %select_n3A_475 = arith.select %and3A_473, %add3A_474, %rem3A_465 : i32
      %mul3A_476 = arith.constant 800 : i32
      %mul3A_477 = arith.muli %select_n3A_475, %mul3A_476 : i32
      %jit3A_478 = arith.constant 2 : i32
      %eq3A_479 = arith.constant 0 : i32
      %eq3A_480 = arith.cmpi eq, %jit3A_478, %eq3A_479 : i32
      %jit3A_481 = arith.constant 1 : i32
      %select_n3A_482 = arith.select %eq3A_480, %jit3A_481, %jit3A_478 : i32
      %rem3A_483 = arith.remsi %add3A, %select_n3A_482 : i32
      %ne3A_484 = arith.constant 0 : i32
      %ne3A_485 = arith.cmpi ne, %rem3A_483, %ne3A_484 : i32
      %lt3A_486 = arith.constant 0 : i32
      %lt3A_487 = arith.cmpi slt, %rem3A_483, %lt3A_486 : i32
      %lt3A_488 = arith.constant 0 : i32
      %lt3A_489 = arith.cmpi slt, %select_n3A_482, %lt3A_488 : i32
      %ne3A_490 = arith.xori %lt3A_487, %lt3A_489 : i1
      %and3A_491 = arith.andi %ne3A_490, %ne3A_485 : i1
      %add3A_492 = arith.addi %rem3A_483, %select_n3A_482 : i32
      %select_n3A_493 = arith.select %and3A_491, %add3A_492, %rem3A_483 : i32
      %mul3A_494 = arith.constant 400 : i32
      %mul3A_495 = arith.muli %select_n3A_493, %mul3A_494 : i32
      %add3A_496 = arith.addi %mul3A_477, %mul3A_495 : i32
      %add3A_497 = arith.constant 8 : i32
      %add3A_498 = arith.addi %select_n3A_459, %add3A_497 : i32
      %add3A_499 = arith.constant 0 : i32
      %add3A_500 = arith.addi %add3A_496, %add3A_499 : i32
      %dma_start3A_501 = arith.constant 0 : i32
      %dma_start3A_502 = arith.constant 0 : i32
      %dma_start3A_503 = arith.constant 0 : i32
      %dma_start3A_504 = tpu.memref_slice %arg7[%arg1, %dma_start3A_501, %dma_start3A_502, %dma_start3A_503] : memref<16x3x40x768xf32, #tpu.memory_space<vmem_shared>> -> memref<1x1x40x768xf32, #tpu.memory_space<vmem_shared>>
      %dma_start3A_505 = tpu.memref_squeeze %dma_start3A_504 : memref<1x1x40x768xf32, #tpu.memory_space<vmem_shared>> -> memref<40x768xf32, #tpu.memory_space<vmem_shared>>
      %dma_start3A_506 = arith.constant 0 : i32
      %dma_start3A_507 = tpu.memref_slice %arg2[%select_n3A_459, %add3A_500, %dma_start3A_506] : memref<77x1600x768xf32, #tpu.memory_space<hbm>> -> memref<1x40x768xf32, #tpu.memory_space<hbm>>
      %dma_start3A_508 = tpu.memref_squeeze %dma_start3A_507 : memref<1x40x768xf32, #tpu.memory_space<hbm>> -> memref<40x768xf32, #tpu.memory_space<hbm>>
      tpu.enqueue_dma source(%dma_start3A_508 : memref<40x768xf32, #tpu.memory_space<hbm>>) target(%dma_start3A_505 : memref<40x768xf32, #tpu.memory_space<vmem_shared>>) target_semaphore(%arg11 : memref<!tpu.dma_semaphore, #tpu.memory_space<semaphore_mem>>)
      %add3A_509 = arith.constant 40 : i32
      %add3A_510 = arith.addi %add3A_496, %add3A_509 : i32
      %dma_start3A_511 = arith.constant 1 : i32
      %dma_start3A_512 = arith.constant 0 : i32
      %dma_start3A_513 = arith.constant 0 : i32
      %dma_start3A_514 = tpu.memref_slice %arg7[%arg1, %dma_start3A_511, %dma_start3A_512, %dma_start3A_513] : memref<16x3x40x768xf32, #tpu.memory_space<vmem_shared>> -> memref<1x1x40x768xf32, #tpu.memory_space<vmem_shared>>
      %dma_start3A_515 = tpu.memref_squeeze %dma_start3A_514 : memref<1x1x40x768xf32, #tpu.memory_space<vmem_shared>> -> memref<40x768xf32, #tpu.memory_space<vmem_shared>>
      %dma_start3A_516 = arith.constant 0 : i32
      %dma_start3A_517 = tpu.memref_slice %arg2[%select_n3A_459, %add3A_510, %dma_start3A_516] : memref<77x1600x768xf32, #tpu.memory_space<hbm>> -> memref<1x40x768xf32, #tpu.memory_space<hbm>>
      %dma_start3A_518 = tpu.memref_squeeze %dma_start3A_517 : memref<1x40x768xf32, #tpu.memory_space<hbm>> -> memref<40x768xf32, #tpu.memory_space<hbm>>
      tpu.enqueue_dma source(%dma_start3A_518 : memref<40x768xf32, #tpu.memory_space<hbm>>) target(%dma_start3A_515 : memref<40x768xf32, #tpu.memory_space<vmem_shared>>) target_semaphore(%arg12 : memref<!tpu.dma_semaphore, #tpu.memory_space<semaphore_mem>>)
      %add3A_519 = arith.constant 80 : i32
      %add3A_520 = arith.addi %add3A_496, %add3A_519 : i32
      %dma_start3A_521 = arith.constant 2 : i32
      %dma_start3A_522 = arith.constant 0 : i32
      %dma_start3A_523 = arith.constant 0 : i32
      %dma_start3A_524 = tpu.memref_slice %arg7[%arg1, %dma_start3A_521, %dma_start3A_522, %dma_start3A_523] : memref<16x3x40x768xf32, #tpu.memory_space<vmem_shared>> -> memref<1x1x40x768xf32, #tpu.memory_space<vmem_shared>>
      %dma_start3A_525 = tpu.memref_squeeze %dma_start3A_524 : memref<1x1x40x768xf32, #tpu.memory_space<vmem_shared>> -> memref<40x768xf32, #tpu.memory_space<vmem_shared>>
      %dma_start3A_526 = arith.constant 0 : i32
      %dma_start3A_527 = tpu.memref_slice %arg2[%select_n3A_459, %add3A_520, %dma_start3A_526] : memref<77x1600x768xf32, #tpu.memory_space<hbm>> -> memref<1x40x768xf32, #tpu.memory_space<hbm>>
      %dma_start3A_528 = tpu.memref_squeeze %dma_start3A_527 : memref<1x40x768xf32, #tpu.memory_space<hbm>> -> memref<40x768xf32, #tpu.memory_space<hbm>>
      tpu.enqueue_dma source(%dma_start3A_528 : memref<40x768xf32, #tpu.memory_space<hbm>>) target(%dma_start3A_525 : memref<40x768xf32, #tpu.memory_space<vmem_shared>>) target_semaphore(%arg13 : memref<!tpu.dma_semaphore, #tpu.memory_space<semaphore_mem>>)
      %add3A_529 = arith.constant 0 : i32
      %add3A_530 = arith.addi %add3A_496, %add3A_529 : i32
      %dma_wait3A_531 = arith.constant 0 : i32
      %dma_wait3A_532 = arith.constant 0 : i32
      %dma_wait3A_533 = arith.constant 0 : i32
      %dma_wait3A_534 = tpu.memref_slice %arg7[%arg1, %dma_wait3A_531, %dma_wait3A_532, %dma_wait3A_533] : memref<16x3x40x768xf32, #tpu.memory_space<vmem_shared>> -> memref<1x1x40x768xf32, #tpu.memory_space<vmem_shared>>
      %dma_wait3A_535 = tpu.memref_squeeze %dma_wait3A_534 : memref<1x1x40x768xf32, #tpu.memory_space<vmem_shared>> -> memref<40x768xf32, #tpu.memory_space<vmem_shared>>
      %dma_wait3A_536 = arith.constant 0 : i32
      %dma_wait3A_537 = tpu.memref_slice %arg2[%select_n3A_459, %add3A_530, %dma_wait3A_536] : memref<77x1600x768xf32, #tpu.memory_space<hbm>> -> memref<1x40x768xf32, #tpu.memory_space<hbm>>
      %dma_wait3A_538 = tpu.memref_squeeze %dma_wait3A_537 : memref<1x40x768xf32, #tpu.memory_space<hbm>> -> memref<40x768xf32, #tpu.memory_space<hbm>>
      tpu.wait_dma2 semaphore(%arg11 : memref<!tpu.dma_semaphore, #tpu.memory_space<semaphore_mem>>) src(%dma_wait3A_538 : memref<40x768xf32, #tpu.memory_space<hbm>>) dst(%dma_wait3A_535 : memref<40x768xf32, #tpu.memory_space<vmem_shared>>)
      %add3A_539 = arith.constant 0 : i32
      %add3A_540 = arith.addi %add3A_496, %add3A_539 : i32
      %dma_start3A_541 = arith.constant 0 : i32
      %dma_start3A_542 = arith.constant 0 : i32
      %dma_start3A_543 = tpu.memref_slice %arg5[%add3A_498, %add3A_540, %dma_start3A_542] : memref<77x1600x768xf32, #tpu.memory_space<hbm>> -> memref<1x40x768xf32, #tpu.memory_space<hbm>>
      %dma_start3A_544 = tpu.memref_squeeze %dma_start3A_543 : memref<1x40x768xf32, #tpu.memory_space<hbm>> -> memref<40x768xf32, #tpu.memory_space<hbm>>
      %dma_start3A_545 = arith.constant 0 : i32
      %dma_start3A_546 = arith.constant 0 : i32
      %dma_start3A_547 = tpu.memref_slice %arg7[%arg1, %dma_start3A_541, %dma_start3A_545, %dma_start3A_546] : memref<16x3x40x768xf32, #tpu.memory_space<vmem_shared>> -> memref<1x1x40x768xf32, #tpu.memory_space<vmem_shared>>
      %dma_start3A_548 = tpu.memref_squeeze %dma_start3A_547 : memref<1x1x40x768xf32, #tpu.memory_space<vmem_shared>> -> memref<40x768xf32, #tpu.memory_space<vmem_shared>>
      tpu.enqueue_dma source(%dma_start3A_548 : memref<40x768xf32, #tpu.memory_space<vmem_shared>>) target(%dma_start3A_544 : memref<40x768xf32, #tpu.memory_space<hbm>>) target_semaphore(%arg14 : memref<!tpu.dma_semaphore, #tpu.memory_space<semaphore_mem>>)
      %add3A_549 = arith.constant 0 : i32
      %add3A_550 = arith.addi %add3A_496, %add3A_549 : i32
      %dma_wait3A_551 = arith.constant 0 : i32
      %dma_wait3A_552 = arith.constant 0 : i32
      %dma_wait3A_553 = tpu.memref_slice %arg5[%add3A_498, %add3A_550, %dma_wait3A_552] : memref<77x1600x768xf32, #tpu.memory_space<hbm>> -> memref<1x40x768xf32, #tpu.memory_space<hbm>>
      %dma_wait3A_554 = tpu.memref_squeeze %dma_wait3A_553 : memref<1x40x768xf32, #tpu.memory_space<hbm>> -> memref<40x768xf32, #tpu.memory_space<hbm>>
      %dma_wait3A_555 = arith.constant 0 : i32
      %dma_wait3A_556 = arith.constant 0 : i32
      %dma_wait3A_557 = tpu.memref_slice %arg7[%arg1, %dma_wait3A_551, %dma_wait3A_555, %dma_wait3A_556] : memref<16x3x40x768xf32, #tpu.memory_space<vmem_shared>> -> memref<1x1x40x768xf32, #tpu.memory_space<vmem_shared>>
      %dma_wait3A_558 = tpu.memref_squeeze %dma_wait3A_557 : memref<1x1x40x768xf32, #tpu.memory_space<vmem_shared>> -> memref<40x768xf32, #tpu.memory_space<vmem_shared>>
      tpu.wait_dma2 semaphore(%arg14 : memref<!tpu.dma_semaphore, #tpu.memory_space<semaphore_mem>>) src(%dma_wait3A_558 : memref<40x768xf32, #tpu.memory_space<vmem_shared>>) dst(%dma_wait3A_554 : memref<40x768xf32, #tpu.memory_space<hbm>>)
      %add3A_559 = arith.constant 120 : i32
      %add3A_560 = arith.addi %add3A_496, %add3A_559 : i32
      %dma_start3A_561 = arith.constant 0 : i32
      %dma_start3A_562 = arith.constant 0 : i32
      %dma_start3A_563 = arith.constant 0 : i32
      %dma_start3A_564 = tpu.memref_slice %arg7[%arg1, %dma_start3A_561, %dma_start3A_562, %dma_start3A_563] : memref<16x3x40x768xf32, #tpu.memory_space<vmem_shared>> -> memref<1x1x40x768xf32, #tpu.memory_space<vmem_shared>>
      %dma_start3A_565 = tpu.memref_squeeze %dma_start3A_564 : memref<1x1x40x768xf32, #tpu.memory_space<vmem_shared>> -> memref<40x768xf32, #tpu.memory_space<vmem_shared>>
      %dma_start3A_566 = arith.constant 0 : i32
      %dma_start3A_567 = tpu.memref_slice %arg2[%select_n3A_459, %add3A_560, %dma_start3A_566] : memref<77x1600x768xf32, #tpu.memory_space<hbm>> -> memref<1x40x768xf32, #tpu.memory_space<hbm>>
      %dma_start3A_568 = tpu.memref_squeeze %dma_start3A_567 : memref<1x40x768xf32, #tpu.memory_space<hbm>> -> memref<40x768xf32, #tpu.memory_space<hbm>>
      tpu.enqueue_dma source(%dma_start3A_568 : memref<40x768xf32, #tpu.memory_space<hbm>>) target(%dma_start3A_565 : memref<40x768xf32, #tpu.memory_space<vmem_shared>>) target_semaphore(%arg11 : memref<!tpu.dma_semaphore, #tpu.memory_space<semaphore_mem>>)
      %add3A_569 = arith.constant 40 : i32
      %add3A_570 = arith.addi %add3A_496, %add3A_569 : i32
      %dma_wait3A_571 = arith.constant 1 : i32
      %dma_wait3A_572 = arith.constant 0 : i32
      %dma_wait3A_573 = arith.constant 0 : i32
      %dma_wait3A_574 = tpu.memref_slice %arg7[%arg1, %dma_wait3A_571, %dma_wait3A_572, %dma_wait3A_573] : memref<16x3x40x768xf32, #tpu.memory_space<vmem_shared>> -> memref<1x1x40x768xf32, #tpu.memory_space<vmem_shared>>
      %dma_wait3A_575 = tpu.memref_squeeze %dma_wait3A_574 : memref<1x1x40x768xf32, #tpu.memory_space<vmem_shared>> -> memref<40x768xf32, #tpu.memory_space<vmem_shared>>
      %dma_wait3A_576 = arith.constant 0 : i32
      %dma_wait3A_577 = tpu.memref_slice %arg2[%select_n3A_459, %add3A_570, %dma_wait3A_576] : memref<77x1600x768xf32, #tpu.memory_space<hbm>> -> memref<1x40x768xf32, #tpu.memory_space<hbm>>
      %dma_wait3A_578 = tpu.memref_squeeze %dma_wait3A_577 : memref<1x40x768xf32, #tpu.memory_space<hbm>> -> memref<40x768xf32, #tpu.memory_space<hbm>>
      tpu.wait_dma2 semaphore(%arg12 : memref<!tpu.dma_semaphore, #tpu.memory_space<semaphore_mem>>) src(%dma_wait3A_578 : memref<40x768xf32, #tpu.memory_space<hbm>>) dst(%dma_wait3A_575 : memref<40x768xf32, #tpu.memory_space<vmem_shared>>)
      %add3A_579 = arith.constant 40 : i32
      %add3A_580 = arith.addi %add3A_496, %add3A_579 : i32
      %dma_start3A_581 = arith.constant 1 : i32
      %dma_start3A_582 = arith.constant 0 : i32
      %dma_start3A_583 = tpu.memref_slice %arg5[%add3A_498, %add3A_580, %dma_start3A_582] : memref<77x1600x768xf32, #tpu.memory_space<hbm>> -> memref<1x40x768xf32, #tpu.memory_space<hbm>>
      %dma_start3A_584 = tpu.memref_squeeze %dma_start3A_583 : memref<1x40x768xf32, #tpu.memory_space<hbm>> -> memref<40x768xf32, #tpu.memory_space<hbm>>
      %dma_start3A_585 = arith.constant 0 : i32
      %dma_start3A_586 = arith.constant 0 : i32
      %dma_start3A_587 = tpu.memref_slice %arg7[%arg1, %dma_start3A_581, %dma_start3A_585, %dma_start3A_586] : memref<16x3x40x768xf32, #tpu.memory_space<vmem_shared>> -> memref<1x1x40x768xf32, #tpu.memory_space<vmem_shared>>
      %dma_start3A_588 = tpu.memref_squeeze %dma_start3A_587 : memref<1x1x40x768xf32, #tpu.memory_space<vmem_shared>> -> memref<40x768xf32, #tpu.memory_space<vmem_shared>>
      tpu.enqueue_dma source(%dma_start3A_588 : memref<40x768xf32, #tpu.memory_space<vmem_shared>>) target(%dma_start3A_584 : memref<40x768xf32, #tpu.memory_space<hbm>>) target_semaphore(%arg15 : memref<!tpu.dma_semaphore, #tpu.memory_space<semaphore_mem>>)
      %add3A_589 = arith.constant 40 : i32
      %add3A_590 = arith.addi %add3A_496, %add3A_589 : i32
      %dma_wait3A_591 = arith.constant 1 : i32
      %dma_wait3A_592 = arith.constant 0 : i32
      %dma_wait3A_593 = tpu.memref_slice %arg5[%add3A_498, %add3A_590, %dma_wait3A_592] : memref<77x1600x768xf32, #tpu.memory_space<hbm>> -> memref<1x40x768xf32, #tpu.memory_space<hbm>>
      %dma_wait3A_594 = tpu.memref_squeeze %dma_wait3A_593 : memref<1x40x768xf32, #tpu.memory_space<hbm>> -> memref<40x768xf32, #tpu.memory_space<hbm>>
      %dma_wait3A_595 = arith.constant 0 : i32
      %dma_wait3A_596 = arith.constant 0 : i32
      %dma_wait3A_597 = tpu.memref_slice %arg7[%arg1, %dma_wait3A_591, %dma_wait3A_595, %dma_wait3A_596] : memref<16x3x40x768xf32, #tpu.memory_space<vmem_shared>> -> memref<1x1x40x768xf32, #tpu.memory_space<vmem_shared>>
      %dma_wait3A_598 = tpu.memref_squeeze %dma_wait3A_597 : memref<1x1x40x768xf32, #tpu.memory_space<vmem_shared>> -> memref<40x768xf32, #tpu.memory_space<vmem_shared>>
      tpu.wait_dma2 semaphore(%arg15 : memref<!tpu.dma_semaphore, #tpu.memory_space<semaphore_mem>>) src(%dma_wait3A_598 : memref<40x768xf32, #tpu.memory_space<vmem_shared>>) dst(%dma_wait3A_594 : memref<40x768xf32, #tpu.memory_space<hbm>>)
      %add3A_599 = arith.constant 160 : i32
      %add3A_600 = arith.addi %add3A_496, %add3A_599 : i32
      %dma_start3A_601 = arith.constant 1 : i32
      %dma_start3A_602 = arith.constant 0 : i32
      %dma_start3A_603 = arith.constant 0 : i32
      %dma_start3A_604 = tpu.memref_slice %arg7[%arg1, %dma_start3A_601, %dma_start3A_602, %dma_start3A_603] : memref<16x3x40x768xf32, #tpu.memory_space<vmem_shared>> -> memref<1x1x40x768xf32, #tpu.memory_space<vmem_shared>>
      %dma_start3A_605 = tpu.memref_squeeze %dma_start3A_604 : memref<1x1x40x768xf32, #tpu.memory_space<vmem_shared>> -> memref<40x768xf32, #tpu.memory_space<vmem_shared>>
      %dma_start3A_606 = arith.constant 0 : i32
      %dma_start3A_607 = tpu.memref_slice %arg2[%select_n3A_459, %add3A_600, %dma_start3A_606] : memref<77x1600x768xf32, #tpu.memory_space<hbm>> -> memref<1x40x768xf32, #tpu.memory_space<hbm>>
      %dma_start3A_608 = tpu.memref_squeeze %dma_start3A_607 : memref<1x40x768xf32, #tpu.memory_space<hbm>> -> memref<40x768xf32, #tpu.memory_space<hbm>>
      tpu.enqueue_dma source(%dma_start3A_608 : memref<40x768xf32, #tpu.memory_space<hbm>>) target(%dma_start3A_605 : memref<40x768xf32, #tpu.memory_space<vmem_shared>>) target_semaphore(%arg12 : memref<!tpu.dma_semaphore, #tpu.memory_space<semaphore_mem>>)
      %add3A_609 = arith.constant 80 : i32
      %add3A_610 = arith.addi %add3A_496, %add3A_609 : i32
      %dma_wait3A_611 = arith.constant 2 : i32
      %dma_wait3A_612 = arith.constant 0 : i32
      %dma_wait3A_613 = arith.constant 0 : i32
      %dma_wait3A_614 = tpu.memref_slice %arg7[%arg1, %dma_wait3A_611, %dma_wait3A_612, %dma_wait3A_613] : memref<16x3x40x768xf32, #tpu.memory_space<vmem_shared>> -> memref<1x1x40x768xf32, #tpu.memory_space<vmem_shared>>
      %dma_wait3A_615 = tpu.memref_squeeze %dma_wait3A_614 : memref<1x1x40x768xf32, #tpu.memory_space<vmem_shared>> -> memref<40x768xf32, #tpu.memory_space<vmem_shared>>
      %dma_wait3A_616 = arith.constant 0 : i32
      %dma_wait3A_617 = tpu.memref_slice %arg2[%select_n3A_459, %add3A_610, %dma_wait3A_616] : memref<77x1600x768xf32, #tpu.memory_space<hbm>> -> memref<1x40x768xf32, #tpu.memory_space<hbm>>
      %dma_wait3A_618 = tpu.memref_squeeze %dma_wait3A_617 : memref<1x40x768xf32, #tpu.memory_space<hbm>> -> memref<40x768xf32, #tpu.memory_space<hbm>>
      tpu.wait_dma2 semaphore(%arg13 : memref<!tpu.dma_semaphore, #tpu.memory_space<semaphore_mem>>) src(%dma_wait3A_618 : memref<40x768xf32, #tpu.memory_space<hbm>>) dst(%dma_wait3A_615 : memref<40x768xf32, #tpu.memory_space<vmem_shared>>)
      %add3A_619 = arith.constant 80 : i32
      %add3A_620 = arith.addi %add3A_496, %add3A_619 : i32
      %dma_start3A_621 = arith.constant 2 : i32
      %dma_start3A_622 = arith.constant 0 : i32
      %dma_start3A_623 = tpu.memref_slice %arg5[%add3A_498, %add3A_620, %dma_start3A_622] : memref<77x1600x768xf32, #tpu.memory_space<hbm>> -> memref<1x40x768xf32, #tpu.memory_space<hbm>>
      %dma_start3A_624 = tpu.memref_squeeze %dma_start3A_623 : memref<1x40x768xf32, #tpu.memory_space<hbm>> -> memref<40x768xf32, #tpu.memory_space<hbm>>
      %dma_start3A_625 = arith.constant 0 : i32
      %dma_start3A_626 = arith.constant 0 : i32
      %dma_start3A_627 = tpu.memref_slice %arg7[%arg1, %dma_start3A_621, %dma_start3A_625, %dma_start3A_626] : memref<16x3x40x768xf32, #tpu.memory_space<vmem_shared>> -> memref<1x1x40x768xf32, #tpu.memory_space<vmem_shared>>
      %dma_start3A_628 = tpu.memref_squeeze %dma_start3A_627 : memref<1x1x40x768xf32, #tpu.memory_space<vmem_shared>> -> memref<40x768xf32, #tpu.memory_space<vmem_shared>>
      tpu.enqueue_dma source(%dma_start3A_628 : memref<40x768xf32, #tpu.memory_space<vmem_shared>>) target(%dma_start3A_624 : memref<40x768xf32, #tpu.memory_space<hbm>>) target_semaphore(%arg16 : memref<!tpu.dma_semaphore, #tpu.memory_space<semaphore_mem>>)
      %add3A_629 = arith.constant 80 : i32
      %add3A_630 = arith.addi %add3A_496, %add3A_629 : i32
      %dma_wait3A_631 = arith.constant 2 : i32
      %dma_wait3A_632 = arith.constant 0 : i32
      %dma_wait3A_633 = tpu.memref_slice %arg5[%add3A_498, %add3A_630, %dma_wait3A_632] : memref<77x1600x768xf32, #tpu.memory_space<hbm>> -> memref<1x40x768xf32, #tpu.memory_space<hbm>>
      %dma_wait3A_634 = tpu.memref_squeeze %dma_wait3A_633 : memref<1x40x768xf32, #tpu.memory_space<hbm>> -> memref<40x768xf32, #tpu.memory_space<hbm>>
      %dma_wait3A_635 = arith.constant 0 : i32
      %dma_wait3A_636 = arith.constant 0 : i32
      %dma_wait3A_637 = tpu.memref_slice %arg7[%arg1, %dma_wait3A_631, %dma_wait3A_635, %dma_wait3A_636] : memref<16x3x40x768xf32, #tpu.memory_space<vmem_shared>> -> memref<1x1x40x768xf32, #tpu.memory_space<vmem_shared>>
      %dma_wait3A_638 = tpu.memref_squeeze %dma_wait3A_637 : memref<1x1x40x768xf32, #tpu.memory_space<vmem_shared>> -> memref<40x768xf32, #tpu.memory_space<vmem_shared>>
      tpu.wait_dma2 semaphore(%arg16 : memref<!tpu.dma_semaphore, #tpu.memory_space<semaphore_mem>>) src(%dma_wait3A_638 : memref<40x768xf32, #tpu.memory_space<vmem_shared>>) dst(%dma_wait3A_634 : memref<40x768xf32, #tpu.memory_space<hbm>>)
      %add3A_639 = arith.constant 200 : i32
      %add3A_640 = arith.addi %add3A_496, %add3A_639 : i32
      %dma_start3A_641 = arith.constant 2 : i32
      %dma_start3A_642 = arith.constant 0 : i32
      %dma_start3A_643 = arith.constant 0 : i32
      %dma_start3A_644 = tpu.memref_slice %arg7[%arg1, %dma_start3A_641, %dma_start3A_642, %dma_start3A_643] : memref<16x3x40x768xf32, #tpu.memory_space<vmem_shared>> -> memref<1x1x40x768xf32, #tpu.memory_space<vmem_shared>>
      %dma_start3A_645 = tpu.memref_squeeze %dma_start3A_644 : memref<1x1x40x768xf32, #tpu.memory_space<vmem_shared>> -> memref<40x768xf32, #tpu.memory_space<vmem_shared>>
      %dma_start3A_646 = arith.constant 0 : i32
      %dma_start3A_647 = tpu.memref_slice %arg2[%select_n3A_459, %add3A_640, %dma_start3A_646] : memref<77x1600x768xf32, #tpu.memory_space<hbm>> -> memref<1x40x768xf32, #tpu.memory_space<hbm>>
      %dma_start3A_648 = tpu.memref_squeeze %dma_start3A_647 : memref<1x40x768xf32, #tpu.memory_space<hbm>> -> memref<40x768xf32, #tpu.memory_space<hbm>>
      tpu.enqueue_dma source(%dma_start3A_648 : memref<40x768xf32, #tpu.memory_space<hbm>>) target(%dma_start3A_645 : memref<40x768xf32, #tpu.memory_space<vmem_shared>>) target_semaphore(%arg13 : memref<!tpu.dma_semaphore, #tpu.memory_space<semaphore_mem>>)
      %add3A_649 = arith.constant 120 : i32
      %add3A_650 = arith.addi %add3A_496, %add3A_649 : i32
      %dma_wait3A_651 = arith.constant 0 : i32
      %dma_wait3A_652 = arith.constant 0 : i32
      %dma_wait3A_653 = arith.constant 0 : i32
      %dma_wait3A_654 = tpu.memref_slice %arg7[%arg1, %dma_wait3A_651, %dma_wait3A_652, %dma_wait3A_653] : memref<16x3x40x768xf32, #tpu.memory_space<vmem_shared>> -> memref<1x1x40x768xf32, #tpu.memory_space<vmem_shared>>
      %dma_wait3A_655 = tpu.memref_squeeze %dma_wait3A_654 : memref<1x1x40x768xf32, #tpu.memory_space<vmem_shared>> -> memref<40x768xf32, #tpu.memory_space<vmem_shared>>
      %dma_wait3A_656 = arith.constant 0 : i32
      %dma_wait3A_657 = tpu.memref_slice %arg2[%select_n3A_459, %add3A_650, %dma_wait3A_656] : memref<77x1600x768xf32, #tpu.memory_space<hbm>> -> memref<1x40x768xf32, #tpu.memory_space<hbm>>
      %dma_wait3A_658 = tpu.memref_squeeze %dma_wait3A_657 : memref<1x40x768xf32, #tpu.memory_space<hbm>> -> memref<40x768xf32, #tpu.memory_space<hbm>>
      tpu.wait_dma2 semaphore(%arg11 : memref<!tpu.dma_semaphore, #tpu.memory_space<semaphore_mem>>) src(%dma_wait3A_658 : memref<40x768xf32, #tpu.memory_space<hbm>>) dst(%dma_wait3A_655 : memref<40x768xf32, #tpu.memory_space<vmem_shared>>)
      %add3A_659 = arith.constant 120 : i32
      %add3A_660 = arith.addi %add3A_496, %add3A_659 : i32
      %dma_start3A_661 = arith.constant 0 : i32
      %dma_start3A_662 = arith.constant 0 : i32
      %dma_start3A_663 = tpu.memref_slice %arg5[%add3A_498, %add3A_660, %dma_start3A_662] : memref<77x1600x768xf32, #tpu.memory_space<hbm>> -> memref<1x40x768xf32, #tpu.memory_space<hbm>>
      %dma_start3A_664 = tpu.memref_squeeze %dma_start3A_663 : memref<1x40x768xf32, #tpu.memory_space<hbm>> -> memref<40x768xf32, #tpu.memory_space<hbm>>
      %dma_start3A_665 = arith.constant 0 : i32
      %dma_start3A_666 = arith.constant 0 : i32
      %dma_start3A_667 = tpu.memref_slice %arg7[%arg1, %dma_start3A_661, %dma_start3A_665, %dma_start3A_666] : memref<16x3x40x768xf32, #tpu.memory_space<vmem_shared>> -> memref<1x1x40x768xf32, #tpu.memory_space<vmem_shared>>
      %dma_start3A_668 = tpu.memref_squeeze %dma_start3A_667 : memref<1x1x40x768xf32, #tpu.memory_space<vmem_shared>> -> memref<40x768xf32, #tpu.memory_space<vmem_shared>>
      tpu.enqueue_dma source(%dma_start3A_668 : memref<40x768xf32, #tpu.memory_space<vmem_shared>>) target(%dma_start3A_664 : memref<40x768xf32, #tpu.memory_space<hbm>>) target_semaphore(%arg14 : memref<!tpu.dma_semaphore, #tpu.memory_space<semaphore_mem>>)
      %add3A_669 = arith.constant 120 : i32
      %add3A_670 = arith.addi %add3A_496, %add3A_669 : i32
      %dma_wait3A_671 = arith.constant 0 : i32
      %dma_wait3A_672 = arith.constant 0 : i32
      %dma_wait3A_673 = tpu.memref_slice %arg5[%add3A_498, %add3A_670, %dma_wait3A_672] : memref<77x1600x768xf32, #tpu.memory_space<hbm>> -> memref<1x40x768xf32, #tpu.memory_space<hbm>>
      %dma_wait3A_674 = tpu.memref_squeeze %dma_wait3A_673 : memref<1x40x768xf32, #tpu.memory_space<hbm>> -> memref<40x768xf32, #tpu.memory_space<hbm>>
      %dma_wait3A_675 = arith.constant 0 : i32
      %dma_wait3A_676 = arith.constant 0 : i32
      %dma_wait3A_677 = tpu.memref_slice %arg7[%arg1, %dma_wait3A_671, %dma_wait3A_675, %dma_wait3A_676] : memref<16x3x40x768xf32, #tpu.memory_space<vmem_shared>> -> memref<1x1x40x768xf32, #tpu.memory_space<vmem_shared>>
      %dma_wait3A_678 = tpu.memref_squeeze %dma_wait3A_677 : memref<1x1x40x768xf32, #tpu.memory_space<vmem_shared>> -> memref<40x768xf32, #tpu.memory_space<vmem_shared>>
      tpu.wait_dma2 semaphore(%arg14 : memref<!tpu.dma_semaphore, #tpu.memory_space<semaphore_mem>>) src(%dma_wait3A_678 : memref<40x768xf32, #tpu.memory_space<vmem_shared>>) dst(%dma_wait3A_674 : memref<40x768xf32, #tpu.memory_space<hbm>>)
      %add3A_679 = arith.constant 240 : i32
      %add3A_680 = arith.addi %add3A_496, %add3A_679 : i32
      %dma_start3A_681 = arith.constant 0 : i32
      %dma_start3A_682 = arith.constant 0 : i32
      %dma_start3A_683 = arith.constant 0 : i32
      %dma_start3A_684 = tpu.memref_slice %arg7[%arg1, %dma_start3A_681, %dma_start3A_682, %dma_start3A_683] : memref<16x3x40x768xf32, #tpu.memory_space<vmem_shared>> -> memref<1x1x40x768xf32, #tpu.memory_space<vmem_shared>>
      %dma_start3A_685 = tpu.memref_squeeze %dma_start3A_684 : memref<1x1x40x768xf32, #tpu.memory_space<vmem_shared>> -> memref<40x768xf32, #tpu.memory_space<vmem_shared>>
      %dma_start3A_686 = arith.constant 0 : i32
      %dma_start3A_687 = tpu.memref_slice %arg2[%select_n3A_459, %add3A_680, %dma_start3A_686] : memref<77x1600x768xf32, #tpu.memory_space<hbm>> -> memref<1x40x768xf32, #tpu.memory_space<hbm>>
      %dma_start3A_688 = tpu.memref_squeeze %dma_start3A_687 : memref<1x40x768xf32, #tpu.memory_space<hbm>> -> memref<40x768xf32, #tpu.memory_space<hbm>>
      tpu.enqueue_dma source(%dma_start3A_688 : memref<40x768xf32, #tpu.memory_space<hbm>>) target(%dma_start3A_685 : memref<40x768xf32, #tpu.memory_space<vmem_shared>>) target_semaphore(%arg11 : memref<!tpu.dma_semaphore, #tpu.memory_space<semaphore_mem>>)
      %add3A_689 = arith.constant 160 : i32
      %add3A_690 = arith.addi %add3A_496, %add3A_689 : i32
      %dma_wait3A_691 = arith.constant 1 : i32
      %dma_wait3A_692 = arith.constant 0 : i32
      %dma_wait3A_693 = arith.constant 0 : i32
      %dma_wait3A_694 = tpu.memref_slice %arg7[%arg1, %dma_wait3A_691, %dma_wait3A_692, %dma_wait3A_693] : memref<16x3x40x768xf32, #tpu.memory_space<vmem_shared>> -> memref<1x1x40x768xf32, #tpu.memory_space<vmem_shared>>
      %dma_wait3A_695 = tpu.memref_squeeze %dma_wait3A_694 : memref<1x1x40x768xf32, #tpu.memory_space<vmem_shared>> -> memref<40x768xf32, #tpu.memory_space<vmem_shared>>
      %dma_wait3A_696 = arith.constant 0 : i32
      %dma_wait3A_697 = tpu.memref_slice %arg2[%select_n3A_459, %add3A_690, %dma_wait3A_696] : memref<77x1600x768xf32, #tpu.memory_space<hbm>> -> memref<1x40x768xf32, #tpu.memory_space<hbm>>
      %dma_wait3A_698 = tpu.memref_squeeze %dma_wait3A_697 : memref<1x40x768xf32, #tpu.memory_space<hbm>> -> memref<40x768xf32, #tpu.memory_space<hbm>>
      tpu.wait_dma2 semaphore(%arg12 : memref<!tpu.dma_semaphore, #tpu.memory_space<semaphore_mem>>) src(%dma_wait3A_698 : memref<40x768xf32, #tpu.memory_space<hbm>>) dst(%dma_wait3A_695 : memref<40x768xf32, #tpu.memory_space<vmem_shared>>)
      %add3A_699 = arith.constant 160 : i32
      %add3A_700 = arith.addi %add3A_496, %add3A_699 : i32
      %dma_start3A_701 = arith.constant 1 : i32
      %dma_start3A_702 = arith.constant 0 : i32
      %dma_start3A_703 = tpu.memref_slice %arg5[%add3A_498, %add3A_700, %dma_start3A_702] : memref<77x1600x768xf32, #tpu.memory_space<hbm>> -> memref<1x40x768xf32, #tpu.memory_space<hbm>>
      %dma_start3A_704 = tpu.memref_squeeze %dma_start3A_703 : memref<1x40x768xf32, #tpu.memory_space<hbm>> -> memref<40x768xf32, #tpu.memory_space<hbm>>
      %dma_start3A_705 = arith.constant 0 : i32
      %dma_start3A_706 = arith.constant 0 : i32
      %dma_start3A_707 = tpu.memref_slice %arg7[%arg1, %dma_start3A_701, %dma_start3A_705, %dma_start3A_706] : memref<16x3x40x768xf32, #tpu.memory_space<vmem_shared>> -> memref<1x1x40x768xf32, #tpu.memory_space<vmem_shared>>
      %dma_start3A_708 = tpu.memref_squeeze %dma_start3A_707 : memref<1x1x40x768xf32, #tpu.memory_space<vmem_shared>> -> memref<40x768xf32, #tpu.memory_space<vmem_shared>>
      tpu.enqueue_dma source(%dma_start3A_708 : memref<40x768xf32, #tpu.memory_space<vmem_shared>>) target(%dma_start3A_704 : memref<40x768xf32, #tpu.memory_space<hbm>>) target_semaphore(%arg15 : memref<!tpu.dma_semaphore, #tpu.memory_space<semaphore_mem>>)
      %add3A_709 = arith.constant 160 : i32
      %add3A_710 = arith.addi %add3A_496, %add3A_709 : i32
      %dma_wait3A_711 = arith.constant 1 : i32
      %dma_wait3A_712 = arith.constant 0 : i32
      %dma_wait3A_713 = tpu.memref_slice %arg5[%add3A_498, %add3A_710, %dma_wait3A_712] : memref<77x1600x768xf32, #tpu.memory_space<hbm>> -> memref<1x40x768xf32, #tpu.memory_space<hbm>>
      %dma_wait3A_714 = tpu.memref_squeeze %dma_wait3A_713 : memref<1x40x768xf32, #tpu.memory_space<hbm>> -> memref<40x768xf32, #tpu.memory_space<hbm>>
      %dma_wait3A_715 = arith.constant 0 : i32
      %dma_wait3A_716 = arith.constant 0 : i32
      %dma_wait3A_717 = tpu.memref_slice %arg7[%arg1, %dma_wait3A_711, %dma_wait3A_715, %dma_wait3A_716] : memref<16x3x40x768xf32, #tpu.memory_space<vmem_shared>> -> memref<1x1x40x768xf32, #tpu.memory_space<vmem_shared>>
      %dma_wait3A_718 = tpu.memref_squeeze %dma_wait3A_717 : memref<1x1x40x768xf32, #tpu.memory_space<vmem_shared>> -> memref<40x768xf32, #tpu.memory_space<vmem_shared>>
      tpu.wait_dma2 semaphore(%arg15 : memref<!tpu.dma_semaphore, #tpu.memory_space<semaphore_mem>>) src(%dma_wait3A_718 : memref<40x768xf32, #tpu.memory_space<vmem_shared>>) dst(%dma_wait3A_714 : memref<40x768xf32, #tpu.memory_space<hbm>>)
      %add3A_719 = arith.constant 280 : i32
      %add3A_720 = arith.addi %add3A_496, %add3A_719 : i32
      %dma_start3A_721 = arith.constant 1 : i32
      %dma_start3A_722 = arith.constant 0 : i32
      %dma_start3A_723 = arith.constant 0 : i32
      %dma_start3A_724 = tpu.memref_slice %arg7[%arg1, %dma_start3A_721, %dma_start3A_722, %dma_start3A_723] : memref<16x3x40x768xf32, #tpu.memory_space<vmem_shared>> -> memref<1x1x40x768xf32, #tpu.memory_space<vmem_shared>>
      %dma_start3A_725 = tpu.memref_squeeze %dma_start3A_724 : memref<1x1x40x768xf32, #tpu.memory_space<vmem_shared>> -> memref<40x768xf32, #tpu.memory_space<vmem_shared>>
      %dma_start3A_726 = arith.constant 0 : i32
      %dma_start3A_727 = tpu.memref_slice %arg2[%select_n3A_459, %add3A_720, %dma_start3A_726] : memref<77x1600x768xf32, #tpu.memory_space<hbm>> -> memref<1x40x768xf32, #tpu.memory_space<hbm>>
      %dma_start3A_728 = tpu.memref_squeeze %dma_start3A_727 : memref<1x40x768xf32, #tpu.memory_space<hbm>> -> memref<40x768xf32, #tpu.memory_space<hbm>>
      tpu.enqueue_dma source(%dma_start3A_728 : memref<40x768xf32, #tpu.memory_space<hbm>>) target(%dma_start3A_725 : memref<40x768xf32, #tpu.memory_space<vmem_shared>>) target_semaphore(%arg12 : memref<!tpu.dma_semaphore, #tpu.memory_space<semaphore_mem>>)
      %add3A_729 = arith.constant 200 : i32
      %add3A_730 = arith.addi %add3A_496, %add3A_729 : i32
      %dma_wait3A_731 = arith.constant 2 : i32
      %dma_wait3A_732 = arith.constant 0 : i32
      %dma_wait3A_733 = arith.constant 0 : i32
      %dma_wait3A_734 = tpu.memref_slice %arg7[%arg1, %dma_wait3A_731, %dma_wait3A_732, %dma_wait3A_733] : memref<16x3x40x768xf32, #tpu.memory_space<vmem_shared>> -> memref<1x1x40x768xf32, #tpu.memory_space<vmem_shared>>
      %dma_wait3A_735 = tpu.memref_squeeze %dma_wait3A_734 : memref<1x1x40x768xf32, #tpu.memory_space<vmem_shared>> -> memref<40x768xf32, #tpu.memory_space<vmem_shared>>
      %dma_wait3A_736 = arith.constant 0 : i32
      %dma_wait3A_737 = tpu.memref_slice %arg2[%select_n3A_459, %add3A_730, %dma_wait3A_736] : memref<77x1600x768xf32, #tpu.memory_space<hbm>> -> memref<1x40x768xf32, #tpu.memory_space<hbm>>
      %dma_wait3A_738 = tpu.memref_squeeze %dma_wait3A_737 : memref<1x40x768xf32, #tpu.memory_space<hbm>> -> memref<40x768xf32, #tpu.memory_space<hbm>>
      tpu.wait_dma2 semaphore(%arg13 : memref<!tpu.dma_semaphore, #tpu.memory_space<semaphore_mem>>) src(%dma_wait3A_738 : memref<40x768xf32, #tpu.memory_space<hbm>>) dst(%dma_wait3A_735 : memref<40x768xf32, #tpu.memory_space<vmem_shared>>)
      %add3A_739 = arith.constant 200 : i32
      %add3A_740 = arith.addi %add3A_496, %add3A_739 : i32
      %dma_start3A_741 = arith.constant 2 : i32
      %dma_start3A_742 = arith.constant 0 : i32
      %dma_start3A_743 = tpu.memref_slice %arg5[%add3A_498, %add3A_740, %dma_start3A_742] : memref<77x1600x768xf32, #tpu.memory_space<hbm>> -> memref<1x40x768xf32, #tpu.memory_space<hbm>>
      %dma_start3A_744 = tpu.memref_squeeze %dma_start3A_743 : memref<1x40x768xf32, #tpu.memory_space<hbm>> -> memref<40x768xf32, #tpu.memory_space<hbm>>
      %dma_start3A_745 = arith.constant 0 : i32
      %dma_start3A_746 = arith.constant 0 : i32
      %dma_start3A_747 = tpu.memref_slice %arg7[%arg1, %dma_start3A_741, %dma_start3A_745, %dma_start3A_746] : memref<16x3x40x768xf32, #tpu.memory_space<vmem_shared>> -> memref<1x1x40x768xf32, #tpu.memory_space<vmem_shared>>
      %dma_start3A_748 = tpu.memref_squeeze %dma_start3A_747 : memref<1x1x40x768xf32, #tpu.memory_space<vmem_shared>> -> memref<40x768xf32, #tpu.memory_space<vmem_shared>>
      tpu.enqueue_dma source(%dma_start3A_748 : memref<40x768xf32, #tpu.memory_space<vmem_shared>>) target(%dma_start3A_744 : memref<40x768xf32, #tpu.memory_space<hbm>>) target_semaphore(%arg16 : memref<!tpu.dma_semaphore, #tpu.memory_space<semaphore_mem>>)
      %add3A_749 = arith.constant 200 : i32
      %add3A_750 = arith.addi %add3A_496, %add3A_749 : i32
      %dma_wait3A_751 = arith.constant 2 : i32
      %dma_wait3A_752 = arith.constant 0 : i32
      %dma_wait3A_753 = tpu.memref_slice %arg5[%add3A_498, %add3A_750, %dma_wait3A_752] : memref<77x1600x768xf32, #tpu.memory_space<hbm>> -> memref<1x40x768xf32, #tpu.memory_space<hbm>>
      %dma_wait3A_754 = tpu.memref_squeeze %dma_wait3A_753 : memref<1x40x768xf32, #tpu.memory_space<hbm>> -> memref<40x768xf32, #tpu.memory_space<hbm>>
      %dma_wait3A_755 = arith.constant 0 : i32
      %dma_wait3A_756 = arith.constant 0 : i32
      %dma_wait3A_757 = tpu.memref_slice %arg7[%arg1, %dma_wait3A_751, %dma_wait3A_755, %dma_wait3A_756] : memref<16x3x40x768xf32, #tpu.memory_space<vmem_shared>> -> memref<1x1x40x768xf32, #tpu.memory_space<vmem_shared>>
      %dma_wait3A_758 = tpu.memref_squeeze %dma_wait3A_757 : memref<1x1x40x768xf32, #tpu.memory_space<vmem_shared>> -> memref<40x768xf32, #tpu.memory_space<vmem_shared>>
      tpu.wait_dma2 semaphore(%arg16 : memref<!tpu.dma_semaphore, #tpu.memory_space<semaphore_mem>>) src(%dma_wait3A_758 : memref<40x768xf32, #tpu.memory_space<vmem_shared>>) dst(%dma_wait3A_754 : memref<40x768xf32, #tpu.memory_space<hbm>>)
      %add3A_759 = arith.constant 320 : i32
      %add3A_760 = arith.addi %add3A_496, %add3A_759 : i32
      %dma_start3A_761 = arith.constant 2 : i32
      %dma_start3A_762 = arith.constant 0 : i32
      %dma_start3A_763 = arith.constant 0 : i32
      %dma_start3A_764 = tpu.memref_slice %arg7[%arg1, %dma_start3A_761, %dma_start3A_762, %dma_start3A_763] : memref<16x3x40x768xf32, #tpu.memory_space<vmem_shared>> -> memref<1x1x40x768xf32, #tpu.memory_space<vmem_shared>>
      %dma_start3A_765 = tpu.memref_squeeze %dma_start3A_764 : memref<1x1x40x768xf32, #tpu.memory_space<vmem_shared>> -> memref<40x768xf32, #tpu.memory_space<vmem_shared>>
      %dma_start3A_766 = arith.constant 0 : i32
      %dma_start3A_767 = tpu.memref_slice %arg2[%select_n3A_459, %add3A_760, %dma_start3A_766] : memref<77x1600x768xf32, #tpu.memory_space<hbm>> -> memref<1x40x768xf32, #tpu.memory_space<hbm>>
      %dma_start3A_768 = tpu.memref_squeeze %dma_start3A_767 : memref<1x40x768xf32, #tpu.memory_space<hbm>> -> memref<40x768xf32, #tpu.memory_space<hbm>>
      tpu.enqueue_dma source(%dma_start3A_768 : memref<40x768xf32, #tpu.memory_space<hbm>>) target(%dma_start3A_765 : memref<40x768xf32, #tpu.memory_space<vmem_shared>>) target_semaphore(%arg13 : memref<!tpu.dma_semaphore, #tpu.memory_space<semaphore_mem>>)
      %add3A_769 = arith.constant 240 : i32
      %add3A_770 = arith.addi %add3A_496, %add3A_769 : i32
      %dma_wait3A_771 = arith.constant 0 : i32
      %dma_wait3A_772 = arith.constant 0 : i32
      %dma_wait3A_773 = arith.constant 0 : i32
      %dma_wait3A_774 = tpu.memref_slice %arg7[%arg1, %dma_wait3A_771, %dma_wait3A_772, %dma_wait3A_773] : memref<16x3x40x768xf32, #tpu.memory_space<vmem_shared>> -> memref<1x1x40x768xf32, #tpu.memory_space<vmem_shared>>
      %dma_wait3A_775 = tpu.memref_squeeze %dma_wait3A_774 : memref<1x1x40x768xf32, #tpu.memory_space<vmem_shared>> -> memref<40x768xf32, #tpu.memory_space<vmem_shared>>
      %dma_wait3A_776 = arith.constant 0 : i32
      %dma_wait3A_777 = tpu.memref_slice %arg2[%select_n3A_459, %add3A_770, %dma_wait3A_776] : memref<77x1600x768xf32, #tpu.memory_space<hbm>> -> memref<1x40x768xf32, #tpu.memory_space<hbm>>
      %dma_wait3A_778 = tpu.memref_squeeze %dma_wait3A_777 : memref<1x40x768xf32, #tpu.memory_space<hbm>> -> memref<40x768xf32, #tpu.memory_space<hbm>>
      tpu.wait_dma2 semaphore(%arg11 : memref<!tpu.dma_semaphore, #tpu.memory_space<semaphore_mem>>) src(%dma_wait3A_778 : memref<40x768xf32, #tpu.memory_space<hbm>>) dst(%dma_wait3A_775 : memref<40x768xf32, #tpu.memory_space<vmem_shared>>)
      %add3A_779 = arith.constant 240 : i32
      %add3A_780 = arith.addi %add3A_496, %add3A_779 : i32
      %dma_start3A_781 = arith.constant 0 : i32
      %dma_start3A_782 = arith.constant 0 : i32
      %dma_start3A_783 = tpu.memref_slice %arg5[%add3A_498, %add3A_780, %dma_start3A_782] : memref<77x1600x768xf32, #tpu.memory_space<hbm>> -> memref<1x40x768xf32, #tpu.memory_space<hbm>>
      %dma_start3A_784 = tpu.memref_squeeze %dma_start3A_783 : memref<1x40x768xf32, #tpu.memory_space<hbm>> -> memref<40x768xf32, #tpu.memory_space<hbm>>
      %dma_start3A_785 = arith.constant 0 : i32
      %dma_start3A_786 = arith.constant 0 : i32
      %dma_start3A_787 = tpu.memref_slice %arg7[%arg1, %dma_start3A_781, %dma_start3A_785, %dma_start3A_786] : memref<16x3x40x768xf32, #tpu.memory_space<vmem_shared>> -> memref<1x1x40x768xf32, #tpu.memory_space<vmem_shared>>
      %dma_start3A_788 = tpu.memref_squeeze %dma_start3A_787 : memref<1x1x40x768xf32, #tpu.memory_space<vmem_shared>> -> memref<40x768xf32, #tpu.memory_space<vmem_shared>>
      tpu.enqueue_dma source(%dma_start3A_788 : memref<40x768xf32, #tpu.memory_space<vmem_shared>>) target(%dma_start3A_784 : memref<40x768xf32, #tpu.memory_space<hbm>>) target_semaphore(%arg14 : memref<!tpu.dma_semaphore, #tpu.memory_space<semaphore_mem>>)
      %add3A_789 = arith.constant 240 : i32
      %add3A_790 = arith.addi %add3A_496, %add3A_789 : i32
      %dma_wait3A_791 = arith.constant 0 : i32
      %dma_wait3A_792 = arith.constant 0 : i32
      %dma_wait3A_793 = tpu.memref_slice %arg5[%add3A_498, %add3A_790, %dma_wait3A_792] : memref<77x1600x768xf32, #tpu.memory_space<hbm>> -> memref<1x40x768xf32, #tpu.memory_space<hbm>>
      %dma_wait3A_794 = tpu.memref_squeeze %dma_wait3A_793 : memref<1x40x768xf32, #tpu.memory_space<hbm>> -> memref<40x768xf32, #tpu.memory_space<hbm>>
      %dma_wait3A_795 = arith.constant 0 : i32
      %dma_wait3A_796 = arith.constant 0 : i32
      %dma_wait3A_797 = tpu.memref_slice %arg7[%arg1, %dma_wait3A_791, %dma_wait3A_795, %dma_wait3A_796] : memref<16x3x40x768xf32, #tpu.memory_space<vmem_shared>> -> memref<1x1x40x768xf32, #tpu.memory_space<vmem_shared>>
      %dma_wait3A_798 = tpu.memref_squeeze %dma_wait3A_797 : memref<1x1x40x768xf32, #tpu.memory_space<vmem_shared>> -> memref<40x768xf32, #tpu.memory_space<vmem_shared>>
      tpu.wait_dma2 semaphore(%arg14 : memref<!tpu.dma_semaphore, #tpu.memory_space<semaphore_mem>>) src(%dma_wait3A_798 : memref<40x768xf32, #tpu.memory_space<vmem_shared>>) dst(%dma_wait3A_794 : memref<40x768xf32, #tpu.memory_space<hbm>>)
      %add3A_799 = arith.constant 360 : i32
      %add3A_800 = arith.addi %add3A_496, %add3A_799 : i32
      %dma_start3A_801 = arith.constant 0 : i32
      %dma_start3A_802 = arith.constant 0 : i32
      %dma_start3A_803 = arith.constant 0 : i32
      %dma_start3A_804 = tpu.memref_slice %arg7[%arg1, %dma_start3A_801, %dma_start3A_802, %dma_start3A_803] : memref<16x3x40x768xf32, #tpu.memory_space<vmem_shared>> -> memref<1x1x40x768xf32, #tpu.memory_space<vmem_shared>>
      %dma_start3A_805 = tpu.memref_squeeze %dma_start3A_804 : memref<1x1x40x768xf32, #tpu.memory_space<vmem_shared>> -> memref<40x768xf32, #tpu.memory_space<vmem_shared>>
      %dma_start3A_806 = arith.constant 0 : i32
      %dma_start3A_807 = tpu.memref_slice %arg2[%select_n3A_459, %add3A_800, %dma_start3A_806] : memref<77x1600x768xf32, #tpu.memory_space<hbm>> -> memref<1x40x768xf32, #tpu.memory_space<hbm>>
      %dma_start3A_808 = tpu.memref_squeeze %dma_start3A_807 : memref<1x40x768xf32, #tpu.memory_space<hbm>> -> memref<40x768xf32, #tpu.memory_space<hbm>>
      tpu.enqueue_dma source(%dma_start3A_808 : memref<40x768xf32, #tpu.memory_space<hbm>>) target(%dma_start3A_805 : memref<40x768xf32, #tpu.memory_space<vmem_shared>>) target_semaphore(%arg11 : memref<!tpu.dma_semaphore, #tpu.memory_space<semaphore_mem>>)
      %add3A_809 = arith.constant 280 : i32
      %add3A_810 = arith.addi %add3A_496, %add3A_809 : i32
      %dma_wait3A_811 = arith.constant 1 : i32
      %dma_wait3A_812 = arith.constant 0 : i32
      %dma_wait3A_813 = arith.constant 0 : i32
      %dma_wait3A_814 = tpu.memref_slice %arg7[%arg1, %dma_wait3A_811, %dma_wait3A_812, %dma_wait3A_813] : memref<16x3x40x768xf32, #tpu.memory_space<vmem_shared>> -> memref<1x1x40x768xf32, #tpu.memory_space<vmem_shared>>
      %dma_wait3A_815 = tpu.memref_squeeze %dma_wait3A_814 : memref<1x1x40x768xf32, #tpu.memory_space<vmem_shared>> -> memref<40x768xf32, #tpu.memory_space<vmem_shared>>
      %dma_wait3A_816 = arith.constant 0 : i32
      %dma_wait3A_817 = tpu.memref_slice %arg2[%select_n3A_459, %add3A_810, %dma_wait3A_816] : memref<77x1600x768xf32, #tpu.memory_space<hbm>> -> memref<1x40x768xf32, #tpu.memory_space<hbm>>
      %dma_wait3A_818 = tpu.memref_squeeze %dma_wait3A_817 : memref<1x40x768xf32, #tpu.memory_space<hbm>> -> memref<40x768xf32, #tpu.memory_space<hbm>>
      tpu.wait_dma2 semaphore(%arg12 : memref<!tpu.dma_semaphore, #tpu.memory_space<semaphore_mem>>) src(%dma_wait3A_818 : memref<40x768xf32, #tpu.memory_space<hbm>>) dst(%dma_wait3A_815 : memref<40x768xf32, #tpu.memory_space<vmem_shared>>)
      %add3A_819 = arith.constant 280 : i32
      %add3A_820 = arith.addi %add3A_496, %add3A_819 : i32
      %dma_start3A_821 = arith.constant 1 : i32
      %dma_start3A_822 = arith.constant 0 : i32
      %dma_start3A_823 = tpu.memref_slice %arg5[%add3A_498, %add3A_820, %dma_start3A_822] : memref<77x1600x768xf32, #tpu.memory_space<hbm>> -> memref<1x40x768xf32, #tpu.memory_space<hbm>>
      %dma_start3A_824 = tpu.memref_squeeze %dma_start3A_823 : memref<1x40x768xf32, #tpu.memory_space<hbm>> -> memref<40x768xf32, #tpu.memory_space<hbm>>
      %dma_start3A_825 = arith.constant 0 : i32
      %dma_start3A_826 = arith.constant 0 : i32
      %dma_start3A_827 = tpu.memref_slice %arg7[%arg1, %dma_start3A_821, %dma_start3A_825, %dma_start3A_826] : memref<16x3x40x768xf32, #tpu.memory_space<vmem_shared>> -> memref<1x1x40x768xf32, #tpu.memory_space<vmem_shared>>
      %dma_start3A_828 = tpu.memref_squeeze %dma_start3A_827 : memref<1x1x40x768xf32, #tpu.memory_space<vmem_shared>> -> memref<40x768xf32, #tpu.memory_space<vmem_shared>>
      tpu.enqueue_dma source(%dma_start3A_828 : memref<40x768xf32, #tpu.memory_space<vmem_shared>>) target(%dma_start3A_824 : memref<40x768xf32, #tpu.memory_space<hbm>>) target_semaphore(%arg15 : memref<!tpu.dma_semaphore, #tpu.memory_space<semaphore_mem>>)
      %add3A_829 = arith.constant 320 : i32
      %add3A_830 = arith.addi %add3A_496, %add3A_829 : i32
      %dma_wait3A_831 = arith.constant 2 : i32
      %dma_wait3A_832 = arith.constant 0 : i32
      %dma_wait3A_833 = arith.constant 0 : i32
      %dma_wait3A_834 = tpu.memref_slice %arg7[%arg1, %dma_wait3A_831, %dma_wait3A_832, %dma_wait3A_833] : memref<16x3x40x768xf32, #tpu.memory_space<vmem_shared>> -> memref<1x1x40x768xf32, #tpu.memory_space<vmem_shared>>
      %dma_wait3A_835 = tpu.memref_squeeze %dma_wait3A_834 : memref<1x1x40x768xf32, #tpu.memory_space<vmem_shared>> -> memref<40x768xf32, #tpu.memory_space<vmem_shared>>
      %dma_wait3A_836 = arith.constant 0 : i32
      %dma_wait3A_837 = tpu.memref_slice %arg2[%select_n3A_459, %add3A_830, %dma_wait3A_836] : memref<77x1600x768xf32, #tpu.memory_space<hbm>> -> memref<1x40x768xf32, #tpu.memory_space<hbm>>
      %dma_wait3A_838 = tpu.memref_squeeze %dma_wait3A_837 : memref<1x40x768xf32, #tpu.memory_space<hbm>> -> memref<40x768xf32, #tpu.memory_space<hbm>>
      tpu.wait_dma2 semaphore(%arg13 : memref<!tpu.dma_semaphore, #tpu.memory_space<semaphore_mem>>) src(%dma_wait3A_838 : memref<40x768xf32, #tpu.memory_space<hbm>>) dst(%dma_wait3A_835 : memref<40x768xf32, #tpu.memory_space<vmem_shared>>)
      %add3A_839 = arith.constant 320 : i32
      %add3A_840 = arith.addi %add3A_496, %add3A_839 : i32
      %dma_start3A_841 = arith.constant 2 : i32
      %dma_start3A_842 = arith.constant 0 : i32
      %dma_start3A_843 = tpu.memref_slice %arg5[%add3A_498, %add3A_840, %dma_start3A_842] : memref<77x1600x768xf32, #tpu.memory_space<hbm>> -> memref<1x40x768xf32, #tpu.memory_space<hbm>>
      %dma_start3A_844 = tpu.memref_squeeze %dma_start3A_843 : memref<1x40x768xf32, #tpu.memory_space<hbm>> -> memref<40x768xf32, #tpu.memory_space<hbm>>
      %dma_start3A_845 = arith.constant 0 : i32
      %dma_start3A_846 = arith.constant 0 : i32
      %dma_start3A_847 = tpu.memref_slice %arg7[%arg1, %dma_start3A_841, %dma_start3A_845, %dma_start3A_846] : memref<16x3x40x768xf32, #tpu.memory_space<vmem_shared>> -> memref<1x1x40x768xf32, #tpu.memory_space<vmem_shared>>
      %dma_start3A_848 = tpu.memref_squeeze %dma_start3A_847 : memref<1x1x40x768xf32, #tpu.memory_space<vmem_shared>> -> memref<40x768xf32, #tpu.memory_space<vmem_shared>>
      tpu.enqueue_dma source(%dma_start3A_848 : memref<40x768xf32, #tpu.memory_space<vmem_shared>>) target(%dma_start3A_844 : memref<40x768xf32, #tpu.memory_space<hbm>>) target_semaphore(%arg16 : memref<!tpu.dma_semaphore, #tpu.memory_space<semaphore_mem>>)
      %add3A_849 = arith.constant 360 : i32
      %add3A_850 = arith.addi %add3A_496, %add3A_849 : i32
      %dma_wait3A_851 = arith.constant 0 : i32
      %dma_wait3A_852 = arith.constant 0 : i32
      %dma_wait3A_853 = arith.constant 0 : i32
      %dma_wait3A_854 = tpu.memref_slice %arg7[%arg1, %dma_wait3A_851, %dma_wait3A_852, %dma_wait3A_853] : memref<16x3x40x768xf32, #tpu.memory_space<vmem_shared>> -> memref<1x1x40x768xf32, #tpu.memory_space<vmem_shared>>
      %dma_wait3A_855 = tpu.memref_squeeze %dma_wait3A_854 : memref<1x1x40x768xf32, #tpu.memory_space<vmem_shared>> -> memref<40x768xf32, #tpu.memory_space<vmem_shared>>
      %dma_wait3A_856 = arith.constant 0 : i32
      %dma_wait3A_857 = tpu.memref_slice %arg2[%select_n3A_459, %add3A_850, %dma_wait3A_856] : memref<77x1600x768xf32, #tpu.memory_space<hbm>> -> memref<1x40x768xf32, #tpu.memory_space<hbm>>
      %dma_wait3A_858 = tpu.memref_squeeze %dma_wait3A_857 : memref<1x40x768xf32, #tpu.memory_space<hbm>> -> memref<40x768xf32, #tpu.memory_space<hbm>>
      tpu.wait_dma2 semaphore(%arg11 : memref<!tpu.dma_semaphore, #tpu.memory_space<semaphore_mem>>) src(%dma_wait3A_858 : memref<40x768xf32, #tpu.memory_space<hbm>>) dst(%dma_wait3A_855 : memref<40x768xf32, #tpu.memory_space<vmem_shared>>)
      %add3A_859 = arith.constant 360 : i32
      %add3A_860 = arith.addi %add3A_496, %add3A_859 : i32
      %dma_start3A_861 = arith.constant 0 : i32
      %dma_start3A_862 = arith.constant 0 : i32
      %dma_start3A_863 = tpu.memref_slice %arg5[%add3A_498, %add3A_860, %dma_start3A_862] : memref<77x1600x768xf32, #tpu.memory_space<hbm>> -> memref<1x40x768xf32, #tpu.memory_space<hbm>>
      %dma_start3A_864 = tpu.memref_squeeze %dma_start3A_863 : memref<1x40x768xf32, #tpu.memory_space<hbm>> -> memref<40x768xf32, #tpu.memory_space<hbm>>
      %dma_start3A_865 = arith.constant 0 : i32
      %dma_start3A_866 = arith.constant 0 : i32
      %dma_start3A_867 = tpu.memref_slice %arg7[%arg1, %dma_start3A_861, %dma_start3A_865, %dma_start3A_866] : memref<16x3x40x768xf32, #tpu.memory_space<vmem_shared>> -> memref<1x1x40x768xf32, #tpu.memory_space<vmem_shared>>
      %dma_start3A_868 = tpu.memref_squeeze %dma_start3A_867 : memref<1x1x40x768xf32, #tpu.memory_space<vmem_shared>> -> memref<40x768xf32, #tpu.memory_space<vmem_shared>>
      tpu.enqueue_dma source(%dma_start3A_868 : memref<40x768xf32, #tpu.memory_space<vmem_shared>>) target(%dma_start3A_864 : memref<40x768xf32, #tpu.memory_space<hbm>>) target_semaphore(%arg14 : memref<!tpu.dma_semaphore, #tpu.memory_space<semaphore_mem>>)
      %add3A_869 = arith.constant 280 : i32
      %add3A_870 = arith.addi %add3A_496, %add3A_869 : i32
      %dma_wait3A_871 = arith.constant 1 : i32
      %dma_wait3A_872 = arith.constant 0 : i32
      %dma_wait3A_873 = tpu.memref_slice %arg5[%add3A_498, %add3A_870, %dma_wait3A_872] : memref<77x1600x768xf32, #tpu.memory_space<hbm>> -> memref<1x40x768xf32, #tpu.memory_space<hbm>>
      %dma_wait3A_874 = tpu.memref_squeeze %dma_wait3A_873 : memref<1x40x768xf32, #tpu.memory_space<hbm>> -> memref<40x768xf32, #tpu.memory_space<hbm>>
      %dma_wait3A_875 = arith.constant 0 : i32
      %dma_wait3A_876 = arith.constant 0 : i32
      %dma_wait3A_877 = tpu.memref_slice %arg7[%arg1, %dma_wait3A_871, %dma_wait3A_875, %dma_wait3A_876] : memref<16x3x40x768xf32, #tpu.memory_space<vmem_shared>> -> memref<1x1x40x768xf32, #tpu.memory_space<vmem_shared>>
      %dma_wait3A_878 = tpu.memref_squeeze %dma_wait3A_877 : memref<1x1x40x768xf32, #tpu.memory_space<vmem_shared>> -> memref<40x768xf32, #tpu.memory_space<vmem_shared>>
      tpu.wait_dma2 semaphore(%arg15 : memref<!tpu.dma_semaphore, #tpu.memory_space<semaphore_mem>>) src(%dma_wait3A_878 : memref<40x768xf32, #tpu.memory_space<vmem_shared>>) dst(%dma_wait3A_874 : memref<40x768xf32, #tpu.memory_space<hbm>>)
      %add3A_879 = arith.constant 320 : i32
      %add3A_880 = arith.addi %add3A_496, %add3A_879 : i32
      %dma_wait3A_881 = arith.constant 2 : i32
      %dma_wait3A_882 = arith.constant 0 : i32
      %dma_wait3A_883 = tpu.memref_slice %arg5[%add3A_498, %add3A_880, %dma_wait3A_882] : memref<77x1600x768xf32, #tpu.memory_space<hbm>> -> memref<1x40x768xf32, #tpu.memory_space<hbm>>
      %dma_wait3A_884 = tpu.memref_squeeze %dma_wait3A_883 : memref<1x40x768xf32, #tpu.memory_space<hbm>> -> memref<40x768xf32, #tpu.memory_space<hbm>>
      %dma_wait3A_885 = arith.constant 0 : i32
      %dma_wait3A_886 = arith.constant 0 : i32
      %dma_wait3A_887 = tpu.memref_slice %arg7[%arg1, %dma_wait3A_881, %dma_wait3A_885, %dma_wait3A_886] : memref<16x3x40x768xf32, #tpu.memory_space<vmem_shared>> -> memref<1x1x40x768xf32, #tpu.memory_space<vmem_shared>>
      %dma_wait3A_888 = tpu.memref_squeeze %dma_wait3A_887 : memref<1x1x40x768xf32, #tpu.memory_space<vmem_shared>> -> memref<40x768xf32, #tpu.memory_space<vmem_shared>>
      tpu.wait_dma2 semaphore(%arg16 : memref<!tpu.dma_semaphore, #tpu.memory_space<semaphore_mem>>) src(%dma_wait3A_888 : memref<40x768xf32, #tpu.memory_space<vmem_shared>>) dst(%dma_wait3A_884 : memref<40x768xf32, #tpu.memory_space<hbm>>)
      %add3A_889 = arith.constant 360 : i32
      %add3A_890 = arith.addi %add3A_496, %add3A_889 : i32
      %dma_wait3A_891 = arith.constant 0 : i32
      %dma_wait3A_892 = arith.constant 0 : i32
      %dma_wait3A_893 = tpu.memref_slice %arg5[%add3A_498, %add3A_890, %dma_wait3A_892] : memref<77x1600x768xf32, #tpu.memory_space<hbm>> -> memref<1x40x768xf32, #tpu.memory_space<hbm>>
      %dma_wait3A_894 = tpu.memref_squeeze %dma_wait3A_893 : memref<1x40x768xf32, #tpu.memory_space<hbm>> -> memref<40x768xf32, #tpu.memory_space<hbm>>
      %dma_wait3A_895 = arith.constant 0 : i32
      %dma_wait3A_896 = arith.constant 0 : i32
      %dma_wait3A_897 = tpu.memref_slice %arg7[%arg1, %dma_wait3A_891, %dma_wait3A_895, %dma_wait3A_896] : memref<16x3x40x768xf32, #tpu.memory_space<vmem_shared>> -> memref<1x1x40x768xf32, #tpu.memory_space<vmem_shared>>
      %dma_wait3A_898 = tpu.memref_squeeze %dma_wait3A_897 : memref<1x1x40x768xf32, #tpu.memory_space<vmem_shared>> -> memref<40x768xf32, #tpu.memory_space<vmem_shared>>
      tpu.wait_dma2 semaphore(%arg14 : memref<!tpu.dma_semaphore, #tpu.memory_space<semaphore_mem>>) src(%dma_wait3A_898 : memref<40x768xf32, #tpu.memory_space<vmem_shared>>) dst(%dma_wait3A_894 : memref<40x768xf32, #tpu.memory_space<hbm>>)
    } else {
    }
    %jit3A = arith.constant 4 : i32
    %div3A = arith.divsi %add3A, %jit3A : i32
    %sign3A = arith.constant 0 : i32
    %sign3A_8 = arith.cmpi sgt, %add3A, %sign3A : i32
    %sign3A_9 = arith.extui %sign3A_8 : i1 to i32
    %sign3A_10 = arith.constant 0 : i32
    %sign3A_11 = arith.cmpi slt, %add3A, %sign3A_10 : i32
    %sign3A_12 = arith.extui %sign3A_11 : i1 to i32
    %sign3A_13 = arith.subi %sign3A_9, %sign3A_12 : i32
    %sign3A_14 = arith.constant 0 : i32
    %sign3A_15 = arith.cmpi sgt, %jit3A, %sign3A_14 : i32
    %sign3A_16 = arith.extui %sign3A_15 : i1 to i32
    %sign3A_17 = arith.constant 0 : i32
    %sign3A_18 = arith.cmpi slt, %jit3A, %sign3A_17 : i32
    %sign3A_19 = arith.extui %sign3A_18 : i1 to i32
    %sign3A_20 = arith.subi %sign3A_16, %sign3A_19 : i32
    %ne3A = arith.cmpi ne, %sign3A_13, %sign3A_20 : i32
    %rem3A = arith.remsi %add3A, %jit3A : i32
    %ne3A_21 = arith.constant 0 : i32
    %ne3A_22 = arith.cmpi ne, %rem3A, %ne3A_21 : i32
    %and3A = arith.andi %ne3A, %ne3A_22 : i1
    %sub3A = arith.constant 1 : i32
    %sub3A_23 = arith.subi %div3A, %sub3A : i32
    %select_n3A = arith.select %and3A, %sub3A_23, %div3A : i32
    %add3A_24 = arith.constant 1 : i32
    %add3A_25 = arith.addi %add3A_24, %select_n3A : i32
    %jit3A_26 = arith.constant 4 : i32
    %eq3A = arith.constant 0 : i32
    %eq3A_27 = arith.cmpi eq, %jit3A_26, %eq3A : i32
    %jit3A_28 = arith.constant 1 : i32
    %select_n3A_29 = arith.select %eq3A_27, %jit3A_28, %jit3A_26 : i32
    %rem3A_30 = arith.remsi %add3A, %select_n3A_29 : i32
    %ne3A_31 = arith.constant 0 : i32
    %ne3A_32 = arith.cmpi ne, %rem3A_30, %ne3A_31 : i32
    %lt3A_33 = arith.constant 0 : i32
    %lt3A_34 = arith.cmpi slt, %rem3A_30, %lt3A_33 : i32
    %lt3A_35 = arith.constant 0 : i32
    %lt3A_36 = arith.cmpi slt, %select_n3A_29, %lt3A_35 : i32
    %ne3A_37 = arith.xori %lt3A_34, %lt3A_36 : i1
    %and3A_38 = arith.andi %ne3A_37, %ne3A_32 : i1
    %add3A_39 = arith.addi %rem3A_30, %select_n3A_29 : i32
    %select_n3A_40 = arith.select %and3A_38, %add3A_39, %rem3A_30 : i32
    %mul3A_41 = arith.constant 400 : i32
    %mul3A_42 = arith.muli %select_n3A_40, %mul3A_41 : i32
    "tpu.region"() ({
      %run_scoped3A = tpu.sem_alloc : memref<!tpu.dma_semaphore, #tpu.memory_space<semaphore_mem>>
      tpu.enqueue_dma source(%arg3 : memref<8x768xf32, #tpu.memory_space<hbm>>) target(%arg10 : memref<8x768xf32, #tpu.memory_space<vmem>>) target_semaphore(%run_scoped3A : memref<!tpu.dma_semaphore, #tpu.memory_space<semaphore_mem>>)
      tpu.wait_dma2 semaphore(%run_scoped3A : memref<!tpu.dma_semaphore, #tpu.memory_space<semaphore_mem>>) src(%arg3 : memref<8x768xf32, #tpu.memory_space<hbm>>) dst(%arg10 : memref<8x768xf32, #tpu.memory_space<vmem>>)
      tpu.yield
    }) : () -> ()
    %scan3A_43 = arith.constant 0 : i32
    %scan3A_44 = arith.constant 0 : i32
    %scan3A_45 = arith.constant 48 : i32
    %scan3A_46 = arith.addi %scan3A_44, %scan3A_45 : i32
    %scan3A_47 = arith.constant 1 : i32
    scf.for %scan3A_410 = %scan3A_44 to %scan3A_46 step %scan3A_47  : i32 {
      %mul3A_411 = arith.constant 16 : i32
      %mul3A_412 = arith.muli %scan3A_410, %mul3A_411 : i32
      %get3A = arith.index_cast %select_n3A : i32 to index
      %get3A_413 = arith.index_cast %mul3A_412 : i32 to index
      %get3A_414 = tpu.vector_load %arg10[%get3A, %get3A_413] {strides = array<i32>} : memref<8x768xf32, #tpu.memory_space<vmem>>, vector<1x16xf32>,
      %get3A_415 = vector.shape_cast %get3A_414 : vector<1x16xf32> to vector<16xf32>
      %mul3A_416 = arith.constant 16 : i32
      %mul3A_417 = arith.muli %scan3A_410, %mul3A_416 : i32
      %swap3A = arith.constant 0 : i32
      %swap3A_418 = arith.index_cast %swap3A : i32 to index
      %swap3A_419 = arith.index_cast %mul3A_417 : i32 to index
      %swap3A_420 = tpu.vector_load %arg8[%swap3A_418, %swap3A_419] {strides = array<i32>} : memref<16x768xf32, #tpu.memory_space<vmem>>, vector<1x16xf32>,
      %swap3A_421 = vector.shape_cast %swap3A_420 : vector<1x16xf32> to vector<16xf32>
      %swap3A_422 = vector.shape_cast %get3A_415 : vector<16xf32> to vector<1x16xf32>
      tpu.vector_store %arg8[%swap3A_418, %swap3A_419], %swap3A_422 {strides = array<i32>} : memref<16x768xf32, #tpu.memory_space<vmem>>, vector<1x16xf32>,
      %mul3A_423 = arith.constant 16 : i32
      %mul3A_424 = arith.muli %scan3A_410, %mul3A_423 : i32
      %swap3A_425 = arith.constant 1 : i32
      %swap3A_426 = arith.index_cast %swap3A_425 : i32 to index
      %swap3A_427 = arith.index_cast %mul3A_424 : i32 to index
      %swap3A_428 = tpu.vector_load %arg8[%swap3A_426, %swap3A_427] {strides = array<i32>} : memref<16x768xf32, #tpu.memory_space<vmem>>, vector<1x16xf32>,
      %swap3A_429 = vector.shape_cast %swap3A_428 : vector<1x16xf32> to vector<16xf32>
      %swap3A_430 = vector.shape_cast %get3A_415 : vector<16xf32> to vector<1x16xf32>
      tpu.vector_store %arg8[%swap3A_426, %swap3A_427], %swap3A_430 {strides = array<i32>} : memref<16x768xf32, #tpu.memory_space<vmem>>, vector<1x16xf32>,
      %mul3A_431 = arith.constant 16 : i32
      %mul3A_432 = arith.muli %scan3A_410, %mul3A_431 : i32
      %swap3A_433 = arith.constant 2 : i32
      %swap3A_434 = arith.index_cast %swap3A_433 : i32 to index
      %swap3A_435 = arith.index_cast %mul3A_432 : i32 to index
      %swap3A_436 = tpu.vector_load %arg8[%swap3A_434, %swap3A_435] {strides = array<i32>} : memref<16x768xf32, #tpu.memory_space<vmem>>, vector<1x16xf32>,
      %swap3A_437 = vector.shape_cast %swap3A_436 : vector<1x16xf32> to vector<16xf32>
      %swap3A_438 = vector.shape_cast %get3A_415 : vector<16xf32> to vector<1x16xf32>
      tpu.vector_store %arg8[%swap3A_434, %swap3A_435], %swap3A_438 {strides = array<i32>} : memref<16x768xf32, #tpu.memory_space<vmem>>, vector<1x16xf32>,
      %mul3A_439 = arith.constant 16 : i32
      %mul3A_440 = arith.muli %scan3A_410, %mul3A_439 : i32
      %swap3A_441 = arith.constant 3 : i32
      %swap3A_442 = arith.index_cast %swap3A_441 : i32 to index
      %swap3A_443 = arith.index_cast %mul3A_440 : i32 to index
      %swap3A_444 = tpu.vector_load %arg8[%swap3A_442, %swap3A_443] {strides = array<i32>} : memref<16x768xf32, #tpu.memory_space<vmem>>, vector<1x16xf32>,
      %swap3A_445 = vector.shape_cast %swap3A_444 : vector<1x16xf32> to vector<16xf32>
      %swap3A_446 = vector.shape_cast %get3A_415 : vector<16xf32> to vector<1x16xf32>
      tpu.vector_store %arg8[%swap3A_442, %swap3A_443], %swap3A_446 {strides = array<i32>} : memref<16x768xf32, #tpu.memory_space<vmem>>, vector<1x16xf32>,
      %mul3A_447 = arith.constant 16 : i32
      %mul3A_448 = arith.muli %scan3A_410, %mul3A_447 : i32
      %swap3A_449 = arith.constant 4 : i32
      %swap3A_450 = arith.index_cast %swap3A_449 : i32 to index
      %swap3A_451 = arith.index_cast %mul3A_448 : i32 to index
      %swap3A_452 = tpu.vector_load %arg8[%swap3A_450, %swap3A_451] {strides = array<i32>} : memref<16x768xf32, #tpu.memory_space<vmem>>, vector<1x16xf32>,
      %swap3A_453 = vector.shape_cast %swap3A_452 : vector<1x16xf32> to vector<16xf32>
      %swap3A_454 = vector.shape_cast %get3A_415 : vector<16xf32> to vector<1x16xf32>
      tpu.vector_store %arg8[%swap3A_450, %swap3A_451], %swap3A_454 {strides = array<i32>} : memref<16x768xf32, #tpu.memory_space<vmem>>, vector<1x16xf32>,
      %mul3A_455 = arith.constant 16 : i32
      %mul3A_456 = arith.muli %scan3A_410, %mul3A_455 : i32
      %swap3A_457 = arith.constant 5 : i32
      %swap3A_458 = arith.index_cast %swap3A_457 : i32 to index
      %swap3A_459 = arith.index_cast %mul3A_456 : i32 to index
      %swap3A_460 = tpu.vector_load %arg8[%swap3A_458, %swap3A_459] {strides = array<i32>} : memref<16x768xf32, #tpu.memory_space<vmem>>, vector<1x16xf32>,
      %swap3A_461 = vector.shape_cast %swap3A_460 : vector<1x16xf32> to vector<16xf32>
      %swap3A_462 = vector.shape_cast %get3A_415 : vector<16xf32> to vector<1x16xf32>
      tpu.vector_store %arg8[%swap3A_458, %swap3A_459], %swap3A_462 {strides = array<i32>} : memref<16x768xf32, #tpu.memory_space<vmem>>, vector<1x16xf32>,
      %mul3A_463 = arith.constant 16 : i32
      %mul3A_464 = arith.muli %scan3A_410, %mul3A_463 : i32
      %swap3A_465 = arith.constant 6 : i32
      %swap3A_466 = arith.index_cast %swap3A_465 : i32 to index
      %swap3A_467 = arith.index_cast %mul3A_464 : i32 to index
      %swap3A_468 = tpu.vector_load %arg8[%swap3A_466, %swap3A_467] {strides = array<i32>} : memref<16x768xf32, #tpu.memory_space<vmem>>, vector<1x16xf32>,
      %swap3A_469 = vector.shape_cast %swap3A_468 : vector<1x16xf32> to vector<16xf32>
      %swap3A_470 = vector.shape_cast %get3A_415 : vector<16xf32> to vector<1x16xf32>
      tpu.vector_store %arg8[%swap3A_466, %swap3A_467], %swap3A_470 {strides = array<i32>} : memref<16x768xf32, #tpu.memory_space<vmem>>, vector<1x16xf32>,
      %mul3A_471 = arith.constant 16 : i32
      %mul3A_472 = arith.muli %scan3A_410, %mul3A_471 : i32
      %swap3A_473 = arith.constant 7 : i32
      %swap3A_474 = arith.index_cast %swap3A_473 : i32 to index
      %swap3A_475 = arith.index_cast %mul3A_472 : i32 to index
      %swap3A_476 = tpu.vector_load %arg8[%swap3A_474, %swap3A_475] {strides = array<i32>} : memref<16x768xf32, #tpu.memory_space<vmem>>, vector<1x16xf32>,
      %swap3A_477 = vector.shape_cast %swap3A_476 : vector<1x16xf32> to vector<16xf32>
      %swap3A_478 = vector.shape_cast %get3A_415 : vector<16xf32> to vector<1x16xf32>
      tpu.vector_store %arg8[%swap3A_474, %swap3A_475], %swap3A_478 {strides = array<i32>} : memref<16x768xf32, #tpu.memory_space<vmem>>, vector<1x16xf32>,
      %mul3A_479 = arith.constant 16 : i32
      %mul3A_480 = arith.muli %scan3A_410, %mul3A_479 : i32
      %swap3A_481 = arith.constant 8 : i32
      %swap3A_482 = arith.index_cast %swap3A_481 : i32 to index
      %swap3A_483 = arith.index_cast %mul3A_480 : i32 to index
      %swap3A_484 = tpu.vector_load %arg8[%swap3A_482, %swap3A_483] {strides = array<i32>} : memref<16x768xf32, #tpu.memory_space<vmem>>, vector<1x16xf32>,
      %swap3A_485 = vector.shape_cast %swap3A_484 : vector<1x16xf32> to vector<16xf32>
      %swap3A_486 = vector.shape_cast %get3A_415 : vector<16xf32> to vector<1x16xf32>
      tpu.vector_store %arg8[%swap3A_482, %swap3A_483], %swap3A_486 {strides = array<i32>} : memref<16x768xf32, #tpu.memory_space<vmem>>, vector<1x16xf32>,
      %mul3A_487 = arith.constant 16 : i32
      %mul3A_488 = arith.muli %scan3A_410, %mul3A_487 : i32
      %swap3A_489 = arith.constant 9 : i32
      %swap3A_490 = arith.index_cast %swap3A_489 : i32 to index
      %swap3A_491 = arith.index_cast %mul3A_488 : i32 to index
      %swap3A_492 = tpu.vector_load %arg8[%swap3A_490, %swap3A_491] {strides = array<i32>} : memref<16x768xf32, #tpu.memory_space<vmem>>, vector<1x16xf32>,
      %swap3A_493 = vector.shape_cast %swap3A_492 : vector<1x16xf32> to vector<16xf32>
      %swap3A_494 = vector.shape_cast %get3A_415 : vector<16xf32> to vector<1x16xf32>
      tpu.vector_store %arg8[%swap3A_490, %swap3A_491], %swap3A_494 {strides = array<i32>} : memref<16x768xf32, #tpu.memory_space<vmem>>, vector<1x16xf32>,
      %mul3A_495 = arith.constant 16 : i32
      %mul3A_496 = arith.muli %scan3A_410, %mul3A_495 : i32
      %swap3A_497 = arith.constant 10 : i32
      %swap3A_498 = arith.index_cast %swap3A_497 : i32 to index
      %swap3A_499 = arith.index_cast %mul3A_496 : i32 to index
      %swap3A_500 = tpu.vector_load %arg8[%swap3A_498, %swap3A_499] {strides = array<i32>} : memref<16x768xf32, #tpu.memory_space<vmem>>, vector<1x16xf32>,
      %swap3A_501 = vector.shape_cast %swap3A_500 : vector<1x16xf32> to vector<16xf32>
      %swap3A_502 = vector.shape_cast %get3A_415 : vector<16xf32> to vector<1x16xf32>
      tpu.vector_store %arg8[%swap3A_498, %swap3A_499], %swap3A_502 {strides = array<i32>} : memref<16x768xf32, #tpu.memory_space<vmem>>, vector<1x16xf32>,
      %mul3A_503 = arith.constant 16 : i32
      %mul3A_504 = arith.muli %scan3A_410, %mul3A_503 : i32
      %swap3A_505 = arith.constant 11 : i32
      %swap3A_506 = arith.index_cast %swap3A_505 : i32 to index
      %swap3A_507 = arith.index_cast %mul3A_504 : i32 to index
      %swap3A_508 = tpu.vector_load %arg8[%swap3A_506, %swap3A_507] {strides = array<i32>} : memref<16x768xf32, #tpu.memory_space<vmem>>, vector<1x16xf32>,
      %swap3A_509 = vector.shape_cast %swap3A_508 : vector<1x16xf32> to vector<16xf32>
      %swap3A_510 = vector.shape_cast %get3A_415 : vector<16xf32> to vector<1x16xf32>
      tpu.vector_store %arg8[%swap3A_506, %swap3A_507], %swap3A_510 {strides = array<i32>} : memref<16x768xf32, #tpu.memory_space<vmem>>, vector<1x16xf32>,
      %mul3A_511 = arith.constant 16 : i32
      %mul3A_512 = arith.muli %scan3A_410, %mul3A_511 : i32
      %swap3A_513 = arith.constant 12 : i32
      %swap3A_514 = arith.index_cast %swap3A_513 : i32 to index
      %swap3A_515 = arith.index_cast %mul3A_512 : i32 to index
      %swap3A_516 = tpu.vector_load %arg8[%swap3A_514, %swap3A_515] {strides = array<i32>} : memref<16x768xf32, #tpu.memory_space<vmem>>, vector<1x16xf32>,
      %swap3A_517 = vector.shape_cast %swap3A_516 : vector<1x16xf32> to vector<16xf32>
      %swap3A_518 = vector.shape_cast %get3A_415 : vector<16xf32> to vector<1x16xf32>
      tpu.vector_store %arg8[%swap3A_514, %swap3A_515], %swap3A_518 {strides = array<i32>} : memref<16x768xf32, #tpu.memory_space<vmem>>, vector<1x16xf32>,
      %mul3A_519 = arith.constant 16 : i32
      %mul3A_520 = arith.muli %scan3A_410, %mul3A_519 : i32
      %swap3A_521 = arith.constant 13 : i32
      %swap3A_522 = arith.index_cast %swap3A_521 : i32 to index
      %swap3A_523 = arith.index_cast %mul3A_520 : i32 to index
      %swap3A_524 = tpu.vector_load %arg8[%swap3A_522, %swap3A_523] {strides = array<i32>} : memref<16x768xf32, #tpu.memory_space<vmem>>, vector<1x16xf32>,
      %swap3A_525 = vector.shape_cast %swap3A_524 : vector<1x16xf32> to vector<16xf32>
      %swap3A_526 = vector.shape_cast %get3A_415 : vector<16xf32> to vector<1x16xf32>
      tpu.vector_store %arg8[%swap3A_522, %swap3A_523], %swap3A_526 {strides = array<i32>} : memref<16x768xf32, #tpu.memory_space<vmem>>, vector<1x16xf32>,
      %mul3A_527 = arith.constant 16 : i32
      %mul3A_528 = arith.muli %scan3A_410, %mul3A_527 : i32
      %swap3A_529 = arith.constant 14 : i32
      %swap3A_530 = arith.index_cast %swap3A_529 : i32 to index
      %swap3A_531 = arith.index_cast %mul3A_528 : i32 to index
      %swap3A_532 = tpu.vector_load %arg8[%swap3A_530, %swap3A_531] {strides = array<i32>} : memref<16x768xf32, #tpu.memory_space<vmem>>, vector<1x16xf32>,
      %swap3A_533 = vector.shape_cast %swap3A_532 : vector<1x16xf32> to vector<16xf32>
      %swap3A_534 = vector.shape_cast %get3A_415 : vector<16xf32> to vector<1x16xf32>
      tpu.vector_store %arg8[%swap3A_530, %swap3A_531], %swap3A_534 {strides = array<i32>} : memref<16x768xf32, #tpu.memory_space<vmem>>, vector<1x16xf32>,
      %mul3A_535 = arith.constant 16 : i32
      %mul3A_536 = arith.muli %scan3A_410, %mul3A_535 : i32
      %swap3A_537 = arith.constant 15 : i32
      %swap3A_538 = arith.index_cast %swap3A_537 : i32 to index
      %swap3A_539 = arith.index_cast %mul3A_536 : i32 to index
      %swap3A_540 = tpu.vector_load %arg8[%swap3A_538, %swap3A_539] {strides = array<i32>} : memref<16x768xf32, #tpu.memory_space<vmem>>, vector<1x16xf32>,
      %swap3A_541 = vector.shape_cast %swap3A_540 : vector<1x16xf32> to vector<16xf32>
      %swap3A_542 = vector.shape_cast %get3A_415 : vector<16xf32> to vector<1x16xf32>
      tpu.vector_store %arg8[%swap3A_538, %swap3A_539], %swap3A_542 {strides = array<i32>} : memref<16x768xf32, #tpu.memory_space<vmem>>, vector<1x16xf32>,
    }
    %scan3A_48 = arith.constant 48 : i32
    %add3A_49 = arith.constant 0 : i32
    %add3A_50 = arith.addi %mul3A_42, %add3A_49 : i32
    %add3A_51 = arith.constant 16 : i32
    %add3A_52 = arith.addi %mul3A_42, %add3A_51 : i32
    %add3A_53 = arith.constant 32 : i32
    %add3A_54 = arith.addi %mul3A_42, %add3A_53 : i32
    %add3A_55 = arith.constant 48 : i32
    %add3A_56 = arith.addi %mul3A_42, %add3A_55 : i32
    %add3A_57 = arith.constant 64 : i32
    %add3A_58 = arith.addi %mul3A_42, %add3A_57 : i32
    %add3A_59 = arith.constant 80 : i32
    %add3A_60 = arith.addi %mul3A_42, %add3A_59 : i32
    %add3A_61 = arith.constant 96 : i32
    %add3A_62 = arith.addi %mul3A_42, %add3A_61 : i32
    %add3A_63 = arith.constant 112 : i32
    %add3A_64 = arith.addi %mul3A_42, %add3A_63 : i32
    %add3A_65 = arith.constant 128 : i32
    %add3A_66 = arith.addi %mul3A_42, %add3A_65 : i32
    %add3A_67 = arith.constant 144 : i32
    %add3A_68 = arith.addi %mul3A_42, %add3A_67 : i32
    %add3A_69 = arith.constant 160 : i32
    %add3A_70 = arith.addi %mul3A_42, %add3A_69 : i32
    %add3A_71 = arith.constant 176 : i32
    %add3A_72 = arith.addi %mul3A_42, %add3A_71 : i32
    %add3A_73 = arith.constant 192 : i32
    %add3A_74 = arith.addi %mul3A_42, %add3A_73 : i32
    %add3A_75 = arith.constant 208 : i32
    %add3A_76 = arith.addi %mul3A_42, %add3A_75 : i32
    %add3A_77 = arith.constant 224 : i32
    %add3A_78 = arith.addi %mul3A_42, %add3A_77 : i32
    %add3A_79 = arith.constant 240 : i32
    %add3A_80 = arith.addi %mul3A_42, %add3A_79 : i32
    %add3A_81 = arith.constant 256 : i32
    %add3A_82 = arith.addi %mul3A_42, %add3A_81 : i32
    %add3A_83 = arith.constant 272 : i32
    %add3A_84 = arith.addi %mul3A_42, %add3A_83 : i32
    %add3A_85 = arith.constant 288 : i32
    %add3A_86 = arith.addi %mul3A_42, %add3A_85 : i32
    %add3A_87 = arith.constant 304 : i32
    %add3A_88 = arith.addi %mul3A_42, %add3A_87 : i32
    %add3A_89 = arith.constant 320 : i32
    %add3A_90 = arith.addi %mul3A_42, %add3A_89 : i32
    %add3A_91 = arith.constant 336 : i32
    %add3A_92 = arith.addi %mul3A_42, %add3A_91 : i32
    %add3A_93 = arith.constant 352 : i32
    %add3A_94 = arith.addi %mul3A_42, %add3A_93 : i32
    %add3A_95 = arith.constant 368 : i32
    %add3A_96 = arith.addi %mul3A_42, %add3A_95 : i32
    %add3A_97 = arith.constant 384 : i32
    %add3A_98 = arith.addi %mul3A_42, %add3A_97 : i32
    %dma_start3A = arith.constant 0 : i32
    %dma_start3A_99 = tpu.memref_slice %arg5[%add3A_25, %add3A_50, %dma_start3A] : memref<77x1600x768xf32, #tpu.memory_space<hbm>> -> memref<1x16x768xf32, #tpu.memory_space<hbm>>
    %dma_start3A_100 = tpu.memref_squeeze %dma_start3A_99 : memref<1x16x768xf32, #tpu.memory_space<hbm>> -> memref<16x768xf32, #tpu.memory_space<hbm>>
    %dma_start3A_101 = arith.constant 0 : i32
    %dma_start3A_102 = tpu.memref_slice %arg5[%add3A_25, %add3A_50, %dma_start3A_101] : memref<77x1600x768xf32, #tpu.memory_space<hbm>> -> memref<1x16x768xf32, #tpu.memory_space<hbm>>
    %dma_start3A_103 = tpu.memref_squeeze %dma_start3A_102 : memref<1x16x768xf32, #tpu.memory_space<hbm>> -> memref<16x768xf32, #tpu.memory_space<hbm>>
    tpu.enqueue_dma source(%arg8 : memref<16x768xf32, #tpu.memory_space<vmem>>) target(%dma_start3A_103 : memref<16x768xf32, #tpu.memory_space<hbm>>) target_semaphore(%arg17 : memref<!tpu.dma_semaphore, #tpu.memory_space<semaphore_mem>>)
    %dma_start3A_104 = arith.constant 0 : i32
    %dma_start3A_105 = tpu.memref_slice %arg5[%add3A_25, %add3A_52, %dma_start3A_104] : memref<77x1600x768xf32, #tpu.memory_space<hbm>> -> memref<1x16x768xf32, #tpu.memory_space<hbm>>
    %dma_start3A_106 = tpu.memref_squeeze %dma_start3A_105 : memref<1x16x768xf32, #tpu.memory_space<hbm>> -> memref<16x768xf32, #tpu.memory_space<hbm>>
    %dma_start3A_107 = arith.constant 0 : i32
    %dma_start3A_108 = tpu.memref_slice %arg5[%add3A_25, %add3A_52, %dma_start3A_107] : memref<77x1600x768xf32, #tpu.memory_space<hbm>> -> memref<1x16x768xf32, #tpu.memory_space<hbm>>
    %dma_start3A_109 = tpu.memref_squeeze %dma_start3A_108 : memref<1x16x768xf32, #tpu.memory_space<hbm>> -> memref<16x768xf32, #tpu.memory_space<hbm>>
    tpu.enqueue_dma source(%arg8 : memref<16x768xf32, #tpu.memory_space<vmem>>) target(%dma_start3A_109 : memref<16x768xf32, #tpu.memory_space<hbm>>) target_semaphore(%arg17 : memref<!tpu.dma_semaphore, #tpu.memory_space<semaphore_mem>>)
    %dma_start3A_110 = arith.constant 0 : i32
    %dma_start3A_111 = tpu.memref_slice %arg5[%add3A_25, %add3A_54, %dma_start3A_110] : memref<77x1600x768xf32, #tpu.memory_space<hbm>> -> memref<1x16x768xf32, #tpu.memory_space<hbm>>
    %dma_start3A_112 = tpu.memref_squeeze %dma_start3A_111 : memref<1x16x768xf32, #tpu.memory_space<hbm>> -> memref<16x768xf32, #tpu.memory_space<hbm>>
    %dma_start3A_113 = arith.constant 0 : i32
    %dma_start3A_114 = tpu.memref_slice %arg5[%add3A_25, %add3A_54, %dma_start3A_113] : memref<77x1600x768xf32, #tpu.memory_space<hbm>> -> memref<1x16x768xf32, #tpu.memory_space<hbm>>
    %dma_start3A_115 = tpu.memref_squeeze %dma_start3A_114 : memref<1x16x768xf32, #tpu.memory_space<hbm>> -> memref<16x768xf32, #tpu.memory_space<hbm>>
    tpu.enqueue_dma source(%arg8 : memref<16x768xf32, #tpu.memory_space<vmem>>) target(%dma_start3A_115 : memref<16x768xf32, #tpu.memory_space<hbm>>) target_semaphore(%arg17 : memref<!tpu.dma_semaphore, #tpu.memory_space<semaphore_mem>>)
    %dma_start3A_116 = arith.constant 0 : i32
    %dma_start3A_117 = tpu.memref_slice %arg5[%add3A_25, %add3A_56, %dma_start3A_116] : memref<77x1600x768xf32, #tpu.memory_space<hbm>> -> memref<1x16x768xf32, #tpu.memory_space<hbm>>
    %dma_start3A_118 = tpu.memref_squeeze %dma_start3A_117 : memref<1x16x768xf32, #tpu.memory_space<hbm>> -> memref<16x768xf32, #tpu.memory_space<hbm>>
    %dma_start3A_119 = arith.constant 0 : i32
    %dma_start3A_120 = tpu.memref_slice %arg5[%add3A_25, %add3A_56, %dma_start3A_119] : memref<77x1600x768xf32, #tpu.memory_space<hbm>> -> memref<1x16x768xf32, #tpu.memory_space<hbm>>
    %dma_start3A_121 = tpu.memref_squeeze %dma_start3A_120 : memref<1x16x768xf32, #tpu.memory_space<hbm>> -> memref<16x768xf32, #tpu.memory_space<hbm>>
    tpu.enqueue_dma source(%arg8 : memref<16x768xf32, #tpu.memory_space<vmem>>) target(%dma_start3A_121 : memref<16x768xf32, #tpu.memory_space<hbm>>) target_semaphore(%arg17 : memref<!tpu.dma_semaphore, #tpu.memory_space<semaphore_mem>>)
    %dma_start3A_122 = arith.constant 0 : i32
    %dma_start3A_123 = tpu.memref_slice %arg5[%add3A_25, %add3A_58, %dma_start3A_122] : memref<77x1600x768xf32, #tpu.memory_space<hbm>> -> memref<1x16x768xf32, #tpu.memory_space<hbm>>
    %dma_start3A_124 = tpu.memref_squeeze %dma_start3A_123 : memref<1x16x768xf32, #tpu.memory_space<hbm>> -> memref<16x768xf32, #tpu.memory_space<hbm>>
    %dma_start3A_125 = arith.constant 0 : i32
    %dma_start3A_126 = tpu.memref_slice %arg5[%add3A_25, %add3A_58, %dma_start3A_125] : memref<77x1600x768xf32, #tpu.memory_space<hbm>> -> memref<1x16x768xf32, #tpu.memory_space<hbm>>
    %dma_start3A_127 = tpu.memref_squeeze %dma_start3A_126 : memref<1x16x768xf32, #tpu.memory_space<hbm>> -> memref<16x768xf32, #tpu.memory_space<hbm>>
    tpu.enqueue_dma source(%arg8 : memref<16x768xf32, #tpu.memory_space<vmem>>) target(%dma_start3A_127 : memref<16x768xf32, #tpu.memory_space<hbm>>) target_semaphore(%arg17 : memref<!tpu.dma_semaphore, #tpu.memory_space<semaphore_mem>>)
    %dma_start3A_128 = arith.constant 0 : i32
    %dma_start3A_129 = tpu.memref_slice %arg5[%add3A_25, %add3A_60, %dma_start3A_128] : memref<77x1600x768xf32, #tpu.memory_space<hbm>> -> memref<1x16x768xf32, #tpu.memory_space<hbm>>
    %dma_start3A_130 = tpu.memref_squeeze %dma_start3A_129 : memref<1x16x768xf32, #tpu.memory_space<hbm>> -> memref<16x768xf32, #tpu.memory_space<hbm>>
    %dma_start3A_131 = arith.constant 0 : i32
    %dma_start3A_132 = tpu.memref_slice %arg5[%add3A_25, %add3A_60, %dma_start3A_131] : memref<77x1600x768xf32, #tpu.memory_space<hbm>> -> memref<1x16x768xf32, #tpu.memory_space<hbm>>
    %dma_start3A_133 = tpu.memref_squeeze %dma_start3A_132 : memref<1x16x768xf32, #tpu.memory_space<hbm>> -> memref<16x768xf32, #tpu.memory_space<hbm>>
    tpu.enqueue_dma source(%arg8 : memref<16x768xf32, #tpu.memory_space<vmem>>) target(%dma_start3A_133 : memref<16x768xf32, #tpu.memory_space<hbm>>) target_semaphore(%arg17 : memref<!tpu.dma_semaphore, #tpu.memory_space<semaphore_mem>>)
    %dma_start3A_134 = arith.constant 0 : i32
    %dma_start3A_135 = tpu.memref_slice %arg5[%add3A_25, %add3A_62, %dma_start3A_134] : memref<77x1600x768xf32, #tpu.memory_space<hbm>> -> memref<1x16x768xf32, #tpu.memory_space<hbm>>
    %dma_start3A_136 = tpu.memref_squeeze %dma_start3A_135 : memref<1x16x768xf32, #tpu.memory_space<hbm>> -> memref<16x768xf32, #tpu.memory_space<hbm>>
    %dma_start3A_137 = arith.constant 0 : i32
    %dma_start3A_138 = tpu.memref_slice %arg5[%add3A_25, %add3A_62, %dma_start3A_137] : memref<77x1600x768xf32, #tpu.memory_space<hbm>> -> memref<1x16x768xf32, #tpu.memory_space<hbm>>
    %dma_start3A_139 = tpu.memref_squeeze %dma_start3A_138 : memref<1x16x768xf32, #tpu.memory_space<hbm>> -> memref<16x768xf32, #tpu.memory_space<hbm>>
    tpu.enqueue_dma source(%arg8 : memref<16x768xf32, #tpu.memory_space<vmem>>) target(%dma_start3A_139 : memref<16x768xf32, #tpu.memory_space<hbm>>) target_semaphore(%arg17 : memref<!tpu.dma_semaphore, #tpu.memory_space<semaphore_mem>>)
    %dma_start3A_140 = arith.constant 0 : i32
    %dma_start3A_141 = tpu.memref_slice %arg5[%add3A_25, %add3A_64, %dma_start3A_140] : memref<77x1600x768xf32, #tpu.memory_space<hbm>> -> memref<1x16x768xf32, #tpu.memory_space<hbm>>
    %dma_start3A_142 = tpu.memref_squeeze %dma_start3A_141 : memref<1x16x768xf32, #tpu.memory_space<hbm>> -> memref<16x768xf32, #tpu.memory_space<hbm>>
    %dma_start3A_143 = arith.constant 0 : i32
    %dma_start3A_144 = tpu.memref_slice %arg5[%add3A_25, %add3A_64, %dma_start3A_143] : memref<77x1600x768xf32, #tpu.memory_space<hbm>> -> memref<1x16x768xf32, #tpu.memory_space<hbm>>
    %dma_start3A_145 = tpu.memref_squeeze %dma_start3A_144 : memref<1x16x768xf32, #tpu.memory_space<hbm>> -> memref<16x768xf32, #tpu.memory_space<hbm>>
    tpu.enqueue_dma source(%arg8 : memref<16x768xf32, #tpu.memory_space<vmem>>) target(%dma_start3A_145 : memref<16x768xf32, #tpu.memory_space<hbm>>) target_semaphore(%arg17 : memref<!tpu.dma_semaphore, #tpu.memory_space<semaphore_mem>>)
    %dma_start3A_146 = arith.constant 0 : i32
    %dma_start3A_147 = tpu.memref_slice %arg5[%add3A_25, %add3A_66, %dma_start3A_146] : memref<77x1600x768xf32, #tpu.memory_space<hbm>> -> memref<1x16x768xf32, #tpu.memory_space<hbm>>
    %dma_start3A_148 = tpu.memref_squeeze %dma_start3A_147 : memref<1x16x768xf32, #tpu.memory_space<hbm>> -> memref<16x768xf32, #tpu.memory_space<hbm>>
    %dma_start3A_149 = arith.constant 0 : i32
    %dma_start3A_150 = tpu.memref_slice %arg5[%add3A_25, %add3A_66, %dma_start3A_149] : memref<77x1600x768xf32, #tpu.memory_space<hbm>> -> memref<1x16x768xf32, #tpu.memory_space<hbm>>
    %dma_start3A_151 = tpu.memref_squeeze %dma_start3A_150 : memref<1x16x768xf32, #tpu.memory_space<hbm>> -> memref<16x768xf32, #tpu.memory_space<hbm>>
    tpu.enqueue_dma source(%arg8 : memref<16x768xf32, #tpu.memory_space<vmem>>) target(%dma_start3A_151 : memref<16x768xf32, #tpu.memory_space<hbm>>) target_semaphore(%arg17 : memref<!tpu.dma_semaphore, #tpu.memory_space<semaphore_mem>>)
    %dma_start3A_152 = arith.constant 0 : i32
    %dma_start3A_153 = tpu.memref_slice %arg5[%add3A_25, %add3A_68, %dma_start3A_152] : memref<77x1600x768xf32, #tpu.memory_space<hbm>> -> memref<1x16x768xf32, #tpu.memory_space<hbm>>
    %dma_start3A_154 = tpu.memref_squeeze %dma_start3A_153 : memref<1x16x768xf32, #tpu.memory_space<hbm>> -> memref<16x768xf32, #tpu.memory_space<hbm>>
    %dma_start3A_155 = arith.constant 0 : i32
    %dma_start3A_156 = tpu.memref_slice %arg5[%add3A_25, %add3A_68, %dma_start3A_155] : memref<77x1600x768xf32, #tpu.memory_space<hbm>> -> memref<1x16x768xf32, #tpu.memory_space<hbm>>
    %dma_start3A_157 = tpu.memref_squeeze %dma_start3A_156 : memref<1x16x768xf32, #tpu.memory_space<hbm>> -> memref<16x768xf32, #tpu.memory_space<hbm>>
    tpu.enqueue_dma source(%arg8 : memref<16x768xf32, #tpu.memory_space<vmem>>) target(%dma_start3A_157 : memref<16x768xf32, #tpu.memory_space<hbm>>) target_semaphore(%arg17 : memref<!tpu.dma_semaphore, #tpu.memory_space<semaphore_mem>>)
    %dma_start3A_158 = arith.constant 0 : i32
    %dma_start3A_159 = tpu.memref_slice %arg5[%add3A_25, %add3A_70, %dma_start3A_158] : memref<77x1600x768xf32, #tpu.memory_space<hbm>> -> memref<1x16x768xf32, #tpu.memory_space<hbm>>
    %dma_start3A_160 = tpu.memref_squeeze %dma_start3A_159 : memref<1x16x768xf32, #tpu.memory_space<hbm>> -> memref<16x768xf32, #tpu.memory_space<hbm>>
    %dma_start3A_161 = arith.constant 0 : i32
    %dma_start3A_162 = tpu.memref_slice %arg5[%add3A_25, %add3A_70, %dma_start3A_161] : memref<77x1600x768xf32, #tpu.memory_space<hbm>> -> memref<1x16x768xf32, #tpu.memory_space<hbm>>
    %dma_start3A_163 = tpu.memref_squeeze %dma_start3A_162 : memref<1x16x768xf32, #tpu.memory_space<hbm>> -> memref<16x768xf32, #tpu.memory_space<hbm>>
    tpu.enqueue_dma source(%arg8 : memref<16x768xf32, #tpu.memory_space<vmem>>) target(%dma_start3A_163 : memref<16x768xf32, #tpu.memory_space<hbm>>) target_semaphore(%arg17 : memref<!tpu.dma_semaphore, #tpu.memory_space<semaphore_mem>>)
    %dma_start3A_164 = arith.constant 0 : i32
    %dma_start3A_165 = tpu.memref_slice %arg5[%add3A_25, %add3A_72, %dma_start3A_164] : memref<77x1600x768xf32, #tpu.memory_space<hbm>> -> memref<1x16x768xf32, #tpu.memory_space<hbm>>
    %dma_start3A_166 = tpu.memref_squeeze %dma_start3A_165 : memref<1x16x768xf32, #tpu.memory_space<hbm>> -> memref<16x768xf32, #tpu.memory_space<hbm>>
    %dma_start3A_167 = arith.constant 0 : i32
    %dma_start3A_168 = tpu.memref_slice %arg5[%add3A_25, %add3A_72, %dma_start3A_167] : memref<77x1600x768xf32, #tpu.memory_space<hbm>> -> memref<1x16x768xf32, #tpu.memory_space<hbm>>
    %dma_start3A_169 = tpu.memref_squeeze %dma_start3A_168 : memref<1x16x768xf32, #tpu.memory_space<hbm>> -> memref<16x768xf32, #tpu.memory_space<hbm>>
    tpu.enqueue_dma source(%arg8 : memref<16x768xf32, #tpu.memory_space<vmem>>) target(%dma_start3A_169 : memref<16x768xf32, #tpu.memory_space<hbm>>) target_semaphore(%arg17 : memref<!tpu.dma_semaphore, #tpu.memory_space<semaphore_mem>>)
    %dma_start3A_170 = arith.constant 0 : i32
    %dma_start3A_171 = tpu.memref_slice %arg5[%add3A_25, %add3A_74, %dma_start3A_170] : memref<77x1600x768xf32, #tpu.memory_space<hbm>> -> memref<1x16x768xf32, #tpu.memory_space<hbm>>
    %dma_start3A_172 = tpu.memref_squeeze %dma_start3A_171 : memref<1x16x768xf32, #tpu.memory_space<hbm>> -> memref<16x768xf32, #tpu.memory_space<hbm>>
    %dma_start3A_173 = arith.constant 0 : i32
    %dma_start3A_174 = tpu.memref_slice %arg5[%add3A_25, %add3A_74, %dma_start3A_173] : memref<77x1600x768xf32, #tpu.memory_space<hbm>> -> memref<1x16x768xf32, #tpu.memory_space<hbm>>
    %dma_start3A_175 = tpu.memref_squeeze %dma_start3A_174 : memref<1x16x768xf32, #tpu.memory_space<hbm>> -> memref<16x768xf32, #tpu.memory_space<hbm>>
    tpu.enqueue_dma source(%arg8 : memref<16x768xf32, #tpu.memory_space<vmem>>) target(%dma_start3A_175 : memref<16x768xf32, #tpu.memory_space<hbm>>) target_semaphore(%arg17 : memref<!tpu.dma_semaphore, #tpu.memory_space<semaphore_mem>>)
    %dma_start3A_176 = arith.constant 0 : i32
    %dma_start3A_177 = tpu.memref_slice %arg5[%add3A_25, %add3A_76, %dma_start3A_176] : memref<77x1600x768xf32, #tpu.memory_space<hbm>> -> memref<1x16x768xf32, #tpu.memory_space<hbm>>
    %dma_start3A_178 = tpu.memref_squeeze %dma_start3A_177 : memref<1x16x768xf32, #tpu.memory_space<hbm>> -> memref<16x768xf32, #tpu.memory_space<hbm>>
    %dma_start3A_179 = arith.constant 0 : i32
    %dma_start3A_180 = tpu.memref_slice %arg5[%add3A_25, %add3A_76, %dma_start3A_179] : memref<77x1600x768xf32, #tpu.memory_space<hbm>> -> memref<1x16x768xf32, #tpu.memory_space<hbm>>
    %dma_start3A_181 = tpu.memref_squeeze %dma_start3A_180 : memref<1x16x768xf32, #tpu.memory_space<hbm>> -> memref<16x768xf32, #tpu.memory_space<hbm>>
    tpu.enqueue_dma source(%arg8 : memref<16x768xf32, #tpu.memory_space<vmem>>) target(%dma_start3A_181 : memref<16x768xf32, #tpu.memory_space<hbm>>) target_semaphore(%arg17 : memref<!tpu.dma_semaphore, #tpu.memory_space<semaphore_mem>>)
    %dma_start3A_182 = arith.constant 0 : i32
    %dma_start3A_183 = tpu.memref_slice %arg5[%add3A_25, %add3A_78, %dma_start3A_182] : memref<77x1600x768xf32, #tpu.memory_space<hbm>> -> memref<1x16x768xf32, #tpu.memory_space<hbm>>
    %dma_start3A_184 = tpu.memref_squeeze %dma_start3A_183 : memref<1x16x768xf32, #tpu.memory_space<hbm>> -> memref<16x768xf32, #tpu.memory_space<hbm>>
    %dma_start3A_185 = arith.constant 0 : i32
    %dma_start3A_186 = tpu.memref_slice %arg5[%add3A_25, %add3A_78, %dma_start3A_185] : memref<77x1600x768xf32, #tpu.memory_space<hbm>> -> memref<1x16x768xf32, #tpu.memory_space<hbm>>
    %dma_start3A_187 = tpu.memref_squeeze %dma_start3A_186 : memref<1x16x768xf32, #tpu.memory_space<hbm>> -> memref<16x768xf32, #tpu.memory_space<hbm>>
    tpu.enqueue_dma source(%arg8 : memref<16x768xf32, #tpu.memory_space<vmem>>) target(%dma_start3A_187 : memref<16x768xf32, #tpu.memory_space<hbm>>) target_semaphore(%arg17 : memref<!tpu.dma_semaphore, #tpu.memory_space<semaphore_mem>>)
    %dma_start3A_188 = arith.constant 0 : i32
    %dma_start3A_189 = tpu.memref_slice %arg5[%add3A_25, %add3A_80, %dma_start3A_188] : memref<77x1600x768xf32, #tpu.memory_space<hbm>> -> memref<1x16x768xf32, #tpu.memory_space<hbm>>
    %dma_start3A_190 = tpu.memref_squeeze %dma_start3A_189 : memref<1x16x768xf32, #tpu.memory_space<hbm>> -> memref<16x768xf32, #tpu.memory_space<hbm>>
    %dma_start3A_191 = arith.constant 0 : i32
    %dma_start3A_192 = tpu.memref_slice %arg5[%add3A_25, %add3A_80, %dma_start3A_191] : memref<77x1600x768xf32, #tpu.memory_space<hbm>> -> memref<1x16x768xf32, #tpu.memory_space<hbm>>
    %dma_start3A_193 = tpu.memref_squeeze %dma_start3A_192 : memref<1x16x768xf32, #tpu.memory_space<hbm>> -> memref<16x768xf32, #tpu.memory_space<hbm>>
    tpu.enqueue_dma source(%arg8 : memref<16x768xf32, #tpu.memory_space<vmem>>) target(%dma_start3A_193 : memref<16x768xf32, #tpu.memory_space<hbm>>) target_semaphore(%arg17 : memref<!tpu.dma_semaphore, #tpu.memory_space<semaphore_mem>>)
    %dma_start3A_194 = arith.constant 0 : i32
    %dma_start3A_195 = tpu.memref_slice %arg5[%add3A_25, %add3A_82, %dma_start3A_194] : memref<77x1600x768xf32, #tpu.memory_space<hbm>> -> memref<1x16x768xf32, #tpu.memory_space<hbm>>
    %dma_start3A_196 = tpu.memref_squeeze %dma_start3A_195 : memref<1x16x768xf32, #tpu.memory_space<hbm>> -> memref<16x768xf32, #tpu.memory_space<hbm>>
    %dma_start3A_197 = arith.constant 0 : i32
    %dma_start3A_198 = tpu.memref_slice %arg5[%add3A_25, %add3A_82, %dma_start3A_197] : memref<77x1600x768xf32, #tpu.memory_space<hbm>> -> memref<1x16x768xf32, #tpu.memory_space<hbm>>
    %dma_start3A_199 = tpu.memref_squeeze %dma_start3A_198 : memref<1x16x768xf32, #tpu.memory_space<hbm>> -> memref<16x768xf32, #tpu.memory_space<hbm>>
    tpu.enqueue_dma source(%arg8 : memref<16x768xf32, #tpu.memory_space<vmem>>) target(%dma_start3A_199 : memref<16x768xf32, #tpu.memory_space<hbm>>) target_semaphore(%arg17 : memref<!tpu.dma_semaphore, #tpu.memory_space<semaphore_mem>>)
    %dma_start3A_200 = arith.constant 0 : i32
    %dma_start3A_201 = tpu.memref_slice %arg5[%add3A_25, %add3A_84, %dma_start3A_200] : memref<77x1600x768xf32, #tpu.memory_space<hbm>> -> memref<1x16x768xf32, #tpu.memory_space<hbm>>
    %dma_start3A_202 = tpu.memref_squeeze %dma_start3A_201 : memref<1x16x768xf32, #tpu.memory_space<hbm>> -> memref<16x768xf32, #tpu.memory_space<hbm>>
    %dma_start3A_203 = arith.constant 0 : i32
    %dma_start3A_204 = tpu.memref_slice %arg5[%add3A_25, %add3A_84, %dma_start3A_203] : memref<77x1600x768xf32, #tpu.memory_space<hbm>> -> memref<1x16x768xf32, #tpu.memory_space<hbm>>
    %dma_start3A_205 = tpu.memref_squeeze %dma_start3A_204 : memref<1x16x768xf32, #tpu.memory_space<hbm>> -> memref<16x768xf32, #tpu.memory_space<hbm>>
    tpu.enqueue_dma source(%arg8 : memref<16x768xf32, #tpu.memory_space<vmem>>) target(%dma_start3A_205 : memref<16x768xf32, #tpu.memory_space<hbm>>) target_semaphore(%arg17 : memref<!tpu.dma_semaphore, #tpu.memory_space<semaphore_mem>>)
    %dma_start3A_206 = arith.constant 0 : i32
    %dma_start3A_207 = tpu.memref_slice %arg5[%add3A_25, %add3A_86, %dma_start3A_206] : memref<77x1600x768xf32, #tpu.memory_space<hbm>> -> memref<1x16x768xf32, #tpu.memory_space<hbm>>
    %dma_start3A_208 = tpu.memref_squeeze %dma_start3A_207 : memref<1x16x768xf32, #tpu.memory_space<hbm>> -> memref<16x768xf32, #tpu.memory_space<hbm>>
    %dma_start3A_209 = arith.constant 0 : i32
    %dma_start3A_210 = tpu.memref_slice %arg5[%add3A_25, %add3A_86, %dma_start3A_209] : memref<77x1600x768xf32, #tpu.memory_space<hbm>> -> memref<1x16x768xf32, #tpu.memory_space<hbm>>
    %dma_start3A_211 = tpu.memref_squeeze %dma_start3A_210 : memref<1x16x768xf32, #tpu.memory_space<hbm>> -> memref<16x768xf32, #tpu.memory_space<hbm>>
    tpu.enqueue_dma source(%arg8 : memref<16x768xf32, #tpu.memory_space<vmem>>) target(%dma_start3A_211 : memref<16x768xf32, #tpu.memory_space<hbm>>) target_semaphore(%arg17 : memref<!tpu.dma_semaphore, #tpu.memory_space<semaphore_mem>>)
    %dma_start3A_212 = arith.constant 0 : i32
    %dma_start3A_213 = tpu.memref_slice %arg5[%add3A_25, %add3A_88, %dma_start3A_212] : memref<77x1600x768xf32, #tpu.memory_space<hbm>> -> memref<1x16x768xf32, #tpu.memory_space<hbm>>
    %dma_start3A_214 = tpu.memref_squeeze %dma_start3A_213 : memref<1x16x768xf32, #tpu.memory_space<hbm>> -> memref<16x768xf32, #tpu.memory_space<hbm>>
    %dma_start3A_215 = arith.constant 0 : i32
    %dma_start3A_216 = tpu.memref_slice %arg5[%add3A_25, %add3A_88, %dma_start3A_215] : memref<77x1600x768xf32, #tpu.memory_space<hbm>> -> memref<1x16x768xf32, #tpu.memory_space<hbm>>
    %dma_start3A_217 = tpu.memref_squeeze %dma_start3A_216 : memref<1x16x768xf32, #tpu.memory_space<hbm>> -> memref<16x768xf32, #tpu.memory_space<hbm>>
    tpu.enqueue_dma source(%arg8 : memref<16x768xf32, #tpu.memory_space<vmem>>) target(%dma_start3A_217 : memref<16x768xf32, #tpu.memory_space<hbm>>) target_semaphore(%arg17 : memref<!tpu.dma_semaphore, #tpu.memory_space<semaphore_mem>>)
    %dma_start3A_218 = arith.constant 0 : i32
    %dma_start3A_219 = tpu.memref_slice %arg5[%add3A_25, %add3A_90, %dma_start3A_218] : memref<77x1600x768xf32, #tpu.memory_space<hbm>> -> memref<1x16x768xf32, #tpu.memory_space<hbm>>
    %dma_start3A_220 = tpu.memref_squeeze %dma_start3A_219 : memref<1x16x768xf32, #tpu.memory_space<hbm>> -> memref<16x768xf32, #tpu.memory_space<hbm>>
    %dma_start3A_221 = arith.constant 0 : i32
    %dma_start3A_222 = tpu.memref_slice %arg5[%add3A_25, %add3A_90, %dma_start3A_221] : memref<77x1600x768xf32, #tpu.memory_space<hbm>> -> memref<1x16x768xf32, #tpu.memory_space<hbm>>
    %dma_start3A_223 = tpu.memref_squeeze %dma_start3A_222 : memref<1x16x768xf32, #tpu.memory_space<hbm>> -> memref<16x768xf32, #tpu.memory_space<hbm>>
    tpu.enqueue_dma source(%arg8 : memref<16x768xf32, #tpu.memory_space<vmem>>) target(%dma_start3A_223 : memref<16x768xf32, #tpu.memory_space<hbm>>) target_semaphore(%arg17 : memref<!tpu.dma_semaphore, #tpu.memory_space<semaphore_mem>>)
    %dma_start3A_224 = arith.constant 0 : i32
    %dma_start3A_225 = tpu.memref_slice %arg5[%add3A_25, %add3A_92, %dma_start3A_224] : memref<77x1600x768xf32, #tpu.memory_space<hbm>> -> memref<1x16x768xf32, #tpu.memory_space<hbm>>
    %dma_start3A_226 = tpu.memref_squeeze %dma_start3A_225 : memref<1x16x768xf32, #tpu.memory_space<hbm>> -> memref<16x768xf32, #tpu.memory_space<hbm>>
    %dma_start3A_227 = arith.constant 0 : i32
    %dma_start3A_228 = tpu.memref_slice %arg5[%add3A_25, %add3A_92, %dma_start3A_227] : memref<77x1600x768xf32, #tpu.memory_space<hbm>> -> memref<1x16x768xf32, #tpu.memory_space<hbm>>
    %dma_start3A_229 = tpu.memref_squeeze %dma_start3A_228 : memref<1x16x768xf32, #tpu.memory_space<hbm>> -> memref<16x768xf32, #tpu.memory_space<hbm>>
    tpu.enqueue_dma source(%arg8 : memref<16x768xf32, #tpu.memory_space<vmem>>) target(%dma_start3A_229 : memref<16x768xf32, #tpu.memory_space<hbm>>) target_semaphore(%arg17 : memref<!tpu.dma_semaphore, #tpu.memory_space<semaphore_mem>>)
    %dma_start3A_230 = arith.constant 0 : i32
    %dma_start3A_231 = tpu.memref_slice %arg5[%add3A_25, %add3A_94, %dma_start3A_230] : memref<77x1600x768xf32, #tpu.memory_space<hbm>> -> memref<1x16x768xf32, #tpu.memory_space<hbm>>
    %dma_start3A_232 = tpu.memref_squeeze %dma_start3A_231 : memref<1x16x768xf32, #tpu.memory_space<hbm>> -> memref<16x768xf32, #tpu.memory_space<hbm>>
    %dma_start3A_233 = arith.constant 0 : i32
    %dma_start3A_234 = tpu.memref_slice %arg5[%add3A_25, %add3A_94, %dma_start3A_233] : memref<77x1600x768xf32, #tpu.memory_space<hbm>> -> memref<1x16x768xf32, #tpu.memory_space<hbm>>
    %dma_start3A_235 = tpu.memref_squeeze %dma_start3A_234 : memref<1x16x768xf32, #tpu.memory_space<hbm>> -> memref<16x768xf32, #tpu.memory_space<hbm>>
    tpu.enqueue_dma source(%arg8 : memref<16x768xf32, #tpu.memory_space<vmem>>) target(%dma_start3A_235 : memref<16x768xf32, #tpu.memory_space<hbm>>) target_semaphore(%arg17 : memref<!tpu.dma_semaphore, #tpu.memory_space<semaphore_mem>>)
    %dma_start3A_236 = arith.constant 0 : i32
    %dma_start3A_237 = tpu.memref_slice %arg5[%add3A_25, %add3A_96, %dma_start3A_236] : memref<77x1600x768xf32, #tpu.memory_space<hbm>> -> memref<1x16x768xf32, #tpu.memory_space<hbm>>
    %dma_start3A_238 = tpu.memref_squeeze %dma_start3A_237 : memref<1x16x768xf32, #tpu.memory_space<hbm>> -> memref<16x768xf32, #tpu.memory_space<hbm>>
    %dma_start3A_239 = arith.constant 0 : i32
    %dma_start3A_240 = tpu.memref_slice %arg5[%add3A_25, %add3A_96, %dma_start3A_239] : memref<77x1600x768xf32, #tpu.memory_space<hbm>> -> memref<1x16x768xf32, #tpu.memory_space<hbm>>
    %dma_start3A_241 = tpu.memref_squeeze %dma_start3A_240 : memref<1x16x768xf32, #tpu.memory_space<hbm>> -> memref<16x768xf32, #tpu.memory_space<hbm>>
    tpu.enqueue_dma source(%arg8 : memref<16x768xf32, #tpu.memory_space<vmem>>) target(%dma_start3A_241 : memref<16x768xf32, #tpu.memory_space<hbm>>) target_semaphore(%arg17 : memref<!tpu.dma_semaphore, #tpu.memory_space<semaphore_mem>>)
    %dma_start3A_242 = arith.constant 0 : i32
    %dma_start3A_243 = tpu.memref_slice %arg5[%add3A_25, %add3A_98, %dma_start3A_242] : memref<77x1600x768xf32, #tpu.memory_space<hbm>> -> memref<1x16x768xf32, #tpu.memory_space<hbm>>
    %dma_start3A_244 = tpu.memref_squeeze %dma_start3A_243 : memref<1x16x768xf32, #tpu.memory_space<hbm>> -> memref<16x768xf32, #tpu.memory_space<hbm>>
    %dma_start3A_245 = arith.constant 0 : i32
    %dma_start3A_246 = tpu.memref_slice %arg5[%add3A_25, %add3A_98, %dma_start3A_245] : memref<77x1600x768xf32, #tpu.memory_space<hbm>> -> memref<1x16x768xf32, #tpu.memory_space<hbm>>
    %dma_start3A_247 = tpu.memref_squeeze %dma_start3A_246 : memref<1x16x768xf32, #tpu.memory_space<hbm>> -> memref<16x768xf32, #tpu.memory_space<hbm>>
    tpu.enqueue_dma source(%arg8 : memref<16x768xf32, #tpu.memory_space<vmem>>) target(%dma_start3A_247 : memref<16x768xf32, #tpu.memory_space<hbm>>) target_semaphore(%arg17 : memref<!tpu.dma_semaphore, #tpu.memory_space<semaphore_mem>>)
    %dma_wait3A = arith.constant 0 : i32
    %dma_wait3A_248 = tpu.memref_slice %arg5[%add3A_25, %add3A_50, %dma_wait3A] : memref<77x1600x768xf32, #tpu.memory_space<hbm>> -> memref<1x16x768xf32, #tpu.memory_space<hbm>>
    %dma_wait3A_249 = tpu.memref_squeeze %dma_wait3A_248 : memref<1x16x768xf32, #tpu.memory_space<hbm>> -> memref<16x768xf32, #tpu.memory_space<hbm>>
    %dma_wait3A_250 = arith.constant 0 : i32
    %dma_wait3A_251 = tpu.memref_slice %arg5[%add3A_25, %add3A_50, %dma_wait3A_250] : memref<77x1600x768xf32, #tpu.memory_space<hbm>> -> memref<1x16x768xf32, #tpu.memory_space<hbm>>
    %dma_wait3A_252 = tpu.memref_squeeze %dma_wait3A_251 : memref<1x16x768xf32, #tpu.memory_space<hbm>> -> memref<16x768xf32, #tpu.memory_space<hbm>>
    tpu.wait_dma2 semaphore(%arg17 : memref<!tpu.dma_semaphore, #tpu.memory_space<semaphore_mem>>) src(%arg8 : memref<16x768xf32, #tpu.memory_space<vmem>>) dst(%dma_wait3A_252 : memref<16x768xf32, #tpu.memory_space<hbm>>)
    %dma_wait3A_253 = arith.constant 0 : i32
    %dma_wait3A_254 = tpu.memref_slice %arg5[%add3A_25, %add3A_52, %dma_wait3A_253] : memref<77x1600x768xf32, #tpu.memory_space<hbm>> -> memref<1x16x768xf32, #tpu.memory_space<hbm>>
    %dma_wait3A_255 = tpu.memref_squeeze %dma_wait3A_254 : memref<1x16x768xf32, #tpu.memory_space<hbm>> -> memref<16x768xf32, #tpu.memory_space<hbm>>
    %dma_wait3A_256 = arith.constant 0 : i32
    %dma_wait3A_257 = tpu.memref_slice %arg5[%add3A_25, %add3A_52, %dma_wait3A_256] : memref<77x1600x768xf32, #tpu.memory_space<hbm>> -> memref<1x16x768xf32, #tpu.memory_space<hbm>>
    %dma_wait3A_258 = tpu.memref_squeeze %dma_wait3A_257 : memref<1x16x768xf32, #tpu.memory_space<hbm>> -> memref<16x768xf32, #tpu.memory_space<hbm>>
    tpu.wait_dma2 semaphore(%arg17 : memref<!tpu.dma_semaphore, #tpu.memory_space<semaphore_mem>>) src(%arg8 : memref<16x768xf32, #tpu.memory_space<vmem>>) dst(%dma_wait3A_258 : memref<16x768xf32, #tpu.memory_space<hbm>>)
    %dma_wait3A_259 = arith.constant 0 : i32
    %dma_wait3A_260 = tpu.memref_slice %arg5[%add3A_25, %add3A_54, %dma_wait3A_259] : memref<77x1600x768xf32, #tpu.memory_space<hbm>> -> memref<1x16x768xf32, #tpu.memory_space<hbm>>
    %dma_wait3A_261 = tpu.memref_squeeze %dma_wait3A_260 : memref<1x16x768xf32, #tpu.memory_space<hbm>> -> memref<16x768xf32, #tpu.memory_space<hbm>>
    %dma_wait3A_262 = arith.constant 0 : i32
    %dma_wait3A_263 = tpu.memref_slice %arg5[%add3A_25, %add3A_54, %dma_wait3A_262] : memref<77x1600x768xf32, #tpu.memory_space<hbm>> -> memref<1x16x768xf32, #tpu.memory_space<hbm>>
    %dma_wait3A_264 = tpu.memref_squeeze %dma_wait3A_263 : memref<1x16x768xf32, #tpu.memory_space<hbm>> -> memref<16x768xf32, #tpu.memory_space<hbm>>
    tpu.wait_dma2 semaphore(%arg17 : memref<!tpu.dma_semaphore, #tpu.memory_space<semaphore_mem>>) src(%arg8 : memref<16x768xf32, #tpu.memory_space<vmem>>) dst(%dma_wait3A_264 : memref<16x768xf32, #tpu.memory_space<hbm>>)
    %dma_wait3A_265 = arith.constant 0 : i32
    %dma_wait3A_266 = tpu.memref_slice %arg5[%add3A_25, %add3A_56, %dma_wait3A_265] : memref<77x1600x768xf32, #tpu.memory_space<hbm>> -> memref<1x16x768xf32, #tpu.memory_space<hbm>>
    %dma_wait3A_267 = tpu.memref_squeeze %dma_wait3A_266 : memref<1x16x768xf32, #tpu.memory_space<hbm>> -> memref<16x768xf32, #tpu.memory_space<hbm>>
    %dma_wait3A_268 = arith.constant 0 : i32
    %dma_wait3A_269 = tpu.memref_slice %arg5[%add3A_25, %add3A_56, %dma_wait3A_268] : memref<77x1600x768xf32, #tpu.memory_space<hbm>> -> memref<1x16x768xf32, #tpu.memory_space<hbm>>
    %dma_wait3A_270 = tpu.memref_squeeze %dma_wait3A_269 : memref<1x16x768xf32, #tpu.memory_space<hbm>> -> memref<16x768xf32, #tpu.memory_space<hbm>>
    tpu.wait_dma2 semaphore(%arg17 : memref<!tpu.dma_semaphore, #tpu.memory_space<semaphore_mem>>) src(%arg8 : memref<16x768xf32, #tpu.memory_space<vmem>>) dst(%dma_wait3A_270 : memref<16x768xf32, #tpu.memory_space<hbm>>)
    %dma_wait3A_271 = arith.constant 0 : i32
    %dma_wait3A_272 = tpu.memref_slice %arg5[%add3A_25, %add3A_58, %dma_wait3A_271] : memref<77x1600x768xf32, #tpu.memory_space<hbm>> -> memref<1x16x768xf32, #tpu.memory_space<hbm>>
    %dma_wait3A_273 = tpu.memref_squeeze %dma_wait3A_272 : memref<1x16x768xf32, #tpu.memory_space<hbm>> -> memref<16x768xf32, #tpu.memory_space<hbm>>
    %dma_wait3A_274 = arith.constant 0 : i32
    %dma_wait3A_275 = tpu.memref_slice %arg5[%add3A_25, %add3A_58, %dma_wait3A_274] : memref<77x1600x768xf32, #tpu.memory_space<hbm>> -> memref<1x16x768xf32, #tpu.memory_space<hbm>>
    %dma_wait3A_276 = tpu.memref_squeeze %dma_wait3A_275 : memref<1x16x768xf32, #tpu.memory_space<hbm>> -> memref<16x768xf32, #tpu.memory_space<hbm>>
    tpu.wait_dma2 semaphore(%arg17 : memref<!tpu.dma_semaphore, #tpu.memory_space<semaphore_mem>>) src(%arg8 : memref<16x768xf32, #tpu.memory_space<vmem>>) dst(%dma_wait3A_276 : memref<16x768xf32, #tpu.memory_space<hbm>>)
    %dma_wait3A_277 = arith.constant 0 : i32
    %dma_wait3A_278 = tpu.memref_slice %arg5[%add3A_25, %add3A_60, %dma_wait3A_277] : memref<77x1600x768xf32, #tpu.memory_space<hbm>> -> memref<1x16x768xf32, #tpu.memory_space<hbm>>
    %dma_wait3A_279 = tpu.memref_squeeze %dma_wait3A_278 : memref<1x16x768xf32, #tpu.memory_space<hbm>> -> memref<16x768xf32, #tpu.memory_space<hbm>>
    %dma_wait3A_280 = arith.constant 0 : i32
    %dma_wait3A_281 = tpu.memref_slice %arg5[%add3A_25, %add3A_60, %dma_wait3A_280] : memref<77x1600x768xf32, #tpu.memory_space<hbm>> -> memref<1x16x768xf32, #tpu.memory_space<hbm>>
    %dma_wait3A_282 = tpu.memref_squeeze %dma_wait3A_281 : memref<1x16x768xf32, #tpu.memory_space<hbm>> -> memref<16x768xf32, #tpu.memory_space<hbm>>
    tpu.wait_dma2 semaphore(%arg17 : memref<!tpu.dma_semaphore, #tpu.memory_space<semaphore_mem>>) src(%arg8 : memref<16x768xf32, #tpu.memory_space<vmem>>) dst(%dma_wait3A_282 : memref<16x768xf32, #tpu.memory_space<hbm>>)
    %dma_wait3A_283 = arith.constant 0 : i32
    %dma_wait3A_284 = tpu.memref_slice %arg5[%add3A_25, %add3A_62, %dma_wait3A_283] : memref<77x1600x768xf32, #tpu.memory_space<hbm>> -> memref<1x16x768xf32, #tpu.memory_space<hbm>>
    %dma_wait3A_285 = tpu.memref_squeeze %dma_wait3A_284 : memref<1x16x768xf32, #tpu.memory_space<hbm>> -> memref<16x768xf32, #tpu.memory_space<hbm>>
    %dma_wait3A_286 = arith.constant 0 : i32
    %dma_wait3A_287 = tpu.memref_slice %arg5[%add3A_25, %add3A_62, %dma_wait3A_286] : memref<77x1600x768xf32, #tpu.memory_space<hbm>> -> memref<1x16x768xf32, #tpu.memory_space<hbm>>
    %dma_wait3A_288 = tpu.memref_squeeze %dma_wait3A_287 : memref<1x16x768xf32, #tpu.memory_space<hbm>> -> memref<16x768xf32, #tpu.memory_space<hbm>>
    tpu.wait_dma2 semaphore(%arg17 : memref<!tpu.dma_semaphore, #tpu.memory_space<semaphore_mem>>) src(%arg8 : memref<16x768xf32, #tpu.memory_space<vmem>>) dst(%dma_wait3A_288 : memref<16x768xf32, #tpu.memory_space<hbm>>)
    %dma_wait3A_289 = arith.constant 0 : i32
    %dma_wait3A_290 = tpu.memref_slice %arg5[%add3A_25, %add3A_64, %dma_wait3A_289] : memref<77x1600x768xf32, #tpu.memory_space<hbm>> -> memref<1x16x768xf32, #tpu.memory_space<hbm>>
    %dma_wait3A_291 = tpu.memref_squeeze %dma_wait3A_290 : memref<1x16x768xf32, #tpu.memory_space<hbm>> -> memref<16x768xf32, #tpu.memory_space<hbm>>
    %dma_wait3A_292 = arith.constant 0 : i32
    %dma_wait3A_293 = tpu.memref_slice %arg5[%add3A_25, %add3A_64, %dma_wait3A_292] : memref<77x1600x768xf32, #tpu.memory_space<hbm>> -> memref<1x16x768xf32, #tpu.memory_space<hbm>>
    %dma_wait3A_294 = tpu.memref_squeeze %dma_wait3A_293 : memref<1x16x768xf32, #tpu.memory_space<hbm>> -> memref<16x768xf32, #tpu.memory_space<hbm>>
    tpu.wait_dma2 semaphore(%arg17 : memref<!tpu.dma_semaphore, #tpu.memory_space<semaphore_mem>>) src(%arg8 : memref<16x768xf32, #tpu.memory_space<vmem>>) dst(%dma_wait3A_294 : memref<16x768xf32, #tpu.memory_space<hbm>>)
    %dma_wait3A_295 = arith.constant 0 : i32
    %dma_wait3A_296 = tpu.memref_slice %arg5[%add3A_25, %add3A_66, %dma_wait3A_295] : memref<77x1600x768xf32, #tpu.memory_space<hbm>> -> memref<1x16x768xf32, #tpu.memory_space<hbm>>
    %dma_wait3A_297 = tpu.memref_squeeze %dma_wait3A_296 : memref<1x16x768xf32, #tpu.memory_space<hbm>> -> memref<16x768xf32, #tpu.memory_space<hbm>>
    %dma_wait3A_298 = arith.constant 0 : i32
    %dma_wait3A_299 = tpu.memref_slice %arg5[%add3A_25, %add3A_66, %dma_wait3A_298] : memref<77x1600x768xf32, #tpu.memory_space<hbm>> -> memref<1x16x768xf32, #tpu.memory_space<hbm>>
    %dma_wait3A_300 = tpu.memref_squeeze %dma_wait3A_299 : memref<1x16x768xf32, #tpu.memory_space<hbm>> -> memref<16x768xf32, #tpu.memory_space<hbm>>
    tpu.wait_dma2 semaphore(%arg17 : memref<!tpu.dma_semaphore, #tpu.memory_space<semaphore_mem>>) src(%arg8 : memref<16x768xf32, #tpu.memory_space<vmem>>) dst(%dma_wait3A_300 : memref<16x768xf32, #tpu.memory_space<hbm>>)
    %dma_wait3A_301 = arith.constant 0 : i32
    %dma_wait3A_302 = tpu.memref_slice %arg5[%add3A_25, %add3A_68, %dma_wait3A_301] : memref<77x1600x768xf32, #tpu.memory_space<hbm>> -> memref<1x16x768xf32, #tpu.memory_space<hbm>>
    %dma_wait3A_303 = tpu.memref_squeeze %dma_wait3A_302 : memref<1x16x768xf32, #tpu.memory_space<hbm>> -> memref<16x768xf32, #tpu.memory_space<hbm>>
    %dma_wait3A_304 = arith.constant 0 : i32
    %dma_wait3A_305 = tpu.memref_slice %arg5[%add3A_25, %add3A_68, %dma_wait3A_304] : memref<77x1600x768xf32, #tpu.memory_space<hbm>> -> memref<1x16x768xf32, #tpu.memory_space<hbm>>
    %dma_wait3A_306 = tpu.memref_squeeze %dma_wait3A_305 : memref<1x16x768xf32, #tpu.memory_space<hbm>> -> memref<16x768xf32, #tpu.memory_space<hbm>>
    tpu.wait_dma2 semaphore(%arg17 : memref<!tpu.dma_semaphore, #tpu.memory_space<semaphore_mem>>) src(%arg8 : memref<16x768xf32, #tpu.memory_space<vmem>>) dst(%dma_wait3A_306 : memref<16x768xf32, #tpu.memory_space<hbm>>)
    %dma_wait3A_307 = arith.constant 0 : i32
    %dma_wait3A_308 = tpu.memref_slice %arg5[%add3A_25, %add3A_70, %dma_wait3A_307] : memref<77x1600x768xf32, #tpu.memory_space<hbm>> -> memref<1x16x768xf32, #tpu.memory_space<hbm>>
    %dma_wait3A_309 = tpu.memref_squeeze %dma_wait3A_308 : memref<1x16x768xf32, #tpu.memory_space<hbm>> -> memref<16x768xf32, #tpu.memory_space<hbm>>
    %dma_wait3A_310 = arith.constant 0 : i32
    %dma_wait3A_311 = tpu.memref_slice %arg5[%add3A_25, %add3A_70, %dma_wait3A_310] : memref<77x1600x768xf32, #tpu.memory_space<hbm>> -> memref<1x16x768xf32, #tpu.memory_space<hbm>>
    %dma_wait3A_312 = tpu.memref_squeeze %dma_wait3A_311 : memref<1x16x768xf32, #tpu.memory_space<hbm>> -> memref<16x768xf32, #tpu.memory_space<hbm>>
    tpu.wait_dma2 semaphore(%arg17 : memref<!tpu.dma_semaphore, #tpu.memory_space<semaphore_mem>>) src(%arg8 : memref<16x768xf32, #tpu.memory_space<vmem>>) dst(%dma_wait3A_312 : memref<16x768xf32, #tpu.memory_space<hbm>>)
    %dma_wait3A_313 = arith.constant 0 : i32
    %dma_wait3A_314 = tpu.memref_slice %arg5[%add3A_25, %add3A_72, %dma_wait3A_313] : memref<77x1600x768xf32, #tpu.memory_space<hbm>> -> memref<1x16x768xf32, #tpu.memory_space<hbm>>
    %dma_wait3A_315 = tpu.memref_squeeze %dma_wait3A_314 : memref<1x16x768xf32, #tpu.memory_space<hbm>> -> memref<16x768xf32, #tpu.memory_space<hbm>>
    %dma_wait3A_316 = arith.constant 0 : i32
    %dma_wait3A_317 = tpu.memref_slice %arg5[%add3A_25, %add3A_72, %dma_wait3A_316] : memref<77x1600x768xf32, #tpu.memory_space<hbm>> -> memref<1x16x768xf32, #tpu.memory_space<hbm>>
    %dma_wait3A_318 = tpu.memref_squeeze %dma_wait3A_317 : memref<1x16x768xf32, #tpu.memory_space<hbm>> -> memref<16x768xf32, #tpu.memory_space<hbm>>
    tpu.wait_dma2 semaphore(%arg17 : memref<!tpu.dma_semaphore, #tpu.memory_space<semaphore_mem>>) src(%arg8 : memref<16x768xf32, #tpu.memory_space<vmem>>) dst(%dma_wait3A_318 : memref<16x768xf32, #tpu.memory_space<hbm>>)
    %dma_wait3A_319 = arith.constant 0 : i32
    %dma_wait3A_320 = tpu.memref_slice %arg5[%add3A_25, %add3A_74, %dma_wait3A_319] : memref<77x1600x768xf32, #tpu.memory_space<hbm>> -> memref<1x16x768xf32, #tpu.memory_space<hbm>>
    %dma_wait3A_321 = tpu.memref_squeeze %dma_wait3A_320 : memref<1x16x768xf32, #tpu.memory_space<hbm>> -> memref<16x768xf32, #tpu.memory_space<hbm>>
    %dma_wait3A_322 = arith.constant 0 : i32
    %dma_wait3A_323 = tpu.memref_slice %arg5[%add3A_25, %add3A_74, %dma_wait3A_322] : memref<77x1600x768xf32, #tpu.memory_space<hbm>> -> memref<1x16x768xf32, #tpu.memory_space<hbm>>
    %dma_wait3A_324 = tpu.memref_squeeze %dma_wait3A_323 : memref<1x16x768xf32, #tpu.memory_space<hbm>> -> memref<16x768xf32, #tpu.memory_space<hbm>>
    tpu.wait_dma2 semaphore(%arg17 : memref<!tpu.dma_semaphore, #tpu.memory_space<semaphore_mem>>) src(%arg8 : memref<16x768xf32, #tpu.memory_space<vmem>>) dst(%dma_wait3A_324 : memref<16x768xf32, #tpu.memory_space<hbm>>)
    %dma_wait3A_325 = arith.constant 0 : i32
    %dma_wait3A_326 = tpu.memref_slice %arg5[%add3A_25, %add3A_76, %dma_wait3A_325] : memref<77x1600x768xf32, #tpu.memory_space<hbm>> -> memref<1x16x768xf32, #tpu.memory_space<hbm>>
    %dma_wait3A_327 = tpu.memref_squeeze %dma_wait3A_326 : memref<1x16x768xf32, #tpu.memory_space<hbm>> -> memref<16x768xf32, #tpu.memory_space<hbm>>
    %dma_wait3A_328 = arith.constant 0 : i32
    %dma_wait3A_329 = tpu.memref_slice %arg5[%add3A_25, %add3A_76, %dma_wait3A_328] : memref<77x1600x768xf32, #tpu.memory_space<hbm>> -> memref<1x16x768xf32, #tpu.memory_space<hbm>>
    %dma_wait3A_330 = tpu.memref_squeeze %dma_wait3A_329 : memref<1x16x768xf32, #tpu.memory_space<hbm>> -> memref<16x768xf32, #tpu.memory_space<hbm>>
    tpu.wait_dma2 semaphore(%arg17 : memref<!tpu.dma_semaphore, #tpu.memory_space<semaphore_mem>>) src(%arg8 : memref<16x768xf32, #tpu.memory_space<vmem>>) dst(%dma_wait3A_330 : memref<16x768xf32, #tpu.memory_space<hbm>>)
    %dma_wait3A_331 = arith.constant 0 : i32
    %dma_wait3A_332 = tpu.memref_slice %arg5[%add3A_25, %add3A_78, %dma_wait3A_331] : memref<77x1600x768xf32, #tpu.memory_space<hbm>> -> memref<1x16x768xf32, #tpu.memory_space<hbm>>
    %dma_wait3A_333 = tpu.memref_squeeze %dma_wait3A_332 : memref<1x16x768xf32, #tpu.memory_space<hbm>> -> memref<16x768xf32, #tpu.memory_space<hbm>>
    %dma_wait3A_334 = arith.constant 0 : i32
    %dma_wait3A_335 = tpu.memref_slice %arg5[%add3A_25, %add3A_78, %dma_wait3A_334] : memref<77x1600x768xf32, #tpu.memory_space<hbm>> -> memref<1x16x768xf32, #tpu.memory_space<hbm>>
    %dma_wait3A_336 = tpu.memref_squeeze %dma_wait3A_335 : memref<1x16x768xf32, #tpu.memory_space<hbm>> -> memref<16x768xf32, #tpu.memory_space<hbm>>
    tpu.wait_dma2 semaphore(%arg17 : memref<!tpu.dma_semaphore, #tpu.memory_space<semaphore_mem>>) src(%arg8 : memref<16x768xf32, #tpu.memory_space<vmem>>) dst(%dma_wait3A_336 : memref<16x768xf32, #tpu.memory_space<hbm>>)
    %dma_wait3A_337 = arith.constant 0 : i32
    %dma_wait3A_338 = tpu.memref_slice %arg5[%add3A_25, %add3A_80, %dma_wait3A_337] : memref<77x1600x768xf32, #tpu.memory_space<hbm>> -> memref<1x16x768xf32, #tpu.memory_space<hbm>>
    %dma_wait3A_339 = tpu.memref_squeeze %dma_wait3A_338 : memref<1x16x768xf32, #tpu.memory_space<hbm>> -> memref<16x768xf32, #tpu.memory_space<hbm>>
    %dma_wait3A_340 = arith.constant 0 : i32
    %dma_wait3A_341 = tpu.memref_slice %arg5[%add3A_25, %add3A_80, %dma_wait3A_340] : memref<77x1600x768xf32, #tpu.memory_space<hbm>> -> memref<1x16x768xf32, #tpu.memory_space<hbm>>
    %dma_wait3A_342 = tpu.memref_squeeze %dma_wait3A_341 : memref<1x16x768xf32, #tpu.memory_space<hbm>> -> memref<16x768xf32, #tpu.memory_space<hbm>>
    tpu.wait_dma2 semaphore(%arg17 : memref<!tpu.dma_semaphore, #tpu.memory_space<semaphore_mem>>) src(%arg8 : memref<16x768xf32, #tpu.memory_space<vmem>>) dst(%dma_wait3A_342 : memref<16x768xf32, #tpu.memory_space<hbm>>)
    %dma_wait3A_343 = arith.constant 0 : i32
    %dma_wait3A_344 = tpu.memref_slice %arg5[%add3A_25, %add3A_82, %dma_wait3A_343] : memref<77x1600x768xf32, #tpu.memory_space<hbm>> -> memref<1x16x768xf32, #tpu.memory_space<hbm>>
    %dma_wait3A_345 = tpu.memref_squeeze %dma_wait3A_344 : memref<1x16x768xf32, #tpu.memory_space<hbm>> -> memref<16x768xf32, #tpu.memory_space<hbm>>
    %dma_wait3A_346 = arith.constant 0 : i32
    %dma_wait3A_347 = tpu.memref_slice %arg5[%add3A_25, %add3A_82, %dma_wait3A_346] : memref<77x1600x768xf32, #tpu.memory_space<hbm>> -> memref<1x16x768xf32, #tpu.memory_space<hbm>>
    %dma_wait3A_348 = tpu.memref_squeeze %dma_wait3A_347 : memref<1x16x768xf32, #tpu.memory_space<hbm>> -> memref<16x768xf32, #tpu.memory_space<hbm>>
    tpu.wait_dma2 semaphore(%arg17 : memref<!tpu.dma_semaphore, #tpu.memory_space<semaphore_mem>>) src(%arg8 : memref<16x768xf32, #tpu.memory_space<vmem>>) dst(%dma_wait3A_348 : memref<16x768xf32, #tpu.memory_space<hbm>>)
    %dma_wait3A_349 = arith.constant 0 : i32
    %dma_wait3A_350 = tpu.memref_slice %arg5[%add3A_25, %add3A_84, %dma_wait3A_349] : memref<77x1600x768xf32, #tpu.memory_space<hbm>> -> memref<1x16x768xf32, #tpu.memory_space<hbm>>
    %dma_wait3A_351 = tpu.memref_squeeze %dma_wait3A_350 : memref<1x16x768xf32, #tpu.memory_space<hbm>> -> memref<16x768xf32, #tpu.memory_space<hbm>>
    %dma_wait3A_352 = arith.constant 0 : i32
    %dma_wait3A_353 = tpu.memref_slice %arg5[%add3A_25, %add3A_84, %dma_wait3A_352] : memref<77x1600x768xf32, #tpu.memory_space<hbm>> -> memref<1x16x768xf32, #tpu.memory_space<hbm>>
    %dma_wait3A_354 = tpu.memref_squeeze %dma_wait3A_353 : memref<1x16x768xf32, #tpu.memory_space<hbm>> -> memref<16x768xf32, #tpu.memory_space<hbm>>
    tpu.wait_dma2 semaphore(%arg17 : memref<!tpu.dma_semaphore, #tpu.memory_space<semaphore_mem>>) src(%arg8 : memref<16x768xf32, #tpu.memory_space<vmem>>) dst(%dma_wait3A_354 : memref<16x768xf32, #tpu.memory_space<hbm>>)
    %dma_wait3A_355 = arith.constant 0 : i32
    %dma_wait3A_356 = tpu.memref_slice %arg5[%add3A_25, %add3A_86, %dma_wait3A_355] : memref<77x1600x768xf32, #tpu.memory_space<hbm>> -> memref<1x16x768xf32, #tpu.memory_space<hbm>>
    %dma_wait3A_357 = tpu.memref_squeeze %dma_wait3A_356 : memref<1x16x768xf32, #tpu.memory_space<hbm>> -> memref<16x768xf32, #tpu.memory_space<hbm>>
    %dma_wait3A_358 = arith.constant 0 : i32
    %dma_wait3A_359 = tpu.memref_slice %arg5[%add3A_25, %add3A_86, %dma_wait3A_358] : memref<77x1600x768xf32, #tpu.memory_space<hbm>> -> memref<1x16x768xf32, #tpu.memory_space<hbm>>
    %dma_wait3A_360 = tpu.memref_squeeze %dma_wait3A_359 : memref<1x16x768xf32, #tpu.memory_space<hbm>> -> memref<16x768xf32, #tpu.memory_space<hbm>>
    tpu.wait_dma2 semaphore(%arg17 : memref<!tpu.dma_semaphore, #tpu.memory_space<semaphore_mem>>) src(%arg8 : memref<16x768xf32, #tpu.memory_space<vmem>>) dst(%dma_wait3A_360 : memref<16x768xf32, #tpu.memory_space<hbm>>)
    %dma_wait3A_361 = arith.constant 0 : i32
    %dma_wait3A_362 = tpu.memref_slice %arg5[%add3A_25, %add3A_88, %dma_wait3A_361] : memref<77x1600x768xf32, #tpu.memory_space<hbm>> -> memref<1x16x768xf32, #tpu.memory_space<hbm>>
    %dma_wait3A_363 = tpu.memref_squeeze %dma_wait3A_362 : memref<1x16x768xf32, #tpu.memory_space<hbm>> -> memref<16x768xf32, #tpu.memory_space<hbm>>
    %dma_wait3A_364 = arith.constant 0 : i32
    %dma_wait3A_365 = tpu.memref_slice %arg5[%add3A_25, %add3A_88, %dma_wait3A_364] : memref<77x1600x768xf32, #tpu.memory_space<hbm>> -> memref<1x16x768xf32, #tpu.memory_space<hbm>>
    %dma_wait3A_366 = tpu.memref_squeeze %dma_wait3A_365 : memref<1x16x768xf32, #tpu.memory_space<hbm>> -> memref<16x768xf32, #tpu.memory_space<hbm>>
    tpu.wait_dma2 semaphore(%arg17 : memref<!tpu.dma_semaphore, #tpu.memory_space<semaphore_mem>>) src(%arg8 : memref<16x768xf32, #tpu.memory_space<vmem>>) dst(%dma_wait3A_366 : memref<16x768xf32, #tpu.memory_space<hbm>>)
    %dma_wait3A_367 = arith.constant 0 : i32
    %dma_wait3A_368 = tpu.memref_slice %arg5[%add3A_25, %add3A_90, %dma_wait3A_367] : memref<77x1600x768xf32, #tpu.memory_space<hbm>> -> memref<1x16x768xf32, #tpu.memory_space<hbm>>
    %dma_wait3A_369 = tpu.memref_squeeze %dma_wait3A_368 : memref<1x16x768xf32, #tpu.memory_space<hbm>> -> memref<16x768xf32, #tpu.memory_space<hbm>>
    %dma_wait3A_370 = arith.constant 0 : i32
    %dma_wait3A_371 = tpu.memref_slice %arg5[%add3A_25, %add3A_90, %dma_wait3A_370] : memref<77x1600x768xf32, #tpu.memory_space<hbm>> -> memref<1x16x768xf32, #tpu.memory_space<hbm>>
    %dma_wait3A_372 = tpu.memref_squeeze %dma_wait3A_371 : memref<1x16x768xf32, #tpu.memory_space<hbm>> -> memref<16x768xf32, #tpu.memory_space<hbm>>
    tpu.wait_dma2 semaphore(%arg17 : memref<!tpu.dma_semaphore, #tpu.memory_space<semaphore_mem>>) src(%arg8 : memref<16x768xf32, #tpu.memory_space<vmem>>) dst(%dma_wait3A_372 : memref<16x768xf32, #tpu.memory_space<hbm>>)
    %dma_wait3A_373 = arith.constant 0 : i32
    %dma_wait3A_374 = tpu.memref_slice %arg5[%add3A_25, %add3A_92, %dma_wait3A_373] : memref<77x1600x768xf32, #tpu.memory_space<hbm>> -> memref<1x16x768xf32, #tpu.memory_space<hbm>>
    %dma_wait3A_375 = tpu.memref_squeeze %dma_wait3A_374 : memref<1x16x768xf32, #tpu.memory_space<hbm>> -> memref<16x768xf32, #tpu.memory_space<hbm>>
    %dma_wait3A_376 = arith.constant 0 : i32
    %dma_wait3A_377 = tpu.memref_slice %arg5[%add3A_25, %add3A_92, %dma_wait3A_376] : memref<77x1600x768xf32, #tpu.memory_space<hbm>> -> memref<1x16x768xf32, #tpu.memory_space<hbm>>
    %dma_wait3A_378 = tpu.memref_squeeze %dma_wait3A_377 : memref<1x16x768xf32, #tpu.memory_space<hbm>> -> memref<16x768xf32, #tpu.memory_space<hbm>>
    tpu.wait_dma2 semaphore(%arg17 : memref<!tpu.dma_semaphore, #tpu.memory_space<semaphore_mem>>) src(%arg8 : memref<16x768xf32, #tpu.memory_space<vmem>>) dst(%dma_wait3A_378 : memref<16x768xf32, #tpu.memory_space<hbm>>)
    %dma_wait3A_379 = arith.constant 0 : i32
    %dma_wait3A_380 = tpu.memref_slice %arg5[%add3A_25, %add3A_94, %dma_wait3A_379] : memref<77x1600x768xf32, #tpu.memory_space<hbm>> -> memref<1x16x768xf32, #tpu.memory_space<hbm>>
    %dma_wait3A_381 = tpu.memref_squeeze %dma_wait3A_380 : memref<1x16x768xf32, #tpu.memory_space<hbm>> -> memref<16x768xf32, #tpu.memory_space<hbm>>
    %dma_wait3A_382 = arith.constant 0 : i32
    %dma_wait3A_383 = tpu.memref_slice %arg5[%add3A_25, %add3A_94, %dma_wait3A_382] : memref<77x1600x768xf32, #tpu.memory_space<hbm>> -> memref<1x16x768xf32, #tpu.memory_space<hbm>>
    %dma_wait3A_384 = tpu.memref_squeeze %dma_wait3A_383 : memref<1x16x768xf32, #tpu.memory_space<hbm>> -> memref<16x768xf32, #tpu.memory_space<hbm>>
    tpu.wait_dma2 semaphore(%arg17 : memref<!tpu.dma_semaphore, #tpu.memory_space<semaphore_mem>>) src(%arg8 : memref<16x768xf32, #tpu.memory_space<vmem>>) dst(%dma_wait3A_384 : memref<16x768xf32, #tpu.memory_space<hbm>>)
    %dma_wait3A_385 = arith.constant 0 : i32
    %dma_wait3A_386 = tpu.memref_slice %arg5[%add3A_25, %add3A_96, %dma_wait3A_385] : memref<77x1600x768xf32, #tpu.memory_space<hbm>> -> memref<1x16x768xf32, #tpu.memory_space<hbm>>
    %dma_wait3A_387 = tpu.memref_squeeze %dma_wait3A_386 : memref<1x16x768xf32, #tpu.memory_space<hbm>> -> memref<16x768xf32, #tpu.memory_space<hbm>>
    %dma_wait3A_388 = arith.constant 0 : i32
    %dma_wait3A_389 = tpu.memref_slice %arg5[%add3A_25, %add3A_96, %dma_wait3A_388] : memref<77x1600x768xf32, #tpu.memory_space<hbm>> -> memref<1x16x768xf32, #tpu.memory_space<hbm>>
    %dma_wait3A_390 = tpu.memref_squeeze %dma_wait3A_389 : memref<1x16x768xf32, #tpu.memory_space<hbm>> -> memref<16x768xf32, #tpu.memory_space<hbm>>
    tpu.wait_dma2 semaphore(%arg17 : memref<!tpu.dma_semaphore, #tpu.memory_space<semaphore_mem>>) src(%arg8 : memref<16x768xf32, #tpu.memory_space<vmem>>) dst(%dma_wait3A_390 : memref<16x768xf32, #tpu.memory_space<hbm>>)
    %dma_wait3A_391 = arith.constant 0 : i32
    %dma_wait3A_392 = tpu.memref_slice %arg5[%add3A_25, %add3A_98, %dma_wait3A_391] : memref<77x1600x768xf32, #tpu.memory_space<hbm>> -> memref<1x16x768xf32, #tpu.memory_space<hbm>>
    %dma_wait3A_393 = tpu.memref_squeeze %dma_wait3A_392 : memref<1x16x768xf32, #tpu.memory_space<hbm>> -> memref<16x768xf32, #tpu.memory_space<hbm>>
    %dma_wait3A_394 = arith.constant 0 : i32
    %dma_wait3A_395 = tpu.memref_slice %arg5[%add3A_25, %add3A_98, %dma_wait3A_394] : memref<77x1600x768xf32, #tpu.memory_space<hbm>> -> memref<1x16x768xf32, #tpu.memory_space<hbm>>
    %dma_wait3A_396 = tpu.memref_squeeze %dma_wait3A_395 : memref<1x16x768xf32, #tpu.memory_space<hbm>> -> memref<16x768xf32, #tpu.memory_space<hbm>>
    tpu.wait_dma2 semaphore(%arg17 : memref<!tpu.dma_semaphore, #tpu.memory_space<semaphore_mem>>) src(%arg8 : memref<16x768xf32, #tpu.memory_space<vmem>>) dst(%dma_wait3A_396 : memref<16x768xf32, #tpu.memory_space<hbm>>)
    %broadcast_in_dim3A = arith.constant 1 : i32
    %broadcast_in_dim3A_397 = vector.broadcast %broadcast_in_dim3A : i32 to vector<16xi32>
    %ge3A = arith.constant 26 : i32
    %ge3A_398 = arith.cmpi sge, %add3A, %ge3A : i32
    %lt3A_399 = arith.constant 32 : i32
    %lt3A_400 = arith.cmpi slt, %add3A, %lt3A_399 : i32
    %and3A_401 = arith.andi %ge3A_398, %lt3A_400 : i1
    %convert_element_type3A_402 = arith.extui %and3A_401 : i1 to i32
    %cond3A_403 = arith.constant 0 : i32
    %cond3A_404 = arith.cmpi ne, %convert_element_type3A_402, %cond3A_403 : i32
    scf.if %cond3A_404 {
      %scan3A_410 = arith.constant 0 : i32
      %scan3A_411 = arith.constant 0 : i32
      %scan3A_412 = arith.constant 2 : i32
      %scan3A_413 = arith.addi %scan3A_411, %scan3A_412 : i32
      %scan3A_414 = arith.constant 1 : i32
      scf.for %scan3A_416 = %scan3A_411 to %scan3A_413 step %scan3A_414  : i32 {
        %sub3A_417 = arith.constant 26 : i32
        %sub3A_418 = arith.subi %add3A, %sub3A_417 : i32
        %mul3A_419 = arith.constant 6 : i32
        %mul3A_420 = arith.muli %mul3A_419, %scan3A_416 : i32
        %add3A_421 = arith.addi %sub3A_418, %mul3A_420 : i32
        %mul3A_422 = arith.constant 128 : i32
        %mul3A_423 = arith.muli %mul3A_422, %add3A_421 : i32
        %dma_start3A_424 = arith.constant 0 : i32
        %dma_start3A_425 = arith.constant 0 : i32
        %dma_start3A_426 = tpu.memref_slice %arg9[%dma_start3A_424, %dma_start3A_425] : memref<77x192xi32, #tpu.memory_space<vmem>> -> memref<77x128xi32, #tpu.memory_space<vmem>>
        %dma_start3A_427 = arith.constant 0 : i32
        %dma_start3A_428 = tpu.memref_slice %arg4[%dma_start3A_427, %mul3A_423] : memref<77x1600xi32, #tpu.memory_space<hbm>> -> memref<77x128xi32, #tpu.memory_space<hbm>>
        %dma_start3A_429 = arith.constant 0 : i32
        %dma_start3A_430 = arith.constant 0 : i32
        %dma_start3A_431 = tpu.memref_slice %arg9[%dma_start3A_429, %dma_start3A_430] : memref<77x192xi32, #tpu.memory_space<vmem>> -> memref<77x128xi32, #tpu.memory_space<vmem>>
        %dma_start3A_432 = arith.constant 0 : i32
        %dma_start3A_433 = tpu.memref_slice %arg4[%dma_start3A_432, %mul3A_423] : memref<77x1600xi32, #tpu.memory_space<hbm>> -> memref<77x128xi32, #tpu.memory_space<hbm>>
        tpu.enqueue_dma source(%dma_start3A_433 : memref<77x128xi32, #tpu.memory_space<hbm>>) target(%dma_start3A_431 : memref<77x128xi32, #tpu.memory_space<vmem>>) target_semaphore(%arg18 : memref<!tpu.dma_semaphore, #tpu.memory_space<semaphore_mem>>)
        %dma_wait3A_434 = arith.constant 0 : i32
        %dma_wait3A_435 = arith.constant 0 : i32
        %dma_wait3A_436 = tpu.memref_slice %arg9[%dma_wait3A_434, %dma_wait3A_435] : memref<77x192xi32, #tpu.memory_space<vmem>> -> memref<77x128xi32, #tpu.memory_space<vmem>>
        %dma_wait3A_437 = arith.constant 0 : i32
        %dma_wait3A_438 = tpu.memref_slice %arg4[%dma_wait3A_437, %mul3A_423] : memref<77x1600xi32, #tpu.memory_space<hbm>> -> memref<77x128xi32, #tpu.memory_space<hbm>>
        %dma_wait3A_439 = arith.constant 0 : i32
        %dma_wait3A_440 = arith.constant 0 : i32
        %dma_wait3A_441 = tpu.memref_slice %arg9[%dma_wait3A_439, %dma_wait3A_440] : memref<77x192xi32, #tpu.memory_space<vmem>> -> memref<77x128xi32, #tpu.memory_space<vmem>>
        %dma_wait3A_442 = arith.constant 0 : i32
        %dma_wait3A_443 = tpu.memref_slice %arg4[%dma_wait3A_442, %mul3A_423] : memref<77x1600xi32, #tpu.memory_space<hbm>> -> memref<77x128xi32, #tpu.memory_space<hbm>>
        tpu.wait_dma2 semaphore(%arg18 : memref<!tpu.dma_semaphore, #tpu.memory_space<semaphore_mem>>) src(%dma_wait3A_443 : memref<77x128xi32, #tpu.memory_space<hbm>>) dst(%dma_wait3A_441 : memref<77x128xi32, #tpu.memory_space<vmem>>)
        %scan3A_444 = arith.constant 0 : i32
        %scan3A_445 = arith.constant 0 : i32
        %scan3A_446 = arith.constant 68 : i32
        %scan3A_447 = arith.addi %scan3A_445, %scan3A_446 : i32
        %scan3A_448 = arith.constant 1 : i32
        scf.for %scan3A_853 = %scan3A_445 to %scan3A_447 step %scan3A_448  : i32 {
          %sub3A_854 = arith.constant 76 : i32
          %sub3A_855 = arith.subi %sub3A_854, %scan3A_853 : i32
          %sub3A_856 = arith.constant 8 : i32
          %sub3A_857 = arith.subi %sub3A_855, %sub3A_856 : i32
          %get3A = arith.index_cast %sub3A_857 : i32 to index
          %get3A_858 = arith.constant 0 : index
          %get3A_859 = tpu.vector_load %arg9[%get3A, %get3A_858] {strides = array<i32>} : memref<77x192xi32, #tpu.memory_space<vmem>>, vector<1x16xi32>,
          %get3A_860 = vector.shape_cast %get3A_859 : vector<1x16xi32> to vector<16xi32>
          %swap3A_861 = arith.index_cast %sub3A_855 : i32 to index
          %swap3A_862 = arith.constant 0 : index
          %swap3A_863 = tpu.vector_load %arg9[%swap3A_861, %swap3A_862] {strides = array<i32>} : memref<77x192xi32, #tpu.memory_space<vmem>>, vector<1x16xi32>,
          %swap3A_864 = vector.shape_cast %swap3A_863 : vector<1x16xi32> to vector<16xi32>
          %swap3A_865 = vector.shape_cast %get3A_860 : vector<16xi32> to vector<1x16xi32>
          tpu.vector_store %arg9[%swap3A_861, %swap3A_862], %swap3A_865 {strides = array<i32>} : memref<77x192xi32, #tpu.memory_space<vmem>>, vector<1x16xi32>,
          %sub3A_866 = arith.constant 8 : i32
          %sub3A_867 = arith.subi %sub3A_855, %sub3A_866 : i32
          %get3A_868 = arith.index_cast %sub3A_867 : i32 to index
          %get3A_869 = arith.constant 16 : index
          %get3A_870 = tpu.vector_load %arg9[%get3A_868, %get3A_869] {strides = array<i32>} : memref<77x192xi32, #tpu.memory_space<vmem>>, vector<1x16xi32>,
          %get3A_871 = vector.shape_cast %get3A_870 : vector<1x16xi32> to vector<16xi32>
          %swap3A_872 = arith.index_cast %sub3A_855 : i32 to index
          %swap3A_873 = arith.constant 16 : index
          %swap3A_874 = tpu.vector_load %arg9[%swap3A_872, %swap3A_873] {strides = array<i32>} : memref<77x192xi32, #tpu.memory_space<vmem>>, vector<1x16xi32>,
          %swap3A_875 = vector.shape_cast %swap3A_874 : vector<1x16xi32> to vector<16xi32>
          %swap3A_876 = vector.shape_cast %get3A_871 : vector<16xi32> to vector<1x16xi32>
          tpu.vector_store %arg9[%swap3A_872, %swap3A_873], %swap3A_876 {strides = array<i32>} : memref<77x192xi32, #tpu.memory_space<vmem>>, vector<1x16xi32>,
          %sub3A_877 = arith.constant 8 : i32
          %sub3A_878 = arith.subi %sub3A_855, %sub3A_877 : i32
          %get3A_879 = arith.index_cast %sub3A_878 : i32 to index
          %get3A_880 = arith.constant 32 : index
          %get3A_881 = tpu.vector_load %arg9[%get3A_879, %get3A_880] {strides = array<i32>} : memref<77x192xi32, #tpu.memory_space<vmem>>, vector<1x16xi32>,
          %get3A_882 = vector.shape_cast %get3A_881 : vector<1x16xi32> to vector<16xi32>
          %swap3A_883 = arith.index_cast %sub3A_855 : i32 to index
          %swap3A_884 = arith.constant 32 : index
          %swap3A_885 = tpu.vector_load %arg9[%swap3A_883, %swap3A_884] {strides = array<i32>} : memref<77x192xi32, #tpu.memory_space<vmem>>, vector<1x16xi32>,
          %swap3A_886 = vector.shape_cast %swap3A_885 : vector<1x16xi32> to vector<16xi32>
          %swap3A_887 = vector.shape_cast %get3A_882 : vector<16xi32> to vector<1x16xi32>
          tpu.vector_store %arg9[%swap3A_883, %swap3A_884], %swap3A_887 {strides = array<i32>} : memref<77x192xi32, #tpu.memory_space<vmem>>, vector<1x16xi32>,
          %sub3A_888 = arith.constant 8 : i32
          %sub3A_889 = arith.subi %sub3A_855, %sub3A_888 : i32
          %get3A_890 = arith.index_cast %sub3A_889 : i32 to index
          %get3A_891 = arith.constant 48 : index
          %get3A_892 = tpu.vector_load %arg9[%get3A_890, %get3A_891] {strides = array<i32>} : memref<77x192xi32, #tpu.memory_space<vmem>>, vector<1x16xi32>,
          %get3A_893 = vector.shape_cast %get3A_892 : vector<1x16xi32> to vector<16xi32>
          %swap3A_894 = arith.index_cast %sub3A_855 : i32 to index
          %swap3A_895 = arith.constant 48 : index
          %swap3A_896 = tpu.vector_load %arg9[%swap3A_894, %swap3A_895] {strides = array<i32>} : memref<77x192xi32, #tpu.memory_space<vmem>>, vector<1x16xi32>,
          %swap3A_897 = vector.shape_cast %swap3A_896 : vector<1x16xi32> to vector<16xi32>
          %swap3A_898 = vector.shape_cast %get3A_893 : vector<16xi32> to vector<1x16xi32>
          tpu.vector_store %arg9[%swap3A_894, %swap3A_895], %swap3A_898 {strides = array<i32>} : memref<77x192xi32, #tpu.memory_space<vmem>>, vector<1x16xi32>,
          %sub3A_899 = arith.constant 8 : i32
          %sub3A_900 = arith.subi %sub3A_855, %sub3A_899 : i32
          %get3A_901 = arith.index_cast %sub3A_900 : i32 to index
          %get3A_902 = arith.constant 64 : index
          %get3A_903 = tpu.vector_load %arg9[%get3A_901, %get3A_902] {strides = array<i32>} : memref<77x192xi32, #tpu.memory_space<vmem>>, vector<1x16xi32>,
          %get3A_904 = vector.shape_cast %get3A_903 : vector<1x16xi32> to vector<16xi32>
          %swap3A_905 = arith.index_cast %sub3A_855 : i32 to index
          %swap3A_906 = arith.constant 64 : index
          %swap3A_907 = tpu.vector_load %arg9[%swap3A_905, %swap3A_906] {strides = array<i32>} : memref<77x192xi32, #tpu.memory_space<vmem>>, vector<1x16xi32>,
          %swap3A_908 = vector.shape_cast %swap3A_907 : vector<1x16xi32> to vector<16xi32>
          %swap3A_909 = vector.shape_cast %get3A_904 : vector<16xi32> to vector<1x16xi32>
          tpu.vector_store %arg9[%swap3A_905, %swap3A_906], %swap3A_909 {strides = array<i32>} : memref<77x192xi32, #tpu.memory_space<vmem>>, vector<1x16xi32>,
          %sub3A_910 = arith.constant 8 : i32
          %sub3A_911 = arith.subi %sub3A_855, %sub3A_910 : i32
          %get3A_912 = arith.index_cast %sub3A_911 : i32 to index
          %get3A_913 = arith.constant 80 : index
          %get3A_914 = tpu.vector_load %arg9[%get3A_912, %get3A_913] {strides = array<i32>} : memref<77x192xi32, #tpu.memory_space<vmem>>, vector<1x16xi32>,
          %get3A_915 = vector.shape_cast %get3A_914 : vector<1x16xi32> to vector<16xi32>
          %swap3A_916 = arith.index_cast %sub3A_855 : i32 to index
          %swap3A_917 = arith.constant 80 : index
          %swap3A_918 = tpu.vector_load %arg9[%swap3A_916, %swap3A_917] {strides = array<i32>} : memref<77x192xi32, #tpu.memory_space<vmem>>, vector<1x16xi32>,
          %swap3A_919 = vector.shape_cast %swap3A_918 : vector<1x16xi32> to vector<16xi32>
          %swap3A_920 = vector.shape_cast %get3A_915 : vector<16xi32> to vector<1x16xi32>
          tpu.vector_store %arg9[%swap3A_916, %swap3A_917], %swap3A_920 {strides = array<i32>} : memref<77x192xi32, #tpu.memory_space<vmem>>, vector<1x16xi32>,
          %sub3A_921 = arith.constant 8 : i32
          %sub3A_922 = arith.subi %sub3A_855, %sub3A_921 : i32
          %get3A_923 = arith.index_cast %sub3A_922 : i32 to index
          %get3A_924 = arith.constant 96 : index
          %get3A_925 = tpu.vector_load %arg9[%get3A_923, %get3A_924] {strides = array<i32>} : memref<77x192xi32, #tpu.memory_space<vmem>>, vector<1x16xi32>,
          %get3A_926 = vector.shape_cast %get3A_925 : vector<1x16xi32> to vector<16xi32>
          %swap3A_927 = arith.index_cast %sub3A_855 : i32 to index
          %swap3A_928 = arith.constant 96 : index
          %swap3A_929 = tpu.vector_load %arg9[%swap3A_927, %swap3A_928] {strides = array<i32>} : memref<77x192xi32, #tpu.memory_space<vmem>>, vector<1x16xi32>,
          %swap3A_930 = vector.shape_cast %swap3A_929 : vector<1x16xi32> to vector<16xi32>
          %swap3A_931 = vector.shape_cast %get3A_926 : vector<16xi32> to vector<1x16xi32>
          tpu.vector_store %arg9[%swap3A_927, %swap3A_928], %swap3A_931 {strides = array<i32>} : memref<77x192xi32, #tpu.memory_space<vmem>>, vector<1x16xi32>,
          %sub3A_932 = arith.constant 8 : i32
          %sub3A_933 = arith.subi %sub3A_855, %sub3A_932 : i32
          %get3A_934 = arith.index_cast %sub3A_933 : i32 to index
          %get3A_935 = arith.constant 112 : index
          %get3A_936 = tpu.vector_load %arg9[%get3A_934, %get3A_935] {strides = array<i32>} : memref<77x192xi32, #tpu.memory_space<vmem>>, vector<1x16xi32>,
          %get3A_937 = vector.shape_cast %get3A_936 : vector<1x16xi32> to vector<16xi32>
          %swap3A_938 = arith.index_cast %sub3A_855 : i32 to index
          %swap3A_939 = arith.constant 112 : index
          %swap3A_940 = tpu.vector_load %arg9[%swap3A_938, %swap3A_939] {strides = array<i32>} : memref<77x192xi32, #tpu.memory_space<vmem>>, vector<1x16xi32>,
          %swap3A_941 = vector.shape_cast %swap3A_940 : vector<1x16xi32> to vector<16xi32>
          %swap3A_942 = vector.shape_cast %get3A_937 : vector<16xi32> to vector<1x16xi32>
          tpu.vector_store %arg9[%swap3A_938, %swap3A_939], %swap3A_942 {strides = array<i32>} : memref<77x192xi32, #tpu.memory_space<vmem>>, vector<1x16xi32>,
        }
        %scan3A_449 = arith.constant 68 : i32
        %swap3A = arith.constant 1 : i32
        %swap3A_450 = arith.index_cast %swap3A : i32 to index
        %swap3A_451 = arith.constant 0 : index
        %swap3A_452 = tpu.vector_load %arg9[%swap3A_450, %swap3A_451] {strides = array<i32>} : memref<77x192xi32, #tpu.memory_space<vmem>>, vector<1x16xi32>,
        %swap3A_453 = vector.shape_cast %swap3A_452 : vector<1x16xi32> to vector<16xi32>
        %swap3A_454 = vector.shape_cast %broadcast_in_dim3A_397 : vector<16xi32> to vector<1x16xi32>
        tpu.vector_store %arg9[%swap3A_450, %swap3A_451], %swap3A_454 {strides = array<i32>} : memref<77x192xi32, #tpu.memory_space<vmem>>, vector<1x16xi32>,
        %swap3A_455 = arith.constant 1 : i32
        %swap3A_456 = arith.index_cast %swap3A_455 : i32 to index
        %swap3A_457 = arith.constant 16 : index
        %swap3A_458 = tpu.vector_load %arg9[%swap3A_456, %swap3A_457] {strides = array<i32>} : memref<77x192xi32, #tpu.memory_space<vmem>>, vector<1x16xi32>,
        %swap3A_459 = vector.shape_cast %swap3A_458 : vector<1x16xi32> to vector<16xi32>
        %swap3A_460 = vector.shape_cast %broadcast_in_dim3A_397 : vector<16xi32> to vector<1x16xi32>
        tpu.vector_store %arg9[%swap3A_456, %swap3A_457], %swap3A_460 {strides = array<i32>} : memref<77x192xi32, #tpu.memory_space<vmem>>, vector<1x16xi32>,
        %swap3A_461 = arith.constant 1 : i32
        %swap3A_462 = arith.index_cast %swap3A_461 : i32 to index
        %swap3A_463 = arith.constant 32 : index
        %swap3A_464 = tpu.vector_load %arg9[%swap3A_462, %swap3A_463] {strides = array<i32>} : memref<77x192xi32, #tpu.memory_space<vmem>>, vector<1x16xi32>,
        %swap3A_465 = vector.shape_cast %swap3A_464 : vector<1x16xi32> to vector<16xi32>
        %swap3A_466 = vector.shape_cast %broadcast_in_dim3A_397 : vector<16xi32> to vector<1x16xi32>
        tpu.vector_store %arg9[%swap3A_462, %swap3A_463], %swap3A_466 {strides = array<i32>} : memref<77x192xi32, #tpu.memory_space<vmem>>, vector<1x16xi32>,
        %swap3A_467 = arith.constant 1 : i32
        %swap3A_468 = arith.index_cast %swap3A_467 : i32 to index
        %swap3A_469 = arith.constant 48 : index
        %swap3A_470 = tpu.vector_load %arg9[%swap3A_468, %swap3A_469] {strides = array<i32>} : memref<77x192xi32, #tpu.memory_space<vmem>>, vector<1x16xi32>,
        %swap3A_471 = vector.shape_cast %swap3A_470 : vector<1x16xi32> to vector<16xi32>
        %swap3A_472 = vector.shape_cast %broadcast_in_dim3A_397 : vector<16xi32> to vector<1x16xi32>
        tpu.vector_store %arg9[%swap3A_468, %swap3A_469], %swap3A_472 {strides = array<i32>} : memref<77x192xi32, #tpu.memory_space<vmem>>, vector<1x16xi32>,
        %swap3A_473 = arith.constant 1 : i32
        %swap3A_474 = arith.index_cast %swap3A_473 : i32 to index
        %swap3A_475 = arith.constant 64 : index
        %swap3A_476 = tpu.vector_load %arg9[%swap3A_474, %swap3A_475] {strides = array<i32>} : memref<77x192xi32, #tpu.memory_space<vmem>>, vector<1x16xi32>,
        %swap3A_477 = vector.shape_cast %swap3A_476 : vector<1x16xi32> to vector<16xi32>
        %swap3A_478 = vector.shape_cast %broadcast_in_dim3A_397 : vector<16xi32> to vector<1x16xi32>
        tpu.vector_store %arg9[%swap3A_474, %swap3A_475], %swap3A_478 {strides = array<i32>} : memref<77x192xi32, #tpu.memory_space<vmem>>, vector<1x16xi32>,
        %swap3A_479 = arith.constant 1 : i32
        %swap3A_480 = arith.index_cast %swap3A_479 : i32 to index
        %swap3A_481 = arith.constant 80 : index
        %swap3A_482 = tpu.vector_load %arg9[%swap3A_480, %swap3A_481] {strides = array<i32>} : memref<77x192xi32, #tpu.memory_space<vmem>>, vector<1x16xi32>,
        %swap3A_483 = vector.shape_cast %swap3A_482 : vector<1x16xi32> to vector<16xi32>
        %swap3A_484 = vector.shape_cast %broadcast_in_dim3A_397 : vector<16xi32> to vector<1x16xi32>
        tpu.vector_store %arg9[%swap3A_480, %swap3A_481], %swap3A_484 {strides = array<i32>} : memref<77x192xi32, #tpu.memory_space<vmem>>, vector<1x16xi32>,
        %swap3A_485 = arith.constant 1 : i32
        %swap3A_486 = arith.index_cast %swap3A_485 : i32 to index
        %swap3A_487 = arith.constant 96 : index
        %swap3A_488 = tpu.vector_load %arg9[%swap3A_486, %swap3A_487] {strides = array<i32>} : memref<77x192xi32, #tpu.memory_space<vmem>>, vector<1x16xi32>,
        %swap3A_489 = vector.shape_cast %swap3A_488 : vector<1x16xi32> to vector<16xi32>
        %swap3A_490 = vector.shape_cast %broadcast_in_dim3A_397 : vector<16xi32> to vector<1x16xi32>
        tpu.vector_store %arg9[%swap3A_486, %swap3A_487], %swap3A_490 {strides = array<i32>} : memref<77x192xi32, #tpu.memory_space<vmem>>, vector<1x16xi32>,
        %swap3A_491 = arith.constant 1 : i32
        %swap3A_492 = arith.index_cast %swap3A_491 : i32 to index
        %swap3A_493 = arith.constant 112 : index
        %swap3A_494 = tpu.vector_load %arg9[%swap3A_492, %swap3A_493] {strides = array<i32>} : memref<77x192xi32, #tpu.memory_space<vmem>>, vector<1x16xi32>,
        %swap3A_495 = vector.shape_cast %swap3A_494 : vector<1x16xi32> to vector<16xi32>
        %swap3A_496 = vector.shape_cast %broadcast_in_dim3A_397 : vector<16xi32> to vector<1x16xi32>
        tpu.vector_store %arg9[%swap3A_492, %swap3A_493], %swap3A_496 {strides = array<i32>} : memref<77x192xi32, #tpu.memory_space<vmem>>, vector<1x16xi32>,
        %swap3A_497 = arith.constant 2 : i32
        %swap3A_498 = arith.index_cast %swap3A_497 : i32 to index
        %swap3A_499 = arith.constant 0 : index
        %swap3A_500 = tpu.vector_load %arg9[%swap3A_498, %swap3A_499] {strides = array<i32>} : memref<77x192xi32, #tpu.memory_space<vmem>>, vector<1x16xi32>,
        %swap3A_501 = vector.shape_cast %swap3A_500 : vector<1x16xi32> to vector<16xi32>
        %swap3A_502 = vector.shape_cast %broadcast_in_dim3A_397 : vector<16xi32> to vector<1x16xi32>
        tpu.vector_store %arg9[%swap3A_498, %swap3A_499], %swap3A_502 {strides = array<i32>} : memref<77x192xi32, #tpu.memory_space<vmem>>, vector<1x16xi32>,
        %swap3A_503 = arith.constant 2 : i32
        %swap3A_504 = arith.index_cast %swap3A_503 : i32 to index
        %swap3A_505 = arith.constant 16 : index
        %swap3A_506 = tpu.vector_load %arg9[%swap3A_504, %swap3A_505] {strides = array<i32>} : memref<77x192xi32, #tpu.memory_space<vmem>>, vector<1x16xi32>,
        %swap3A_507 = vector.shape_cast %swap3A_506 : vector<1x16xi32> to vector<16xi32>
        %swap3A_508 = vector.shape_cast %broadcast_in_dim3A_397 : vector<16xi32> to vector<1x16xi32>
        tpu.vector_store %arg9[%swap3A_504, %swap3A_505], %swap3A_508 {strides = array<i32>} : memref<77x192xi32, #tpu.memory_space<vmem>>, vector<1x16xi32>,
        %swap3A_509 = arith.constant 2 : i32
        %swap3A_510 = arith.index_cast %swap3A_509 : i32 to index
        %swap3A_511 = arith.constant 32 : index
        %swap3A_512 = tpu.vector_load %arg9[%swap3A_510, %swap3A_511] {strides = array<i32>} : memref<77x192xi32, #tpu.memory_space<vmem>>, vector<1x16xi32>,
        %swap3A_513 = vector.shape_cast %swap3A_512 : vector<1x16xi32> to vector<16xi32>
        %swap3A_514 = vector.shape_cast %broadcast_in_dim3A_397 : vector<16xi32> to vector<1x16xi32>
        tpu.vector_store %arg9[%swap3A_510, %swap3A_511], %swap3A_514 {strides = array<i32>} : memref<77x192xi32, #tpu.memory_space<vmem>>, vector<1x16xi32>,
        %swap3A_515 = arith.constant 2 : i32
        %swap3A_516 = arith.index_cast %swap3A_515 : i32 to index
        %swap3A_517 = arith.constant 48 : index
        %swap3A_518 = tpu.vector_load %arg9[%swap3A_516, %swap3A_517] {strides = array<i32>} : memref<77x192xi32, #tpu.memory_space<vmem>>, vector<1x16xi32>,
        %swap3A_519 = vector.shape_cast %swap3A_518 : vector<1x16xi32> to vector<16xi32>
        %swap3A_520 = vector.shape_cast %broadcast_in_dim3A_397 : vector<16xi32> to vector<1x16xi32>
        tpu.vector_store %arg9[%swap3A_516, %swap3A_517], %swap3A_520 {strides = array<i32>} : memref<77x192xi32, #tpu.memory_space<vmem>>, vector<1x16xi32>,
        %swap3A_521 = arith.constant 2 : i32
        %swap3A_522 = arith.index_cast %swap3A_521 : i32 to index
        %swap3A_523 = arith.constant 64 : index
        %swap3A_524 = tpu.vector_load %arg9[%swap3A_522, %swap3A_523] {strides = array<i32>} : memref<77x192xi32, #tpu.memory_space<vmem>>, vector<1x16xi32>,
        %swap3A_525 = vector.shape_cast %swap3A_524 : vector<1x16xi32> to vector<16xi32>
        %swap3A_526 = vector.shape_cast %broadcast_in_dim3A_397 : vector<16xi32> to vector<1x16xi32>
        tpu.vector_store %arg9[%swap3A_522, %swap3A_523], %swap3A_526 {strides = array<i32>} : memref<77x192xi32, #tpu.memory_space<vmem>>, vector<1x16xi32>,
        %swap3A_527 = arith.constant 2 : i32
        %swap3A_528 = arith.index_cast %swap3A_527 : i32 to index
        %swap3A_529 = arith.constant 80 : index
        %swap3A_530 = tpu.vector_load %arg9[%swap3A_528, %swap3A_529] {strides = array<i32>} : memref<77x192xi32, #tpu.memory_space<vmem>>, vector<1x16xi32>,
        %swap3A_531 = vector.shape_cast %swap3A_530 : vector<1x16xi32> to vector<16xi32>
        %swap3A_532 = vector.shape_cast %broadcast_in_dim3A_397 : vector<16xi32> to vector<1x16xi32>
        tpu.vector_store %arg9[%swap3A_528, %swap3A_529], %swap3A_532 {strides = array<i32>} : memref<77x192xi32, #tpu.memory_space<vmem>>, vector<1x16xi32>,
        %swap3A_533 = arith.constant 2 : i32
        %swap3A_534 = arith.index_cast %swap3A_533 : i32 to index
        %swap3A_535 = arith.constant 96 : index
        %swap3A_536 = tpu.vector_load %arg9[%swap3A_534, %swap3A_535] {strides = array<i32>} : memref<77x192xi32, #tpu.memory_space<vmem>>, vector<1x16xi32>,
        %swap3A_537 = vector.shape_cast %swap3A_536 : vector<1x16xi32> to vector<16xi32>
        %swap3A_538 = vector.shape_cast %broadcast_in_dim3A_397 : vector<16xi32> to vector<1x16xi32>
        tpu.vector_store %arg9[%swap3A_534, %swap3A_535], %swap3A_538 {strides = array<i32>} : memref<77x192xi32, #tpu.memory_space<vmem>>, vector<1x16xi32>,
        %swap3A_539 = arith.constant 2 : i32
        %swap3A_540 = arith.index_cast %swap3A_539 : i32 to index
        %swap3A_541 = arith.constant 112 : index
        %swap3A_542 = tpu.vector_load %arg9[%swap3A_540, %swap3A_541] {strides = array<i32>} : memref<77x192xi32, #tpu.memory_space<vmem>>, vector<1x16xi32>,
        %swap3A_543 = vector.shape_cast %swap3A_542 : vector<1x16xi32> to vector<16xi32>
        %swap3A_544 = vector.shape_cast %broadcast_in_dim3A_397 : vector<16xi32> to vector<1x16xi32>
        tpu.vector_store %arg9[%swap3A_540, %swap3A_541], %swap3A_544 {strides = array<i32>} : memref<77x192xi32, #tpu.memory_space<vmem>>, vector<1x16xi32>,
        %swap3A_545 = arith.constant 3 : i32
        %swap3A_546 = arith.index_cast %swap3A_545 : i32 to index
        %swap3A_547 = arith.constant 0 : index
        %swap3A_548 = tpu.vector_load %arg9[%swap3A_546, %swap3A_547] {strides = array<i32>} : memref<77x192xi32, #tpu.memory_space<vmem>>, vector<1x16xi32>,
        %swap3A_549 = vector.shape_cast %swap3A_548 : vector<1x16xi32> to vector<16xi32>
        %swap3A_550 = vector.shape_cast %broadcast_in_dim3A_397 : vector<16xi32> to vector<1x16xi32>
        tpu.vector_store %arg9[%swap3A_546, %swap3A_547], %swap3A_550 {strides = array<i32>} : memref<77x192xi32, #tpu.memory_space<vmem>>, vector<1x16xi32>,
        %swap3A_551 = arith.constant 3 : i32
        %swap3A_552 = arith.index_cast %swap3A_551 : i32 to index
        %swap3A_553 = arith.constant 16 : index
        %swap3A_554 = tpu.vector_load %arg9[%swap3A_552, %swap3A_553] {strides = array<i32>} : memref<77x192xi32, #tpu.memory_space<vmem>>, vector<1x16xi32>,
        %swap3A_555 = vector.shape_cast %swap3A_554 : vector<1x16xi32> to vector<16xi32>
        %swap3A_556 = vector.shape_cast %broadcast_in_dim3A_397 : vector<16xi32> to vector<1x16xi32>
        tpu.vector_store %arg9[%swap3A_552, %swap3A_553], %swap3A_556 {strides = array<i32>} : memref<77x192xi32, #tpu.memory_space<vmem>>, vector<1x16xi32>,
        %swap3A_557 = arith.constant 3 : i32
        %swap3A_558 = arith.index_cast %swap3A_557 : i32 to index
        %swap3A_559 = arith.constant 32 : index
        %swap3A_560 = tpu.vector_load %arg9[%swap3A_558, %swap3A_559] {strides = array<i32>} : memref<77x192xi32, #tpu.memory_space<vmem>>, vector<1x16xi32>,
        %swap3A_561 = vector.shape_cast %swap3A_560 : vector<1x16xi32> to vector<16xi32>
        %swap3A_562 = vector.shape_cast %broadcast_in_dim3A_397 : vector<16xi32> to vector<1x16xi32>
        tpu.vector_store %arg9[%swap3A_558, %swap3A_559], %swap3A_562 {strides = array<i32>} : memref<77x192xi32, #tpu.memory_space<vmem>>, vector<1x16xi32>,
        %swap3A_563 = arith.constant 3 : i32
        %swap3A_564 = arith.index_cast %swap3A_563 : i32 to index
        %swap3A_565 = arith.constant 48 : index
        %swap3A_566 = tpu.vector_load %arg9[%swap3A_564, %swap3A_565] {strides = array<i32>} : memref<77x192xi32, #tpu.memory_space<vmem>>, vector<1x16xi32>,
        %swap3A_567 = vector.shape_cast %swap3A_566 : vector<1x16xi32> to vector<16xi32>
        %swap3A_568 = vector.shape_cast %broadcast_in_dim3A_397 : vector<16xi32> to vector<1x16xi32>
        tpu.vector_store %arg9[%swap3A_564, %swap3A_565], %swap3A_568 {strides = array<i32>} : memref<77x192xi32, #tpu.memory_space<vmem>>, vector<1x16xi32>,
        %swap3A_569 = arith.constant 3 : i32
        %swap3A_570 = arith.index_cast %swap3A_569 : i32 to index
        %swap3A_571 = arith.constant 64 : index
        %swap3A_572 = tpu.vector_load %arg9[%swap3A_570, %swap3A_571] {strides = array<i32>} : memref<77x192xi32, #tpu.memory_space<vmem>>, vector<1x16xi32>,
        %swap3A_573 = vector.shape_cast %swap3A_572 : vector<1x16xi32> to vector<16xi32>
        %swap3A_574 = vector.shape_cast %broadcast_in_dim3A_397 : vector<16xi32> to vector<1x16xi32>
        tpu.vector_store %arg9[%swap3A_570, %swap3A_571], %swap3A_574 {strides = array<i32>} : memref<77x192xi32, #tpu.memory_space<vmem>>, vector<1x16xi32>,
        %swap3A_575 = arith.constant 3 : i32
        %swap3A_576 = arith.index_cast %swap3A_575 : i32 to index
        %swap3A_577 = arith.constant 80 : index
        %swap3A_578 = tpu.vector_load %arg9[%swap3A_576, %swap3A_577] {strides = array<i32>} : memref<77x192xi32, #tpu.memory_space<vmem>>, vector<1x16xi32>,
        %swap3A_579 = vector.shape_cast %swap3A_578 : vector<1x16xi32> to vector<16xi32>
        %swap3A_580 = vector.shape_cast %broadcast_in_dim3A_397 : vector<16xi32> to vector<1x16xi32>
        tpu.vector_store %arg9[%swap3A_576, %swap3A_577], %swap3A_580 {strides = array<i32>} : memref<77x192xi32, #tpu.memory_space<vmem>>, vector<1x16xi32>,
        %swap3A_581 = arith.constant 3 : i32
        %swap3A_582 = arith.index_cast %swap3A_581 : i32 to index
        %swap3A_583 = arith.constant 96 : index
        %swap3A_584 = tpu.vector_load %arg9[%swap3A_582, %swap3A_583] {strides = array<i32>} : memref<77x192xi32, #tpu.memory_space<vmem>>, vector<1x16xi32>,
        %swap3A_585 = vector.shape_cast %swap3A_584 : vector<1x16xi32> to vector<16xi32>
        %swap3A_586 = vector.shape_cast %broadcast_in_dim3A_397 : vector<16xi32> to vector<1x16xi32>
        tpu.vector_store %arg9[%swap3A_582, %swap3A_583], %swap3A_586 {strides = array<i32>} : memref<77x192xi32, #tpu.memory_space<vmem>>, vector<1x16xi32>,
        %swap3A_587 = arith.constant 3 : i32
        %swap3A_588 = arith.index_cast %swap3A_587 : i32 to index
        %swap3A_589 = arith.constant 112 : index
        %swap3A_590 = tpu.vector_load %arg9[%swap3A_588, %swap3A_589] {strides = array<i32>} : memref<77x192xi32, #tpu.memory_space<vmem>>, vector<1x16xi32>,
        %swap3A_591 = vector.shape_cast %swap3A_590 : vector<1x16xi32> to vector<16xi32>
        %swap3A_592 = vector.shape_cast %broadcast_in_dim3A_397 : vector<16xi32> to vector<1x16xi32>
        tpu.vector_store %arg9[%swap3A_588, %swap3A_589], %swap3A_592 {strides = array<i32>} : memref<77x192xi32, #tpu.memory_space<vmem>>, vector<1x16xi32>,
        %swap3A_593 = arith.constant 4 : i32
        %swap3A_594 = arith.index_cast %swap3A_593 : i32 to index
        %swap3A_595 = arith.constant 0 : index
        %swap3A_596 = tpu.vector_load %arg9[%swap3A_594, %swap3A_595] {strides = array<i32>} : memref<77x192xi32, #tpu.memory_space<vmem>>, vector<1x16xi32>,
        %swap3A_597 = vector.shape_cast %swap3A_596 : vector<1x16xi32> to vector<16xi32>
        %swap3A_598 = vector.shape_cast %broadcast_in_dim3A_397 : vector<16xi32> to vector<1x16xi32>
        tpu.vector_store %arg9[%swap3A_594, %swap3A_595], %swap3A_598 {strides = array<i32>} : memref<77x192xi32, #tpu.memory_space<vmem>>, vector<1x16xi32>,
        %swap3A_599 = arith.constant 4 : i32
        %swap3A_600 = arith.index_cast %swap3A_599 : i32 to index
        %swap3A_601 = arith.constant 16 : index
        %swap3A_602 = tpu.vector_load %arg9[%swap3A_600, %swap3A_601] {strides = array<i32>} : memref<77x192xi32, #tpu.memory_space<vmem>>, vector<1x16xi32>,
        %swap3A_603 = vector.shape_cast %swap3A_602 : vector<1x16xi32> to vector<16xi32>
        %swap3A_604 = vector.shape_cast %broadcast_in_dim3A_397 : vector<16xi32> to vector<1x16xi32>
        tpu.vector_store %arg9[%swap3A_600, %swap3A_601], %swap3A_604 {strides = array<i32>} : memref<77x192xi32, #tpu.memory_space<vmem>>, vector<1x16xi32>,
        %swap3A_605 = arith.constant 4 : i32
        %swap3A_606 = arith.index_cast %swap3A_605 : i32 to index
        %swap3A_607 = arith.constant 32 : index
        %swap3A_608 = tpu.vector_load %arg9[%swap3A_606, %swap3A_607] {strides = array<i32>} : memref<77x192xi32, #tpu.memory_space<vmem>>, vector<1x16xi32>,
        %swap3A_609 = vector.shape_cast %swap3A_608 : vector<1x16xi32> to vector<16xi32>
        %swap3A_610 = vector.shape_cast %broadcast_in_dim3A_397 : vector<16xi32> to vector<1x16xi32>
        tpu.vector_store %arg9[%swap3A_606, %swap3A_607], %swap3A_610 {strides = array<i32>} : memref<77x192xi32, #tpu.memory_space<vmem>>, vector<1x16xi32>,
        %swap3A_611 = arith.constant 4 : i32
        %swap3A_612 = arith.index_cast %swap3A_611 : i32 to index
        %swap3A_613 = arith.constant 48 : index
        %swap3A_614 = tpu.vector_load %arg9[%swap3A_612, %swap3A_613] {strides = array<i32>} : memref<77x192xi32, #tpu.memory_space<vmem>>, vector<1x16xi32>,
        %swap3A_615 = vector.shape_cast %swap3A_614 : vector<1x16xi32> to vector<16xi32>
        %swap3A_616 = vector.shape_cast %broadcast_in_dim3A_397 : vector<16xi32> to vector<1x16xi32>
        tpu.vector_store %arg9[%swap3A_612, %swap3A_613], %swap3A_616 {strides = array<i32>} : memref<77x192xi32, #tpu.memory_space<vmem>>, vector<1x16xi32>,
        %swap3A_617 = arith.constant 4 : i32
        %swap3A_618 = arith.index_cast %swap3A_617 : i32 to index
        %swap3A_619 = arith.constant 64 : index
        %swap3A_620 = tpu.vector_load %arg9[%swap3A_618, %swap3A_619] {strides = array<i32>} : memref<77x192xi32, #tpu.memory_space<vmem>>, vector<1x16xi32>,
        %swap3A_621 = vector.shape_cast %swap3A_620 : vector<1x16xi32> to vector<16xi32>
        %swap3A_622 = vector.shape_cast %broadcast_in_dim3A_397 : vector<16xi32> to vector<1x16xi32>
        tpu.vector_store %arg9[%swap3A_618, %swap3A_619], %swap3A_622 {strides = array<i32>} : memref<77x192xi32, #tpu.memory_space<vmem>>, vector<1x16xi32>,
        %swap3A_623 = arith.constant 4 : i32
        %swap3A_624 = arith.index_cast %swap3A_623 : i32 to index
        %swap3A_625 = arith.constant 80 : index
        %swap3A_626 = tpu.vector_load %arg9[%swap3A_624, %swap3A_625] {strides = array<i32>} : memref<77x192xi32, #tpu.memory_space<vmem>>, vector<1x16xi32>,
        %swap3A_627 = vector.shape_cast %swap3A_626 : vector<1x16xi32> to vector<16xi32>
        %swap3A_628 = vector.shape_cast %broadcast_in_dim3A_397 : vector<16xi32> to vector<1x16xi32>
        tpu.vector_store %arg9[%swap3A_624, %swap3A_625], %swap3A_628 {strides = array<i32>} : memref<77x192xi32, #tpu.memory_space<vmem>>, vector<1x16xi32>,
        %swap3A_629 = arith.constant 4 : i32
        %swap3A_630 = arith.index_cast %swap3A_629 : i32 to index
        %swap3A_631 = arith.constant 96 : index
        %swap3A_632 = tpu.vector_load %arg9[%swap3A_630, %swap3A_631] {strides = array<i32>} : memref<77x192xi32, #tpu.memory_space<vmem>>, vector<1x16xi32>,
        %swap3A_633 = vector.shape_cast %swap3A_632 : vector<1x16xi32> to vector<16xi32>
        %swap3A_634 = vector.shape_cast %broadcast_in_dim3A_397 : vector<16xi32> to vector<1x16xi32>
        tpu.vector_store %arg9[%swap3A_630, %swap3A_631], %swap3A_634 {strides = array<i32>} : memref<77x192xi32, #tpu.memory_space<vmem>>, vector<1x16xi32>,
        %swap3A_635 = arith.constant 4 : i32
        %swap3A_636 = arith.index_cast %swap3A_635 : i32 to index
        %swap3A_637 = arith.constant 112 : index
        %swap3A_638 = tpu.vector_load %arg9[%swap3A_636, %swap3A_637] {strides = array<i32>} : memref<77x192xi32, #tpu.memory_space<vmem>>, vector<1x16xi32>,
        %swap3A_639 = vector.shape_cast %swap3A_638 : vector<1x16xi32> to vector<16xi32>
        %swap3A_640 = vector.shape_cast %broadcast_in_dim3A_397 : vector<16xi32> to vector<1x16xi32>
        tpu.vector_store %arg9[%swap3A_636, %swap3A_637], %swap3A_640 {strides = array<i32>} : memref<77x192xi32, #tpu.memory_space<vmem>>, vector<1x16xi32>,
        %swap3A_641 = arith.constant 5 : i32
        %swap3A_642 = arith.index_cast %swap3A_641 : i32 to index
        %swap3A_643 = arith.constant 0 : index
        %swap3A_644 = tpu.vector_load %arg9[%swap3A_642, %swap3A_643] {strides = array<i32>} : memref<77x192xi32, #tpu.memory_space<vmem>>, vector<1x16xi32>,
        %swap3A_645 = vector.shape_cast %swap3A_644 : vector<1x16xi32> to vector<16xi32>
        %swap3A_646 = vector.shape_cast %broadcast_in_dim3A_397 : vector<16xi32> to vector<1x16xi32>
        tpu.vector_store %arg9[%swap3A_642, %swap3A_643], %swap3A_646 {strides = array<i32>} : memref<77x192xi32, #tpu.memory_space<vmem>>, vector<1x16xi32>,
        %swap3A_647 = arith.constant 5 : i32
        %swap3A_648 = arith.index_cast %swap3A_647 : i32 to index
        %swap3A_649 = arith.constant 16 : index
        %swap3A_650 = tpu.vector_load %arg9[%swap3A_648, %swap3A_649] {strides = array<i32>} : memref<77x192xi32, #tpu.memory_space<vmem>>, vector<1x16xi32>,
        %swap3A_651 = vector.shape_cast %swap3A_650 : vector<1x16xi32> to vector<16xi32>
        %swap3A_652 = vector.shape_cast %broadcast_in_dim3A_397 : vector<16xi32> to vector<1x16xi32>
        tpu.vector_store %arg9[%swap3A_648, %swap3A_649], %swap3A_652 {strides = array<i32>} : memref<77x192xi32, #tpu.memory_space<vmem>>, vector<1x16xi32>,
        %swap3A_653 = arith.constant 5 : i32
        %swap3A_654 = arith.index_cast %swap3A_653 : i32 to index
        %swap3A_655 = arith.constant 32 : index
        %swap3A_656 = tpu.vector_load %arg9[%swap3A_654, %swap3A_655] {strides = array<i32>} : memref<77x192xi32, #tpu.memory_space<vmem>>, vector<1x16xi32>,
        %swap3A_657 = vector.shape_cast %swap3A_656 : vector<1x16xi32> to vector<16xi32>
        %swap3A_658 = vector.shape_cast %broadcast_in_dim3A_397 : vector<16xi32> to vector<1x16xi32>
        tpu.vector_store %arg9[%swap3A_654, %swap3A_655], %swap3A_658 {strides = array<i32>} : memref<77x192xi32, #tpu.memory_space<vmem>>, vector<1x16xi32>,
        %swap3A_659 = arith.constant 5 : i32
        %swap3A_660 = arith.index_cast %swap3A_659 : i32 to index
        %swap3A_661 = arith.constant 48 : index
        %swap3A_662 = tpu.vector_load %arg9[%swap3A_660, %swap3A_661] {strides = array<i32>} : memref<77x192xi32, #tpu.memory_space<vmem>>, vector<1x16xi32>,
        %swap3A_663 = vector.shape_cast %swap3A_662 : vector<1x16xi32> to vector<16xi32>
        %swap3A_664 = vector.shape_cast %broadcast_in_dim3A_397 : vector<16xi32> to vector<1x16xi32>
        tpu.vector_store %arg9[%swap3A_660, %swap3A_661], %swap3A_664 {strides = array<i32>} : memref<77x192xi32, #tpu.memory_space<vmem>>, vector<1x16xi32>,
        %swap3A_665 = arith.constant 5 : i32
        %swap3A_666 = arith.index_cast %swap3A_665 : i32 to index
        %swap3A_667 = arith.constant 64 : index
        %swap3A_668 = tpu.vector_load %arg9[%swap3A_666, %swap3A_667] {strides = array<i32>} : memref<77x192xi32, #tpu.memory_space<vmem>>, vector<1x16xi32>,
        %swap3A_669 = vector.shape_cast %swap3A_668 : vector<1x16xi32> to vector<16xi32>
        %swap3A_670 = vector.shape_cast %broadcast_in_dim3A_397 : vector<16xi32> to vector<1x16xi32>
        tpu.vector_store %arg9[%swap3A_666, %swap3A_667], %swap3A_670 {strides = array<i32>} : memref<77x192xi32, #tpu.memory_space<vmem>>, vector<1x16xi32>,
        %swap3A_671 = arith.constant 5 : i32
        %swap3A_672 = arith.index_cast %swap3A_671 : i32 to index
        %swap3A_673 = arith.constant 80 : index
        %swap3A_674 = tpu.vector_load %arg9[%swap3A_672, %swap3A_673] {strides = array<i32>} : memref<77x192xi32, #tpu.memory_space<vmem>>, vector<1x16xi32>,
        %swap3A_675 = vector.shape_cast %swap3A_674 : vector<1x16xi32> to vector<16xi32>
        %swap3A_676 = vector.shape_cast %broadcast_in_dim3A_397 : vector<16xi32> to vector<1x16xi32>
        tpu.vector_store %arg9[%swap3A_672, %swap3A_673], %swap3A_676 {strides = array<i32>} : memref<77x192xi32, #tpu.memory_space<vmem>>, vector<1x16xi32>,
        %swap3A_677 = arith.constant 5 : i32
        %swap3A_678 = arith.index_cast %swap3A_677 : i32 to index
        %swap3A_679 = arith.constant 96 : index
        %swap3A_680 = tpu.vector_load %arg9[%swap3A_678, %swap3A_679] {strides = array<i32>} : memref<77x192xi32, #tpu.memory_space<vmem>>, vector<1x16xi32>,
        %swap3A_681 = vector.shape_cast %swap3A_680 : vector<1x16xi32> to vector<16xi32>
        %swap3A_682 = vector.shape_cast %broadcast_in_dim3A_397 : vector<16xi32> to vector<1x16xi32>
        tpu.vector_store %arg9[%swap3A_678, %swap3A_679], %swap3A_682 {strides = array<i32>} : memref<77x192xi32, #tpu.memory_space<vmem>>, vector<1x16xi32>,
        %swap3A_683 = arith.constant 5 : i32
        %swap3A_684 = arith.index_cast %swap3A_683 : i32 to index
        %swap3A_685 = arith.constant 112 : index
        %swap3A_686 = tpu.vector_load %arg9[%swap3A_684, %swap3A_685] {strides = array<i32>} : memref<77x192xi32, #tpu.memory_space<vmem>>, vector<1x16xi32>,
        %swap3A_687 = vector.shape_cast %swap3A_686 : vector<1x16xi32> to vector<16xi32>
        %swap3A_688 = vector.shape_cast %broadcast_in_dim3A_397 : vector<16xi32> to vector<1x16xi32>
        tpu.vector_store %arg9[%swap3A_684, %swap3A_685], %swap3A_688 {strides = array<i32>} : memref<77x192xi32, #tpu.memory_space<vmem>>, vector<1x16xi32>,
        %swap3A_689 = arith.constant 6 : i32
        %swap3A_690 = arith.index_cast %swap3A_689 : i32 to index
        %swap3A_691 = arith.constant 0 : index
        %swap3A_692 = tpu.vector_load %arg9[%swap3A_690, %swap3A_691] {strides = array<i32>} : memref<77x192xi32, #tpu.memory_space<vmem>>, vector<1x16xi32>,
        %swap3A_693 = vector.shape_cast %swap3A_692 : vector<1x16xi32> to vector<16xi32>
        %swap3A_694 = vector.shape_cast %broadcast_in_dim3A_397 : vector<16xi32> to vector<1x16xi32>
        tpu.vector_store %arg9[%swap3A_690, %swap3A_691], %swap3A_694 {strides = array<i32>} : memref<77x192xi32, #tpu.memory_space<vmem>>, vector<1x16xi32>,
        %swap3A_695 = arith.constant 6 : i32
        %swap3A_696 = arith.index_cast %swap3A_695 : i32 to index
        %swap3A_697 = arith.constant 16 : index
        %swap3A_698 = tpu.vector_load %arg9[%swap3A_696, %swap3A_697] {strides = array<i32>} : memref<77x192xi32, #tpu.memory_space<vmem>>, vector<1x16xi32>,
        %swap3A_699 = vector.shape_cast %swap3A_698 : vector<1x16xi32> to vector<16xi32>
        %swap3A_700 = vector.shape_cast %broadcast_in_dim3A_397 : vector<16xi32> to vector<1x16xi32>
        tpu.vector_store %arg9[%swap3A_696, %swap3A_697], %swap3A_700 {strides = array<i32>} : memref<77x192xi32, #tpu.memory_space<vmem>>, vector<1x16xi32>,
        %swap3A_701 = arith.constant 6 : i32
        %swap3A_702 = arith.index_cast %swap3A_701 : i32 to index
        %swap3A_703 = arith.constant 32 : index
        %swap3A_704 = tpu.vector_load %arg9[%swap3A_702, %swap3A_703] {strides = array<i32>} : memref<77x192xi32, #tpu.memory_space<vmem>>, vector<1x16xi32>,
        %swap3A_705 = vector.shape_cast %swap3A_704 : vector<1x16xi32> to vector<16xi32>
        %swap3A_706 = vector.shape_cast %broadcast_in_dim3A_397 : vector<16xi32> to vector<1x16xi32>
        tpu.vector_store %arg9[%swap3A_702, %swap3A_703], %swap3A_706 {strides = array<i32>} : memref<77x192xi32, #tpu.memory_space<vmem>>, vector<1x16xi32>,
        %swap3A_707 = arith.constant 6 : i32
        %swap3A_708 = arith.index_cast %swap3A_707 : i32 to index
        %swap3A_709 = arith.constant 48 : index
        %swap3A_710 = tpu.vector_load %arg9[%swap3A_708, %swap3A_709] {strides = array<i32>} : memref<77x192xi32, #tpu.memory_space<vmem>>, vector<1x16xi32>,
        %swap3A_711 = vector.shape_cast %swap3A_710 : vector<1x16xi32> to vector<16xi32>
        %swap3A_712 = vector.shape_cast %broadcast_in_dim3A_397 : vector<16xi32> to vector<1x16xi32>
        tpu.vector_store %arg9[%swap3A_708, %swap3A_709], %swap3A_712 {strides = array<i32>} : memref<77x192xi32, #tpu.memory_space<vmem>>, vector<1x16xi32>,
        %swap3A_713 = arith.constant 6 : i32
        %swap3A_714 = arith.index_cast %swap3A_713 : i32 to index
        %swap3A_715 = arith.constant 64 : index
        %swap3A_716 = tpu.vector_load %arg9[%swap3A_714, %swap3A_715] {strides = array<i32>} : memref<77x192xi32, #tpu.memory_space<vmem>>, vector<1x16xi32>,
        %swap3A_717 = vector.shape_cast %swap3A_716 : vector<1x16xi32> to vector<16xi32>
        %swap3A_718 = vector.shape_cast %broadcast_in_dim3A_397 : vector<16xi32> to vector<1x16xi32>
        tpu.vector_store %arg9[%swap3A_714, %swap3A_715], %swap3A_718 {strides = array<i32>} : memref<77x192xi32, #tpu.memory_space<vmem>>, vector<1x16xi32>,
        %swap3A_719 = arith.constant 6 : i32
        %swap3A_720 = arith.index_cast %swap3A_719 : i32 to index
        %swap3A_721 = arith.constant 80 : index
        %swap3A_722 = tpu.vector_load %arg9[%swap3A_720, %swap3A_721] {strides = array<i32>} : memref<77x192xi32, #tpu.memory_space<vmem>>, vector<1x16xi32>,
        %swap3A_723 = vector.shape_cast %swap3A_722 : vector<1x16xi32> to vector<16xi32>
        %swap3A_724 = vector.shape_cast %broadcast_in_dim3A_397 : vector<16xi32> to vector<1x16xi32>
        tpu.vector_store %arg9[%swap3A_720, %swap3A_721], %swap3A_724 {strides = array<i32>} : memref<77x192xi32, #tpu.memory_space<vmem>>, vector<1x16xi32>,
        %swap3A_725 = arith.constant 6 : i32
        %swap3A_726 = arith.index_cast %swap3A_725 : i32 to index
        %swap3A_727 = arith.constant 96 : index
        %swap3A_728 = tpu.vector_load %arg9[%swap3A_726, %swap3A_727] {strides = array<i32>} : memref<77x192xi32, #tpu.memory_space<vmem>>, vector<1x16xi32>,
        %swap3A_729 = vector.shape_cast %swap3A_728 : vector<1x16xi32> to vector<16xi32>
        %swap3A_730 = vector.shape_cast %broadcast_in_dim3A_397 : vector<16xi32> to vector<1x16xi32>
        tpu.vector_store %arg9[%swap3A_726, %swap3A_727], %swap3A_730 {strides = array<i32>} : memref<77x192xi32, #tpu.memory_space<vmem>>, vector<1x16xi32>,
        %swap3A_731 = arith.constant 6 : i32
        %swap3A_732 = arith.index_cast %swap3A_731 : i32 to index
        %swap3A_733 = arith.constant 112 : index
        %swap3A_734 = tpu.vector_load %arg9[%swap3A_732, %swap3A_733] {strides = array<i32>} : memref<77x192xi32, #tpu.memory_space<vmem>>, vector<1x16xi32>,
        %swap3A_735 = vector.shape_cast %swap3A_734 : vector<1x16xi32> to vector<16xi32>
        %swap3A_736 = vector.shape_cast %broadcast_in_dim3A_397 : vector<16xi32> to vector<1x16xi32>
        tpu.vector_store %arg9[%swap3A_732, %swap3A_733], %swap3A_736 {strides = array<i32>} : memref<77x192xi32, #tpu.memory_space<vmem>>, vector<1x16xi32>,
        %swap3A_737 = arith.constant 7 : i32
        %swap3A_738 = arith.index_cast %swap3A_737 : i32 to index
        %swap3A_739 = arith.constant 0 : index
        %swap3A_740 = tpu.vector_load %arg9[%swap3A_738, %swap3A_739] {strides = array<i32>} : memref<77x192xi32, #tpu.memory_space<vmem>>, vector<1x16xi32>,
        %swap3A_741 = vector.shape_cast %swap3A_740 : vector<1x16xi32> to vector<16xi32>
        %swap3A_742 = vector.shape_cast %broadcast_in_dim3A_397 : vector<16xi32> to vector<1x16xi32>
        tpu.vector_store %arg9[%swap3A_738, %swap3A_739], %swap3A_742 {strides = array<i32>} : memref<77x192xi32, #tpu.memory_space<vmem>>, vector<1x16xi32>,
        %swap3A_743 = arith.constant 7 : i32
        %swap3A_744 = arith.index_cast %swap3A_743 : i32 to index
        %swap3A_745 = arith.constant 16 : index
        %swap3A_746 = tpu.vector_load %arg9[%swap3A_744, %swap3A_745] {strides = array<i32>} : memref<77x192xi32, #tpu.memory_space<vmem>>, vector<1x16xi32>,
        %swap3A_747 = vector.shape_cast %swap3A_746 : vector<1x16xi32> to vector<16xi32>
        %swap3A_748 = vector.shape_cast %broadcast_in_dim3A_397 : vector<16xi32> to vector<1x16xi32>
        tpu.vector_store %arg9[%swap3A_744, %swap3A_745], %swap3A_748 {strides = array<i32>} : memref<77x192xi32, #tpu.memory_space<vmem>>, vector<1x16xi32>,
        %swap3A_749 = arith.constant 7 : i32
        %swap3A_750 = arith.index_cast %swap3A_749 : i32 to index
        %swap3A_751 = arith.constant 32 : index
        %swap3A_752 = tpu.vector_load %arg9[%swap3A_750, %swap3A_751] {strides = array<i32>} : memref<77x192xi32, #tpu.memory_space<vmem>>, vector<1x16xi32>,
        %swap3A_753 = vector.shape_cast %swap3A_752 : vector<1x16xi32> to vector<16xi32>
        %swap3A_754 = vector.shape_cast %broadcast_in_dim3A_397 : vector<16xi32> to vector<1x16xi32>
        tpu.vector_store %arg9[%swap3A_750, %swap3A_751], %swap3A_754 {strides = array<i32>} : memref<77x192xi32, #tpu.memory_space<vmem>>, vector<1x16xi32>,
        %swap3A_755 = arith.constant 7 : i32
        %swap3A_756 = arith.index_cast %swap3A_755 : i32 to index
        %swap3A_757 = arith.constant 48 : index
        %swap3A_758 = tpu.vector_load %arg9[%swap3A_756, %swap3A_757] {strides = array<i32>} : memref<77x192xi32, #tpu.memory_space<vmem>>, vector<1x16xi32>,
        %swap3A_759 = vector.shape_cast %swap3A_758 : vector<1x16xi32> to vector<16xi32>
        %swap3A_760 = vector.shape_cast %broadcast_in_dim3A_397 : vector<16xi32> to vector<1x16xi32>
        tpu.vector_store %arg9[%swap3A_756, %swap3A_757], %swap3A_760 {strides = array<i32>} : memref<77x192xi32, #tpu.memory_space<vmem>>, vector<1x16xi32>,
        %swap3A_761 = arith.constant 7 : i32
        %swap3A_762 = arith.index_cast %swap3A_761 : i32 to index
        %swap3A_763 = arith.constant 64 : index
        %swap3A_764 = tpu.vector_load %arg9[%swap3A_762, %swap3A_763] {strides = array<i32>} : memref<77x192xi32, #tpu.memory_space<vmem>>, vector<1x16xi32>,
        %swap3A_765 = vector.shape_cast %swap3A_764 : vector<1x16xi32> to vector<16xi32>
        %swap3A_766 = vector.shape_cast %broadcast_in_dim3A_397 : vector<16xi32> to vector<1x16xi32>
        tpu.vector_store %arg9[%swap3A_762, %swap3A_763], %swap3A_766 {strides = array<i32>} : memref<77x192xi32, #tpu.memory_space<vmem>>, vector<1x16xi32>,
        %swap3A_767 = arith.constant 7 : i32
        %swap3A_768 = arith.index_cast %swap3A_767 : i32 to index
        %swap3A_769 = arith.constant 80 : index
        %swap3A_770 = tpu.vector_load %arg9[%swap3A_768, %swap3A_769] {strides = array<i32>} : memref<77x192xi32, #tpu.memory_space<vmem>>, vector<1x16xi32>,
        %swap3A_771 = vector.shape_cast %swap3A_770 : vector<1x16xi32> to vector<16xi32>
        %swap3A_772 = vector.shape_cast %broadcast_in_dim3A_397 : vector<16xi32> to vector<1x16xi32>
        tpu.vector_store %arg9[%swap3A_768, %swap3A_769], %swap3A_772 {strides = array<i32>} : memref<77x192xi32, #tpu.memory_space<vmem>>, vector<1x16xi32>,
        %swap3A_773 = arith.constant 7 : i32
        %swap3A_774 = arith.index_cast %swap3A_773 : i32 to index
        %swap3A_775 = arith.constant 96 : index
        %swap3A_776 = tpu.vector_load %arg9[%swap3A_774, %swap3A_775] {strides = array<i32>} : memref<77x192xi32, #tpu.memory_space<vmem>>, vector<1x16xi32>,
        %swap3A_777 = vector.shape_cast %swap3A_776 : vector<1x16xi32> to vector<16xi32>
        %swap3A_778 = vector.shape_cast %broadcast_in_dim3A_397 : vector<16xi32> to vector<1x16xi32>
        tpu.vector_store %arg9[%swap3A_774, %swap3A_775], %swap3A_778 {strides = array<i32>} : memref<77x192xi32, #tpu.memory_space<vmem>>, vector<1x16xi32>,
        %swap3A_779 = arith.constant 7 : i32
        %swap3A_780 = arith.index_cast %swap3A_779 : i32 to index
        %swap3A_781 = arith.constant 112 : index
        %swap3A_782 = tpu.vector_load %arg9[%swap3A_780, %swap3A_781] {strides = array<i32>} : memref<77x192xi32, #tpu.memory_space<vmem>>, vector<1x16xi32>,
        %swap3A_783 = vector.shape_cast %swap3A_782 : vector<1x16xi32> to vector<16xi32>
        %swap3A_784 = vector.shape_cast %broadcast_in_dim3A_397 : vector<16xi32> to vector<1x16xi32>
        tpu.vector_store %arg9[%swap3A_780, %swap3A_781], %swap3A_784 {strides = array<i32>} : memref<77x192xi32, #tpu.memory_space<vmem>>, vector<1x16xi32>,
        %swap3A_785 = arith.constant 8 : i32
        %swap3A_786 = arith.index_cast %swap3A_785 : i32 to index
        %swap3A_787 = arith.constant 0 : index
        %swap3A_788 = tpu.vector_load %arg9[%swap3A_786, %swap3A_787] {strides = array<i32>} : memref<77x192xi32, #tpu.memory_space<vmem>>, vector<1x16xi32>,
        %swap3A_789 = vector.shape_cast %swap3A_788 : vector<1x16xi32> to vector<16xi32>
        %swap3A_790 = vector.shape_cast %broadcast_in_dim3A_397 : vector<16xi32> to vector<1x16xi32>
        tpu.vector_store %arg9[%swap3A_786, %swap3A_787], %swap3A_790 {strides = array<i32>} : memref<77x192xi32, #tpu.memory_space<vmem>>, vector<1x16xi32>,
        %swap3A_791 = arith.constant 8 : i32
        %swap3A_792 = arith.index_cast %swap3A_791 : i32 to index
        %swap3A_793 = arith.constant 16 : index
        %swap3A_794 = tpu.vector_load %arg9[%swap3A_792, %swap3A_793] {strides = array<i32>} : memref<77x192xi32, #tpu.memory_space<vmem>>, vector<1x16xi32>,
        %swap3A_795 = vector.shape_cast %swap3A_794 : vector<1x16xi32> to vector<16xi32>
        %swap3A_796 = vector.shape_cast %broadcast_in_dim3A_397 : vector<16xi32> to vector<1x16xi32>
        tpu.vector_store %arg9[%swap3A_792, %swap3A_793], %swap3A_796 {strides = array<i32>} : memref<77x192xi32, #tpu.memory_space<vmem>>, vector<1x16xi32>,
        %swap3A_797 = arith.constant 8 : i32
        %swap3A_798 = arith.index_cast %swap3A_797 : i32 to index
        %swap3A_799 = arith.constant 32 : index
        %swap3A_800 = tpu.vector_load %arg9[%swap3A_798, %swap3A_799] {strides = array<i32>} : memref<77x192xi32, #tpu.memory_space<vmem>>, vector<1x16xi32>,
        %swap3A_801 = vector.shape_cast %swap3A_800 : vector<1x16xi32> to vector<16xi32>
        %swap3A_802 = vector.shape_cast %broadcast_in_dim3A_397 : vector<16xi32> to vector<1x16xi32>
        tpu.vector_store %arg9[%swap3A_798, %swap3A_799], %swap3A_802 {strides = array<i32>} : memref<77x192xi32, #tpu.memory_space<vmem>>, vector<1x16xi32>,
        %swap3A_803 = arith.constant 8 : i32
        %swap3A_804 = arith.index_cast %swap3A_803 : i32 to index
        %swap3A_805 = arith.constant 48 : index
        %swap3A_806 = tpu.vector_load %arg9[%swap3A_804, %swap3A_805] {strides = array<i32>} : memref<77x192xi32, #tpu.memory_space<vmem>>, vector<1x16xi32>,
        %swap3A_807 = vector.shape_cast %swap3A_806 : vector<1x16xi32> to vector<16xi32>
        %swap3A_808 = vector.shape_cast %broadcast_in_dim3A_397 : vector<16xi32> to vector<1x16xi32>
        tpu.vector_store %arg9[%swap3A_804, %swap3A_805], %swap3A_808 {strides = array<i32>} : memref<77x192xi32, #tpu.memory_space<vmem>>, vector<1x16xi32>,
        %swap3A_809 = arith.constant 8 : i32
        %swap3A_810 = arith.index_cast %swap3A_809 : i32 to index
        %swap3A_811 = arith.constant 64 : index
        %swap3A_812 = tpu.vector_load %arg9[%swap3A_810, %swap3A_811] {strides = array<i32>} : memref<77x192xi32, #tpu.memory_space<vmem>>, vector<1x16xi32>,
        %swap3A_813 = vector.shape_cast %swap3A_812 : vector<1x16xi32> to vector<16xi32>
        %swap3A_814 = vector.shape_cast %broadcast_in_dim3A_397 : vector<16xi32> to vector<1x16xi32>
        tpu.vector_store %arg9[%swap3A_810, %swap3A_811], %swap3A_814 {strides = array<i32>} : memref<77x192xi32, #tpu.memory_space<vmem>>, vector<1x16xi32>,
        %swap3A_815 = arith.constant 8 : i32
        %swap3A_816 = arith.index_cast %swap3A_815 : i32 to index
        %swap3A_817 = arith.constant 80 : index
        %swap3A_818 = tpu.vector_load %arg9[%swap3A_816, %swap3A_817] {strides = array<i32>} : memref<77x192xi32, #tpu.memory_space<vmem>>, vector<1x16xi32>,
        %swap3A_819 = vector.shape_cast %swap3A_818 : vector<1x16xi32> to vector<16xi32>
        %swap3A_820 = vector.shape_cast %broadcast_in_dim3A_397 : vector<16xi32> to vector<1x16xi32>
        tpu.vector_store %arg9[%swap3A_816, %swap3A_817], %swap3A_820 {strides = array<i32>} : memref<77x192xi32, #tpu.memory_space<vmem>>, vector<1x16xi32>,
        %swap3A_821 = arith.constant 8 : i32
        %swap3A_822 = arith.index_cast %swap3A_821 : i32 to index
        %swap3A_823 = arith.constant 96 : index
        %swap3A_824 = tpu.vector_load %arg9[%swap3A_822, %swap3A_823] {strides = array<i32>} : memref<77x192xi32, #tpu.memory_space<vmem>>, vector<1x16xi32>,
        %swap3A_825 = vector.shape_cast %swap3A_824 : vector<1x16xi32> to vector<16xi32>
        %swap3A_826 = vector.shape_cast %broadcast_in_dim3A_397 : vector<16xi32> to vector<1x16xi32>
        tpu.vector_store %arg9[%swap3A_822, %swap3A_823], %swap3A_826 {strides = array<i32>} : memref<77x192xi32, #tpu.memory_space<vmem>>, vector<1x16xi32>,
        %swap3A_827 = arith.constant 8 : i32
        %swap3A_828 = arith.index_cast %swap3A_827 : i32 to index
        %swap3A_829 = arith.constant 112 : index
        %swap3A_830 = tpu.vector_load %arg9[%swap3A_828, %swap3A_829] {strides = array<i32>} : memref<77x192xi32, #tpu.memory_space<vmem>>, vector<1x16xi32>,
        %swap3A_831 = vector.shape_cast %swap3A_830 : vector<1x16xi32> to vector<16xi32>
        %swap3A_832 = vector.shape_cast %broadcast_in_dim3A_397 : vector<16xi32> to vector<1x16xi32>
        tpu.vector_store %arg9[%swap3A_828, %swap3A_829], %swap3A_832 {strides = array<i32>} : memref<77x192xi32, #tpu.memory_space<vmem>>, vector<1x16xi32>,
        %dma_start3A_833 = arith.constant 0 : i32
        %dma_start3A_834 = arith.constant 0 : i32
        %dma_start3A_835 = tpu.memref_slice %arg9[%dma_start3A_833, %dma_start3A_834] : memref<77x192xi32, #tpu.memory_space<vmem>> -> memref<77x128xi32, #tpu.memory_space<vmem>>
        %dma_start3A_836 = arith.constant 0 : i32
        %dma_start3A_837 = tpu.memref_slice %arg6[%dma_start3A_836, %mul3A_423] : memref<77x1600xi32, #tpu.memory_space<hbm>> -> memref<77x128xi32, #tpu.memory_space<hbm>>
        %dma_start3A_838 = arith.constant 0 : i32
        %dma_start3A_839 = tpu.memref_slice %arg6[%dma_start3A_838, %mul3A_423] : memref<77x1600xi32, #tpu.memory_space<hbm>> -> memref<77x128xi32, #tpu.memory_space<hbm>>
        %dma_start3A_840 = arith.constant 0 : i32
        %dma_start3A_841 = arith.constant 0 : i32
        %dma_start3A_842 = tpu.memref_slice %arg9[%dma_start3A_840, %dma_start3A_841] : memref<77x192xi32, #tpu.memory_space<vmem>> -> memref<77x128xi32, #tpu.memory_space<vmem>>
        tpu.enqueue_dma source(%dma_start3A_842 : memref<77x128xi32, #tpu.memory_space<vmem>>) target(%dma_start3A_839 : memref<77x128xi32, #tpu.memory_space<hbm>>) target_semaphore(%arg18 : memref<!tpu.dma_semaphore, #tpu.memory_space<semaphore_mem>>)
        %dma_wait3A_843 = arith.constant 0 : i32
        %dma_wait3A_844 = arith.constant 0 : i32
        %dma_wait3A_845 = tpu.memref_slice %arg9[%dma_wait3A_843, %dma_wait3A_844] : memref<77x192xi32, #tpu.memory_space<vmem>> -> memref<77x128xi32, #tpu.memory_space<vmem>>
        %dma_wait3A_846 = arith.constant 0 : i32
        %dma_wait3A_847 = tpu.memref_slice %arg6[%dma_wait3A_846, %mul3A_423] : memref<77x1600xi32, #tpu.memory_space<hbm>> -> memref<77x128xi32, #tpu.memory_space<hbm>>
        %dma_wait3A_848 = arith.constant 0 : i32
        %dma_wait3A_849 = tpu.memref_slice %arg6[%dma_wait3A_848, %mul3A_423] : memref<77x1600xi32, #tpu.memory_space<hbm>> -> memref<77x128xi32, #tpu.memory_space<hbm>>
        %dma_wait3A_850 = arith.constant 0 : i32
        %dma_wait3A_851 = arith.constant 0 : i32
        %dma_wait3A_852 = tpu.memref_slice %arg9[%dma_wait3A_850, %dma_wait3A_851] : memref<77x192xi32, #tpu.memory_space<vmem>> -> memref<77x128xi32, #tpu.memory_space<vmem>>
        tpu.wait_dma2 semaphore(%arg18 : memref<!tpu.dma_semaphore, #tpu.memory_space<semaphore_mem>>) src(%dma_wait3A_852 : memref<77x128xi32, #tpu.memory_space<vmem>>) dst(%dma_wait3A_849 : memref<77x128xi32, #tpu.memory_space<hbm>>)
      }
      %scan3A_415 = arith.constant 2 : i32
    } else {
    }
    %eq3A_405 = arith.constant 26 : i32
    %eq3A_406 = arith.cmpi eq, %add3A, %eq3A_405 : i32
    %convert_element_type3A_407 = arith.extui %eq3A_406 : i1 to i32
    %cond3A_408 = arith.constant 0 : i32
    %cond3A_409 = arith.cmpi ne, %convert_element_type3A_407, %cond3A_408 : i32
    scf.if %cond3A_409 {
      %dma_start3A_410 = arith.constant 0 : i32
      %dma_start3A_411 = arith.constant 128 : i32
      %dma_start3A_412 = tpu.memref_slice %arg9[%dma_start3A_410, %dma_start3A_411] : memref<77x192xi32, #tpu.memory_space<vmem>> -> memref<77x64xi32, #tpu.memory_space<vmem>>
      %dma_start3A_413 = arith.constant 0 : i32
      %dma_start3A_414 = arith.constant 1536 : i32
      %dma_start3A_415 = tpu.memref_slice %arg4[%dma_start3A_413, %dma_start3A_414] : memref<77x1600xi32, #tpu.memory_space<hbm>> -> memref<77x64xi32, #tpu.memory_space<hbm>>
      %dma_start3A_416 = arith.constant 0 : i32
      %dma_start3A_417 = arith.constant 128 : i32
      %dma_start3A_418 = tpu.memref_slice %arg9[%dma_start3A_416, %dma_start3A_417] : memref<77x192xi32, #tpu.memory_space<vmem>> -> memref<77x64xi32, #tpu.memory_space<vmem>>
      %dma_start3A_419 = arith.constant 0 : i32
      %dma_start3A_420 = arith.constant 1536 : i32
      %dma_start3A_421 = tpu.memref_slice %arg4[%dma_start3A_419, %dma_start3A_420] : memref<77x1600xi32, #tpu.memory_space<hbm>> -> memref<77x64xi32, #tpu.memory_space<hbm>>
      tpu.enqueue_dma source(%dma_start3A_421 : memref<77x64xi32, #tpu.memory_space<hbm>>) target(%dma_start3A_418 : memref<77x64xi32, #tpu.memory_space<vmem>>) target_semaphore(%arg18 : memref<!tpu.dma_semaphore, #tpu.memory_space<semaphore_mem>>)
      %dma_wait3A_422 = arith.constant 0 : i32
      %dma_wait3A_423 = arith.constant 128 : i32
      %dma_wait3A_424 = tpu.memref_slice %arg9[%dma_wait3A_422, %dma_wait3A_423] : memref<77x192xi32, #tpu.memory_space<vmem>> -> memref<77x64xi32, #tpu.memory_space<vmem>>
      %dma_wait3A_425 = arith.constant 0 : i32
      %dma_wait3A_426 = arith.constant 1536 : i32
      %dma_wait3A_427 = tpu.memref_slice %arg4[%dma_wait3A_425, %dma_wait3A_426] : memref<77x1600xi32, #tpu.memory_space<hbm>> -> memref<77x64xi32, #tpu.memory_space<hbm>>
      %dma_wait3A_428 = arith.constant 0 : i32
      %dma_wait3A_429 = arith.constant 128 : i32
      %dma_wait3A_430 = tpu.memref_slice %arg9[%dma_wait3A_428, %dma_wait3A_429] : memref<77x192xi32, #tpu.memory_space<vmem>> -> memref<77x64xi32, #tpu.memory_space<vmem>>
      %dma_wait3A_431 = arith.constant 0 : i32
      %dma_wait3A_432 = arith.constant 1536 : i32
      %dma_wait3A_433 = tpu.memref_slice %arg4[%dma_wait3A_431, %dma_wait3A_432] : memref<77x1600xi32, #tpu.memory_space<hbm>> -> memref<77x64xi32, #tpu.memory_space<hbm>>
      tpu.wait_dma2 semaphore(%arg18 : memref<!tpu.dma_semaphore, #tpu.memory_space<semaphore_mem>>) src(%dma_wait3A_433 : memref<77x64xi32, #tpu.memory_space<hbm>>) dst(%dma_wait3A_430 : memref<77x64xi32, #tpu.memory_space<vmem>>)
      %scan3A_434 = arith.constant 0 : i32
      %scan3A_435 = arith.constant 0 : i32
      %scan3A_436 = arith.constant 68 : i32
      %scan3A_437 = arith.addi %scan3A_435, %scan3A_436 : i32
      %scan3A_438 = arith.constant 1 : i32
      scf.for %scan3A_655 = %scan3A_435 to %scan3A_437 step %scan3A_438  : i32 {
        %sub3A_656 = arith.constant 76 : i32
        %sub3A_657 = arith.subi %sub3A_656, %scan3A_655 : i32
        %sub3A_658 = arith.constant 8 : i32
        %sub3A_659 = arith.subi %sub3A_657, %sub3A_658 : i32
        %get3A = arith.index_cast %sub3A_659 : i32 to index
        %get3A_660 = arith.constant 128 : index
        %get3A_661 = tpu.vector_load %arg9[%get3A, %get3A_660] {strides = array<i32>} : memref<77x192xi32, #tpu.memory_space<vmem>>, vector<1x16xi32>,
        %get3A_662 = vector.shape_cast %get3A_661 : vector<1x16xi32> to vector<16xi32>
        %swap3A_663 = arith.index_cast %sub3A_657 : i32 to index
        %swap3A_664 = arith.constant 128 : index
        %swap3A_665 = tpu.vector_load %arg9[%swap3A_663, %swap3A_664] {strides = array<i32>} : memref<77x192xi32, #tpu.memory_space<vmem>>, vector<1x16xi32>,
        %swap3A_666 = vector.shape_cast %swap3A_665 : vector<1x16xi32> to vector<16xi32>
        %swap3A_667 = vector.shape_cast %get3A_662 : vector<16xi32> to vector<1x16xi32>
        tpu.vector_store %arg9[%swap3A_663, %swap3A_664], %swap3A_667 {strides = array<i32>} : memref<77x192xi32, #tpu.memory_space<vmem>>, vector<1x16xi32>,
        %sub3A_668 = arith.constant 8 : i32
        %sub3A_669 = arith.subi %sub3A_657, %sub3A_668 : i32
        %get3A_670 = arith.index_cast %sub3A_669 : i32 to index
        %get3A_671 = arith.constant 144 : index
        %get3A_672 = tpu.vector_load %arg9[%get3A_670, %get3A_671] {strides = array<i32>} : memref<77x192xi32, #tpu.memory_space<vmem>>, vector<1x16xi32>,
        %get3A_673 = vector.shape_cast %get3A_672 : vector<1x16xi32> to vector<16xi32>
        %swap3A_674 = arith.index_cast %sub3A_657 : i32 to index
        %swap3A_675 = arith.constant 144 : index
        %swap3A_676 = tpu.vector_load %arg9[%swap3A_674, %swap3A_675] {strides = array<i32>} : memref<77x192xi32, #tpu.memory_space<vmem>>, vector<1x16xi32>,
        %swap3A_677 = vector.shape_cast %swap3A_676 : vector<1x16xi32> to vector<16xi32>
        %swap3A_678 = vector.shape_cast %get3A_673 : vector<16xi32> to vector<1x16xi32>
        tpu.vector_store %arg9[%swap3A_674, %swap3A_675], %swap3A_678 {strides = array<i32>} : memref<77x192xi32, #tpu.memory_space<vmem>>, vector<1x16xi32>,
        %sub3A_679 = arith.constant 8 : i32
        %sub3A_680 = arith.subi %sub3A_657, %sub3A_679 : i32
        %get3A_681 = arith.index_cast %sub3A_680 : i32 to index
        %get3A_682 = arith.constant 160 : index
        %get3A_683 = tpu.vector_load %arg9[%get3A_681, %get3A_682] {strides = array<i32>} : memref<77x192xi32, #tpu.memory_space<vmem>>, vector<1x16xi32>,
        %get3A_684 = vector.shape_cast %get3A_683 : vector<1x16xi32> to vector<16xi32>
        %swap3A_685 = arith.index_cast %sub3A_657 : i32 to index
        %swap3A_686 = arith.constant 160 : index
        %swap3A_687 = tpu.vector_load %arg9[%swap3A_685, %swap3A_686] {strides = array<i32>} : memref<77x192xi32, #tpu.memory_space<vmem>>, vector<1x16xi32>,
        %swap3A_688 = vector.shape_cast %swap3A_687 : vector<1x16xi32> to vector<16xi32>
        %swap3A_689 = vector.shape_cast %get3A_684 : vector<16xi32> to vector<1x16xi32>
        tpu.vector_store %arg9[%swap3A_685, %swap3A_686], %swap3A_689 {strides = array<i32>} : memref<77x192xi32, #tpu.memory_space<vmem>>, vector<1x16xi32>,
        %sub3A_690 = arith.constant 8 : i32
        %sub3A_691 = arith.subi %sub3A_657, %sub3A_690 : i32
        %get3A_692 = arith.index_cast %sub3A_691 : i32 to index
        %get3A_693 = arith.constant 176 : index
        %get3A_694 = tpu.vector_load %arg9[%get3A_692, %get3A_693] {strides = array<i32>} : memref<77x192xi32, #tpu.memory_space<vmem>>, vector<1x16xi32>,
        %get3A_695 = vector.shape_cast %get3A_694 : vector<1x16xi32> to vector<16xi32>
        %swap3A_696 = arith.index_cast %sub3A_657 : i32 to index
        %swap3A_697 = arith.constant 176 : index
        %swap3A_698 = tpu.vector_load %arg9[%swap3A_696, %swap3A_697] {strides = array<i32>} : memref<77x192xi32, #tpu.memory_space<vmem>>, vector<1x16xi32>,
        %swap3A_699 = vector.shape_cast %swap3A_698 : vector<1x16xi32> to vector<16xi32>
        %swap3A_700 = vector.shape_cast %get3A_695 : vector<16xi32> to vector<1x16xi32>
        tpu.vector_store %arg9[%swap3A_696, %swap3A_697], %swap3A_700 {strides = array<i32>} : memref<77x192xi32, #tpu.memory_space<vmem>>, vector<1x16xi32>,
      }
      %scan3A_439 = arith.constant 68 : i32
      %swap3A = arith.constant 1 : i32
      %swap3A_440 = arith.index_cast %swap3A : i32 to index
      %swap3A_441 = arith.constant 128 : index
      %swap3A_442 = tpu.vector_load %arg9[%swap3A_440, %swap3A_441] {strides = array<i32>} : memref<77x192xi32, #tpu.memory_space<vmem>>, vector<1x16xi32>,
      %swap3A_443 = vector.shape_cast %swap3A_442 : vector<1x16xi32> to vector<16xi32>
      %swap3A_444 = vector.shape_cast %broadcast_in_dim3A_397 : vector<16xi32> to vector<1x16xi32>
      tpu.vector_store %arg9[%swap3A_440, %swap3A_441], %swap3A_444 {strides = array<i32>} : memref<77x192xi32, #tpu.memory_space<vmem>>, vector<1x16xi32>,
      %swap3A_445 = arith.constant 1 : i32
      %swap3A_446 = arith.index_cast %swap3A_445 : i32 to index
      %swap3A_447 = arith.constant 144 : index
      %swap3A_448 = tpu.vector_load %arg9[%swap3A_446, %swap3A_447] {strides = array<i32>} : memref<77x192xi32, #tpu.memory_space<vmem>>, vector<1x16xi32>,
      %swap3A_449 = vector.shape_cast %swap3A_448 : vector<1x16xi32> to vector<16xi32>
      %swap3A_450 = vector.shape_cast %broadcast_in_dim3A_397 : vector<16xi32> to vector<1x16xi32>
      tpu.vector_store %arg9[%swap3A_446, %swap3A_447], %swap3A_450 {strides = array<i32>} : memref<77x192xi32, #tpu.memory_space<vmem>>, vector<1x16xi32>,
      %swap3A_451 = arith.constant 1 : i32
      %swap3A_452 = arith.index_cast %swap3A_451 : i32 to index
      %swap3A_453 = arith.constant 160 : index
      %swap3A_454 = tpu.vector_load %arg9[%swap3A_452, %swap3A_453] {strides = array<i32>} : memref<77x192xi32, #tpu.memory_space<vmem>>, vector<1x16xi32>,
      %swap3A_455 = vector.shape_cast %swap3A_454 : vector<1x16xi32> to vector<16xi32>
      %swap3A_456 = vector.shape_cast %broadcast_in_dim3A_397 : vector<16xi32> to vector<1x16xi32>
      tpu.vector_store %arg9[%swap3A_452, %swap3A_453], %swap3A_456 {strides = array<i32>} : memref<77x192xi32, #tpu.memory_space<vmem>>, vector<1x16xi32>,
      %swap3A_457 = arith.constant 1 : i32
      %swap3A_458 = arith.index_cast %swap3A_457 : i32 to index
      %swap3A_459 = arith.constant 176 : index
      %swap3A_460 = tpu.vector_load %arg9[%swap3A_458, %swap3A_459] {strides = array<i32>} : memref<77x192xi32, #tpu.memory_space<vmem>>, vector<1x16xi32>,
      %swap3A_461 = vector.shape_cast %swap3A_460 : vector<1x16xi32> to vector<16xi32>
      %swap3A_462 = vector.shape_cast %broadcast_in_dim3A_397 : vector<16xi32> to vector<1x16xi32>
      tpu.vector_store %arg9[%swap3A_458, %swap3A_459], %swap3A_462 {strides = array<i32>} : memref<77x192xi32, #tpu.memory_space<vmem>>, vector<1x16xi32>,
      %swap3A_463 = arith.constant 2 : i32
      %swap3A_464 = arith.index_cast %swap3A_463 : i32 to index
      %swap3A_465 = arith.constant 128 : index
      %swap3A_466 = tpu.vector_load %arg9[%swap3A_464, %swap3A_465] {strides = array<i32>} : memref<77x192xi32, #tpu.memory_space<vmem>>, vector<1x16xi32>,
      %swap3A_467 = vector.shape_cast %swap3A_466 : vector<1x16xi32> to vector<16xi32>
      %swap3A_468 = vector.shape_cast %broadcast_in_dim3A_397 : vector<16xi32> to vector<1x16xi32>
      tpu.vector_store %arg9[%swap3A_464, %swap3A_465], %swap3A_468 {strides = array<i32>} : memref<77x192xi32, #tpu.memory_space<vmem>>, vector<1x16xi32>,
      %swap3A_469 = arith.constant 2 : i32
      %swap3A_470 = arith.index_cast %swap3A_469 : i32 to index
      %swap3A_471 = arith.constant 144 : index
      %swap3A_472 = tpu.vector_load %arg9[%swap3A_470, %swap3A_471] {strides = array<i32>} : memref<77x192xi32, #tpu.memory_space<vmem>>, vector<1x16xi32>,
      %swap3A_473 = vector.shape_cast %swap3A_472 : vector<1x16xi32> to vector<16xi32>
      %swap3A_474 = vector.shape_cast %broadcast_in_dim3A_397 : vector<16xi32> to vector<1x16xi32>
      tpu.vector_store %arg9[%swap3A_470, %swap3A_471], %swap3A_474 {strides = array<i32>} : memref<77x192xi32, #tpu.memory_space<vmem>>, vector<1x16xi32>,
      %swap3A_475 = arith.constant 2 : i32
      %swap3A_476 = arith.index_cast %swap3A_475 : i32 to index
      %swap3A_477 = arith.constant 160 : index
      %swap3A_478 = tpu.vector_load %arg9[%swap3A_476, %swap3A_477] {strides = array<i32>} : memref<77x192xi32, #tpu.memory_space<vmem>>, vector<1x16xi32>,
      %swap3A_479 = vector.shape_cast %swap3A_478 : vector<1x16xi32> to vector<16xi32>
      %swap3A_480 = vector.shape_cast %broadcast_in_dim3A_397 : vector<16xi32> to vector<1x16xi32>
      tpu.vector_store %arg9[%swap3A_476, %swap3A_477], %swap3A_480 {strides = array<i32>} : memref<77x192xi32, #tpu.memory_space<vmem>>, vector<1x16xi32>,
      %swap3A_481 = arith.constant 2 : i32
      %swap3A_482 = arith.index_cast %swap3A_481 : i32 to index
      %swap3A_483 = arith.constant 176 : index
      %swap3A_484 = tpu.vector_load %arg9[%swap3A_482, %swap3A_483] {strides = array<i32>} : memref<77x192xi32, #tpu.memory_space<vmem>>, vector<1x16xi32>,
      %swap3A_485 = vector.shape_cast %swap3A_484 : vector<1x16xi32> to vector<16xi32>
      %swap3A_486 = vector.shape_cast %broadcast_in_dim3A_397 : vector<16xi32> to vector<1x16xi32>
      tpu.vector_store %arg9[%swap3A_482, %swap3A_483], %swap3A_486 {strides = array<i32>} : memref<77x192xi32, #tpu.memory_space<vmem>>, vector<1x16xi32>,
      %swap3A_487 = arith.constant 3 : i32
      %swap3A_488 = arith.index_cast %swap3A_487 : i32 to index
      %swap3A_489 = arith.constant 128 : index
      %swap3A_490 = tpu.vector_load %arg9[%swap3A_488, %swap3A_489] {strides = array<i32>} : memref<77x192xi32, #tpu.memory_space<vmem>>, vector<1x16xi32>,
      %swap3A_491 = vector.shape_cast %swap3A_490 : vector<1x16xi32> to vector<16xi32>
      %swap3A_492 = vector.shape_cast %broadcast_in_dim3A_397 : vector<16xi32> to vector<1x16xi32>
      tpu.vector_store %arg9[%swap3A_488, %swap3A_489], %swap3A_492 {strides = array<i32>} : memref<77x192xi32, #tpu.memory_space<vmem>>, vector<1x16xi32>,
      %swap3A_493 = arith.constant 3 : i32
      %swap3A_494 = arith.index_cast %swap3A_493 : i32 to index
      %swap3A_495 = arith.constant 144 : index
      %swap3A_496 = tpu.vector_load %arg9[%swap3A_494, %swap3A_495] {strides = array<i32>} : memref<77x192xi32, #tpu.memory_space<vmem>>, vector<1x16xi32>,
      %swap3A_497 = vector.shape_cast %swap3A_496 : vector<1x16xi32> to vector<16xi32>
      %swap3A_498 = vector.shape_cast %broadcast_in_dim3A_397 : vector<16xi32> to vector<1x16xi32>
      tpu.vector_store %arg9[%swap3A_494, %swap3A_495], %swap3A_498 {strides = array<i32>} : memref<77x192xi32, #tpu.memory_space<vmem>>, vector<1x16xi32>,
      %swap3A_499 = arith.constant 3 : i32
      %swap3A_500 = arith.index_cast %swap3A_499 : i32 to index
      %swap3A_501 = arith.constant 160 : index
      %swap3A_502 = tpu.vector_load %arg9[%swap3A_500, %swap3A_501] {strides = array<i32>} : memref<77x192xi32, #tpu.memory_space<vmem>>, vector<1x16xi32>,
      %swap3A_503 = vector.shape_cast %swap3A_502 : vector<1x16xi32> to vector<16xi32>
      %swap3A_504 = vector.shape_cast %broadcast_in_dim3A_397 : vector<16xi32> to vector<1x16xi32>
      tpu.vector_store %arg9[%swap3A_500, %swap3A_501], %swap3A_504 {strides = array<i32>} : memref<77x192xi32, #tpu.memory_space<vmem>>, vector<1x16xi32>,
      %swap3A_505 = arith.constant 3 : i32
      %swap3A_506 = arith.index_cast %swap3A_505 : i32 to index
      %swap3A_507 = arith.constant 176 : index
      %swap3A_508 = tpu.vector_load %arg9[%swap3A_506, %swap3A_507] {strides = array<i32>} : memref<77x192xi32, #tpu.memory_space<vmem>>, vector<1x16xi32>,
      %swap3A_509 = vector.shape_cast %swap3A_508 : vector<1x16xi32> to vector<16xi32>
      %swap3A_510 = vector.shape_cast %broadcast_in_dim3A_397 : vector<16xi32> to vector<1x16xi32>
      tpu.vector_store %arg9[%swap3A_506, %swap3A_507], %swap3A_510 {strides = array<i32>} : memref<77x192xi32, #tpu.memory_space<vmem>>, vector<1x16xi32>,
      %swap3A_511 = arith.constant 4 : i32
      %swap3A_512 = arith.index_cast %swap3A_511 : i32 to index
      %swap3A_513 = arith.constant 128 : index
      %swap3A_514 = tpu.vector_load %arg9[%swap3A_512, %swap3A_513] {strides = array<i32>} : memref<77x192xi32, #tpu.memory_space<vmem>>, vector<1x16xi32>,
      %swap3A_515 = vector.shape_cast %swap3A_514 : vector<1x16xi32> to vector<16xi32>
      %swap3A_516 = vector.shape_cast %broadcast_in_dim3A_397 : vector<16xi32> to vector<1x16xi32>
      tpu.vector_store %arg9[%swap3A_512, %swap3A_513], %swap3A_516 {strides = array<i32>} : memref<77x192xi32, #tpu.memory_space<vmem>>, vector<1x16xi32>,
      %swap3A_517 = arith.constant 4 : i32
      %swap3A_518 = arith.index_cast %swap3A_517 : i32 to index
      %swap3A_519 = arith.constant 144 : index
      %swap3A_520 = tpu.vector_load %arg9[%swap3A_518, %swap3A_519] {strides = array<i32>} : memref<77x192xi32, #tpu.memory_space<vmem>>, vector<1x16xi32>,
      %swap3A_521 = vector.shape_cast %swap3A_520 : vector<1x16xi32> to vector<16xi32>
      %swap3A_522 = vector.shape_cast %broadcast_in_dim3A_397 : vector<16xi32> to vector<1x16xi32>
      tpu.vector_store %arg9[%swap3A_518, %swap3A_519], %swap3A_522 {strides = array<i32>} : memref<77x192xi32, #tpu.memory_space<vmem>>, vector<1x16xi32>,
      %swap3A_523 = arith.constant 4 : i32
      %swap3A_524 = arith.index_cast %swap3A_523 : i32 to index
      %swap3A_525 = arith.constant 160 : index
      %swap3A_526 = tpu.vector_load %arg9[%swap3A_524, %swap3A_525] {strides = array<i32>} : memref<77x192xi32, #tpu.memory_space<vmem>>, vector<1x16xi32>,
      %swap3A_527 = vector.shape_cast %swap3A_526 : vector<1x16xi32> to vector<16xi32>
      %swap3A_528 = vector.shape_cast %broadcast_in_dim3A_397 : vector<16xi32> to vector<1x16xi32>
      tpu.vector_store %arg9[%swap3A_524, %swap3A_525], %swap3A_528 {strides = array<i32>} : memref<77x192xi32, #tpu.memory_space<vmem>>, vector<1x16xi32>,
      %swap3A_529 = arith.constant 4 : i32
      %swap3A_530 = arith.index_cast %swap3A_529 : i32 to index
      %swap3A_531 = arith.constant 176 : index
      %swap3A_532 = tpu.vector_load %arg9[%swap3A_530, %swap3A_531] {strides = array<i32>} : memref<77x192xi32, #tpu.memory_space<vmem>>, vector<1x16xi32>,
      %swap3A_533 = vector.shape_cast %swap3A_532 : vector<1x16xi32> to vector<16xi32>
      %swap3A_534 = vector.shape_cast %broadcast_in_dim3A_397 : vector<16xi32> to vector<1x16xi32>
      tpu.vector_store %arg9[%swap3A_530, %swap3A_531], %swap3A_534 {strides = array<i32>} : memref<77x192xi32, #tpu.memory_space<vmem>>, vector<1x16xi32>,
      %swap3A_535 = arith.constant 5 : i32
      %swap3A_536 = arith.index_cast %swap3A_535 : i32 to index
      %swap3A_537 = arith.constant 128 : index
      %swap3A_538 = tpu.vector_load %arg9[%swap3A_536, %swap3A_537] {strides = array<i32>} : memref<77x192xi32, #tpu.memory_space<vmem>>, vector<1x16xi32>,
      %swap3A_539 = vector.shape_cast %swap3A_538 : vector<1x16xi32> to vector<16xi32>
      %swap3A_540 = vector.shape_cast %broadcast_in_dim3A_397 : vector<16xi32> to vector<1x16xi32>
      tpu.vector_store %arg9[%swap3A_536, %swap3A_537], %swap3A_540 {strides = array<i32>} : memref<77x192xi32, #tpu.memory_space<vmem>>, vector<1x16xi32>,
      %swap3A_541 = arith.constant 5 : i32
      %swap3A_542 = arith.index_cast %swap3A_541 : i32 to index
      %swap3A_543 = arith.constant 144 : index
      %swap3A_544 = tpu.vector_load %arg9[%swap3A_542, %swap3A_543] {strides = array<i32>} : memref<77x192xi32, #tpu.memory_space<vmem>>, vector<1x16xi32>,
      %swap3A_545 = vector.shape_cast %swap3A_544 : vector<1x16xi32> to vector<16xi32>
      %swap3A_546 = vector.shape_cast %broadcast_in_dim3A_397 : vector<16xi32> to vector<1x16xi32>
      tpu.vector_store %arg9[%swap3A_542, %swap3A_543], %swap3A_546 {strides = array<i32>} : memref<77x192xi32, #tpu.memory_space<vmem>>, vector<1x16xi32>,
      %swap3A_547 = arith.constant 5 : i32
      %swap3A_548 = arith.index_cast %swap3A_547 : i32 to index
      %swap3A_549 = arith.constant 160 : index
      %swap3A_550 = tpu.vector_load %arg9[%swap3A_548, %swap3A_549] {strides = array<i32>} : memref<77x192xi32, #tpu.memory_space<vmem>>, vector<1x16xi32>,
      %swap3A_551 = vector.shape_cast %swap3A_550 : vector<1x16xi32> to vector<16xi32>
      %swap3A_552 = vector.shape_cast %broadcast_in_dim3A_397 : vector<16xi32> to vector<1x16xi32>
      tpu.vector_store %arg9[%swap3A_548, %swap3A_549], %swap3A_552 {strides = array<i32>} : memref<77x192xi32, #tpu.memory_space<vmem>>, vector<1x16xi32>,
      %swap3A_553 = arith.constant 5 : i32
      %swap3A_554 = arith.index_cast %swap3A_553 : i32 to index
      %swap3A_555 = arith.constant 176 : index
      %swap3A_556 = tpu.vector_load %arg9[%swap3A_554, %swap3A_555] {strides = array<i32>} : memref<77x192xi32, #tpu.memory_space<vmem>>, vector<1x16xi32>,
      %swap3A_557 = vector.shape_cast %swap3A_556 : vector<1x16xi32> to vector<16xi32>
      %swap3A_558 = vector.shape_cast %broadcast_in_dim3A_397 : vector<16xi32> to vector<1x16xi32>
      tpu.vector_store %arg9[%swap3A_554, %swap3A_555], %swap3A_558 {strides = array<i32>} : memref<77x192xi32, #tpu.memory_space<vmem>>, vector<1x16xi32>,
      %swap3A_559 = arith.constant 6 : i32
      %swap3A_560 = arith.index_cast %swap3A_559 : i32 to index
      %swap3A_561 = arith.constant 128 : index
      %swap3A_562 = tpu.vector_load %arg9[%swap3A_560, %swap3A_561] {strides = array<i32>} : memref<77x192xi32, #tpu.memory_space<vmem>>, vector<1x16xi32>,
      %swap3A_563 = vector.shape_cast %swap3A_562 : vector<1x16xi32> to vector<16xi32>
      %swap3A_564 = vector.shape_cast %broadcast_in_dim3A_397 : vector<16xi32> to vector<1x16xi32>
      tpu.vector_store %arg9[%swap3A_560, %swap3A_561], %swap3A_564 {strides = array<i32>} : memref<77x192xi32, #tpu.memory_space<vmem>>, vector<1x16xi32>,
      %swap3A_565 = arith.constant 6 : i32
      %swap3A_566 = arith.index_cast %swap3A_565 : i32 to index
      %swap3A_567 = arith.constant 144 : index
      %swap3A_568 = tpu.vector_load %arg9[%swap3A_566, %swap3A_567] {strides = array<i32>} : memref<77x192xi32, #tpu.memory_space<vmem>>, vector<1x16xi32>,
      %swap3A_569 = vector.shape_cast %swap3A_568 : vector<1x16xi32> to vector<16xi32>
      %swap3A_570 = vector.shape_cast %broadcast_in_dim3A_397 : vector<16xi32> to vector<1x16xi32>
      tpu.vector_store %arg9[%swap3A_566, %swap3A_567], %swap3A_570 {strides = array<i32>} : memref<77x192xi32, #tpu.memory_space<vmem>>, vector<1x16xi32>,
      %swap3A_571 = arith.constant 6 : i32
      %swap3A_572 = arith.index_cast %swap3A_571 : i32 to index
      %swap3A_573 = arith.constant 160 : index
      %swap3A_574 = tpu.vector_load %arg9[%swap3A_572, %swap3A_573] {strides = array<i32>} : memref<77x192xi32, #tpu.memory_space<vmem>>, vector<1x16xi32>,
      %swap3A_575 = vector.shape_cast %swap3A_574 : vector<1x16xi32> to vector<16xi32>
      %swap3A_576 = vector.shape_cast %broadcast_in_dim3A_397 : vector<16xi32> to vector<1x16xi32>
      tpu.vector_store %arg9[%swap3A_572, %swap3A_573], %swap3A_576 {strides = array<i32>} : memref<77x192xi32, #tpu.memory_space<vmem>>, vector<1x16xi32>,
      %swap3A_577 = arith.constant 6 : i32
      %swap3A_578 = arith.index_cast %swap3A_577 : i32 to index
      %swap3A_579 = arith.constant 176 : index
      %swap3A_580 = tpu.vector_load %arg9[%swap3A_578, %swap3A_579] {strides = array<i32>} : memref<77x192xi32, #tpu.memory_space<vmem>>, vector<1x16xi32>,
      %swap3A_581 = vector.shape_cast %swap3A_580 : vector<1x16xi32> to vector<16xi32>
      %swap3A_582 = vector.shape_cast %broadcast_in_dim3A_397 : vector<16xi32> to vector<1x16xi32>
      tpu.vector_store %arg9[%swap3A_578, %swap3A_579], %swap3A_582 {strides = array<i32>} : memref<77x192xi32, #tpu.memory_space<vmem>>, vector<1x16xi32>,
      %swap3A_583 = arith.constant 7 : i32
      %swap3A_584 = arith.index_cast %swap3A_583 : i32 to index
      %swap3A_585 = arith.constant 128 : index
      %swap3A_586 = tpu.vector_load %arg9[%swap3A_584, %swap3A_585] {strides = array<i32>} : memref<77x192xi32, #tpu.memory_space<vmem>>, vector<1x16xi32>,
      %swap3A_587 = vector.shape_cast %swap3A_586 : vector<1x16xi32> to vector<16xi32>
      %swap3A_588 = vector.shape_cast %broadcast_in_dim3A_397 : vector<16xi32> to vector<1x16xi32>
      tpu.vector_store %arg9[%swap3A_584, %swap3A_585], %swap3A_588 {strides = array<i32>} : memref<77x192xi32, #tpu.memory_space<vmem>>, vector<1x16xi32>,
      %swap3A_589 = arith.constant 7 : i32
      %swap3A_590 = arith.index_cast %swap3A_589 : i32 to index
      %swap3A_591 = arith.constant 144 : index
      %swap3A_592 = tpu.vector_load %arg9[%swap3A_590, %swap3A_591] {strides = array<i32>} : memref<77x192xi32, #tpu.memory_space<vmem>>, vector<1x16xi32>,
      %swap3A_593 = vector.shape_cast %swap3A_592 : vector<1x16xi32> to vector<16xi32>
      %swap3A_594 = vector.shape_cast %broadcast_in_dim3A_397 : vector<16xi32> to vector<1x16xi32>
      tpu.vector_store %arg9[%swap3A_590, %swap3A_591], %swap3A_594 {strides = array<i32>} : memref<77x192xi32, #tpu.memory_space<vmem>>, vector<1x16xi32>,
      %swap3A_595 = arith.constant 7 : i32
      %swap3A_596 = arith.index_cast %swap3A_595 : i32 to index
      %swap3A_597 = arith.constant 160 : index
      %swap3A_598 = tpu.vector_load %arg9[%swap3A_596, %swap3A_597] {strides = array<i32>} : memref<77x192xi32, #tpu.memory_space<vmem>>, vector<1x16xi32>,
      %swap3A_599 = vector.shape_cast %swap3A_598 : vector<1x16xi32> to vector<16xi32>
      %swap3A_600 = vector.shape_cast %broadcast_in_dim3A_397 : vector<16xi32> to vector<1x16xi32>
      tpu.vector_store %arg9[%swap3A_596, %swap3A_597], %swap3A_600 {strides = array<i32>} : memref<77x192xi32, #tpu.memory_space<vmem>>, vector<1x16xi32>,
      %swap3A_601 = arith.constant 7 : i32
      %swap3A_602 = arith.index_cast %swap3A_601 : i32 to index
      %swap3A_603 = arith.constant 176 : index
      %swap3A_604 = tpu.vector_load %arg9[%swap3A_602, %swap3A_603] {strides = array<i32>} : memref<77x192xi32, #tpu.memory_space<vmem>>, vector<1x16xi32>,
      %swap3A_605 = vector.shape_cast %swap3A_604 : vector<1x16xi32> to vector<16xi32>
      %swap3A_606 = vector.shape_cast %broadcast_in_dim3A_397 : vector<16xi32> to vector<1x16xi32>
      tpu.vector_store %arg9[%swap3A_602, %swap3A_603], %swap3A_606 {strides = array<i32>} : memref<77x192xi32, #tpu.memory_space<vmem>>, vector<1x16xi32>,
      %swap3A_607 = arith.constant 8 : i32
      %swap3A_608 = arith.index_cast %swap3A_607 : i32 to index
      %swap3A_609 = arith.constant 128 : index
      %swap3A_610 = tpu.vector_load %arg9[%swap3A_608, %swap3A_609] {strides = array<i32>} : memref<77x192xi32, #tpu.memory_space<vmem>>, vector<1x16xi32>,
      %swap3A_611 = vector.shape_cast %swap3A_610 : vector<1x16xi32> to vector<16xi32>
      %swap3A_612 = vector.shape_cast %broadcast_in_dim3A_397 : vector<16xi32> to vector<1x16xi32>
      tpu.vector_store %arg9[%swap3A_608, %swap3A_609], %swap3A_612 {strides = array<i32>} : memref<77x192xi32, #tpu.memory_space<vmem>>, vector<1x16xi32>,
      %swap3A_613 = arith.constant 8 : i32
      %swap3A_614 = arith.index_cast %swap3A_613 : i32 to index
      %swap3A_615 = arith.constant 144 : index
      %swap3A_616 = tpu.vector_load %arg9[%swap3A_614, %swap3A_615] {strides = array<i32>} : memref<77x192xi32, #tpu.memory_space<vmem>>, vector<1x16xi32>,
      %swap3A_617 = vector.shape_cast %swap3A_616 : vector<1x16xi32> to vector<16xi32>
      %swap3A_618 = vector.shape_cast %broadcast_in_dim3A_397 : vector<16xi32> to vector<1x16xi32>
      tpu.vector_store %arg9[%swap3A_614, %swap3A_615], %swap3A_618 {strides = array<i32>} : memref<77x192xi32, #tpu.memory_space<vmem>>, vector<1x16xi32>,
      %swap3A_619 = arith.constant 8 : i32
      %swap3A_620 = arith.index_cast %swap3A_619 : i32 to index
      %swap3A_621 = arith.constant 160 : index
      %swap3A_622 = tpu.vector_load %arg9[%swap3A_620, %swap3A_621] {strides = array<i32>} : memref<77x192xi32, #tpu.memory_space<vmem>>, vector<1x16xi32>,
      %swap3A_623 = vector.shape_cast %swap3A_622 : vector<1x16xi32> to vector<16xi32>
      %swap3A_624 = vector.shape_cast %broadcast_in_dim3A_397 : vector<16xi32> to vector<1x16xi32>
      tpu.vector_store %arg9[%swap3A_620, %swap3A_621], %swap3A_624 {strides = array<i32>} : memref<77x192xi32, #tpu.memory_space<vmem>>, vector<1x16xi32>,
      %swap3A_625 = arith.constant 8 : i32
      %swap3A_626 = arith.index_cast %swap3A_625 : i32 to index
      %swap3A_627 = arith.constant 176 : index
      %swap3A_628 = tpu.vector_load %arg9[%swap3A_626, %swap3A_627] {strides = array<i32>} : memref<77x192xi32, #tpu.memory_space<vmem>>, vector<1x16xi32>,
      %swap3A_629 = vector.shape_cast %swap3A_628 : vector<1x16xi32> to vector<16xi32>
      %swap3A_630 = vector.shape_cast %broadcast_in_dim3A_397 : vector<16xi32> to vector<1x16xi32>
      tpu.vector_store %arg9[%swap3A_626, %swap3A_627], %swap3A_630 {strides = array<i32>} : memref<77x192xi32, #tpu.memory_space<vmem>>, vector<1x16xi32>,
      %dma_start3A_631 = arith.constant 0 : i32
      %dma_start3A_632 = arith.constant 128 : i32
      %dma_start3A_633 = tpu.memref_slice %arg9[%dma_start3A_631, %dma_start3A_632] : memref<77x192xi32, #tpu.memory_space<vmem>> -> memref<77x64xi32, #tpu.memory_space<vmem>>
      %dma_start3A_634 = arith.constant 0 : i32
      %dma_start3A_635 = arith.constant 1536 : i32
      %dma_start3A_636 = tpu.memref_slice %arg6[%dma_start3A_634, %dma_start3A_635] : memref<77x1600xi32, #tpu.memory_space<hbm>> -> memref<77x64xi32, #tpu.memory_space<hbm>>
      %dma_start3A_637 = arith.constant 0 : i32
      %dma_start3A_638 = arith.constant 1536 : i32
      %dma_start3A_639 = tpu.memref_slice %arg6[%dma_start3A_637, %dma_start3A_638] : memref<77x1600xi32, #tpu.memory_space<hbm>> -> memref<77x64xi32, #tpu.memory_space<hbm>>
      %dma_start3A_640 = arith.constant 0 : i32
      %dma_start3A_641 = arith.constant 128 : i32
      %dma_start3A_642 = tpu.memref_slice %arg9[%dma_start3A_640, %dma_start3A_641] : memref<77x192xi32, #tpu.memory_space<vmem>> -> memref<77x64xi32, #tpu.memory_space<vmem>>
      tpu.enqueue_dma source(%dma_start3A_642 : memref<77x64xi32, #tpu.memory_space<vmem>>) target(%dma_start3A_639 : memref<77x64xi32, #tpu.memory_space<hbm>>) target_semaphore(%arg18 : memref<!tpu.dma_semaphore, #tpu.memory_space<semaphore_mem>>)
      %dma_wait3A_643 = arith.constant 0 : i32
      %dma_wait3A_644 = arith.constant 128 : i32
      %dma_wait3A_645 = tpu.memref_slice %arg9[%dma_wait3A_643, %dma_wait3A_644] : memref<77x192xi32, #tpu.memory_space<vmem>> -> memref<77x64xi32, #tpu.memory_space<vmem>>
      %dma_wait3A_646 = arith.constant 0 : i32
      %dma_wait3A_647 = arith.constant 1536 : i32
      %dma_wait3A_648 = tpu.memref_slice %arg6[%dma_wait3A_646, %dma_wait3A_647] : memref<77x1600xi32, #tpu.memory_space<hbm>> -> memref<77x64xi32, #tpu.memory_space<hbm>>
      %dma_wait3A_649 = arith.constant 0 : i32
      %dma_wait3A_650 = arith.constant 1536 : i32
      %dma_wait3A_651 = tpu.memref_slice %arg6[%dma_wait3A_649, %dma_wait3A_650] : memref<77x1600xi32, #tpu.memory_space<hbm>> -> memref<77x64xi32, #tpu.memory_space<hbm>>
      %dma_wait3A_652 = arith.constant 0 : i32
      %dma_wait3A_653 = arith.constant 128 : i32
      %dma_wait3A_654 = tpu.memref_slice %arg9[%dma_wait3A_652, %dma_wait3A_653] : memref<77x192xi32, #tpu.memory_space<vmem>> -> memref<77x64xi32, #tpu.memory_space<vmem>>
      tpu.wait_dma2 semaphore(%arg18 : memref<!tpu.dma_semaphore, #tpu.memory_space<semaphore_mem>>) src(%dma_wait3A_654 : memref<77x64xi32, #tpu.memory_space<vmem>>) dst(%dma_wait3A_651 : memref<77x64xi32, #tpu.memory_space<hbm>>)
    } else {
    }
    return
  }
}

</mosaic_0001>

<sc_bundles>
// kernel: kernel.3.cloned.1.call-start
scs
__scs_entry_jumppad:
0x0: {  	(pc) =	sbr.rel $0x88, $3  }
0x1: {  	(tag) =	ssettag $0x0;
	lr =	simm.s32 $0x1  }
0x2: {  	[smem:$0x3F9E] =	sst lr;
	_ =	strace $0xD0000000  }
0x3: {  	_ = 	snop  }
0x4: {  	_ = 	snop  }
0x5: {  	_ = 	snop  }
0x6: {  	_ = 	snop  }
0x7: {  	_ = 	snop  }
__scs_overlays_trampoline_lowered:
0x8: {  	[smem:$0x3FAD] =	sst s0  }
0x9: {  	[smem:$0x3FAE] =	sst s1  }
0xa: {  	[smem:$0x3FAF] =	sst s2  }
0xb: {  	[smem:$0x3FB0] =	sst s3  }
0xc: {  	[smem:$0x3FB1] =	sst s4  }
0xd: {  	[smem:$0x3FB2] =	sst s5  }
0xe: {  	[smem:$0x3FB3] =	sst s6  }
0xf: {  	[smem:$0x3FB4] =	sst s7  }
0x10: {  	[smem:$0x3FB5] =	sst s8  }
0x11: {  	[smem:$0x3FB6] =	sst s9;
	s0 =	simm.s32 @!p0 $0x0  }
0x12: {  	s1 =	sld [smem:$0x3F9C];
	s0 =	simm.s32 @p0 $0x1  }
0x13: {  	[smem:$0x3FB7] =	sst s0;
	s0 =	simm.s32 @!p1 $0x0  }
0x14: {  	s2 =	sld [smem:$0x3F9B];
	s0 =	simm.s32 @p1 $0x1  }
0x15: {  	[smem:$0x3FB8] =	sst s0;
	s0 =	simm.s32 @!p2 $0x0  }
0x16: {  	s3 =	sld [smem:$0x3FDB];
	s0 =	simm.s32 @p2 $0x1  }
0x17: {  	s4 =	simm.s32 $0x1BF5;
	[smem:$0x3FBA] =	sst s0  }
0x18: {  	s0 =	sld [smem:$0x3F9D];
	_ =	swait.ge [sflag:s4], $0x0  }
0x19: {  	s7 =	sld [smem:$0x3F9E]  }
0x1a: {  	s8 =	sadd.s32 $0xFFFFE003, lr  }
0x1b: {  	s9 =	sadd.s32 $0xFFFFFEF7, lr;
	s5 =	simm.s32 $0xFFFFFFFF;
	p2 =	slt.u32 s8, $0xFFFFF086  }
0x1c: {  	p1 =	slt.u32 s9, $0xF7A;
	s5 =	simm.s32 @!p2 $0x0  }
0x1d: {  	s5 =	simm.s32 @p1 $0x1;
	p0 =	seq.s32 s7, s2  }
0x1e: {  	s7 =	smul.u32 @!p0 $0xF7A, s2;
	p2 =	seq.s32 @!p0 s5, $0x0  }
0x1f: {  	s9 =	smul.u32 $0xF7A, s1;
	s8 =	simm.s32 @!p0 $0x1BF5;
	p2 =	por !p2, p0  }
0x20: {  	[sflag:s8] =	ssyncset.s32 @!p0 $0xFFFFF086;
	s6 =	sadd.s32 @!p0 s3, s7;
	s7 =	simm.s32 @!p0 $0x108  }
0x21: {  	s3 =	sadd.s32 s3, s9;
	s6 =	sadd.s32 @!p0 $0x88, s6;
	s7 =	simm.s32 @p2 $0x1082  }
0x22: {  	[simem:s7], [sflag:s8] =	dma.local @!p0 [hbm:s6], $0xF7A  }
0x23: {  	s9 =	sor.u32 $0xD0000000, s2;
	s6 =	simm.s32 $0x108;
	_ =	swait.ge @!p0 [sflag:s8], $0x0  }
0x24: {  	s3 =	sadd.s32 $0x88, s3;
	s6 =	simm.s32 @!p1 $0x1082;
	[sflag:s4] =	ssyncset.s32 $0xFFFFF086  }
0x25: {  	[simem:s6], [sflag:s4] =	dma.local [hbm:s3], $0xF7A  }
0x26: {  	[smem:$0x3F9E] =	sst s1;
	(tag) =	ssettag s2;
	_ =	strace s9  }
0x27: {  	s1 =	sld [smem:$0x3FAE]  }
0x28: {  	s2 =	sld [smem:$0x3FAF]  }
0x29: {  	s4 =	sld [smem:$0x3FB1]  }
0x2a: {  	p0 =	seq.s32 s5, $0x0;
	s5 =	sld [smem:$0x3FB2]  }
0x2b: {  	s6 =	sld [smem:$0x3FB3]  }
0x2c: {  	s7 =	sld [smem:$0x3FB4]  }
0x2d: {  	s3 =	simm.s32 $0x108;
	s8 =	sld [smem:$0x3FB5]  }
0x2e: {  	s3 =	simm.s32 @!p0 $0x1082;
	s9 =	sld [smem:$0x3FB6]  }
0x2f: {  	lr =	sadd.s32 s0, s3;
	s0 =	sld [smem:$0x3FAD]  }
0x30: {  	s3 =	sld [smem:$0x3FB0]  }
0x31: {  	[smem:$0x3FB9] =	sst s10  }
0x32: {  	s10 =	sld [smem:$0x3FB7];
	_ =	sdelay $0x3  }
0x33: {  	p0 =	seq.s32 s10, $0x1;
	s10 =	sld [smem:$0x3FB9];
	_ =	sdelay $0x3  }
0x34: {  	[smem:$0x3FB9] =	sst s10  }
0x35: {  	s10 =	sld [smem:$0x3FB8];
	_ =	sdelay $0x3  }
0x36: {  	p1 =	seq.s32 s10, $0x1;
	s10 =	sld [smem:$0x3FB9];
	_ =	sdelay $0x3  }
0x37: {  	[smem:$0x3FB9] =	sst s10  }
0x38: {  	s10 =	sld [smem:$0x3FBA]  }
0x39: {  	_ = 	snop;
	(pc) =	sbr.ind lr, $3  }
0x3a: {  	_ = 	snop  }
0x3b: {  	_ = 	snop  }
0x3c: {  	p2 =	seq.s32 s10, $0x1;
	s10 =	sld [smem:$0x3FB9]  }
0x3d: {  	_ =	shalt  }
0x3e: {  	_ =	shalt  }
0x3f: {  	_ =	shalt  }
0x40: {  	_ =	shalt  }
0x41: {  	_ =	shalt  }
0x42: {  	_ =	shalt  }
0x43: {  	_ =	shalt  }
0x44: {  	_ =	shalt  }
0x45: {  	_ =	shalt  }
0x46: {  	_ =	shalt  }
0x47: {  	_ =	shalt  }
0x48: {  	_ =	shalt  }
0x49: {  	_ =	shalt  }
0x4a: {  	_ =	shalt  }
0x4b: {  	_ =	shalt  }
0x4c: {  	_ =	shalt  }
0x4d: {  	_ =	shalt  }
0x4e: {  	_ =	shalt  }
0x4f: {  	_ =	shalt  }
0x50: {  	_ =	shalt  }
0x51: {  	_ =	shalt  }
0x52: {  	_ =	shalt  }
0x53: {  	_ =	shalt  }
0x54: {  	_ =	shalt  }
0x55: {  	_ =	shalt  }
0x56: {  	_ =	shalt  }
0x57: {  	_ =	shalt  }
0x58: {  	_ =	shalt  }
0x59: {  	_ =	shalt  }
0x5a: {  	_ =	shalt  }
0x5b: {  	_ =	shalt  }
0x5c: {  	_ =	shalt  }
0x5d: {  	_ =	shalt  }
0x5e: {  	_ =	shalt  }
0x5f: {  	_ =	shalt  }
0x60: {  	_ =	shalt  }
0x61: {  	_ =	shalt  }
0x62: {  	_ =	shalt  }
0x63: {  	_ =	shalt  }
0x64: {  	_ =	shalt  }
0x65: {  	_ =	shalt  }
0x66: {  	_ =	shalt  }
0x67: {  	_ =	shalt  }
0x68: {  	_ =	shalt  }
0x69: {  	_ =	shalt  }
0x6a: {  	_ =	shalt  }
0x6b: {  	_ =	shalt  }
0x6c: {  	_ =	shalt  }
0x6d: {  	_ =	shalt  }
0x6e: {  	_ =	shalt  }
0x6f: {  	_ =	shalt  }
0x70: {  	_ =	shalt  }
0x71: {  	_ =	shalt  }
0x72: {  	_ =	shalt  }
0x73: {  	_ =	shalt  }
0x74: {  	_ =	shalt  }
0x75: {  	_ =	shalt  }
0x76: {  	_ =	shalt  }
0x77: {  	_ =	shalt  }
0x78: {  	_ =	shalt  }
0x79: {  	_ =	shalt  }
0x7a: {  	_ =	shalt  }
0x7b: {  	_ =	shalt  }
0x7c: {  	_ =	shalt  }
0x7d: {  	_ =	shalt  }
0x7e: {  	_ =	shalt  }
0x7f: {  	_ =	shalt  }
0x80: {  	_ =	shalt  }
0x81: {  	_ =	shalt  }
0x82: {  	_ =	shalt  }
0x83: {  	_ =	shalt  }
0x84: {  	_ =	shalt  }
0x85: {  	_ =	shalt  }
0x86: {  	_ =	shalt  }
0x87: {  	_ =	shalt  }
.Lfunc_end0:
.L_simem_size_0:
called_computation_lowered:
.L_overlay_start_0:
0x88: {  	s2 =	sld [smem:$0x3FD9]  }
0x89: {  	s3 =	sld [smem:$0x3FFE];
	_ =	sdelay $0x1  }
0x8a: {  	s1 =	srdreg.scid  }
0x8b: {  	s0 =	sand.u32 $0x1, s1  }
0x8c: {  	s15 =	sshll.u32 s0, $0xA;
	s2 =	sadd.s32 s3, s2  }
0x8d: {  	s2 =	sadd.s32 s2, s15  }
0x8e: {  	[smem:$0x3FC5] =	sst s2  }
0x8f: {  	_ = 	snop  }
0x90: {  	s2 =	sld [smem:$0x3FD0]  }
0x91: {  	s16 =	sld [smem:$0x3FC9]  }
0x92: {  	s4 =	sld [smem:$0x3FC8]  }
0x93: {  	s6 =	simm.s32 $0xA;
	s7 =	simm.s32 $0x10;
	s5 =	sld [smem:$0x3FC7]  }
0x94: {  	[smem:s7], [sflag:s6] =	dma.local [hbm:s2], $0x1  }
0x95: {  	_ =	swait.eq [sflag:s6], $0x1  }
0x96: {  	[sflag:s6] =	ssyncset.done $0x0  }
0x97: {  	s17 =	sld [smem:$0x10];
	[sflag:s6] =	ssyncadd.s32 $0xFFFFFFFF  }
0x98: {  	s18 =	sld [smem:$0x11];
	(tm) =	ssettm $0x1  }
0x99: {  	s19 =	sld [smem:$0x3FFB];
	_ =	sdelay $0x3  }
0x9a: {  	_ =	strace s19  }
0x9b: {  	s7 =	sld [smem:$0x3FFC];
	_ =	sdelay $0x3  }
0x9c: {  	_ =	strace s7  }
0x9d: {  	s7 =	sld [smem:$0x3FFD];
	_ =	sdelay $0x3  }
0x9e: {  	_ =	strace s7  }
0x9f: {  	_ =	strace $0x8FFFFFFF  }
0xa0: {  	s20 =	sld [smem:$0x3FDB];
	_ =	sdelay $0x1  }
0xa1: {  	s8 =	simm.s32 $_scs_section_size  }
0xa2: {  	s9 =	simm.s32 $_size__tile_overlayer_lowered;
	s10 =	simm.s32 $_tile_overlayer_lowered  }
0xa3: {  	s23 =	simm.s32 $0x1BFF;
	s22 =	sshll.u32 s10, $0x1;
	s7 =	sadd.s32 s8, s20  }
0xa4: {  	s11 =	simm.s32 $0x0;
	s21 =	sshll.u32 s9, $0x1;
	s9 =	sadd.s32 s22, s7  }
0xa5: {  	[timem:s11], [sflag:s23] =	dma.local [hbm:s9], s21  }
0xa6: {  	_ =	swait.ge [sflag:s23], s21  }
0xa7: {  	s8 =	ssub.s32 $0x0, s21;
	[sflag:s23] =	ssyncset.done $0x0  }
0xa8: {  	[sflag:s23] =	ssyncadd.s32 s8;
	_ =	sdelay $0x1  }
0xa9: {  	s24 =	simm.s32 $0x1B8B  }
0xaa: {  	_ =	swait.ge [sflag:s24], $0x1  }
0xab: {  	[sflag:s24] =	ssyncset.done $0x0  }
0xac: {  	s25 =	simm.s32 $0x1B8E;
	[sflag:s24] =	ssyncadd.s32 $0xFFFFFFFF  }
0xad: {  	s26 =	simm.s32 $execute0_lowered;
	[smem:$0x3FD2] =	sst s25  }
0xae: {  	s8 =	sshll.u32 s26, $0x1;
	_ =	strace $0x80000046;
	[dreg:$0x1] =	wrdreg $0xFFFFFFFF  }
0xaf: {  	s28 =	simm.s32 $_size_execute0_lowered;
	s7 =	sadd.s32 s7, s8;
	[dreg:$0x0] =	wrdreg $0x0  }
0xb0: {  	s8 =	sshll.u32 s28, $0x1;
	[dreg:$0x2] =	wrdreg s7  }
0xb1: {  	[dreg:$0x3] =	wrdreg s8  }
0xb2: {  	[dreg:$0x4] =	wrdreg $0xC0  }
0xb3: {  	_ =	task [dreg:s11], $0x5FFFF  }
0xb4: {  	[dreg:$0x1] =	wrdreg $0xFFFFFFFF  }
0xb5: {  	[dreg:$0x0] =	wrdreg $0x60  }
0xb6: {  	[dreg:$0x2] =	wrdreg s16  }
0xb7: {  	[dreg:$0x3] =	wrdreg s4  }
0xb8: {  	[dreg:$0x4] =	wrdreg s5  }
0xb9: {  	[dreg:$0x5] =	wrdreg s17  }
0xba: {  	[dreg:$0x6] =	wrdreg s18  }
0xbb: {  	[dreg:$0x7] =	wrdreg $0x0  }
0xbc: {  	[dreg:$0x8] =	wrdreg $0x9  }
0xbd: {  	_ =	task.clear_ibuf [dreg:s11], $0x9FFFF;
	_ =	strace $0x90000046  }
0xbe: {  	s29 =	simm.s32 $0x9;
	_ =	strace $0x80000048  }
0xbf: {  	_ =	swait.ge [sflag:s29], $0x1  }
0xc0: {  	[sflag:s29] =	ssyncadd.s32 $0xFFFFFFFF  }
0xc1: {  	_ =	strace $0x90000048  }
0xc2: {  	_ =	sfence  }
0xc3: {  	s30 =	sld [smem:$0x0];
	_ =	sdelay $0x2  }
0xc4: {  	s31 =	sshll.u32 s1, $0xD;
	s1 =	sshrl.u32 s1, $0x2  }
0xc5: {  	s3 =	sand.u32 $0x4000, s31;
	s1 =	sadd.s32 s1, s30  }
0xc6: {  	s0 =	sor.u32 s3, s0;
	s1 =	sshll.u32 s1, $0x11  }
0xc7: {  	s0 =	sor.u32 s1, s0  }
0xc8: {  	s0 =	sadd.s32 $0x8F2B, s0  }
0xc9: {  	[sflag:s0] =	ssyncadd.remote.s32 $0x1  }
0xca: {  	_ =	sfence.sel $0xFFFF  }
0xcb: {  	[dreg:$0x0] =	wrdreg $0xFFFFFFFF;
	(pc) =	sbr.abs _section_cstart, $3  }
0xcc: {  	[dreg:$0x1] =	wrdreg $0xFFFFFFFF  }
0xcd: {  	_ =	task.clear_ibuf [dreg:s11], $0x2FFFF;
	_ =	strace $0x9FFFFFFF  }
0xce: {  	(tm) =	ssettm $0x7FFFFFFF  }
0xcf: {  	_ =	shalt  }
tec
execute0_lowered:
.L_overlay_start_1:
0x0: {  	(tag) =	ssettag $0x1  }
0x1: {  	s21 =	rddreg [dreg:$0x0]  }
0x2: {  	s31 =	rddreg [dreg:$0x2]  }
0x3: {  	s0 =	srdreg.scid;
	s14 =	rddreg [dreg:$0x3]  }
0x4: {  	s9 =	stileid.u32;
	s3 =	rddreg [dreg:$0x5];
	s4 =	simm.s32 $0x0  }
0x5: {  	s2 =	simm.s32 $0x1;
	s1 =	sand.u32 $0x1, s0;
	s13 =	sshll.u32 s9, $0x1  }
0x6: {  	s5 =	simm.s32 $0x320;
	s7 =	simm.s32 $0x190;
	s8 =	sor.u32 s1, s13  }
0x7: {  	[smem:$0x7FF] =	sst s4;
	p0 =	seq.s32 s1, $0x1;
	p1 =	seq.s32 s8, $0x0  }
0x8: {  	s6 =	smul.u32 $0x5A000, s9;
	s1 =	ssub.s32 $0x2, s1;
	p1 =	por !p1, !p0  }
0x9: {  	_ =	strace $0x80000047;
	s16 =	sshrl.u32 s1, $0x1;
	p1 =	por !p1, !p1  }
0xa: {  	s7 =	simm.s32 @!p0 $0x0;
	s19 =	sshrl.u32 s6, $0x2;
	s2 =	simm.s32 @!p1 $0x0  }
0xb: {  	s17 =	ssub.s32 s1, s16;
	s6 =	sadd.s32 s19, s3;
	s15 =	ssub.s32 s9, s2  }
0xc: {  	[smem:$0x7F7] =	sst s17;
	s4 =	sadd.s32 $0x7800, s6;
	s2 =	sand.u32 $0x1, s15  }
0xd: {  	[smem:$0x7C3] =	sst s6;
	s23 =	sadd.s32 $0xF000, s6;
	p1 =	seq.s32 s2, $0x1  }
0xe: {  	[dreg:$0x7] =	wrdreg s4;
	s18 =	sadd.s32 $0x80, s15;
	s5 =	simm.s32 @!p1 $0x0  }
0xf: {  	[dreg:$0x8] =	wrdreg s23;
	s1 =	sshrl.u32 s18, $0x1;
	s10 =	sadd.s32 s7, s5  }
0x10: {  	s1 =	smul.u32 $0x12C000, s1;
	s5 =	sadd.s32 $0x28, s10;
	s22 =	sshrl.u32 s10, $0x3  }
0x11: {  	s24 =	sadd.s32 $0x78, s10;
	s20 =	sshrl.u32 s5, $0x3;
	s15 =	smul.u32 $0x1800, s22  }
0x12: {  	s7 =	sadd.s32 $0xC8, s10;
	s4 =	sshrl.u32 s24, $0x3;
	s3 =	smul.u32 $0x1800, s20  }
0x13: {  	s17 =	sadd.s32 $0x960000, s1;
	s7 =	sshrl.u32 s7, $0x3;
	s4 =	smul.u32 $0x1800, s4  }
0x14: {  	s26 =	sadd.s32 $0x118, s10;
	s10 =	sadd.s32 $0x168, s10;
	s18 =	smul.u32 $0x1800, s7  }
0x15: {  	s5 =	sadd.s32 $0xF000, s15;
	s16 =	sadd.s32 $0x1E000, s15;
	s23 =	sadd.s32 s1, s15  }
0x16: {  	s24 =	sadd.s32 s17, s15;
	s13 =	sadd.s32 $0x2D000, s15;
	s15 =	sadd.s32 $0x3C000, s15  }
0x17: {  	s6 =	sadd.s32 s1, s3;
	s11 =	sadd.s32 s1, s5;
	s30 =	sadd.s32 s1, s4  }
0x18: {  	s12 =	sadd.s32 s17, s3;
	s2 =	sadd.s32 s1, s16;
	s25 =	sadd.s32 s1, s18  }
0x19: {  	s5 =	sadd.s32 s17, s5;
	s28 =	sadd.s32 s17, s4;
	[smem:$0x7CC] =	sst s25  }
0x1a: {  	s4 =	sadd.s32 s17, s16;
	s3 =	sshrl.u32 s26, $0x3;
	[smem:$0x7CD] =	sst s28  }
0x1b: {  	s7 =	sadd.s32 s17, s18;
	s18 =	sadd.s32 s17, s15;
	[smem:$0x7D1] =	sst s4  }
0x1c: {  	s23 =	sshrl.u32 s23, $0x3;
	s16 =	smul.u32 $0x1800, s3;
	[smem:$0x7D4] =	sst s7  }
0x1d: {  	s3 =	sshrl.u32 s10, $0x3;
	s4 =	sadd.s32 s1, s13;
	s28 =	sadd.s32 s17, s13  }
0x1e: {  	s25 =	sand.u32 $0x3, s8;
	s10 =	ssub.s32 $0x0, s8;
	s23 =	sadd.s32 s21, s23  }
0x1f: {  	s6 =	sshrl.u32 s6, $0x3;
	[smem:$0x7D6] =	sst s28;
	s19 =	smul.u32 $0x1800, s3  }
0x20: {  	s3 =	sshrl.u32 s9, $0x1;
	s26 =	smul.u32 $0x190, s25;
	[dreg:$0x9] =	wrdreg s10  }
0x21: {  	s9 =	sadd.s32 s1, s15;
	s25 =	smul.u32 $0x4B000, s25;
	[smem:$0x7C4] =	sst s23  }
0x22: {  	s6 =	sadd.s32 s21, s6;
	s23 =	sshrl.u32 s11, $0x3;
	s0 =	smul.u32 $0x12C000, s3  }
0x23: {  	s22 =	sadd.s32 s1, s16;
	s16 =	sadd.s32 s17, s16;
	[smem:$0x7C5] =	sst s6  }
0x24: {  	s20 =	sadd.s32 s1, s19;
	s26 =	sshrl.u32 s26, $0x3;
	s1 =	sadd.s32 $0x12C000, s0  }
0x25: {  	s26 =	smul.u32 $0x1800, s26;
	s7 =	sadd.s32 s1, s25;
	s25 =	simm.s32 $0x320  }
0x26: {  	s13 =	sadd.s32 s17, s19;
	[smem:$0x7DD] =	sst s7;
	s25 =	simm.s32 @!p0 $0x0  }
0x27: {  	s1 =	sadd.s32 s1, s26;
	s15 =	sshrl.u32 s25, $0x3;
	s28 =	sadd.s32 $0x28, s25  }
0x28: {  	s19 =	sadd.s32 $0x78, s25;
	s10 =	smul.u32 $0x1800, s15;
	s17 =	sshrl.u32 s28, $0x3  }
0x29: {  	s7 =	sadd.s32 $0x118, s25;
	s0 =	sshrl.u32 s19, $0x3;
	s26 =	smul.u32 $0x1800, s17  }
0x2a: {  	s6 =	sadd.s32 s21, s23;
	s15 =	sshrl.u32 s7, $0x3;
	s17 =	smul.u32 $0x1800, s0  }
0x2b: {  	[smem:$0x7C6] =	sst s6;
	s19 =	sadd.s32 $0x168, s25;
	s7 =	smul.u32 $0x1800, s15  }
0x2c: {  	s15 =	sshrl.u32 s19, $0x3;
	s19 =	sadd.s32 $0x1B8, s25;
	[dreg:$0xb] =	wrdreg s26  }
0x2d: {  	s0 =	sshrl.u32 s19, $0x3;
	[dreg:$0x1d] =	wrdreg s7;
	s26 =	smul.u32 $0x1800, s15  }
0x2e: {  	s7 =	sadd.s32 $0x208, s25;
	s15 =	smul.u32 $0x1800, s0;
	s0 =	sadd.s32 $0x258, s25  }
0x2f: {  	s19 =	sshrl.u32 s7, $0x3;
	s7 =	sshrl.u32 s0, $0x3;
	[dreg:$0x15] =	wrdreg s26  }
0x30: {  	s26 =	smul.u32 $0x1800, s7;
	s7 =	sld [smem:$0x7CC]  }
0x31: {  	s29 =	smul.u32 $0x1800, s19;
	s19 =	sadd.s32 $0x2A8, s25;
	[dreg:$0xc] =	wrdreg s15  }
0x32: {  	s25 =	sadd.s32 $0x2F8, s25;
	s28 =	sshrl.u32 s19, $0x3;
	[dreg:$0x1b] =	wrdreg s26  }
0x33: {  	s25 =	sshrl.u32 s25, $0x3;
	s0 =	smul.u32 $0x1800, s28;
	[dreg:$0xd] =	wrdreg s29  }
0x34: {  	s19 =	smul.u32 $0x1800, s25;
	s11 =	sshrl.u32 s7, $0x3;
	s7 =	sld [smem:$0x7D4]  }
0x35: {  	s25 =	sshrl.u32 s24, $0x3;
	[dreg:$0x18] =	wrdreg s0  }
0x36: {  	s28 =	sshrl.u32 s30, $0x3;
	s26 =	sadd.s32 s14, s25;
	[dreg:$0x1a] =	wrdreg s19  }
0x37: {  	s6 =	sadd.s32 s21, s28;
	[smem:$0x7C7] =	sst s26  }
0x38: {  	s30 =	sshrl.u32 s12, $0x3;
	[smem:$0x7C8] =	sst s6  }
0x39: {  	s5 =	sshrl.u32 s5, $0x3;
	s6 =	sadd.s32 s14, s30;
	s19 =	sld [smem:$0x7CD]  }
0x3a: {  	s26 =	sshrl.u32 s4, $0x3;
	s30 =	sld [smem:$0x7D1];
	s4 =	sshrl.u32 s22, $0x3  }
0x3b: {  	s22 =	sshrl.u32 s9, $0x3;
	s9 =	sshrl.u32 s13, $0x3;
	s13 =	sld [smem:$0x7DD]  }
0x3c: {  	s0 =	sshrl.u32 s2, $0x3;
	s24 =	sadd.s32 s21, s11;
	[smem:$0x7C9] =	sst s6  }
0x3d: {  	s3 =	sshll.u32 s3, $0x7;
	s2 =	sadd.s32 s21, s0;
	[smem:$0x7CE] =	sst s24  }
0x3e: {  	s12 =	smov.u32 s14;
	s6 =	sadd.s32 s14, s5;
	[smem:$0x7CA] =	sst s2  }
0x3f: {  	s28 =	sadd.s32 s21, s26;
	s0 =	sshrl.u32 s16, $0x3;
	[smem:$0x7CB] =	sst s6  }
0x40: {  	[smem:$0x7D0] =	sst s28;
	s6 =	sadd.s32 s21, s4;
	s11 =	sshrl.u32 s7, $0x3  }
0x41: {  	s23 =	sshrl.u32 s19, $0x3;
	[smem:$0x7D3] =	sst s6;
	s19 =	sadd.s32 s14, s11  }
0x42: {  	s28 =	sshrl.u32 s20, $0x3;
	s2 =	sshrl.u32 s30, $0x3;
	[smem:$0x7D5] =	sst s19  }
0x43: {  	s30 =	sadd.s32 s21, s28;
	s25 =	sadd.s32 s14, s23;
	s23 =	sld [smem:$0x7D6]  }
0x44: {  	s20 =	sadd.s32 $0x9000, s1;
	s6 =	sadd.s32 s12, s0;
	[smem:$0x7D9] =	sst s30  }
0x45: {  	s11 =	sadd.s32 s12, s9;
	s16 =	sshrl.u32 s13, $0x3;
	[smem:$0x7DA] =	sst s6  }
0x46: {  	s13 =	sor.u32 $0x1E800, s3;
	s28 =	sadd.s32 $0xC000, s1;
	[smem:$0x7DC] =	sst s11  }
0x47: {  	s5 =	sadd.s32 s14, s2;
	s14 =	smov.u32 s10;
	[smem:$0x7FC] =	sst s13  }
0x48: {  	s19 =	smov.u32 s21;
	s2 =	sshrl.u32 s18, $0x3;
	[smem:$0x7CF] =	sst s25  }
0x49: {  	s0 =	sadd.s32 s12, s16;
	s18 =	sadd.s32 $0x6000, s1;
	[smem:$0x7D2] =	sst s5  }
0x4a: {  	s30 =	sadd.s32 $0xF000, s1;
	s25 =	sadd.s32 s21, s22;
	[smem:$0x7DE] =	sst s0  }
0x4b: {  	s7 =	sadd.s32 s12, s2;
	s22 =	sshrl.u32 s18, $0x3;
	[dreg:$0xa] =	wrdreg s14  }
0x4c: {  	s2 =	sadd.s32 $0x12000, s1;
	s18 =	sadd.s32 $0x18000, s1;
	[smem:$0x7D7] =	sst s25  }
0x4d: {  	s5 =	sadd.s32 $0x3FFFE6, s8;
	[smem:$0x7DB] =	sst s7;
	s25 =	sadd.s32 s12, s22  }
0x4e: {  	s7 =	sshrl.u32 s30, $0x3;
	s9 =	sshrl.u32 s2, $0x3;
	s22 =	sshrl.u32 s18, $0x3  }
0x4f: {  	s30 =	sadd.s32 $0x21000, s1;
	s2 =	sadd.s32 $0x24000, s1;
	s18 =	sadd.s32 $0x2A000, s1  }
0x50: {  	[smem:$0x7FD] =	sst s5;
	s24 =	sshrl.u32 s23, $0x3;
	s23 =	smov.u32 s17  }
0x51: {  	s17 =	sadd.s32 $0x3000, s1;
	[smem:$0x7E0] =	sst s25;
	s11 =	sadd.s32 s12, s7  }
0x52: {  	s16 =	sadd.s32 s12, s9;
	s25 =	sadd.s32 s12, s22;
	s7 =	sshrl.u32 s30, $0x3  }
0x53: {  	s9 =	sshrl.u32 s2, $0x3;
	s22 =	sshrl.u32 s18, $0x3;
	[smem:$0x7E3] =	sst s11  }
0x54: {  	s30 =	sadd.s32 $0x33000, s1;
	s2 =	sadd.s32 $0x36000, s1;
	[smem:$0x7E4] =	sst s16  }
0x55: {  	s18 =	sadd.s32 $0x3F000, s1;
	s26 =	sadd.s32 s12, s24;
	[smem:$0x7E6] =	sst s25  }
0x56: {  	s3 =	sshrl.u32 s17, $0x3;
	s24 =	sshrl.u32 s20, $0x3;
	[dreg:$0x14] =	wrdreg s23  }
0x57: {  	s17 =	sadd.s32 $0x15000, s1;
	s11 =	sadd.s32 s12, s7;
	[smem:$0x7D8] =	sst s26  }
0x58: {  	s20 =	sadd.s32 $0x1B000, s1;
	s16 =	sadd.s32 s12, s9;
	[smem:$0x7E9] =	sst s11  }
0x59: {  	s25 =	sadd.s32 s12, s22;
	s7 =	sshrl.u32 s2, $0x3;
	[smem:$0x7EA] =	sst s16  }
0x5a: {  	s22 =	sshrl.u32 s18, $0x3;
	s18 =	sadd.s32 $0x5A000, s10;
	[smem:$0x7EC] =	sst s25  }
0x5b: {  	s21 =	sadd.s32 s12, s3;
	s11 =	sadd.s32 s12, s7;
	s7 =	sld [smem:$0x7F7]  }
0x5c: {  	s26 =	sadd.s32 s12, s24;
	s3 =	sshrl.u32 s28, $0x3;
	[dreg:$0x17] =	wrdreg s18  }
0x5d: {  	s24 =	sshrl.u32 s20, $0x3;
	s28 =	sadd.s32 $0x1E000, s1;
	[smem:$0x7DF] =	sst s21  }
0x5e: {  	s20 =	sadd.s32 $0x2D000, s1;
	s16 =	sadd.s32 $0x39000, s1;
	[smem:$0x7E1] =	sst s26  }
0x5f: {  	s25 =	sadd.s32 s12, s22;
	s6 =	sadd.s32 s12, s3;
	[smem:$0x7F0] =	sst s11  }
0x60: {  	s3 =	sshrl.u32 s17, $0x3;
	s26 =	sadd.s32 s12, s24;
	[smem:$0x7F3] =	sst s25  }
0x61: {  	s17 =	sadd.s32 $0x27000, s1;
	s24 =	sshrl.u32 s20, $0x3;
	[smem:$0x7E2] =	sst s6  }
0x62: {  	s11 =	sadd.s32 $0x25800, s10;
	s25 =	sadd.s32 $0x87000, s10;
	[smem:$0x7E7] =	sst s26  }
0x63: {  	s21 =	sadd.s32 s12, s3;
	s3 =	sshrl.u32 s28, $0x3;
	[dreg:$0x1e] =	wrdreg s11  }
0x64: {  	s26 =	sadd.s32 s12, s24;
	s28 =	sadd.s32 $0x30000, s1;
	[dreg:$0x13] =	wrdreg s25  }
0x65: {  	[smem:$0x7E5] =	sst s21;
	s6 =	sadd.s32 s12, s3;
	s3 =	sshrl.u32 s17, $0x3  }
0x66: {  	[smem:$0x7ED] =	sst s26;
	s17 =	sadd.s32 $0x3C000, s1;
	s26 =	sadd.s32 $0x42000, s1  }
0x67: {  	s0 =	smax.u32 s7, $0x1;
	[smem:$0x7E8] =	sst s6;
	s21 =	sadd.s32 s12, s3  }
0x68: {  	s3 =	sshrl.u32 s28, $0x3;
	s6 =	sshrl.u32 s30, $0x3;
	[smem:$0x7F8] =	sst s0  }
0x69: {  	s28 =	sadd.s32 $0x45000, s1;
	[smem:$0x7EB] =	sst s21;
	s3 =	sadd.s32 s12, s3  }
0x6a: {  	s1 =	sadd.s32 $0x48000, s1;
	s9 =	sadd.s32 s12, s6;
	[smem:$0x7EE] =	sst s3  }
0x6b: {  	s2 =	sshrl.u32 s28, $0x3;
	s28 =	sadd.s32 $0x600, s31;
	[smem:$0x7EF] =	sst s9  }
0x6c: {  	s21 =	sshrl.u32 s17, $0x3;
	s17 =	sadd.s32 $0x1E000, s10;
	[smem:$0x7FA] =	sst s28  }
0x6d: {  	s1 =	sshrl.u32 s1, $0x3;
	s24 =	sadd.s32 s12, s21;
	[dreg:$0xe] =	wrdreg s17  }
0x6e: {  	s4 =	sadd.s32 s12, s1;
	[smem:$0x7F2] =	sst s24  }
0x6f: {  	s9 =	sadd.s32 $0xF000, s10;
	[smem:$0x7F6] =	sst s4  }
0x70: {  	s3 =	sshrl.u32 s16, $0x3;
	s16 =	sadd.s32 $0x4B000, s10;
	[smem:$0x7F9] =	sst s9  }
0x71: {  	s21 =	sadd.s32 $0x78000, s10;
	[dreg:$0x10] =	wrdreg s16  }
0x72: {  	p1 =	sne.s32 s8, $0x1A;
	s20 =	sadd.s32 s12, s3;
	[dreg:$0x12] =	wrdreg s21  }
0x73: {  	s3 =	sshrl.u32 s26, $0x3;
	s24 =	sadd.s32 $0x2D000, s10;
	[smem:$0x7F1] =	sst s20  }
0x74: {  	s8 =	stileid.u32;
	s30 =	sadd.s32 s12, s3;
	[dreg:$0x11] =	wrdreg s24  }
0x75: {  	p2 =	sgt.u32 s8, $0x9;
	s3 =	sadd.s32 s12, s2;
	[smem:$0x7F4] =	sst s30  }
.Ltmp0:
0x76: {  	p3 =	slt.u32 s8, $0xD;
	[smem:$0x7F5] =	sst s3;
	(pc) =	sbr.rel .LBB2_1-.Ltmp0, $4  }
0x77: {  	s26 =	smov.u32 s12;
	s12 =	sadd.s32 $0x3C000, s10;
	s30 =	rddreg [dreg:$0x4]  }
0x78: {  	s22 =	simm.s32 $0x5;
	s20 =	sadd.s32 $0x69000, s10;
	[dreg:$0xf] =	wrdreg s12  }
0x79: {  	s31 =	simm.s32 $0x4;
	[dreg:$0x16] =	wrdreg s20;
	s0 =	sadd.s32 $0x600, s30  }
0x7a: {  	v0 =	vimm.s32 $0x1;
	s1 =	simm.s32 $0x0;
	s10 =	simm.s32 $0x6;
	[smem:$0x7FB] =	sst s0  }
.LBB2_15:
0x7b: {  	s0 =	sld [smem:$0x7F8];
	_ =	sdelay $0x1  }
0x7c: {  	s1 =	sadd.s32 $0x1, s1  }
0x7d: {  	p4 =	sne.s32 s1, s0  }
.Ltmp1:
0x7e: {  	_ = 	snop;
	(pc) =	sbr.rel @!p4 .LBB2_16-.Ltmp1, $2  }
0x7f: {  	_ =	sdelay $0x2  }
0x80: {  	s24 =	rddreg [dreg:$0x11]  }
.LBB2_1:
0x81: {  	s0 =	rddreg [dreg:$0x9]  }
0x82: {  	p4 =	seq.s32 s0, $0x0  }
0x83: {  	p4 =	por !p4, !p0  }
0x84: {  	s0 =	simm.s32 $0x1;
	p4 =	por !p4, !p4  }
0x85: {  	s2 =	stileid.u32;
	s0 =	simm.s32 @!p4 $0x0  }
0x86: {  	s0 =	ssub.s32 s2, s0  }
0x87: {  	s7 =	smul.u32 $0x12C000, s0  }
0x88: {  	s3 =	sld [smem:$0x7C3]  }
0x89: {  	s25 =	sadd.s32 s14, s7  }
0x8a: {  	[smem:$0x7BE] =	sst s1;
	s2 =	sshll.u32 s2, $0x6;
	s1 =	sshrl.u32 s25, $0x3  }
0x8b: {  	s20 =	sshrl.u32 s3, $0x3;
	s25 =	sor.u32 $0x1C01, s2;
	s1 =	sadd.s32 s19, s1  }
0x8c: {  	[spmem:s20], [sflag:s25] =	dma.local [hbm:s1], $0xF00  }
0x8d: {  	s5 =	rddreg [dreg:$0xb]  }
0x8e: {  	s30 =	sadd.s32 s5, s7  }
0x8f: {  	s1 =	rddreg [dreg:$0x7];
	s3 =	sshrl.u32 s30, $0x3  }
0x90: {  	s21 =	sor.u32 $0x1C02, s2;
	s13 =	sshrl.u32 s1, $0x3;
	s3 =	sadd.s32 s19, s3  }
0x91: {  	[spmem:s13], [sflag:s21] =	dma.local [hbm:s3], $0xF00  }
0x92: {  	s6 =	sld [smem:$0x7F9];
	_ =	sdelay $0x1  }
0x93: {  	p4 =	seq.s32 s0, $0x0  }
0x94: {  	s30 =	sor.u32 $0x1C03, s2;
	s3 =	sadd.s32 $0x960000, s7;
	s8 =	sadd.s32 s6, s7  }
0x95: {  	s4 =	rddreg [dreg:$0x8];
	s3 =	simm.s32 @p4 $0x0;
	s0 =	sshrl.u32 s8, $0x3  }
0x96: {  	s16 =	sshrl.u32 s4, $0x3;
	s8 =	simm.s32 $0x1;
	s0 =	sadd.s32 s19, s0  }
0x97: {  	[spmem:s16], [sflag:s30] =	dma.local [hbm:s0], $0xF00  }
0x98: {  	s9 =	sadd.s32 s14, s3;
	_ =	swait.ge [sflag:s8], $0xF00  }
0x99: {  	s0 =	sshrl.u32 s9, $0x3;
	[sflag:s8] =	ssyncset.done $0x0  }
0x9a: {  	s4 =	sor.u32 $0x1C04, s2;
	s0 =	sadd.s32 s26, s0;
	[sflag:s8] =	ssyncadd.s32 $0xFFFFF100  }
0x9b: {  	[hbm:s0], [sflag:s4] =	dma.local [spmem:s20], $0xF00  }
0x9c: {  	s11 =	sadd.s32 s23, s7;
	_ =	swait.ge [sflag:s31], $0xF00  }
0x9d: {  	s0 =	sshrl.u32 s11, $0x3;
	[sflag:s31] =	ssyncset.done $0x0  }
0x9e: {  	s11 =	simm.s32 $0x2;
	s0 =	sadd.s32 s19, s0;
	[sflag:s31] =	ssyncadd.s32 $0xFFFFF100  }
0x9f: {  	[spmem:s20], [sflag:s25] =	dma.local [hbm:s0], $0xF00  }
0xa0: {  	s12 =	sadd.s32 s5, s3;
	_ =	swait.ge [sflag:s11], $0xF00  }
0xa1: {  	s0 =	sshrl.u32 s12, $0x3;
	[sflag:s11] =	ssyncset.done $0x0  }
0xa2: {  	s5 =	sor.u32 $0x1C05, s2;
	s0 =	sadd.s32 s26, s0;
	[sflag:s11] =	ssyncadd.s32 $0xFFFFF100  }
0xa3: {  	[hbm:s0], [sflag:s5] =	dma.local [spmem:s13], $0xF00  }
0xa4: {  	s18 =	sadd.s32 s17, s7;
	_ =	swait.ge [sflag:s22], $0xF00  }
0xa5: {  	s0 =	sshrl.u32 s18, $0x3;
	[sflag:s22] =	ssyncset.done $0x0  }
0xa6: {  	s9 =	simm.s32 $0x3;
	s0 =	sadd.s32 s19, s0;
	[sflag:s22] =	ssyncadd.s32 $0xFFFFF100  }
0xa7: {  	[spmem:s13], [sflag:s21] =	dma.local [hbm:s0], $0xF00  }
0xa8: {  	s1 =	smov.u32 s21;
	s21 =	sadd.s32 s6, s3;
	_ =	swait.ge [sflag:s9], $0xF00  }
0xa9: {  	s0 =	sshrl.u32 s21, $0x3;
	[sflag:s9] =	ssyncset.done $0x0  }
0xaa: {  	s21 =	sor.u32 $0x1C06, s2;
	s0 =	sadd.s32 s26, s0;
	[sflag:s9] =	ssyncadd.s32 $0xFFFFF100  }
0xab: {  	[hbm:s0], [sflag:s21] =	dma.local [spmem:s16], $0xF00  }
0xac: {  	s6 =	rddreg [dreg:$0x1e]  }
0xad: {  	_ =	swait.ge [sflag:s10], $0xF00;
	s2 =	sadd.s32 s6, s7  }
0xae: {  	[sflag:s10] =	ssyncset.done $0x0;
	s0 =	sshrl.u32 s2, $0x3  }
0xaf: {  	[sflag:s10] =	ssyncadd.s32 $0xFFFFF100;
	s0 =	sadd.s32 s19, s0  }
0xb0: {  	[spmem:s16], [sflag:s30] =	dma.local [hbm:s0], $0xF00  }
0xb1: {  	s12 =	sadd.s32 s23, s3;
	_ =	swait.ge [sflag:s8], $0xF00  }
0xb2: {  	s0 =	sshrl.u32 s12, $0x3;
	[sflag:s8] =	ssyncset.done $0x0  }
0xb3: {  	s0 =	sadd.s32 s26, s0;
	[sflag:s8] =	ssyncadd.s32 $0xFFFFF100  }
0xb4: {  	[hbm:s0], [sflag:s4] =	dma.local [spmem:s20], $0xF00  }
0xb5: {  	s18 =	sadd.s32 s24, s7;
	_ =	swait.ge [sflag:s31], $0xF00  }
0xb6: {  	s0 =	sshrl.u32 s18, $0x3;
	[sflag:s31] =	ssyncset.done $0x0  }
0xb7: {  	s0 =	sadd.s32 s19, s0;
	[sflag:s31] =	ssyncadd.s32 $0xFFFFF100  }
0xb8: {  	[spmem:s20], [sflag:s25] =	dma.local [hbm:s0], $0xF00  }
0xb9: {  	s2 =	sadd.s32 s17, s3;
	_ =	swait.ge [sflag:s11], $0xF00  }
0xba: {  	s0 =	sshrl.u32 s2, $0x3;
	[sflag:s11] =	ssyncset.done $0x0  }
0xbb: {  	s0 =	sadd.s32 s26, s0;
	[sflag:s11] =	ssyncadd.s32 $0xFFFFF100  }
0xbc: {  	[hbm:s0], [sflag:s5] =	dma.local [spmem:s13], $0xF00  }
0xbd: {  	s2 =	rddreg [dreg:$0x1d]  }
0xbe: {  	s12 =	smov.u32 s4;
	_ =	swait.ge [sflag:s22], $0xF00;
	s4 =	sadd.s32 s2, s7  }
0xbf: {  	[sflag:s22] =	ssyncset.done $0x0;
	s0 =	sshrl.u32 s4, $0x3  }
0xc0: {  	[sflag:s22] =	ssyncadd.s32 $0xFFFFF100;
	s0 =	sadd.s32 s19, s0  }
0xc1: {  	[spmem:s13], [sflag:s1] =	dma.local [hbm:s0], $0xF00  }
0xc2: {  	s6 =	sadd.s32 s6, s3;
	_ =	swait.ge [sflag:s9], $0xF00  }
0xc3: {  	s0 =	sshrl.u32 s6, $0x3;
	[sflag:s9] =	ssyncset.done $0x0  }
0xc4: {  	s0 =	sadd.s32 s26, s0;
	[sflag:s9] =	ssyncadd.s32 $0xFFFFF100  }
0xc5: {  	[hbm:s0], [sflag:s21] =	dma.local [spmem:s16], $0xF00  }
0xc6: {  	s4 =	smov.u32 s1;
	s1 =	rddreg [dreg:$0xf]  }
0xc7: {  	_ =	swait.ge [sflag:s10], $0xF00;
	s18 =	sadd.s32 s1, s7  }
0xc8: {  	[sflag:s10] =	ssyncset.done $0x0;
	s0 =	sshrl.u32 s18, $0x3  }
0xc9: {  	[sflag:s10] =	ssyncadd.s32 $0xFFFFF100;
	s0 =	sadd.s32 s19, s0  }
0xca: {  	[spmem:s16], [sflag:s30] =	dma.local [hbm:s0], $0xF00  }
0xcb: {  	s6 =	sadd.s32 s24, s3;
	_ =	swait.ge [sflag:s8], $0xF00  }
0xcc: {  	s0 =	sshrl.u32 s6, $0x3;
	[sflag:s8] =	ssyncset.done $0x0  }
0xcd: {  	s24 =	smov.u32 s12;
	s0 =	sadd.s32 s26, s0;
	[sflag:s8] =	ssyncadd.s32 $0xFFFFF100  }
0xce: {  	[hbm:s0], [sflag:s12] =	dma.local [spmem:s20], $0xF00  }
0xcf: {  	[dreg:$0x1f] =	wrdreg s24  }
0xd0: {  	s6 =	rddreg [dreg:$0x15]  }
0xd1: {  	_ =	swait.ge [sflag:s31], $0xF00;
	s18 =	sadd.s32 s6, s7  }
0xd2: {  	[sflag:s31] =	ssyncset.done $0x0;
	s0 =	sshrl.u32 s18, $0x3  }
0xd3: {  	[sflag:s31] =	ssyncadd.s32 $0xFFFFF100;
	s0 =	sadd.s32 s19, s0  }
0xd4: {  	[spmem:s20], [sflag:s25] =	dma.local [hbm:s0], $0xF00  }
0xd5: {  	s12 =	sadd.s32 s2, s3;
	_ =	swait.ge [sflag:s11], $0xF00  }
0xd6: {  	s0 =	sshrl.u32 s12, $0x3;
	[sflag:s11] =	ssyncset.done $0x0  }
0xd7: {  	s0 =	sadd.s32 s26, s0;
	[sflag:s11] =	ssyncadd.s32 $0xFFFFF100  }
0xd8: {  	[hbm:s0], [sflag:s5] =	dma.local [spmem:s13], $0xF00  }
0xd9: {  	s12 =	rddreg [dreg:$0x10]  }
0xda: {  	_ =	swait.ge [sflag:s22], $0xF00;
	s18 =	sadd.s32 s12, s7  }
0xdb: {  	[sflag:s22] =	ssyncset.done $0x0;
	s0 =	sshrl.u32 s18, $0x3  }
0xdc: {  	[sflag:s22] =	ssyncadd.s32 $0xFFFFF100;
	s0 =	sadd.s32 s19, s0  }
0xdd: {  	[spmem:s13], [sflag:s4] =	dma.local [hbm:s0], $0xF00  }
0xde: {  	s1 =	sadd.s32 s1, s3;
	_ =	swait.ge [sflag:s9], $0xF00  }
0xdf: {  	s0 =	sshrl.u32 s1, $0x3;
	[sflag:s9] =	ssyncset.done $0x0  }
0xe0: {  	s0 =	sadd.s32 s26, s0;
	[sflag:s9] =	ssyncadd.s32 $0xFFFFF100  }
0xe1: {  	[hbm:s0], [sflag:s21] =	dma.local [spmem:s16], $0xF00  }
0xe2: {  	s2 =	sadd.s32 s15, s7;
	_ =	swait.ge [sflag:s10], $0xF00  }
0xe3: {  	s0 =	sshrl.u32 s2, $0x3;
	[sflag:s10] =	ssyncset.done $0x0  }
0xe4: {  	s0 =	sadd.s32 s19, s0;
	[sflag:s10] =	ssyncadd.s32 $0xFFFFF100  }
0xe5: {  	[spmem:s16], [sflag:s30] =	dma.local [hbm:s0], $0xF00  }
0xe6: {  	s18 =	sadd.s32 s6, s3;
	_ =	swait.ge [sflag:s8], $0xF00  }
0xe7: {  	s0 =	sshrl.u32 s18, $0x3;
	[sflag:s8] =	ssyncset.done $0x0  }
0xe8: {  	s0 =	sadd.s32 s26, s0;
	[sflag:s8] =	ssyncadd.s32 $0xFFFFF100  }
0xe9: {  	[hbm:s0], [sflag:s24] =	dma.local [spmem:s20], $0xF00  }
0xea: {  	s24 =	rddreg [dreg:$0x17]  }
0xeb: {  	_ =	swait.ge [sflag:s31], $0xF00;
	s1 =	sadd.s32 s24, s7  }
0xec: {  	[sflag:s31] =	ssyncset.done $0x0;
	s0 =	sshrl.u32 s1, $0x3  }
0xed: {  	[sflag:s31] =	ssyncadd.s32 $0xFFFFF100;
	s0 =	sadd.s32 s19, s0  }
0xee: {  	[spmem:s20], [sflag:s25] =	dma.local [hbm:s0], $0xF00  }
0xef: {  	s2 =	sadd.s32 s12, s3;
	_ =	swait.ge [sflag:s11], $0xF00  }
0xf0: {  	s0 =	sshrl.u32 s2, $0x3;
	[sflag:s11] =	ssyncset.done $0x0  }
0xf1: {  	s0 =	sadd.s32 s26, s0;
	[sflag:s11] =	ssyncadd.s32 $0xFFFFF100  }
0xf2: {  	[hbm:s0], [sflag:s5] =	dma.local [spmem:s13], $0xF00  }
0xf3: {  	s6 =	sadd.s32 s29, s7;
	_ =	swait.ge [sflag:s22], $0xF00  }
0xf4: {  	s0 =	sshrl.u32 s6, $0x3;
	[sflag:s22] =	ssyncset.done $0x0  }
0xf5: {  	s0 =	sadd.s32 s19, s0;
	[sflag:s22] =	ssyncadd.s32 $0xFFFFF100  }
0xf6: {  	[spmem:s13], [sflag:s4] =	dma.local [hbm:s0], $0xF00  }
0xf7: {  	s12 =	sadd.s32 s15, s3;
	_ =	swait.ge [sflag:s9], $0xF00  }
0xf8: {  	s0 =	sshrl.u32 s12, $0x3;
	[sflag:s9] =	ssyncset.done $0x0  }
0xf9: {  	s0 =	sadd.s32 s26, s0;
	[sflag:s9] =	ssyncadd.s32 $0xFFFFF100  }
0xfa: {  	[hbm:s0], [sflag:s21] =	dma.local [spmem:s16], $0xF00  }
0xfb: {  	s2 =	rddreg [dreg:$0x16]  }
0xfc: {  	_ =	swait.ge [sflag:s10], $0xF00;
	s18 =	sadd.s32 s2, s7  }
0xfd: {  	[sflag:s10] =	ssyncset.done $0x0;
	s0 =	sshrl.u32 s18, $0x3  }
0xfe: {  	[sflag:s10] =	ssyncadd.s32 $0xFFFFF100;
	s0 =	sadd.s32 s19, s0  }
0xff: {  	[spmem:s16], [sflag:s30] =	dma.local [hbm:s0], $0xF00  }
0x100: {  	s1 =	smov.u32 s4;
	s4 =	sadd.s32 s24, s3;
	_ =	swait.ge [sflag:s8], $0xF00  }
0x101: {  	s0 =	sshrl.u32 s4, $0x3;
	[sflag:s8] =	ssyncset.done $0x0  }
0x102: {  	s0 =	sadd.s32 s26, s0;
	s4 =	rddreg [dreg:$0x1f];
	[sflag:s8] =	ssyncadd.s32 $0xFFFFF100  }
0x103: {  	[hbm:s0], [sflag:s4] =	dma.local [spmem:s20], $0xF00  }
0x104: {  	s12 =	rddreg [dreg:$0x1b]  }
0x105: {  	_ =	swait.ge [sflag:s31], $0xF00;
	s6 =	sadd.s32 s12, s7  }
0x106: {  	[sflag:s31] =	ssyncset.done $0x0;
	s0 =	sshrl.u32 s6, $0x3  }
0x107: {  	[sflag:s31] =	ssyncadd.s32 $0xFFFFF100;
	s0 =	sadd.s32 s19, s0  }
0x108: {  	[spmem:s20], [sflag:s25] =	dma.local [hbm:s0], $0xF00  }
0x109: {  	s18 =	sadd.s32 s29, s3;
	_ =	swait.ge [sflag:s11], $0xF00  }
0x10a: {  	s0 =	sshrl.u32 s18, $0x3;
	[sflag:s11] =	ssyncset.done $0x0  }
0x10b: {  	s0 =	sadd.s32 s26, s0;
	[sflag:s11] =	ssyncadd.s32 $0xFFFFF100  }
0x10c: {  	[hbm:s0], [sflag:s5] =	dma.local [spmem:s13], $0xF00  }
0x10d: {  	s6 =	rddreg [dreg:$0x12]  }
0x10e: {  	_ =	swait.ge [sflag:s22], $0xF00;
	s24 =	sadd.s32 s6, s7  }
0x10f: {  	[sflag:s22] =	ssyncset.done $0x0;
	s0 =	sshrl.u32 s24, $0x3  }
0x110: {  	[sflag:s22] =	ssyncadd.s32 $0xFFFFF100;
	s0 =	sadd.s32 s19, s0  }
0x111: {  	[spmem:s13], [sflag:s1] =	dma.local [hbm:s0], $0xF00  }
0x112: {  	s18 =	sadd.s32 s2, s3;
	_ =	swait.ge [sflag:s9], $0xF00  }
0x113: {  	s0 =	sshrl.u32 s18, $0x3;
	[sflag:s9] =	ssyncset.done $0x0  }
0x114: {  	s0 =	sadd.s32 s26, s0;
	[sflag:s9] =	ssyncadd.s32 $0xFFFFF100  }
0x115: {  	[hbm:s0], [sflag:s21] =	dma.local [spmem:s16], $0xF00  }
0x116: {  	s2 =	rddreg [dreg:$0x18]  }
0x117: {  	_ =	swait.ge [sflag:s10], $0xF00;
	s24 =	sadd.s32 s2, s7  }
0x118: {  	[sflag:s10] =	ssyncset.done $0x0;
	s0 =	sshrl.u32 s24, $0x3  }
0x119: {  	[smem:$0x7BF] =	sst s30;
	[sflag:s10] =	ssyncadd.s32 $0xFFFFF100;
	s0 =	sadd.s32 s19, s0  }
0x11a: {  	[spmem:s16], [sflag:s30] =	dma.local [hbm:s0], $0xF00  }
0x11b: {  	s18 =	sadd.s32 s12, s3;
	_ =	swait.ge [sflag:s8], $0xF00  }
0x11c: {  	s0 =	sshrl.u32 s18, $0x3;
	[sflag:s8] =	ssyncset.done $0x0  }
0x11d: {  	s0 =	sadd.s32 s26, s0;
	[sflag:s8] =	ssyncadd.s32 $0xFFFFF100  }
0x11e: {  	[hbm:s0], [sflag:s4] =	dma.local [spmem:s20], $0xF00  }
0x11f: {  	s12 =	smov.u32 s4;
	s4 =	rddreg [dreg:$0x13]  }
0x120: {  	_ =	swait.ge [sflag:s31], $0xF00;
	s24 =	sadd.s32 s4, s7  }
0x121: {  	[sflag:s31] =	ssyncset.done $0x0;
	s0 =	sshrl.u32 s24, $0x3  }
0x122: {  	[dreg:$0x1c] =	wrdreg s25;
	[sflag:s31] =	ssyncadd.s32 $0xFFFFF100;
	s0 =	sadd.s32 s19, s0  }
0x123: {  	[spmem:s20], [sflag:s25] =	dma.local [hbm:s0], $0xF00  }
0x124: {  	s25 =	sadd.s32 s6, s3;
	_ =	swait.ge [sflag:s11], $0xF00  }
0x125: {  	s0 =	sshrl.u32 s25, $0x3;
	[sflag:s11] =	ssyncset.done $0x0  }
0x126: {  	s0 =	sadd.s32 s26, s0;
	[sflag:s11] =	ssyncadd.s32 $0xFFFFF100  }
0x127: {  	[hbm:s0], [sflag:s5] =	dma.local [spmem:s13], $0xF00  }
0x128: {  	s30 =	rddreg [dreg:$0x1a]  }
0x129: {  	_ =	swait.ge [sflag:s22], $0xF00;
	s18 =	sadd.s32 s30, s7  }
0x12a: {  	[sflag:s22] =	ssyncset.done $0x0;
	s0 =	sshrl.u32 s18, $0x3  }
0x12b: {  	[smem:$0x7C0] =	sst s1;
	[sflag:s22] =	ssyncadd.s32 $0xFFFFF100;
	s0 =	sadd.s32 s19, s0  }
0x12c: {  	[spmem:s13], [sflag:s1] =	dma.local [hbm:s0], $0xF00  }
0x12d: {  	s24 =	sadd.s32 s2, s3;
	_ =	swait.ge [sflag:s9], $0xF00  }
0x12e: {  	s0 =	sshrl.u32 s24, $0x3;
	[sflag:s9] =	ssyncset.done $0x0  }
0x12f: {  	s0 =	sadd.s32 s26, s0;
	[smem:$0x7C1] =	sst s21;
	[sflag:s9] =	ssyncadd.s32 $0xFFFFF100  }
0x130: {  	[hbm:s0], [sflag:s21] =	dma.local [spmem:s16], $0xF00  }
0x131: {  	s25 =	sadd.s32 s4, s3;
	_ =	swait.ge [sflag:s8], $0xF00  }
0x132: {  	s0 =	sshrl.u32 s25, $0x3;
	[sflag:s8] =	ssyncset.done $0x0  }
0x133: {  	s0 =	sadd.s32 s26, s0;
	[dreg:$0x19] =	wrdreg s20;
	[sflag:s8] =	ssyncadd.s32 $0xFFFFF100  }
0x134: {  	[hbm:s0], [sflag:s12] =	dma.local [spmem:s20], $0xF00  }
0x135: {  	s30 =	sadd.s32 s30, s3;
	_ =	swait.ge [sflag:s11], $0xF00  }
0x136: {  	s0 =	sshrl.u32 s30, $0x3;
	[sflag:s11] =	ssyncset.done $0x0  }
0x137: {  	s0 =	sadd.s32 s26, s0;
	[smem:$0x7C2] =	sst s5;
	[sflag:s11] =	ssyncadd.s32 $0xFFFFF100  }
0x138: {  	[hbm:s0], [sflag:s5] =	dma.local [spmem:s13], $0xF00  }
0x139: {  	_ =	swait.ge [sflag:s10], $0xF00  }
0x13a: {  	[sflag:s10] =	ssyncset.done $0x0  }
0x13b: {  	[sflag:s10] =	ssyncadd.s32 $0xFFFFF100  }
0x13c: {  	_ =	swait.ge [sflag:s31], $0xF00  }
0x13d: {  	[sflag:s31] =	ssyncset.done $0x0  }
0x13e: {  	s28 =	simm.s32 $0x1;
	s2 =	stileid.u32;
	[sflag:s31] =	ssyncadd.s32 $0xFFFFF100  }
0x13f: {  	s4 =	simm.s32 $0x20;
	s5 =	simm.s32 $0x40;
	_ =	swait.ge [sflag:s22], $0xF00  }
.LBB2_2:
0x140: {  	s12 =	rddreg [dreg:$0x1e]  }
0x141: {  	s21 =	smov.u32 s29;
	s29 =	smov.u32 s15;
	s0 =	rddreg [dreg:$0x9]  }
0x142: {  	s3 =	rddreg [dreg:$0xb];
	[sflag:s22] =	ssyncset.done $0x0;
	p5 =	seq.s32 s0, s4  }
0x143: {  	s2 =	sadd.s32 $0x10, s2;
	s7 =	sld [smem:$0x7F9];
	p5 =	por !p5, !p0  }
0x144: {  	s13 =	rddreg [dreg:$0x19];
	s0 =	simm.s32 $0x1;
	p5 =	por !p5, !p5  }
0x145: {  	s1 =	smov.u32 s5;
	s20 =	rddreg [dreg:$0x1c];
	s0 =	simm.s32 @!p5 $0x0  }
0x146: {  	s30 =	sadd.s32 $0x20, s5;
	[smem:$0x7A9] =	sst s2;
	s0 =	ssub.s32 s2, s0  }
0x147: {  	p4 =	sne.s32 s5, $0x60;
	[smem:$0x7BB] =	sst s30;
	s8 =	smul.u32 $0x12C000, s0  }
0x148: {  	[sflag:s22] =	ssyncadd.s32 $0xFFFFF100;
	s5 =	smov.u32 s1;
	s30 =	smov.u32 s19  }
0x149: {  	[smem:$0x7B9] =	sst s5;
	p5 =	seq.s32 s0, $0x0;
	s0 =	sadd.s32 s14, s8  }
0x14a: {  	s6 =	sadd.s32 s3, s8;
	s9 =	sadd.s32 s7, s8;
	s18 =	sadd.s32 $0x960000, s8  }
0x14b: {  	s5 =	sadd.s32 s17, s8;
	s25 =	sadd.s32 s12, s8;
	s0 =	sshrl.u32 s0, $0x3  }
0x14c: {  	s18 =	simm.s32 @p5 $0x0;
	s1 =	sshrl.u32 s6, $0x3;
	s0 =	sadd.s32 s19, s0  }
0x14d: {  	[spmem:s13], [sflag:s20] =	dma.local [hbm:s0], $0xF00  }
0x14e: {  	s10 =	sadd.s32 s14, s18;
	s1 =	sadd.s32 s19, s1;
	s2 =	sld [smem:$0x7C0]  }
0x14f: {  	s14 =	sadd.s32 s23, s18;
	s6 =	sshrl.u32 s10, $0x3;
	s0 =	rddreg [dreg:$0x7]  }
0x150: {  	s10 =	sadd.s32 s17, s18;
	s16 =	sshrl.u32 s0, $0x3;
	s0 =	sshrl.u32 s14, $0x3  }
0x151: {  	[spmem:s16], [sflag:s2] =	dma.local [hbm:s1], $0xF00  }
0x152: {  	s11 =	sadd.s32 s7, s18;
	s7 =	sshrl.u32 s10, $0x3;
	[smem:$0x7A6] =	sst s0  }
0x153: {  	s4 =	sshrl.u32 s9, $0x3;
	s3 =	sadd.s32 s3, s18;
	[smem:$0x7A7] =	sst s7  }
0x154: {  	s24 =	sshrl.u32 s25, $0x3;
	s9 =	sshrl.u32 s3, $0x3;
	s15 =	rddreg [dreg:$0x8]  }
0x155: {  	s3 =	sshrl.u32 s11, $0x3;
	s17 =	sshrl.u32 s15, $0x3;
	s15 =	sld [smem:$0x7BF]  }
0x156: {  	s11 =	sadd.s32 s19, s4;
	s6 =	sadd.s32 s26, s6;
	s0 =	rddreg [dreg:$0x1d]  }
0x157: {  	s14 =	sadd.s32 s23, s8;
	s22 =	rddreg [dreg:$0x11];
	s10 =	sadd.s32 s0, s8  }
0x158: {  	[spmem:s17], [sflag:s15] =	dma.local [hbm:s11], $0xF00  }
0x159: {  	s7 =	sadd.s32 s12, s18;
	s11 =	sshrl.u32 s10, $0x3;
	_ =	swait.ge [sflag:s28], $0xF00  }
0x15a: {  	s12 =	smov.u32 s26;
	s1 =	sadd.s32 s22, s8;
	[smem:$0x7A8] =	sst s11  }
0x15b: {  	s26 =	sshrl.u32 s14, $0x3;
	s4 =	sshrl.u32 s1, $0x3;
	s1 =	rddreg [dreg:$0xf]  }
0x15c: {  	s22 =	sadd.s32 s22, s18;
	[sflag:s28] =	ssyncset.done $0x0;
	s25 =	rddreg [dreg:$0x1f]  }
0x15d: {  	[sflag:s28] =	ssyncadd.s32 $0xFFFFF100;
	s23 =	sadd.s32 s1, s8;
	s28 =	sshrl.u32 s7, $0x3  }
0x15e: {  	[hbm:s6], [sflag:s25] =	dma.local [spmem:s13], $0xF00  }
0x15f: {  	s11 =	sshrl.u32 s23, $0x3;
	s6 =	sadd.s32 s19, s26;
	_ =	swait.ge [sflag:s31], $0xF00  }
0x160: {  	s19 =	simm.s32 $0x4;
	[smem:$0x7AA] =	sst s11;
	[sflag:s31] =	ssyncset.done $0x0  }
0x161: {  	s26 =	rddreg [dreg:$0x15];
	s11 =	simm.s32 $0x2;
	[sflag:s19] =	ssyncadd.s32 $0xFFFFF100  }
0x162: {  	[spmem:s13], [sflag:s20] =	dma.local [hbm:s6], $0xF00  }
0x163: {  	s7 =	sshrl.u32 s22, $0x3;
	s23 =	sadd.s32 s26, s8;
	_ =	swait.ge [sflag:s11], $0xF00  }
0x164: {  	s22 =	sshrl.u32 s23, $0x3;
	[smem:$0x7AB] =	sst s7  }
0x165: {  	[smem:$0x7AC] =	sst s22  }
0x166: {  	s14 =	simm.s32 $0x5;
	s7 =	sld [smem:$0x7C2]  }
0x167: {  	s23 =	sadd.s32 s12, s9;
	[sflag:s11] =	ssyncset.done $0x0;
	s22 =	rddreg [dreg:$0x10]  }
0x168: {  	s9 =	sadd.s32 s0, s18;
	[sflag:s11] =	ssyncadd.s32 $0xFFFFF100;
	s0 =	sadd.s32 s22, s8  }
0x169: {  	[hbm:s23], [sflag:s7] =	dma.local [spmem:s16], $0xF00  }
0x16a: {  	s5 =	sshrl.u32 s5, $0x3;
	s23 =	sshrl.u32 s0, $0x3;
	_ =	swait.ge [sflag:s14], $0xF00  }
0x16b: {  	s5 =	sadd.s32 s30, s5;
	s6 =	sadd.s32 s29, s8;
	[smem:$0x7AE] =	sst s23  }
0x16c: {  	s9 =	sshrl.u32 s9, $0x3;
	[sflag:s14] =	ssyncset.done $0x0;
	[smem:$0x7B0] =	sst s6  }
0x16d: {  	[smem:$0x7AD] =	sst s9;
	s6 =	simm.s32 $0x3;
	[sflag:s14] =	ssyncadd.s32 $0xFFFFF100  }
0x16e: {  	[spmem:s16], [sflag:s2] =	dma.local [hbm:s5], $0xF00  }
0x16f: {  	s10 =	sadd.s32 s1, s18;
	_ =	swait.ge [sflag:s6], $0xF00  }
0x170: {  	s3 =	sadd.s32 s12, s3;
	s9 =	sshrl.u32 s10, $0x3;
	s0 =	rddreg [dreg:$0x17]  }
0x171: {  	s1 =	simm.s32 $0x6;
	s31 =	simm.s32 $0x1;
	[smem:$0x7AF] =	sst s9  }
0x172: {  	s23 =	smov.u32 s2;
	s9 =	sld [smem:$0x7C1];
	s2 =	sadd.s32 s0, s8  }
0x173: {  	s22 =	sadd.s32 s22, s18;
	[sflag:s6] =	ssyncset.done $0x0;
	s5 =	sshrl.u32 s2, $0x3  }
0x174: {  	s10 =	sadd.s32 s21, s8;
	[sflag:s6] =	ssyncadd.s32 $0xFFFFF100;
	[smem:$0x7B2] =	sst s5  }
0x175: {  	[hbm:s3], [sflag:s9] =	dma.local [spmem:s17], $0xF00  }
0x176: {  	s2 =	sadd.s32 s26, s18;
	s3 =	sshrl.u32 s10, $0x3;
	_ =	swait.ge [sflag:s1], $0xF00  }
0x177: {  	s5 =	simm.s32 $0x6;
	s10 =	simm.s32 $0x6;
	[smem:$0x7B4] =	sst s3  }
0x178: {  	[sflag:s5] =	ssyncset.done $0x0;
	s5 =	sshrl.u32 s2, $0x3;
	s3 =	rddreg [dreg:$0x16]  }
0x179: {  	s26 =	sadd.s32 s30, s24;
	[smem:$0x7B1] =	sst s5;
	[sflag:s10] =	ssyncadd.s32 $0xFFFFF100  }
0x17a: {  	[spmem:s17], [sflag:s15] =	dma.local [hbm:s26], $0xF00  }
0x17b: {  	s24 =	sadd.s32 s3, s8;
	s26 =	sshrl.u32 s22, $0x3;
	_ =	swait.ge [sflag:s31], $0xF00  }
0x17c: {  	s2 =	sshrl.u32 s24, $0x3;
	[smem:$0x7B3] =	sst s26  }
0x17d: {  	s22 =	sadd.s32 s29, s18;
	[smem:$0x7B6] =	sst s2  }
0x17e: {  	s24 =	sshrl.u32 s22, $0x3;
	s5 =	sld [smem:$0x7A6]  }
0x17f: {  	[smem:$0x7B5] =	sst s24  }
0x180: {  	[sflag:s31] =	ssyncset.done $0x0;
	s22 =	rddreg [dreg:$0x1b]  }
0x181: {  	[sflag:s31] =	ssyncadd.s32 $0xFFFFF100;
	s26 =	sadd.s32 s22, s8;
	s10 =	sadd.s32 s12, s5  }
0x182: {  	[hbm:s10], [sflag:s25] =	dma.local [spmem:s13], $0xF00  }
0x183: {  	s2 =	sshrl.u32 s26, $0x3;
	_ =	swait.ge [sflag:s19], $0xF00  }
0x184: {  	s1 =	sadd.s32 s0, s18;
	[smem:$0x7B8] =	sst s2  }
0x185: {  	s10 =	sshrl.u32 s1, $0x3;
	s2 =	rddreg [dreg:$0x12]  }
0x186: {  	[sflag:s19] =	ssyncset.done $0x0;
	[smem:$0x7B7] =	sst s10;
	s5 =	sadd.s32 s2, s8  }
0x187: {  	s4 =	sadd.s32 s30, s4;
	[sflag:s19] =	ssyncadd.s32 $0xFFFFF100;
	[smem:$0x7BA] =	sst s5  }
0x188: {  	[spmem:s13], [sflag:s20] =	dma.local [hbm:s4], $0xF00  }
0x189: {  	_ =	swait.ge [sflag:s11], $0xF00  }
0x18a: {  	s1 =	sld [smem:$0x7A7]  }
0x18b: {  	s24 =	sadd.s32 s21, s18;
	s21 =	rddreg [dreg:$0x18]  }
0x18c: {  	s4 =	sshrl.u32 s24, $0x3;
	[sflag:s11] =	ssyncset.done $0x0;
	s26 =	sadd.s32 s21, s8  }
0x18d: {  	s0 =	rddreg [dreg:$0x13];
	s24 =	sadd.s32 s12, s1;
	s1 =	sshrl.u32 s26, $0x3  }
0x18e: {  	[sflag:s11] =	ssyncadd.s32 $0xFFFFF100;
	[smem:$0x7BC] =	sst s1  }
0x18f: {  	[hbm:s24], [sflag:s7] =	dma.local [spmem:s16], $0xF00  }
0x190: {  	_ =	swait.ge [sflag:s14], $0xF00  }
0x191: {  	s29 =	sadd.s32 s0, s8;
	s26 =	sld [smem:$0x7A8]  }
0x192: {  	s3 =	sadd.s32 s3, s18;
	s24 =	sshrl.u32 s29, $0x3  }
0x193: {  	s5 =	sshrl.u32 s3, $0x3;
	[smem:$0x7BD] =	sst s24;
	[sflag:s14] =	ssyncset.done $0x0  }
0x194: {  	s3 =	rddreg [dreg:$0x1a];
	[sflag:s14] =	ssyncadd.s32 $0xFFFFF100;
	s1 =	sadd.s32 s30, s26  }
0x195: {  	[spmem:s16], [sflag:s23] =	dma.local [hbm:s1], $0xF00  }
0x196: {  	_ =	swait.ge [sflag:s6], $0xF00  }
0x197: {  	s28 =	sadd.s32 s12, s28;
	s10 =	simm.s32 $0x6;
	[sflag:s6] =	ssyncset.done $0x0  }
0x198: {  	s14 =	sadd.s32 s2, s18;
	s2 =	sld [smem:$0x7A9];
	[sflag:s6] =	ssyncadd.s32 $0xFFFFF100  }
0x199: {  	[hbm:s28], [sflag:s9] =	dma.local [spmem:s17], $0xF00  }
0x19a: {  	_ =	swait.ge [sflag:s10], $0xF00  }
0x19b: {  	s29 =	sadd.s32 s22, s18;
	s22 =	sld [smem:$0x7AA];
	_ =	sdelay $0x1  }
0x19c: {  	s0 =	sadd.s32 s0, s18;
	[sflag:s10] =	ssyncset.done $0x0  }
0x19d: {  	s24 =	sshrl.u32 s0, $0x3;
	[sflag:s10] =	ssyncadd.s32 $0xFFFFF100;
	s0 =	sadd.s32 s30, s22  }
0x19e: {  	[spmem:s17], [sflag:s15] =	dma.local [hbm:s0], $0xF00  }
0x19f: {  	s21 =	sadd.s32 s21, s18;
	_ =	swait.ge [sflag:s31], $0xF00  }
0x1a0: {  	s8 =	sadd.s32 s3, s8;
	s18 =	sadd.s32 s3, s18;
	s3 =	sld [smem:$0x7AB]  }
0x1a1: {  	_ = 	snop  }
0x1a2: {  	[sflag:s31] =	ssyncset.done $0x0  }
0x1a3: {  	[sflag:s31] =	ssyncadd.s32 $0xFFFFF100;
	s0 =	sadd.s32 s12, s3  }
0x1a4: {  	[hbm:s0], [sflag:s25] =	dma.local [spmem:s13], $0xF00  }
0x1a5: {  	_ =	swait.ge [sflag:s19], $0xF00  }
0x1a6: {  	s26 =	sshrl.u32 s29, $0x3;
	s29 =	sshrl.u32 s14, $0x3;
	s14 =	sld [smem:$0x7AC]  }
0x1a7: {  	_ = 	snop  }
0x1a8: {  	[sflag:s19] =	ssyncset.done $0x0  }
0x1a9: {  	[sflag:s19] =	ssyncadd.s32 $0xFFFFF100;
	s0 =	sadd.s32 s30, s14  }
0x1aa: {  	[spmem:s13], [sflag:s20] =	dma.local [hbm:s0], $0xF00  }
0x1ab: {  	_ =	swait.ge [sflag:s11], $0xF00  }
0x1ac: {  	s28 =	sshrl.u32 s21, $0x3;
	s21 =	sld [smem:$0x7AD];
	_ =	sdelay $0x1  }
0x1ad: {  	[sflag:s11] =	ssyncset.done $0x0  }
0x1ae: {  	s22 =	simm.s32 $0x5;
	[sflag:s11] =	ssyncadd.s32 $0xFFFFF100;
	s0 =	sadd.s32 s12, s21  }
0x1af: {  	[hbm:s0], [sflag:s7] =	dma.local [spmem:s16], $0xF00  }
0x1b0: {  	_ =	swait.ge [sflag:s22], $0xF00  }
0x1b1: {  	s1 =	sld [smem:$0x7AE];
	_ =	sdelay $0x1  }
0x1b2: {  	[sflag:s22] =	ssyncset.done $0x0  }
0x1b3: {  	[sflag:s22] =	ssyncadd.s32 $0xFFFFF100;
	s0 =	sadd.s32 s30, s1  }
0x1b4: {  	[spmem:s16], [sflag:s23] =	dma.local [hbm:s0], $0xF00  }
0x1b5: {  	_ =	swait.ge [sflag:s6], $0xF00  }
0x1b6: {  	s3 =	sld [smem:$0x7AF];
	_ =	sdelay $0x1  }
0x1b7: {  	[sflag:s6] =	ssyncset.done $0x0  }
0x1b8: {  	[sflag:s6] =	ssyncadd.s32 $0xFFFFF100;
	s0 =	sadd.s32 s12, s3  }
0x1b9: {  	[hbm:s0], [sflag:s9] =	dma.local [spmem:s17], $0xF00  }
0x1ba: {  	_ =	swait.ge [sflag:s10], $0xF00  }
0x1bb: {  	s14 =	sld [smem:$0x7B0];
	_ =	sdelay $0x2  }
0x1bc: {  	s1 =	smov.u32 s23;
	[sflag:s10] =	ssyncset.done $0x0;
	s0 =	sshrl.u32 s14, $0x3  }
0x1bd: {  	s23 =	rddreg [dreg:$0x14];
	[sflag:s10] =	ssyncadd.s32 $0xFFFFF100;
	s0 =	sadd.s32 s30, s0  }
0x1be: {  	[spmem:s17], [sflag:s15] =	dma.local [hbm:s0], $0xF00  }
0x1bf: {  	_ =	swait.ge [sflag:s31], $0xF00  }
0x1c0: {  	s21 =	sld [smem:$0x7B1];
	_ =	sdelay $0x1  }
0x1c1: {  	[sflag:s31] =	ssyncset.done $0x0  }
0x1c2: {  	[sflag:s31] =	ssyncadd.s32 $0xFFFFF100;
	s0 =	sadd.s32 s12, s21  }
0x1c3: {  	[hbm:s0], [sflag:s25] =	dma.local [spmem:s13], $0xF00  }
0x1c4: {  	_ =	swait.ge [sflag:s19], $0xF00  }
0x1c5: {  	s3 =	sld [smem:$0x7B2];
	_ =	sdelay $0x1  }
0x1c6: {  	[sflag:s19] =	ssyncset.done $0x0  }
0x1c7: {  	[sflag:s19] =	ssyncadd.s32 $0xFFFFF100;
	s0 =	sadd.s32 s30, s3  }
0x1c8: {  	[spmem:s13], [sflag:s20] =	dma.local [hbm:s0], $0xF00  }
0x1c9: {  	_ =	swait.ge [sflag:s11], $0xF00  }
0x1ca: {  	s14 =	sld [smem:$0x7B3];
	_ =	sdelay $0x1  }
0x1cb: {  	[sflag:s11] =	ssyncset.done $0x0  }
0x1cc: {  	[sflag:s11] =	ssyncadd.s32 $0xFFFFF100;
	s0 =	sadd.s32 s12, s14  }
0x1cd: {  	[hbm:s0], [sflag:s7] =	dma.local [spmem:s16], $0xF00  }
0x1ce: {  	_ =	swait.ge [sflag:s22], $0xF00  }
0x1cf: {  	s21 =	sld [smem:$0x7B4];
	_ =	sdelay $0x1  }
0x1d0: {  	[sflag:s22] =	ssyncset.done $0x0  }
0x1d1: {  	[sflag:s22] =	ssyncadd.s32 $0xFFFFF100;
	s0 =	sadd.s32 s30, s21  }
0x1d2: {  	[spmem:s16], [sflag:s1] =	dma.local [hbm:s0], $0xF00  }
0x1d3: {  	_ =	swait.ge [sflag:s6], $0xF00  }
0x1d4: {  	s3 =	sld [smem:$0x7B5];
	_ =	sdelay $0x1  }
0x1d5: {  	[sflag:s6] =	ssyncset.done $0x0  }
0x1d6: {  	[sflag:s6] =	ssyncadd.s32 $0xFFFFF100;
	s0 =	sadd.s32 s12, s3  }
0x1d7: {  	[hbm:s0], [sflag:s9] =	dma.local [spmem:s17], $0xF00  }
0x1d8: {  	_ =	swait.ge [sflag:s10], $0xF00  }
0x1d9: {  	s14 =	sld [smem:$0x7B6];
	_ =	sdelay $0x1  }
0x1da: {  	[sflag:s10] =	ssyncset.done $0x0  }
0x1db: {  	[sflag:s10] =	ssyncadd.s32 $0xFFFFF100;
	s0 =	sadd.s32 s30, s14  }
0x1dc: {  	[spmem:s17], [sflag:s15] =	dma.local [hbm:s0], $0xF00  }
0x1dd: {  	_ =	swait.ge [sflag:s31], $0xF00  }
0x1de: {  	s21 =	sld [smem:$0x7B7];
	_ =	sdelay $0x1  }
0x1df: {  	[sflag:s31] =	ssyncset.done $0x0  }
0x1e0: {  	s14 =	rddreg [dreg:$0xa];
	[sflag:s31] =	ssyncadd.s32 $0xFFFFF100;
	s0 =	sadd.s32 s12, s21  }
0x1e1: {  	[hbm:s0], [sflag:s25] =	dma.local [spmem:s13], $0xF00  }
0x1e2: {  	_ =	swait.ge [sflag:s19], $0xF00  }
0x1e3: {  	s3 =	sld [smem:$0x7B8];
	_ =	sdelay $0x1  }
0x1e4: {  	[sflag:s19] =	ssyncset.done $0x0  }
0x1e5: {  	[sflag:s19] =	ssyncadd.s32 $0xFFFFF100;
	s0 =	sadd.s32 s30, s3  }
0x1e6: {  	[spmem:s13], [sflag:s20] =	dma.local [hbm:s0], $0xF00  }
0x1e7: {  	_ =	swait.ge [sflag:s11], $0xF00  }
0x1e8: {  	[sflag:s11] =	ssyncset.done $0x0  }
0x1e9: {  	s21 =	sadd.s32 s12, s4;
	s4 =	sld [smem:$0x7B9];
	[sflag:s11] =	ssyncadd.s32 $0xFFFFF100  }
0x1ea: {  	[hbm:s21], [sflag:s7] =	dma.local [spmem:s16], $0xF00  }
0x1eb: {  	_ =	swait.ge [sflag:s22], $0xF00  }
0x1ec: {  	s3 =	sld [smem:$0x7BA];
	_ =	sdelay $0x2  }
0x1ed: {  	[sflag:s22] =	ssyncset.done $0x0;
	s0 =	sshrl.u32 s3, $0x3  }
0x1ee: {  	[sflag:s22] =	ssyncadd.s32 $0xFFFFF100;
	s0 =	sadd.s32 s30, s0  }
0x1ef: {  	[spmem:s16], [sflag:s1] =	dma.local [hbm:s0], $0xF00  }
0x1f0: {  	_ =	swait.ge [sflag:s6], $0xF00  }
0x1f1: {  	[sflag:s6] =	ssyncset.done $0x0  }
0x1f2: {  	s19 =	sadd.s32 s12, s5;
	s5 =	sld [smem:$0x7BB];
	[sflag:s6] =	ssyncadd.s32 $0xFFFFF100  }
0x1f3: {  	[hbm:s19], [sflag:s9] =	dma.local [spmem:s17], $0xF00  }
0x1f4: {  	_ =	swait.ge [sflag:s10], $0xF00  }
0x1f5: {  	s21 =	sld [smem:$0x7BC];
	_ =	sdelay $0x1  }
0x1f6: {  	[sflag:s10] =	ssyncset.done $0x0  }
0x1f7: {  	[sflag:s10] =	ssyncadd.s32 $0xFFFFF100;
	s0 =	sadd.s32 s30, s21  }
0x1f8: {  	[spmem:s17], [sflag:s15] =	dma.local [hbm:s0], $0xF00  }
0x1f9: {  	_ =	swait.ge [sflag:s31], $0xF00  }
0x1fa: {  	s26 =	sadd.s32 s12, s26;
	[sflag:s31] =	ssyncset.done $0x0  }
0x1fb: {  	s15 =	rddreg [dreg:$0xc];
	[sflag:s31] =	ssyncadd.s32 $0xFFFFF100;
	s31 =	simm.s32 $0x4  }
0x1fc: {  	[hbm:s26], [sflag:s25] =	dma.local [spmem:s13], $0xF00  }
0x1fd: {  	_ =	swait.ge [sflag:s31], $0xF00  }
0x1fe: {  	s3 =	sld [smem:$0x7BD];
	_ =	sdelay $0x1  }
0x1ff: {  	[sflag:s31] =	ssyncset.done $0x0  }
0x200: {  	[sflag:s31] =	ssyncadd.s32 $0xFFFFF100;
	s0 =	sadd.s32 s30, s3  }
0x201: {  	[spmem:s13], [sflag:s20] =	dma.local [hbm:s0], $0xF00  }
0x202: {  	_ =	swait.ge [sflag:s11], $0xF00  }
0x203: {  	[sflag:s11] =	ssyncset.done $0x0  }
0x204: {  	s19 =	sadd.s32 s12, s29;
	s29 =	rddreg [dreg:$0xd];
	[sflag:s11] =	ssyncadd.s32 $0xFFFFF100  }
0x205: {  	[hbm:s19], [sflag:s7] =	dma.local [spmem:s16], $0xF00  }
0x206: {  	_ =	swait.ge [sflag:s22], $0xF00  }
0x207: {  	s8 =	sshrl.u32 s8, $0x3;
	[sflag:s22] =	ssyncset.done $0x0  }
0x208: {  	s20 =	sadd.s32 s30, s8;
	[sflag:s22] =	ssyncadd.s32 $0xFFFFF100  }
0x209: {  	[spmem:s16], [sflag:s1] =	dma.local [hbm:s20], $0xF00  }
0x20a: {  	_ =	swait.ge [sflag:s6], $0xF00  }
0x20b: {  	[sflag:s6] =	ssyncset.done $0x0  }
0x20c: {  	s21 =	sadd.s32 s12, s28;
	s28 =	simm.s32 $0x1;
	[sflag:s6] =	ssyncadd.s32 $0xFFFFF100  }
0x20d: {  	[hbm:s21], [sflag:s9] =	dma.local [spmem:s17], $0xF00  }
0x20e: {  	_ =	swait.ge [sflag:s28], $0xF00  }
0x20f: {  	[sflag:s28] =	ssyncset.done $0x0  }
0x210: {  	s26 =	sadd.s32 s12, s24;
	s17 =	rddreg [dreg:$0xe];
	[sflag:s28] =	ssyncadd.s32 $0xFFFFF100  }
0x211: {  	[hbm:s26], [sflag:s25] =	dma.local [spmem:s13], $0xF00  }
0x212: {  	_ =	swait.ge [sflag:s11], $0xF00  }
0x213: {  	s18 =	sshrl.u32 s18, $0x3;
	[sflag:s11] =	ssyncset.done $0x0  }
0x214: {  	s19 =	smov.u32 s30;
	s30 =	sadd.s32 s12, s18;
	[sflag:s11] =	ssyncadd.s32 $0xFFFFF100  }
0x215: {  	[hbm:s30], [sflag:s7] =	dma.local [spmem:s16], $0xF00  }
0x216: {  	_ =	swait.ge [sflag:s10], $0xF00  }
0x217: {  	[sflag:s10] =	ssyncset.done $0x0  }
.Ltmp2:
0x218: {  	[sflag:s10] =	ssyncadd.s32 $0xFFFFF100;
	(pc) =	sbr.rel @p4 .LBB2_2-.Ltmp2, $4  }
0x219: {  	_ =	swait.ge [sflag:s31], $0xF00  }
0x21a: {  	[sflag:s31] =	ssyncset.done $0x0  }
0x21b: {  	[sflag:s31] =	ssyncadd.s32 $0xFFFFF100  }
0x21c: {  	s26 =	smov.u32 s12;
	_ =	swait.ge [sflag:s22], $0xF00  }
0x21d: {  	s0 =	rddreg [dreg:$0x9]  }
0x21e: {  	p4 =	seq.s32 s0, s4  }
0x21f: {  	p4 =	por !p4, !p0  }
0x220: {  	s0 =	simm.s32 $0x1;
	p4 =	por !p4, !p4  }
0x221: {  	s1 =	sadd.s32 $0x10, s2;
	s0 =	simm.s32 @!p4 $0x0  }
0x222: {  	s0 =	ssub.s32 s1, s0  }
0x223: {  	s16 =	smul.u32 $0x12C000, s0;
	_ =	sdelay $0x1  }
0x224: {  	s18 =	sadd.s32 s14, s16  }
0x225: {  	[sflag:s22] =	ssyncset.done $0x0;
	s6 =	rddreg [dreg:$0x19];
	s1 =	sshrl.u32 s18, $0x3  }
0x226: {  	s8 =	rddreg [dreg:$0x1c];
	[sflag:s22] =	ssyncadd.s32 $0xFFFFF100;
	s1 =	sadd.s32 s19, s1  }
0x227: {  	[spmem:s6], [sflag:s8] =	dma.local [hbm:s1], $0xF00  }
0x228: {  	s11 =	rddreg [dreg:$0xb]  }
0x229: {  	s24 =	sld [smem:$0x7C0];
	s20 =	sadd.s32 s11, s16  }
0x22a: {  	s1 =	rddreg [dreg:$0x7];
	s2 =	sshrl.u32 s20, $0x3  }
0x22b: {  	s13 =	sshrl.u32 s1, $0x3;
	s2 =	sadd.s32 s19, s2  }
0x22c: {  	[spmem:s13], [sflag:s24] =	dma.local [hbm:s2], $0xF00  }
0x22d: {  	s3 =	sld [smem:$0x7F9];
	_ =	sdelay $0x2  }
0x22e: {  	p4 =	seq.s32 s0, $0x0;
	s18 =	sld [smem:$0x7BF];
	s25 =	sadd.s32 s3, s16  }
0x22f: {  	s7 =	sadd.s32 $0x960000, s16;
	s21 =	rddreg [dreg:$0x8];
	s30 =	sshrl.u32 s25, $0x3  }
0x230: {  	s7 =	simm.s32 @p4 $0x0;
	s21 =	sshrl.u32 s21, $0x3;
	s0 =	sadd.s32 s19, s30  }
0x231: {  	[spmem:s21], [sflag:s18] =	dma.local [hbm:s0], $0xF00  }
0x232: {  	s2 =	sadd.s32 s14, s7;
	_ =	swait.ge [sflag:s28], $0xF00  }
0x233: {  	s0 =	sshrl.u32 s2, $0x3;
	[sflag:s28] =	ssyncset.done $0x0  }
0x234: {  	s0 =	sadd.s32 s26, s0;
	s12 =	rddreg [dreg:$0x1f];
	[sflag:s28] =	ssyncadd.s32 $0xFFFFF100  }
0x235: {  	[hbm:s0], [sflag:s12] =	dma.local [spmem:s6], $0xF00  }
0x236: {  	s4 =	sadd.s32 s23, s16;
	_ =	swait.ge [sflag:s31], $0xF00  }
0x237: {  	s5 =	sadd.s32 s11, s7;
	s0 =	sshrl.u32 s4, $0x3;
	[sflag:s31] =	ssyncset.done $0x0  }
0x238: {  	s11 =	simm.s32 $0x2;
	s0 =	sadd.s32 s19, s0;
	[sflag:s31] =	ssyncadd.s32 $0xFFFFF100  }
0x239: {  	[spmem:s6], [sflag:s8] =	dma.local [hbm:s0], $0xF00  }
0x23a: {  	_ =	swait.ge [sflag:s11], $0xF00  }
0x23b: {  	s20 =	sld [smem:$0x7C2]  }
0x23c: {  	s0 =	sshrl.u32 s5, $0x3;
	[sflag:s11] =	ssyncset.done $0x0  }
0x23d: {  	s0 =	sadd.s32 s26, s0;
	[sflag:s11] =	ssyncadd.s32 $0xFFFFF100  }
0x23e: {  	[hbm:s0], [sflag:s20] =	dma.local [spmem:s13], $0xF00  }
0x23f: {  	s9 =	sadd.s32 s17, s16;
	_ =	swait.ge [sflag:s22], $0xF00  }
0x240: {  	s0 =	sshrl.u32 s9, $0x3;
	[sflag:s22] =	ssyncset.done $0x0  }
0x241: {  	s9 =	simm.s32 $0x3;
	s0 =	sadd.s32 s19, s0;
	[sflag:s22] =	ssyncadd.s32 $0xFFFFF100  }
0x242: {  	[spmem:s13], [sflag:s24] =	dma.local [hbm:s0], $0xF00  }
0x243: {  	s25 =	sadd.s32 s3, s7;
	_ =	swait.ge [sflag:s9], $0xF00  }
0x244: {  	s0 =	sshrl.u32 s25, $0x3;
	s25 =	sld [smem:$0x7C1]  }
0x245: {  	[sflag:s9] =	ssyncset.done $0x0  }
0x246: {  	s0 =	sadd.s32 s26, s0;
	[sflag:s9] =	ssyncadd.s32 $0xFFFFF100  }
0x247: {  	[hbm:s0], [sflag:s25] =	dma.local [spmem:s21], $0xF00  }
0x248: {  	s3 =	rddreg [dreg:$0x1e]  }
0x249: {  	_ =	swait.ge [sflag:s10], $0xF00;
	s30 =	sadd.s32 s3, s16  }
0x24a: {  	[sflag:s10] =	ssyncset.done $0x0;
	s0 =	sshrl.u32 s30, $0x3  }
0x24b: {  	[sflag:s10] =	ssyncadd.s32 $0xFFFFF100;
	s0 =	sadd.s32 s19, s0  }
0x24c: {  	[spmem:s21], [sflag:s18] =	dma.local [hbm:s0], $0xF00  }
0x24d: {  	s1 =	sadd.s32 s23, s7;
	_ =	swait.ge [sflag:s28], $0xF00  }
0x24e: {  	s0 =	sshrl.u32 s1, $0x3;
	[sflag:s28] =	ssyncset.done $0x0  }
0x24f: {  	s0 =	sadd.s32 s26, s0;
	[sflag:s28] =	ssyncadd.s32 $0xFFFFF100  }
0x250: {  	[hbm:s0], [sflag:s12] =	dma.local [spmem:s6], $0xF00  }
0x251: {  	s1 =	rddreg [dreg:$0x11]  }
0x252: {  	_ =	swait.ge [sflag:s31], $0xF00;
	s2 =	sadd.s32 s1, s16  }
0x253: {  	[sflag:s31] =	ssyncset.done $0x0;
	s0 =	sshrl.u32 s2, $0x3  }
0x254: {  	[sflag:s31] =	ssyncadd.s32 $0xFFFFF100;
	s0 =	sadd.s32 s19, s0  }
0x255: {  	[spmem:s6], [sflag:s8] =	dma.local [hbm:s0], $0xF00  }
0x256: {  	s4 =	sadd.s32 s17, s7;
	_ =	swait.ge [sflag:s11], $0xF00  }
0x257: {  	s0 =	sshrl.u32 s4, $0x3;
	[sflag:s11] =	ssyncset.done $0x0  }
0x258: {  	s0 =	sadd.s32 s26, s0;
	[sflag:s11] =	ssyncadd.s32 $0xFFFFF100  }
0x259: {  	[hbm:s0], [sflag:s20] =	dma.local [spmem:s13], $0xF00  }
0x25a: {  	s2 =	rddreg [dreg:$0x1d]  }
0x25b: {  	_ =	swait.ge [sflag:s22], $0xF00;
	s5 =	sadd.s32 s2, s16  }
0x25c: {  	[sflag:s22] =	ssyncset.done $0x0;
	s0 =	sshrl.u32 s5, $0x3  }
0x25d: {  	[sflag:s22] =	ssyncadd.s32 $0xFFFFF100;
	s0 =	sadd.s32 s19, s0  }
0x25e: {  	[spmem:s13], [sflag:s24] =	dma.local [hbm:s0], $0xF00  }
0x25f: {  	s30 =	sadd.s32 s3, s7;
	_ =	swait.ge [sflag:s9], $0xF00  }
0x260: {  	s0 =	sshrl.u32 s30, $0x3;
	[sflag:s9] =	ssyncset.done $0x0  }
0x261: {  	s0 =	sadd.s32 s26, s0;
	[sflag:s9] =	ssyncadd.s32 $0xFFFFF100  }
0x262: {  	[hbm:s0], [sflag:s25] =	dma.local [spmem:s21], $0xF00  }
0x263: {  	s30 =	rddreg [dreg:$0xf]  }
0x264: {  	_ =	swait.ge [sflag:s10], $0xF00;
	s3 =	sadd.s32 s30, s16  }
0x265: {  	[sflag:s10] =	ssyncset.done $0x0;
	s0 =	sshrl.u32 s3, $0x3  }
0x266: {  	[sflag:s10] =	ssyncadd.s32 $0xFFFFF100;
	s0 =	sadd.s32 s19, s0  }
0x267: {  	[spmem:s21], [sflag:s18] =	dma.local [hbm:s0], $0xF00  }
0x268: {  	s4 =	sadd.s32 s1, s7;
	_ =	swait.ge [sflag:s28], $0xF00  }
0x269: {  	s0 =	sshrl.u32 s4, $0x3;
	[sflag:s28] =	ssyncset.done $0x0  }
0x26a: {  	s0 =	sadd.s32 s26, s0;
	[sflag:s28] =	ssyncadd.s32 $0xFFFFF100  }
0x26b: {  	[hbm:s0], [sflag:s12] =	dma.local [spmem:s6], $0xF00  }
0x26c: {  	s3 =	rddreg [dreg:$0x15]  }
0x26d: {  	_ =	swait.ge [sflag:s31], $0xF00;
	s5 =	sadd.s32 s3, s16  }
0x26e: {  	[sflag:s31] =	ssyncset.done $0x0;
	s0 =	sshrl.u32 s5, $0x3  }
0x26f: {  	[sflag:s31] =	ssyncadd.s32 $0xFFFFF100;
	s0 =	sadd.s32 s19, s0  }
0x270: {  	[spmem:s6], [sflag:s8] =	dma.local [hbm:s0], $0xF00  }
0x271: {  	s1 =	sadd.s32 s2, s7;
	_ =	swait.ge [sflag:s11], $0xF00  }
0x272: {  	s0 =	sshrl.u32 s1, $0x3;
	[sflag:s11] =	ssyncset.done $0x0  }
0x273: {  	s0 =	sadd.s32 s26, s0;
	[sflag:s11] =	ssyncadd.s32 $0xFFFFF100  }
0x274: {  	[hbm:s0], [sflag:s20] =	dma.local [spmem:s13], $0xF00  }
0x275: {  	s1 =	rddreg [dreg:$0x10]  }
0x276: {  	_ =	swait.ge [sflag:s22], $0xF00;
	s2 =	sadd.s32 s1, s16  }
0x277: {  	[sflag:s22] =	ssyncset.done $0x0;
	s0 =	sshrl.u32 s2, $0x3  }
0x278: {  	[sflag:s22] =	ssyncadd.s32 $0xFFFFF100;
	s0 =	sadd.s32 s19, s0  }
0x279: {  	[spmem:s13], [sflag:s24] =	dma.local [hbm:s0], $0xF00  }
0x27a: {  	s4 =	sadd.s32 s30, s7;
	_ =	swait.ge [sflag:s9], $0xF00  }
0x27b: {  	s0 =	sshrl.u32 s4, $0x3;
	[sflag:s9] =	ssyncset.done $0x0  }
0x27c: {  	s0 =	sadd.s32 s26, s0;
	[sflag:s9] =	ssyncadd.s32 $0xFFFFF100  }
0x27d: {  	[hbm:s0], [sflag:s25] =	dma.local [spmem:s21], $0xF00  }
0x27e: {  	s5 =	sadd.s32 s15, s16;
	_ =	swait.ge [sflag:s10], $0xF00  }
0x27f: {  	s0 =	sshrl.u32 s5, $0x3;
	[sflag:s10] =	ssyncset.done $0x0  }
0x280: {  	s0 =	sadd.s32 s19, s0;
	[sflag:s10] =	ssyncadd.s32 $0xFFFFF100  }
0x281: {  	[spmem:s21], [sflag:s18] =	dma.local [hbm:s0], $0xF00  }
0x282: {  	s30 =	sadd.s32 s3, s7;
	_ =	swait.ge [sflag:s28], $0xF00  }
0x283: {  	s0 =	sshrl.u32 s30, $0x3;
	[sflag:s28] =	ssyncset.done $0x0  }
0x284: {  	s0 =	sadd.s32 s26, s0;
	[sflag:s28] =	ssyncadd.s32 $0xFFFFF100  }
0x285: {  	[hbm:s0], [sflag:s12] =	dma.local [spmem:s6], $0xF00  }
0x286: {  	s3 =	rddreg [dreg:$0x17]  }
0x287: {  	_ =	swait.ge [sflag:s31], $0xF00;
	s2 =	sadd.s32 s3, s16  }
0x288: {  	[sflag:s31] =	ssyncset.done $0x0;
	s0 =	sshrl.u32 s2, $0x3  }
0x289: {  	[sflag:s31] =	ssyncadd.s32 $0xFFFFF100;
	s0 =	sadd.s32 s19, s0  }
0x28a: {  	[spmem:s6], [sflag:s8] =	dma.local [hbm:s0], $0xF00  }
0x28b: {  	s4 =	sadd.s32 s1, s7;
	_ =	swait.ge [sflag:s11], $0xF00  }
0x28c: {  	s0 =	sshrl.u32 s4, $0x3;
	[sflag:s11] =	ssyncset.done $0x0  }
0x28d: {  	s0 =	sadd.s32 s26, s0;
	[sflag:s11] =	ssyncadd.s32 $0xFFFFF100  }
0x28e: {  	[hbm:s0], [sflag:s20] =	dma.local [spmem:s13], $0xF00  }
0x28f: {  	s5 =	sadd.s32 s29, s16;
	_ =	swait.ge [sflag:s22], $0xF00  }
0x290: {  	s0 =	sshrl.u32 s5, $0x3;
	[sflag:s22] =	ssyncset.done $0x0  }
0x291: {  	s0 =	sadd.s32 s19, s0;
	[sflag:s22] =	ssyncadd.s32 $0xFFFFF100  }
0x292: {  	[spmem:s13], [sflag:s24] =	dma.local [hbm:s0], $0xF00  }
0x293: {  	s30 =	sadd.s32 s15, s7;
	_ =	swait.ge [sflag:s9], $0xF00  }
0x294: {  	s0 =	sshrl.u32 s30, $0x3;
	[sflag:s9] =	ssyncset.done $0x0  }
0x295: {  	s0 =	sadd.s32 s26, s0;
	[sflag:s9] =	ssyncadd.s32 $0xFFFFF100  }
0x296: {  	[hbm:s0], [sflag:s25] =	dma.local [spmem:s21], $0xF00  }
0x297: {  	s2 =	rddreg [dreg:$0x16]  }
0x298: {  	_ =	swait.ge [sflag:s10], $0xF00;
	s1 =	sadd.s32 s2, s16  }
0x299: {  	[sflag:s10] =	ssyncset.done $0x0;
	s0 =	sshrl.u32 s1, $0x3  }
0x29a: {  	[sflag:s10] =	ssyncadd.s32 $0xFFFFF100;
	s0 =	sadd.s32 s19, s0  }
0x29b: {  	[spmem:s21], [sflag:s18] =	dma.local [hbm:s0], $0xF00  }
0x29c: {  	s4 =	sadd.s32 s3, s7;
	_ =	swait.ge [sflag:s28], $0xF00  }
0x29d: {  	s0 =	sshrl.u32 s4, $0x3;
	[sflag:s28] =	ssyncset.done $0x0  }
0x29e: {  	s0 =	sadd.s32 s26, s0;
	[sflag:s28] =	ssyncadd.s32 $0xFFFFF100  }
0x29f: {  	[hbm:s0], [sflag:s12] =	dma.local [spmem:s6], $0xF00  }
0x2a0: {  	s30 =	rddreg [dreg:$0x1b]  }
0x2a1: {  	_ =	swait.ge [sflag:s31], $0xF00;
	s5 =	sadd.s32 s30, s16  }
0x2a2: {  	[sflag:s31] =	ssyncset.done $0x0;
	s0 =	sshrl.u32 s5, $0x3  }
0x2a3: {  	[sflag:s31] =	ssyncadd.s32 $0xFFFFF100;
	s0 =	sadd.s32 s19, s0  }
0x2a4: {  	[spmem:s6], [sflag:s8] =	dma.local [hbm:s0], $0xF00  }
0x2a5: {  	s1 =	sadd.s32 s29, s7;
	_ =	swait.ge [sflag:s11], $0xF00  }
0x2a6: {  	s0 =	sshrl.u32 s1, $0x3;
	[sflag:s11] =	ssyncset.done $0x0  }
0x2a7: {  	s0 =	sadd.s32 s26, s0;
	[sflag:s11] =	ssyncadd.s32 $0xFFFFF100  }
0x2a8: {  	[hbm:s0], [sflag:s20] =	dma.local [spmem:s13], $0xF00  }
0x2a9: {  	s1 =	rddreg [dreg:$0x12]  }
0x2aa: {  	_ =	swait.ge [sflag:s22], $0xF00;
	s3 =	sadd.s32 s1, s16  }
0x2ab: {  	[sflag:s22] =	ssyncset.done $0x0;
	s0 =	sshrl.u32 s3, $0x3  }
0x2ac: {  	[sflag:s22] =	ssyncadd.s32 $0xFFFFF100;
	s0 =	sadd.s32 s19, s0  }
0x2ad: {  	[spmem:s13], [sflag:s24] =	dma.local [hbm:s0], $0xF00  }
0x2ae: {  	s4 =	sadd.s32 s2, s7;
	_ =	swait.ge [sflag:s9], $0xF00  }
0x2af: {  	s0 =	sshrl.u32 s4, $0x3;
	[sflag:s9] =	ssyncset.done $0x0  }
0x2b0: {  	s0 =	sadd.s32 s26, s0;
	[sflag:s9] =	ssyncadd.s32 $0xFFFFF100  }
0x2b1: {  	[hbm:s0], [sflag:s25] =	dma.local [spmem:s21], $0xF00  }
0x2b2: {  	s3 =	rddreg [dreg:$0x18]  }
0x2b3: {  	_ =	swait.ge [sflag:s10], $0xF00;
	s5 =	sadd.s32 s3, s16  }
0x2b4: {  	[sflag:s10] =	ssyncset.done $0x0;
	s0 =	sshrl.u32 s5, $0x3  }
0x2b5: {  	[sflag:s10] =	ssyncadd.s32 $0xFFFFF100;
	s0 =	sadd.s32 s19, s0  }
0x2b6: {  	[spmem:s21], [sflag:s18] =	dma.local [hbm:s0], $0xF00  }
0x2b7: {  	s18 =	sadd.s32 s30, s7;
	_ =	swait.ge [sflag:s28], $0xF00  }
0x2b8: {  	s0 =	sshrl.u32 s18, $0x3;
	[sflag:s28] =	ssyncset.done $0x0  }
0x2b9: {  	s0 =	sadd.s32 s26, s0;
	[sflag:s28] =	ssyncadd.s32 $0xFFFFF100  }
0x2ba: {  	[hbm:s0], [sflag:s12] =	dma.local [spmem:s6], $0xF00  }
0x2bb: {  	s2 =	rddreg [dreg:$0x13]  }
0x2bc: {  	_ =	swait.ge [sflag:s31], $0xF00;
	s30 =	sadd.s32 s2, s16  }
0x2bd: {  	[sflag:s31] =	ssyncset.done $0x0;
	s0 =	sshrl.u32 s30, $0x3  }
0x2be: {  	[sflag:s31] =	ssyncadd.s32 $0xFFFFF100;
	s0 =	sadd.s32 s19, s0  }
0x2bf: {  	[spmem:s6], [sflag:s8] =	dma.local [hbm:s0], $0xF00  }
0x2c0: {  	s4 =	sadd.s32 s1, s7;
	_ =	swait.ge [sflag:s11], $0xF00  }
0x2c1: {  	s0 =	sshrl.u32 s4, $0x3;
	[sflag:s11] =	ssyncset.done $0x0  }
0x2c2: {  	s0 =	sadd.s32 s26, s0;
	[sflag:s11] =	ssyncadd.s32 $0xFFFFF100  }
0x2c3: {  	[hbm:s0], [sflag:s20] =	dma.local [spmem:s13], $0xF00  }
0x2c4: {  	s5 =	rddreg [dreg:$0x1a]  }
0x2c5: {  	_ =	swait.ge [sflag:s22], $0xF00;
	s18 =	sadd.s32 s5, s16  }
0x2c6: {  	[sflag:s22] =	ssyncset.done $0x0;
	s0 =	sshrl.u32 s18, $0x3  }
0x2c7: {  	[sflag:s22] =	ssyncadd.s32 $0xFFFFF100;
	s0 =	sadd.s32 s19, s0  }
0x2c8: {  	[spmem:s13], [sflag:s24] =	dma.local [hbm:s0], $0xF00  }
0x2c9: {  	s24 =	sadd.s32 s3, s7;
	_ =	swait.ge [sflag:s9], $0xF00  }
0x2ca: {  	s0 =	sshrl.u32 s24, $0x3;
	[sflag:s9] =	ssyncset.done $0x0  }
0x2cb: {  	s0 =	sadd.s32 s26, s0;
	[sflag:s9] =	ssyncadd.s32 $0xFFFFF100  }
0x2cc: {  	[hbm:s0], [sflag:s25] =	dma.local [spmem:s21], $0xF00  }
0x2cd: {  	s25 =	sadd.s32 s2, s7;
	_ =	swait.ge [sflag:s28], $0xF00  }
0x2ce: {  	s0 =	sshrl.u32 s25, $0x3;
	[sflag:s28] =	ssyncset.done $0x0  }
0x2cf: {  	s0 =	sadd.s32 s26, s0;
	[sflag:s28] =	ssyncadd.s32 $0xFFFFF100  }
0x2d0: {  	[hbm:s0], [sflag:s12] =	dma.local [spmem:s6], $0xF00  }
0x2d1: {  	s30 =	sadd.s32 s5, s7;
	_ =	swait.ge [sflag:s11], $0xF00  }
0x2d2: {  	s0 =	sshrl.u32 s30, $0x3;
	[sflag:s11] =	ssyncset.done $0x0  }
0x2d3: {  	s0 =	sadd.s32 s26, s0;
	[sflag:s11] =	ssyncadd.s32 $0xFFFFF100  }
0x2d4: {  	[hbm:s0], [sflag:s20] =	dma.local [spmem:s13], $0xF00  }
0x2d5: {  	_ =	swait.ge [sflag:s10], $0xF00  }
0x2d6: {  	[sflag:s10] =	ssyncset.done $0x0  }
0x2d7: {  	[sflag:s10] =	ssyncadd.s32 $0xFFFFF100  }
0x2d8: {  	_ =	swait.ge [sflag:s31], $0xF00  }
.Ltmp3:
0x2d9: {  	[sflag:s31] =	ssyncset.done $0x0;
	(pc) =	sbr.rel @p2 .LBB2_5-.Ltmp3, $4  }
0x2da: {  	[sflag:s31] =	ssyncadd.s32 $0xFFFFF100  }
0x2db: {  	_ =	swait.ge [sflag:s22], $0xF00  }
0x2dc: {  	[sflag:s22] =	ssyncset.done $0x0  }
0x2dd: {  	s4 =	simm.s32 $0x3;
	s3 =	simm.s32 $0x2;
	[sflag:s22] =	ssyncadd.s32 $0xFFFFF100  }
0x2de: {  	s0 =	sld [smem:$0x7C4]  }
0x2df: {  	s5 =	rddreg [dreg:$0x19]  }
0x2e0: {  	s6 =	rddreg [dreg:$0x1c]  }
0x2e1: {  	[spmem:s5], [sflag:s6] =	dma.local [hbm:s0], $0xF00  }
0x2e2: {  	s0 =	sld [smem:$0x7C5]  }
0x2e3: {  	s12 =	sld [smem:$0x7C0];
	_ =	sdelay $0x2  }
0x2e4: {  	[spmem:s13], [sflag:s12] =	dma.local [hbm:s0], $0xF00  }
0x2e5: {  	s0 =	sld [smem:$0x7C6]  }
0x2e6: {  	s16 =	sld [smem:$0x7BF];
	_ =	sdelay $0x1  }
0x2e7: {  	s2 =	simm.s32 $0x1  }
0x2e8: {  	[spmem:s21], [sflag:s16] =	dma.local [hbm:s0], $0xF00  }
0x2e9: {  	_ =	swait.ge [sflag:s2], $0xF00  }
0x2ea: {  	s9 =	sld [smem:$0x7C7]  }
0x2eb: {  	[sflag:s2] =	ssyncset.done $0x0  }
0x2ec: {  	s8 =	rddreg [dreg:$0x1f];
	[sflag:s2] =	ssyncadd.s32 $0xFFFFF100  }
0x2ed: {  	[hbm:s9], [sflag:s8] =	dma.local [spmem:s5], $0xF00  }
0x2ee: {  	_ =	swait.ge [sflag:s31], $0xF00  }
0x2ef: {  	s11 =	sld [smem:$0x7C8]  }
0x2f0: {  	[sflag:s31] =	ssyncset.done $0x0  }
0x2f1: {  	[sflag:s31] =	ssyncadd.s32 $0xFFFFF100  }
0x2f2: {  	[spmem:s5], [sflag:s6] =	dma.local [hbm:s11], $0xF00  }
0x2f3: {  	_ =	swait.ge [sflag:s3], $0xF00  }
0x2f4: {  	s18 =	sld [smem:$0x7C9]  }
0x2f5: {  	s1 =	sld [smem:$0x7C2]  }
0x2f6: {  	[sflag:s3] =	ssyncset.done $0x0  }
0x2f7: {  	[sflag:s3] =	ssyncadd.s32 $0xFFFFF100  }
0x2f8: {  	[hbm:s18], [sflag:s1] =	dma.local [spmem:s13], $0xF00  }
0x2f9: {  	_ =	swait.ge [sflag:s22], $0xF00  }
0x2fa: {  	s20 =	sld [smem:$0x7CA]  }
0x2fb: {  	[sflag:s22] =	ssyncset.done $0x0  }
0x2fc: {  	[sflag:s22] =	ssyncadd.s32 $0xFFFFF100  }
0x2fd: {  	[spmem:s13], [sflag:s12] =	dma.local [hbm:s20], $0xF00  }
0x2fe: {  	_ =	swait.ge [sflag:s4], $0xF00  }
0x2ff: {  	s24 =	sld [smem:$0x7CB]  }
0x300: {  	s18 =	sld [smem:$0x7C1]  }
0x301: {  	[sflag:s4] =	ssyncset.done $0x0  }
0x302: {  	[sflag:s4] =	ssyncadd.s32 $0xFFFFF100  }
0x303: {  	[hbm:s24], [sflag:s18] =	dma.local [spmem:s21], $0xF00  }
0x304: {  	_ =	swait.ge [sflag:s10], $0xF00  }
0x305: {  	s25 =	sld [smem:$0x7CE]  }
0x306: {  	[sflag:s10] =	ssyncset.done $0x0  }
0x307: {  	[sflag:s10] =	ssyncadd.s32 $0xFFFFF100  }
0x308: {  	[spmem:s21], [sflag:s16] =	dma.local [hbm:s25], $0xF00  }
0x309: {  	_ =	swait.ge [sflag:s2], $0xF00  }
0x30a: {  	s28 =	sld [smem:$0x7CF]  }
0x30b: {  	[sflag:s2] =	ssyncset.done $0x0  }
0x30c: {  	[sflag:s2] =	ssyncadd.s32 $0xFFFFF100  }
0x30d: {  	[hbm:s28], [sflag:s8] =	dma.local [spmem:s5], $0xF00  }
0x30e: {  	_ =	swait.ge [sflag:s31], $0xF00  }
0x30f: {  	s30 =	sld [smem:$0x7D0]  }
0x310: {  	[sflag:s31] =	ssyncset.done $0x0  }
0x311: {  	[sflag:s31] =	ssyncadd.s32 $0xFFFFF100  }
0x312: {  	[spmem:s5], [sflag:s6] =	dma.local [hbm:s30], $0xF00  }
0x313: {  	_ =	swait.ge [sflag:s3], $0xF00  }
0x314: {  	s7 =	sld [smem:$0x7D2]  }
0x315: {  	[sflag:s3] =	ssyncset.done $0x0  }
0x316: {  	[sflag:s3] =	ssyncadd.s32 $0xFFFFF100  }
0x317: {  	[hbm:s7], [sflag:s1] =	dma.local [spmem:s13], $0xF00  }
0x318: {  	_ =	swait.ge [sflag:s22], $0xF00  }
0x319: {  	s9 =	sld [smem:$0x7D3]  }
0x31a: {  	[sflag:s22] =	ssyncset.done $0x0  }
0x31b: {  	[sflag:s22] =	ssyncadd.s32 $0xFFFFF100  }
0x31c: {  	[spmem:s13], [sflag:s12] =	dma.local [hbm:s9], $0xF00  }
0x31d: {  	_ =	swait.ge [sflag:s4], $0xF00  }
0x31e: {  	s11 =	sld [smem:$0x7D5]  }
0x31f: {  	[sflag:s4] =	ssyncset.done $0x0  }
0x320: {  	[sflag:s4] =	ssyncadd.s32 $0xFFFFF100  }
0x321: {  	[hbm:s11], [sflag:s18] =	dma.local [spmem:s21], $0xF00  }
0x322: {  	_ =	swait.ge [sflag:s10], $0xF00  }
0x323: {  	s12 =	sld [smem:$0x7D7]  }
0x324: {  	[sflag:s10] =	ssyncset.done $0x0  }
0x325: {  	[sflag:s10] =	ssyncadd.s32 $0xFFFFF100  }
0x326: {  	[spmem:s21], [sflag:s16] =	dma.local [hbm:s12], $0xF00  }
0x327: {  	_ =	swait.ge [sflag:s2], $0xF00  }
0x328: {  	s20 =	sld [smem:$0x7D8]  }
0x329: {  	[sflag:s2] =	ssyncset.done $0x0  }
0x32a: {  	[sflag:s2] =	ssyncadd.s32 $0xFFFFF100  }
0x32b: {  	[hbm:s20], [sflag:s8] =	dma.local [spmem:s5], $0xF00  }
0x32c: {  	_ =	swait.ge [sflag:s31], $0xF00  }
0x32d: {  	s24 =	sld [smem:$0x7D9]  }
0x32e: {  	[sflag:s31] =	ssyncset.done $0x0  }
0x32f: {  	[sflag:s31] =	ssyncadd.s32 $0xFFFFF100  }
0x330: {  	[spmem:s5], [sflag:s6] =	dma.local [hbm:s24], $0xF00  }
0x331: {  	_ =	swait.ge [sflag:s3], $0xF00  }
0x332: {  	s25 =	sld [smem:$0x7DA]  }
0x333: {  	[sflag:s3] =	ssyncset.done $0x0  }
0x334: {  	[sflag:s3] =	ssyncadd.s32 $0xFFFFF100  }
0x335: {  	[hbm:s25], [sflag:s1] =	dma.local [spmem:s13], $0xF00  }
0x336: {  	_ =	swait.ge [sflag:s4], $0xF00  }
0x337: {  	s28 =	sld [smem:$0x7DB]  }
0x338: {  	[sflag:s4] =	ssyncset.done $0x0  }
0x339: {  	[sflag:s4] =	ssyncadd.s32 $0xFFFFF100  }
0x33a: {  	[hbm:s28], [sflag:s18] =	dma.local [spmem:s21], $0xF00  }
0x33b: {  	_ =	swait.ge [sflag:s2], $0xF00  }
0x33c: {  	s30 =	sld [smem:$0x7DC]  }
0x33d: {  	[sflag:s2] =	ssyncset.done $0x0  }
0x33e: {  	[sflag:s2] =	ssyncadd.s32 $0xFFFFF100  }
0x33f: {  	[hbm:s30], [sflag:s8] =	dma.local [spmem:s5], $0xF00  }
0x340: {  	_ =	swait.ge [sflag:s22], $0xF00  }
0x341: {  	[sflag:s22] =	ssyncset.done $0x0  }
0x342: {  	[sflag:s22] =	ssyncadd.s32 $0xFFFFF100  }
0x343: {  	_ =	swait.ge [sflag:s10], $0xF00  }
0x344: {  	[sflag:s10] =	ssyncset.done $0x0  }
0x345: {  	[sflag:s10] =	ssyncadd.s32 $0xFFFFF100  }
0x346: {  	_ =	swait.ge [sflag:s31], $0xF00  }
0x347: {  	[sflag:s31] =	ssyncset.done $0x0  }
0x348: {  	[sflag:s31] =	ssyncadd.s32 $0xFFFFF100  }
.LBB2_5:
0x349: {  	s0 =	simm.s32 $0x0  }
0x34a: {  	s1 =	rddreg [dreg:$0x1];
	s2 =	simm.s32 $0x1E800;
	s4 =	simm.s32 $0x9  }
0x34b: {  	[tilespmem:s2], [sflag:$0x9] =	stream.linear.gather [hbm4b:s1+s0], $0x1800, $0x38;
	v63 =	vld [tilespmem:$0x0]  }
0x34c: {  	_ =	swait.ge [sflag:s4], $0x1800  }
0x34d: {  	s13 =	sld [smem:$0x7FC];
	_ =	sdelay $0x1  }
0x34e: {  	s25 =	sand.u32 $0x1C00, s0  }
0x34f: {  	s30 =	sand.u32 $0x70, s0;
	[sflag:s4] =	ssyncset.done $0x0;
	s3 =	sadd.s32 s25, s13  }
0x350: {  	[sflag:s4] =	ssyncadd.s32 $0xFFFFE800;
	s3 =	sadd.s32 s30, s3  }
0x351: {  	v1 =	vld [tilespmem:s3+$0x0];
	_ =	sdelay $0x2  }
0x352: {  	s1 =	sor.u32 s30, s25  }
0x353: {  	s4 =	sadd.s32 $0x16800, s1  }
0x354: {  	s20 =	simm.s32 $0x0;
	s18 =	simm.s32 $0x19800;
	s28 =	simm.s32 $0x1A000;
	[tilespmem:s4+$0x300] =	vst v1  }
0x355: {  	s2 =	sor.u32 s0, s0;
	s11 =	rddreg [dreg:$0x2];
	s3 =	simm.s32 $0x10;
	[tilespmem:s4+$0x280] =	vst v1  }
.LBB2_6:
0x356: {  	p4 =	sne.s32 s3, $0x2F0  }
0x357: {  	[tilespmem:s4+$0x200] =	vst v1;
	s0 =	sadd.s32 $0x80, s0;
	s5 =	smov.u32 s3;
	s3 =	sadd.s32 $0x10, s3  }
0x358: {  	s6 =	sor.u32 s0, s5;
	[tilespmem:s4+$0x180] =	vst v1  }
0x359: {  	[tilespmem:s4+$0x100] =	vst v1  }
0x35a: {  	[tilespmem:s1+$0x16800] =	vst v1  }
0x35b: {  	[tilespmem:s4+$0x80] =	vst v1;
	s4 =	sor.u32 $0x380, s2;
	s2 =	smov.u32 s6  }
0x35c: {  	[tilespmem:s4+$0x16800] =	vst v1  }
0x35d: {  	[tilespmem:s1+$0x18000] =	vst v1  }
0x35e: {  	[tilespmem:s1+$0x18380] =	vst v1  }
0x35f: {  	[tilespmem:s1+$0x18300] =	vst v1  }
0x360: {  	[tilespmem:s1+$0x18100] =	vst v1  }
0x361: {  	[tilespmem:s1+$0x18080] =	vst v1  }
0x362: {  	s4 =	sand.u32 $0x1C00, s0;
	[tilespmem:s1+$0x18200] =	vst v1  }
0x363: {  	s5 =	sand.u32 $0x70, s5;
	s6 =	sadd.s32 s4, s13;
	[tilespmem:s1+$0x18280] =	vst v1  }
0x364: {  	s6 =	sadd.s32 s5, s6;
	[tilespmem:s1+$0x18180] =	vst v1  }
0x365: {  	v1 =	vld [tilespmem:s6+$0x0];
	_ =	sdelay $0x1  }
.Ltmp4:
0x366: {  	(pc) =	sbr.rel @p4 .LBB2_6-.Ltmp4, $4  }
0x367: {  	s1 =	sor.u32 s5, s4  }
0x368: {  	s4 =	sadd.s32 $0x16800, s1  }
0x369: {  	[tilespmem:s4+$0x300] =	vst v1  }
0x36a: {  	[tilespmem:s4+$0x280] =	vst v1  }
0x36b: {  	[tilespmem:s4+$0x200] =	vst v1  }
0x36c: {  	[tilespmem:s4+$0x180] =	vst v1  }
0x36d: {  	[tilespmem:s4+$0x100] =	vst v1  }
0x36e: {  	[tilespmem:s4+$0x80] =	vst v1  }
0x36f: {  	[tilespmem:s1+$0x16800] =	vst v1;
	s0 =	sor.u32 $0x380, s2  }
0x370: {  	[tilespmem:s0+$0x16800] =	vst v1  }
0x371: {  	[tilespmem:s1+$0x18000] =	vst v1  }
0x372: {  	[tilespmem:s1+$0x18380] =	vst v1  }
0x373: {  	[tilespmem:s1+$0x18300] =	vst v1  }
0x374: {  	[tilespmem:s1+$0x18100] =	vst v1  }
0x375: {  	[tilespmem:s1+$0x18080] =	vst v1  }
0x376: {  	s3 =	sld [smem:$0x7DE];
	[tilespmem:s1+$0x18200] =	vst v1  }
0x377: {  	[tilespmem:s1+$0x18280] =	vst v1  }
0x378: {  	s2 =	simm.s32 $0x16800;
	s4 =	sld [smem:$0x7DF];
	s0 =	simm.s32 $0x0;
	[tilespmem:s1+$0x18180] =	vst v1  }
0x379: {  	[hbm4b:s3+s0] =	stream.linear.scatter [tilespmem:s2], [sflag:$0x7], $0x3000, $0x38;
	v63 =	vld [tilespmem:$0x0]  }
0x37a: {  	s5 =	sld [smem:$0x7E0]  }
0x37b: {  	[hbm4b:s4+s0] =	stream.linear.scatter [tilespmem:s2], [sflag:$0x7], $0x3000, $0x38;
	v63 =	vld [tilespmem:$0x0]  }
0x37c: {  	s6 =	sld [smem:$0x7E1]  }
0x37d: {  	[hbm4b:s5+s0] =	stream.linear.scatter [tilespmem:s2], [sflag:$0x7], $0x3000, $0x38;
	v63 =	vld [tilespmem:$0x0]  }
0x37e: {  	s7 =	sld [smem:$0x7E2]  }
0x37f: {  	[hbm4b:s6+s0] =	stream.linear.scatter [tilespmem:s2], [sflag:$0x7], $0x3000, $0x38;
	v63 =	vld [tilespmem:$0x0]  }
0x380: {  	s8 =	sld [smem:$0x7E3]  }
0x381: {  	[hbm4b:s7+s0] =	stream.linear.scatter [tilespmem:s2], [sflag:$0x7], $0x3000, $0x38;
	v63 =	vld [tilespmem:$0x0]  }
0x382: {  	s9 =	sld [smem:$0x7E4]  }
0x383: {  	[hbm4b:s8+s0] =	stream.linear.scatter [tilespmem:s2], [sflag:$0x7], $0x3000, $0x38;
	v63 =	vld [tilespmem:$0x0]  }
0x384: {  	s12 =	sld [smem:$0x7E5]  }
0x385: {  	[hbm4b:s9+s0] =	stream.linear.scatter [tilespmem:s2], [sflag:$0x7], $0x3000, $0x38;
	v63 =	vld [tilespmem:$0x0]  }
0x386: {  	s13 =	sld [smem:$0x7E6]  }
0x387: {  	[hbm4b:s12+s0] =	stream.linear.scatter [tilespmem:s2], [sflag:$0x7], $0x3000, $0x38;
	v63 =	vld [tilespmem:$0x0]  }
0x388: {  	s16 =	sld [smem:$0x7E7]  }
0x389: {  	[hbm4b:s13+s0] =	stream.linear.scatter [tilespmem:s2], [sflag:$0x7], $0x3000, $0x38;
	v63 =	vld [tilespmem:$0x0]  }
0x38a: {  	s21 =	sld [smem:$0x7E8]  }
0x38b: {  	[hbm4b:s16+s0] =	stream.linear.scatter [tilespmem:s2], [sflag:$0x7], $0x3000, $0x38;
	v63 =	vld [tilespmem:$0x0]  }
0x38c: {  	s24 =	sld [smem:$0x7E9]  }
0x38d: {  	[hbm4b:s21+s0] =	stream.linear.scatter [tilespmem:s2], [sflag:$0x7], $0x3000, $0x38;
	v63 =	vld [tilespmem:$0x0]  }
0x38e: {  	s25 =	sld [smem:$0x7EA]  }
0x38f: {  	[hbm4b:s24+s0] =	stream.linear.scatter [tilespmem:s2], [sflag:$0x7], $0x3000, $0x38;
	v63 =	vld [tilespmem:$0x0]  }
0x390: {  	s3 =	sld [smem:$0x7EB]  }
0x391: {  	[hbm4b:s25+s0] =	stream.linear.scatter [tilespmem:s2], [sflag:$0x7], $0x3000, $0x38;
	v63 =	vld [tilespmem:$0x0]  }
0x392: {  	s4 =	sld [smem:$0x7EC]  }
0x393: {  	[hbm4b:s3+s0] =	stream.linear.scatter [tilespmem:s2], [sflag:$0x7], $0x3000, $0x38;
	v63 =	vld [tilespmem:$0x0]  }
0x394: {  	s5 =	sld [smem:$0x7ED]  }
0x395: {  	[hbm4b:s4+s0] =	stream.linear.scatter [tilespmem:s2], [sflag:$0x7], $0x3000, $0x38;
	v63 =	vld [tilespmem:$0x0]  }
0x396: {  	s6 =	sld [smem:$0x7EE]  }
0x397: {  	[hbm4b:s5+s0] =	stream.linear.scatter [tilespmem:s2], [sflag:$0x7], $0x3000, $0x38;
	v63 =	vld [tilespmem:$0x0]  }
0x398: {  	s7 =	sld [smem:$0x7EF]  }
0x399: {  	[hbm4b:s6+s0] =	stream.linear.scatter [tilespmem:s2], [sflag:$0x7], $0x3000, $0x38;
	v63 =	vld [tilespmem:$0x0]  }
0x39a: {  	s8 =	sld [smem:$0x7F0]  }
0x39b: {  	[hbm4b:s7+s0] =	stream.linear.scatter [tilespmem:s2], [sflag:$0x7], $0x3000, $0x38;
	v63 =	vld [tilespmem:$0x0]  }
0x39c: {  	s9 =	sld [smem:$0x7F1]  }
0x39d: {  	[hbm4b:s8+s0] =	stream.linear.scatter [tilespmem:s2], [sflag:$0x7], $0x3000, $0x38;
	v63 =	vld [tilespmem:$0x0]  }
0x39e: {  	s12 =	sld [smem:$0x7F2]  }
0x39f: {  	[hbm4b:s9+s0] =	stream.linear.scatter [tilespmem:s2], [sflag:$0x7], $0x3000, $0x38;
	v63 =	vld [tilespmem:$0x0]  }
0x3a0: {  	s13 =	sld [smem:$0x7F3]  }
0x3a1: {  	[hbm4b:s12+s0] =	stream.linear.scatter [tilespmem:s2], [sflag:$0x7], $0x3000, $0x38;
	v63 =	vld [tilespmem:$0x0]  }
0x3a2: {  	s16 =	sld [smem:$0x7F4]  }
0x3a3: {  	[hbm4b:s13+s0] =	stream.linear.scatter [tilespmem:s2], [sflag:$0x7], $0x3000, $0x38;
	v63 =	vld [tilespmem:$0x0]  }
0x3a4: {  	s21 =	sld [smem:$0x7F5]  }
0x3a5: {  	[hbm4b:s16+s0] =	stream.linear.scatter [tilespmem:s2], [sflag:$0x7], $0x3000, $0x38;
	v63 =	vld [tilespmem:$0x0]  }
0x3a6: {  	s24 =	sld [smem:$0x7F6]  }
0x3a7: {  	[hbm4b:s21+s0] =	stream.linear.scatter [tilespmem:s2], [sflag:$0x7], $0x3000, $0x38;
	v63 =	vld [tilespmem:$0x0]  }
0x3a8: {  	s25 =	simm.s32 $0x7  }
0x3a9: {  	[hbm4b:s24+s0] =	stream.linear.scatter [tilespmem:s2], [sflag:$0x7], $0x3000, $0x38;
	v63 =	vld [tilespmem:$0x0]  }
0x3aa: {  	_ =	swait.ge [sflag:s25], $0x3000  }
0x3ab: {  	[sflag:s25] =	ssyncset.done $0x0  }
0x3ac: {  	[sflag:s25] =	ssyncadd.s32 $0xFFFFD000  }
0x3ad: {  	_ =	swait.ge [sflag:s25], $0x3000  }
0x3ae: {  	[sflag:s25] =	ssyncset.done $0x0  }
0x3af: {  	[sflag:s25] =	ssyncadd.s32 $0xFFFFD000  }
0x3b0: {  	_ =	swait.ge [sflag:s25], $0x3000  }
0x3b1: {  	[sflag:s25] =	ssyncset.done $0x0  }
0x3b2: {  	[sflag:s25] =	ssyncadd.s32 $0xFFFFD000  }
0x3b3: {  	_ =	swait.ge [sflag:s25], $0x3000  }
0x3b4: {  	[sflag:s25] =	ssyncset.done $0x0  }
0x3b5: {  	[sflag:s25] =	ssyncadd.s32 $0xFFFFD000  }
0x3b6: {  	_ =	swait.ge [sflag:s25], $0x3000  }
0x3b7: {  	[sflag:s25] =	ssyncset.done $0x0  }
0x3b8: {  	[sflag:s25] =	ssyncadd.s32 $0xFFFFD000  }
0x3b9: {  	_ =	swait.ge [sflag:s25], $0x3000  }
0x3ba: {  	[sflag:s25] =	ssyncset.done $0x0  }
0x3bb: {  	[sflag:s25] =	ssyncadd.s32 $0xFFFFD000  }
0x3bc: {  	_ =	swait.ge [sflag:s25], $0x3000  }
0x3bd: {  	[sflag:s25] =	ssyncset.done $0x0  }
0x3be: {  	[sflag:s25] =	ssyncadd.s32 $0xFFFFD000  }
0x3bf: {  	_ =	swait.ge [sflag:s25], $0x3000  }
0x3c0: {  	[sflag:s25] =	ssyncset.done $0x0  }
0x3c1: {  	[sflag:s25] =	ssyncadd.s32 $0xFFFFD000  }
0x3c2: {  	_ =	swait.ge [sflag:s25], $0x3000  }
0x3c3: {  	[sflag:s25] =	ssyncset.done $0x0  }
0x3c4: {  	[sflag:s25] =	ssyncadd.s32 $0xFFFFD000  }
0x3c5: {  	_ =	swait.ge [sflag:s25], $0x3000  }
0x3c6: {  	[sflag:s25] =	ssyncset.done $0x0  }
0x3c7: {  	[sflag:s25] =	ssyncadd.s32 $0xFFFFD000  }
0x3c8: {  	_ =	swait.ge [sflag:s25], $0x3000  }
0x3c9: {  	[sflag:s25] =	ssyncset.done $0x0  }
0x3ca: {  	[sflag:s25] =	ssyncadd.s32 $0xFFFFD000  }
0x3cb: {  	_ =	swait.ge [sflag:s25], $0x3000  }
0x3cc: {  	[sflag:s25] =	ssyncset.done $0x0  }
0x3cd: {  	[sflag:s25] =	ssyncadd.s32 $0xFFFFD000  }
0x3ce: {  	_ =	swait.ge [sflag:s25], $0x3000  }
0x3cf: {  	[sflag:s25] =	ssyncset.done $0x0  }
0x3d0: {  	[sflag:s25] =	ssyncadd.s32 $0xFFFFD000  }
0x3d1: {  	_ =	swait.ge [sflag:s25], $0x3000  }
0x3d2: {  	[sflag:s25] =	ssyncset.done $0x0  }
0x3d3: {  	[sflag:s25] =	ssyncadd.s32 $0xFFFFD000  }
0x3d4: {  	_ =	swait.ge [sflag:s25], $0x3000  }
0x3d5: {  	[sflag:s25] =	ssyncset.done $0x0  }
0x3d6: {  	[sflag:s25] =	ssyncadd.s32 $0xFFFFD000  }
0x3d7: {  	_ =	swait.ge [sflag:s25], $0x3000  }
0x3d8: {  	[sflag:s25] =	ssyncset.done $0x0  }
0x3d9: {  	[sflag:s25] =	ssyncadd.s32 $0xFFFFD000  }
0x3da: {  	_ =	swait.ge [sflag:s25], $0x3000  }
0x3db: {  	[sflag:s25] =	ssyncset.done $0x0  }
0x3dc: {  	[sflag:s25] =	ssyncadd.s32 $0xFFFFD000  }
0x3dd: {  	_ =	swait.ge [sflag:s25], $0x3000  }
0x3de: {  	[sflag:s25] =	ssyncset.done $0x0  }
0x3df: {  	[sflag:s25] =	ssyncadd.s32 $0xFFFFD000  }
0x3e0: {  	_ =	swait.ge [sflag:s25], $0x3000  }
0x3e1: {  	[sflag:s25] =	ssyncset.done $0x0  }
0x3e2: {  	[sflag:s25] =	ssyncadd.s32 $0xFFFFD000  }
0x3e3: {  	_ =	swait.ge [sflag:s25], $0x3000  }
0x3e4: {  	[sflag:s25] =	ssyncset.done $0x0  }
0x3e5: {  	[sflag:s25] =	ssyncadd.s32 $0xFFFFD000  }
0x3e6: {  	_ =	swait.ge [sflag:s25], $0x3000  }
0x3e7: {  	[sflag:s25] =	ssyncset.done $0x0  }
0x3e8: {  	[sflag:s25] =	ssyncadd.s32 $0xFFFFD000  }
0x3e9: {  	_ =	swait.ge [sflag:s25], $0x3000  }
0x3ea: {  	[sflag:s25] =	ssyncset.done $0x0  }
0x3eb: {  	[sflag:s25] =	ssyncadd.s32 $0xFFFFD000  }
0x3ec: {  	_ =	swait.ge [sflag:s25], $0x3000  }
0x3ed: {  	[sflag:s25] =	ssyncset.done $0x0  }
0x3ee: {  	[sflag:s25] =	ssyncadd.s32 $0xFFFFD000  }
0x3ef: {  	_ =	swait.ge [sflag:s25], $0x3000  }
0x3f0: {  	p5 =	por $0x1, $0x1;
	s30 =	simm.s32 $0x1C800;
	[sflag:s25] =	ssyncset.done $0x0  }
.Ltmp5:
0x3f1: {  	s3 =	simm.s32 $0x1B000;
	[sflag:s25] =	ssyncadd.s32 $0xFFFFD000;
	(pc) =	sbr.rel @p3 .LBB2_11-.Ltmp5, $4  }
0x3f2: {  	s4 =	simm.s32 $0x1B800;
	s5 =	simm.s32 $0x1C000;
	_ =	swait.ge [sflag:s25], $0x3000  }
0x3f3: {  	s7 =	simm.s32 $0x1D800;
	s8 =	simm.s32 $0x8;
	[sflag:s25] =	ssyncset.done $0x0  }
0x3f4: {  	s9 =	simm.s32 $0x1D000;
	s6 =	sld [smem:$0x7FD];
	[sflag:s25] =	ssyncadd.s32 $0xFFFFD000  }
0x3f5: {  	s16 =	simm.s32 $0x1E000;
	s2 =	simm.s32 $0x1A800;
	s21 =	rddreg [dreg:$0x4]  }
.LBB2_8:
0x3f6: {  	_ = 	snop  }
0x3f7: {  	s0 =	sadd.s32 s0, s6  }
0x3f8: {  	s0 =	sshll.u32 s0, $0x7  }
0x3f9: {  	s12 =	sand.u32 $0x1FFFFF80, s0  }
0x3fa: {  	s0 =	sadd.s32 s11, s12  }
0x3fb: {  	[tilespmem:s18], [sflag:$0x8] =	stream.linear.gather [hbm4b:s0+s20], $0x400, $0x38;
	v63 =	vld [tilespmem:$0x0]  }
0x3fc: {  	s1 =	sadd.s32 $0x680, s0  }
0x3fd: {  	[tilespmem:s28], [sflag:$0x8] =	stream.linear.gather [hbm4b:s1+s20], $0x400, $0x38;
	v63 =	vld [tilespmem:$0x0]  }
0x3fe: {  	s24 =	sadd.s32 $0xD00, s0  }
0x3ff: {  	[tilespmem:s2], [sflag:$0x8] =	stream.linear.gather [hbm4b:s24+s20], $0x400, $0x38;
	v63 =	vld [tilespmem:$0x0]  }
0x400: {  	s25 =	sadd.s32 $0x1380, s0  }
0x401: {  	[tilespmem:s3], [sflag:$0x8] =	stream.linear.gather [hbm4b:s25+s20], $0x400, $0x38;
	v63 =	vld [tilespmem:$0x0]  }
0x402: {  	s2 =	sadd.s32 $0x1A00, s0  }
0x403: {  	[tilespmem:s4], [sflag:$0x8] =	stream.linear.gather [hbm4b:s2+s20], $0x400, $0x38;
	v63 =	vld [tilespmem:$0x0]  }
0x404: {  	s3 =	sadd.s32 $0x2080, s0  }
0x405: {  	[tilespmem:s5], [sflag:$0x8] =	stream.linear.gather [hbm4b:s3+s20], $0x400, $0x38;
	v63 =	vld [tilespmem:$0x0]  }
0x406: {  	s4 =	sadd.s32 $0x2700, s0  }
0x407: {  	[tilespmem:s30], [sflag:$0x8] =	stream.linear.gather [hbm4b:s4+s20], $0x400, $0x38;
	v63 =	vld [tilespmem:$0x0]  }
0x408: {  	s5 =	sadd.s32 $0x2D80, s0  }
0x409: {  	[tilespmem:s9], [sflag:$0x8] =	stream.linear.gather [hbm4b:s5+s20], $0x400, $0x38;
	v63 =	vld [tilespmem:$0x0]  }
0x40a: {  	s9 =	sadd.s32 $0x3400, s0  }
0x40b: {  	[tilespmem:s7], [sflag:$0x8] =	stream.linear.gather [hbm4b:s9+s20], $0x400, $0x38;
	v63 =	vld [tilespmem:$0x0]  }
0x40c: {  	s0 =	sadd.s32 $0x3A80, s0  }
0x40d: {  	[tilespmem:s16], [sflag:$0x8] =	stream.linear.gather [hbm4b:s0+s20], $0x400, $0x38;
	v63 =	vld [tilespmem:$0x0]  }
0x40e: {  	s13 =	simm.s32 $0x2200;
	s16 =	simm.s32 $0x4400;
	_ =	swait.ge [sflag:s8], $0x2800  }
0x40f: {  	s0 =	sand.u32 $0x380, s13;
	s1 =	sand.u32 $0x7800, s16;
	[sflag:s8] =	ssyncset.done $0x0  }
0x410: {  	s0 =	sor.u32 s0, s1;
	[sflag:s8] =	ssyncadd.s32 $0xFFFFD800  }
0x411: {  	v1 =	vld [tilespmem:s0+$0x19800];
	_ =	sdelay $0x1  }
0x412: {  	s24 =	simm.s32 $0x4C00;
	s25 =	simm.s32 $0x2600  }
0x413: {  	s2 =	sand.u32 $0x380, s25;
	s1 =	sand.u32 $0x7800, s24  }
0x414: {  	s1 =	sor.u32 s2, s1  }
0x415: {  	s30 =	sadd.s32 $0x19800, s0;
	[tilespmem:s1+$0x19800] =	vst v1  }
0x416: {  	v1 =	vld [tilespmem:s30+$0x10];
	_ =	sdelay $0x3  }
0x417: {  	s3 =	sadd.s32 $0x19800, s1  }
0x418: {  	[tilespmem:s3+$0x10] =	vst v1  }
0x419: {  	v1 =	vld [tilespmem:s30+$0x20];
	_ =	sdelay $0x4  }
0x41a: {  	[tilespmem:s3+$0x20] =	vst v1  }
0x41b: {  	v1 =	vld [tilespmem:s30+$0x30];
	_ =	sdelay $0x4  }
0x41c: {  	[tilespmem:s3+$0x30] =	vst v1  }
0x41d: {  	v1 =	vld [tilespmem:s30+$0x40];
	_ =	sdelay $0x4  }
0x41e: {  	[tilespmem:s3+$0x40] =	vst v1  }
0x41f: {  	v1 =	vld [tilespmem:s30+$0x50];
	_ =	sdelay $0x4  }
0x420: {  	[tilespmem:s3+$0x50] =	vst v1  }
0x421: {  	v1 =	vld [tilespmem:s30+$0x60];
	_ =	sdelay $0x4  }
0x422: {  	[tilespmem:s3+$0x60] =	vst v1  }
0x423: {  	v1 =	vld [tilespmem:s30+$0x70];
	_ =	sdelay $0x2  }
0x424: {  	p4 =	por p5, p5;
	s0 =	simm.s32 $0x2180;
	s1 =	simm.s32 $0x4300  }
0x425: {  	s2 =	simm.s32 $0x2100;
	s5 =	sand.u32 $0x380, s0;
	s4 =	sand.u32 $0x7800, s1  }
.LBB2_9:
0x426: {  	p5 =	sne.s32 s2, $0x80;
	s4 =	sor.u32 s5, s4;
	[tilespmem:s3+$0x70] =	vst v1  }
0x427: {  	v1 =	vld [tilespmem:s4+$0x19800];
	_ =	sdelay $0x1  }
0x428: {  	s3 =	sadd.s32 $0x800, s1;
	s5 =	sadd.s32 $0x400, s0;
	s0 =	smov.u32 s2  }
0x429: {  	s3 =	sand.u32 $0x7800, s3;
	s5 =	sand.u32 $0x380, s5  }
0x42a: {  	s3 =	sor.u32 s5, s3  }
0x42b: {  	s4 =	sadd.s32 $0x19800, s4;
	[tilespmem:s3+$0x19800] =	vst v1  }
0x42c: {  	v1 =	vld [tilespmem:s4+$0x10];
	_ =	sdelay $0x3  }
0x42d: {  	s3 =	sadd.s32 $0x19800, s3  }
0x42e: {  	[tilespmem:s3+$0x10] =	vst v1  }
0x42f: {  	v1 =	vld [tilespmem:s4+$0x20];
	_ =	sdelay $0x4  }
0x430: {  	[tilespmem:s3+$0x20] =	vst v1  }
0x431: {  	v1 =	vld [tilespmem:s4+$0x30];
	_ =	sdelay $0x4  }
0x432: {  	[tilespmem:s3+$0x30] =	vst v1  }
0x433: {  	v1 =	vld [tilespmem:s4+$0x40];
	_ =	sdelay $0x4  }
0x434: {  	[tilespmem:s3+$0x40] =	vst v1  }
0x435: {  	v1 =	vld [tilespmem:s4+$0x50];
	_ =	sdelay $0x4  }
0x436: {  	[tilespmem:s3+$0x50] =	vst v1  }
0x437: {  	v1 =	vld [tilespmem:s4+$0x60];
	_ =	sdelay $0x4  }
0x438: {  	[tilespmem:s3+$0x60] =	vst v1  }
.Ltmp6:
0x439: {  	v1 =	vld [tilespmem:s4+$0x70];
	(pc) =	sbr.rel @p5 .LBB2_9-.Ltmp6, $3  }
0x43a: {  	_ =	sdelay $0x1  }
0x43b: {  	s1 =	sadd.s32 $0xFFFFFF00, s1  }
0x43c: {  	s2 =	sadd.s32 $0xFFFFFF80, s2;
	s5 =	sand.u32 $0x380, s0;
	s4 =	sand.u32 $0x7800, s1  }
0x43d: {  	s2 =	sor.u32 s5, s4;
	[tilespmem:s3+$0x70] =	vst v1  }
0x43e: {  	v1 =	vld [tilespmem:s2+$0x19800];
	_ =	sdelay $0x1  }
0x43f: {  	s1 =	sadd.s32 $0x800, s1;
	s0 =	sadd.s32 $0x400, s0  }
0x440: {  	s1 =	sand.u32 $0x7800, s1;
	s0 =	sand.u32 $0x380, s0  }
0x441: {  	s0 =	sor.u32 s0, s1  }
0x442: {  	s5 =	sadd.s32 $0x19800, s2;
	[tilespmem:s0+$0x19800] =	vst v1  }
0x443: {  	v1 =	vld [tilespmem:s5+$0x10];
	_ =	sdelay $0x3  }
0x444: {  	s0 =	sadd.s32 $0x19800, s0  }
0x445: {  	[tilespmem:s0+$0x10] =	vst v1  }
0x446: {  	v1 =	vld [tilespmem:s5+$0x20];
	_ =	sdelay $0x4  }
0x447: {  	[tilespmem:s0+$0x20] =	vst v1  }
0x448: {  	v1 =	vld [tilespmem:s5+$0x30];
	_ =	sdelay $0x4  }
0x449: {  	[tilespmem:s0+$0x30] =	vst v1  }
0x44a: {  	v1 =	vld [tilespmem:s5+$0x40];
	_ =	sdelay $0x4  }
0x44b: {  	[tilespmem:s0+$0x40] =	vst v1  }
0x44c: {  	v1 =	vld [tilespmem:s5+$0x50];
	_ =	sdelay $0x4  }
0x44d: {  	[tilespmem:s0+$0x50] =	vst v1  }
0x44e: {  	v1 =	vld [tilespmem:s5+$0x60];
	_ =	sdelay $0x4  }
0x44f: {  	[tilespmem:s0+$0x60] =	vst v1  }
0x450: {  	[tilespmem:$0x198B0] =	vst v0  }
0x451: {  	[tilespmem:$0x19930] =	vst v0  }
0x452: {  	[tilespmem:$0x199B0] =	vst v0  }
0x453: {  	v1 =	vld [tilespmem:s5+$0x70];
	[tilespmem:$0x19A30] =	vst v0  }
0x454: {  	[tilespmem:$0x19AB0] =	vst v0  }
0x455: {  	[tilespmem:$0x19B30] =	vst v0  }
0x456: {  	[tilespmem:$0x19BB0] =	vst v0  }
0x457: {  	[tilespmem:$0x1A030] =	vst v0  }
0x458: {  	[tilespmem:s0+$0x70] =	vst v1  }
0x459: {  	[tilespmem:$0x19880] =	vst v0  }
0x45a: {  	[tilespmem:$0x19890] =	vst v0  }
0x45b: {  	[tilespmem:$0x198A0] =	vst v0  }
0x45c: {  	[tilespmem:$0x198C0] =	vst v0  }
0x45d: {  	[tilespmem:$0x198D0] =	vst v0  }
0x45e: {  	[tilespmem:$0x198E0] =	vst v0  }
0x45f: {  	[tilespmem:$0x198F0] =	vst v0  }
0x460: {  	[tilespmem:$0x19900] =	vst v0  }
0x461: {  	[tilespmem:$0x19910] =	vst v0  }
0x462: {  	[tilespmem:$0x19920] =	vst v0  }
0x463: {  	[tilespmem:$0x19940] =	vst v0  }
0x464: {  	[tilespmem:$0x19950] =	vst v0  }
0x465: {  	[tilespmem:$0x19960] =	vst v0  }
0x466: {  	[tilespmem:$0x19970] =	vst v0  }
0x467: {  	[tilespmem:$0x19980] =	vst v0  }
0x468: {  	[tilespmem:$0x19990] =	vst v0  }
0x469: {  	[tilespmem:$0x199A0] =	vst v0  }
0x46a: {  	[tilespmem:$0x199C0] =	vst v0  }
0x46b: {  	[tilespmem:$0x199D0] =	vst v0  }
0x46c: {  	[tilespmem:$0x199E0] =	vst v0  }
0x46d: {  	[tilespmem:$0x199F0] =	vst v0  }
0x46e: {  	[tilespmem:$0x19A00] =	vst v0  }
0x46f: {  	[tilespmem:$0x19A10] =	vst v0  }
0x470: {  	[tilespmem:$0x19A20] =	vst v0  }
0x471: {  	[tilespmem:$0x19A40] =	vst v0  }
0x472: {  	[tilespmem:$0x19A50] =	vst v0  }
0x473: {  	[tilespmem:$0x19A60] =	vst v0  }
0x474: {  	[tilespmem:$0x19A70] =	vst v0  }
0x475: {  	[tilespmem:$0x19A80] =	vst v0  }
0x476: {  	[tilespmem:$0x19A90] =	vst v0  }
0x477: {  	[tilespmem:$0x19AA0] =	vst v0  }
0x478: {  	[tilespmem:$0x19AC0] =	vst v0  }
0x479: {  	[tilespmem:$0x19AD0] =	vst v0  }
0x47a: {  	[tilespmem:$0x19AE0] =	vst v0  }
0x47b: {  	[tilespmem:$0x19AF0] =	vst v0  }
0x47c: {  	[tilespmem:$0x19B00] =	vst v0  }
0x47d: {  	[tilespmem:$0x19B10] =	vst v0  }
0x47e: {  	[tilespmem:$0x19B20] =	vst v0  }
0x47f: {  	[tilespmem:$0x19B40] =	vst v0  }
0x480: {  	[tilespmem:$0x19B50] =	vst v0  }
0x481: {  	[tilespmem:$0x19B60] =	vst v0  }
0x482: {  	[tilespmem:$0x19B70] =	vst v0  }
0x483: {  	[tilespmem:$0x19B80] =	vst v0  }
0x484: {  	[tilespmem:$0x19B90] =	vst v0  }
0x485: {  	[tilespmem:$0x19BA0] =	vst v0  }
0x486: {  	[tilespmem:$0x19BC0] =	vst v0  }
0x487: {  	[tilespmem:$0x19BD0] =	vst v0  }
0x488: {  	[tilespmem:$0x19BE0] =	vst v0  }
0x489: {  	[tilespmem:$0x19BF0] =	vst v0  }
0x48a: {  	[tilespmem:$0x1A000] =	vst v0  }
0x48b: {  	[tilespmem:$0x1A010] =	vst v0  }
0x48c: {  	[tilespmem:$0x1A020] =	vst v0  }
0x48d: {  	[tilespmem:$0x1A040] =	vst v0  }
0x48e: {  	[tilespmem:$0x1A050] =	vst v0  }
0x48f: {  	[tilespmem:$0x1A060] =	vst v0  }
0x490: {  	s0 =	sadd.s32 s21, s12;
	[tilespmem:$0x1A070] =	vst v0  }
0x491: {  	[hbm4b:s0+s20] =	stream.linear.scatter [tilespmem:s18], [sflag:$0x8], $0x400, $0x38;
	v63 =	vld [tilespmem:$0x0]  }
0x492: {  	s7 =	sadd.s32 $0x680, s0  }
0x493: {  	[hbm4b:s7+s20] =	stream.linear.scatter [tilespmem:s28], [sflag:$0x8], $0x400, $0x38;
	v63 =	vld [tilespmem:$0x0]  }
0x494: {  	s2 =	simm.s32 $0x1A800;
	s8 =	sadd.s32 $0xD00, s0  }
0x495: {  	[hbm4b:s8+s20] =	stream.linear.scatter [tilespmem:s2], [sflag:$0x8], $0x400, $0x38;
	v63 =	vld [tilespmem:$0x0]  }
0x496: {  	s3 =	simm.s32 $0x1B000;
	s9 =	sadd.s32 $0x1380, s0  }
0x497: {  	[hbm4b:s9+s20] =	stream.linear.scatter [tilespmem:s3], [sflag:$0x8], $0x400, $0x38;
	v63 =	vld [tilespmem:$0x0]  }
0x498: {  	s4 =	simm.s32 $0x1B800;
	s12 =	sadd.s32 $0x1A00, s0  }
0x499: {  	[hbm4b:s12+s20] =	stream.linear.scatter [tilespmem:s4], [sflag:$0x8], $0x400, $0x38;
	v63 =	vld [tilespmem:$0x0]  }
0x49a: {  	s5 =	simm.s32 $0x1C000;
	s13 =	sadd.s32 $0x2080, s0  }
0x49b: {  	[hbm4b:s13+s20] =	stream.linear.scatter [tilespmem:s5], [sflag:$0x8], $0x400, $0x38;
	v63 =	vld [tilespmem:$0x0]  }
0x49c: {  	s30 =	simm.s32 $0x1C800;
	s16 =	sadd.s32 $0x2700, s0  }
0x49d: {  	[hbm4b:s16+s20] =	stream.linear.scatter [tilespmem:s30], [sflag:$0x8], $0x400, $0x38;
	v63 =	vld [tilespmem:$0x0]  }
0x49e: {  	s24 =	sadd.s32 $0x2D80, s0;
	s9 =	simm.s32 $0x1D000  }
0x49f: {  	[hbm4b:s24+s20] =	stream.linear.scatter [tilespmem:s9], [sflag:$0x8], $0x400, $0x38;
	v63 =	vld [tilespmem:$0x0]  }
0x4a0: {  	s25 =	sadd.s32 $0x3400, s0;
	s0 =	sadd.s32 $0x3A80, s0;
	s7 =	simm.s32 $0x1D800  }
0x4a1: {  	[hbm4b:s25+s20] =	stream.linear.scatter [tilespmem:s7], [sflag:$0x8], $0x400, $0x38;
	v63 =	vld [tilespmem:$0x0]  }
.Ltmp7:
0x4a2: {  	s8 =	simm.s32 $0x8;
	s16 =	simm.s32 $0x1E000;
	(pc) =	sbr.rel @p4 .LBB2_8-.Ltmp7, $4  }
0x4a3: {  	[hbm4b:s0+s20] =	stream.linear.scatter [tilespmem:s16], [sflag:$0x8], $0x400, $0x38;
	v63 =	vld [tilespmem:$0x0]  }
0x4a4: {  	_ =	swait.ge [sflag:s8], $0x2800  }
0x4a5: {  	[sflag:s8] =	ssyncset.done $0x0  }
0x4a6: {  	p5 =	por $0x0, $0x0;
	s0 =	simm.s32 $0x6;
	[sflag:s8] =	ssyncadd.s32 $0xFFFFD800  }
.LBB2_11:
.Ltmp8:
0x4a7: {  	(pc) =	sbr.rel @p1 .LBB2_15-.Ltmp8, $2  }
0x4a8: {  	_ =	sdelay $0x2  }
0x4a9: {  	s1 =	sld [smem:$0x7BE]  }
0x4aa: {  	s1 =	sld [smem:$0x7FA];
	_ =	sdelay $0x1  }
0x4ab: {  	s0 =	simm.s32 $0x19C00  }
0x4ac: {  	[tilespmem:s0], [sflag:$0x8] =	stream.linear.gather [hbm4b:s1+s20], $0x400, $0x38;
	v63 =	vld [tilespmem:$0x0]  }
0x4ad: {  	s2 =	simm.s32 $0x1A400;
	s25 =	sadd.s32 $0x680, s1  }
0x4ae: {  	[tilespmem:s2], [sflag:$0x8] =	stream.linear.gather [hbm4b:s25+s20], $0x400, $0x38;
	v63 =	vld [tilespmem:$0x0]  }
0x4af: {  	s30 =	simm.s32 $0x1AC00;
	s28 =	sadd.s32 $0xD00, s1  }
0x4b0: {  	[tilespmem:s30], [sflag:$0x8] =	stream.linear.gather [hbm4b:s28+s20], $0x400, $0x38;
	v63 =	vld [tilespmem:$0x0]  }
0x4b1: {  	s3 =	simm.s32 $0x1B400;
	s2 =	sadd.s32 $0x1380, s1  }
0x4b2: {  	[tilespmem:s3], [sflag:$0x8] =	stream.linear.gather [hbm4b:s2+s20], $0x400, $0x38;
	v63 =	vld [tilespmem:$0x0]  }
0x4b3: {  	s5 =	simm.s32 $0x1BC00;
	s4 =	sadd.s32 $0x1A00, s1  }
0x4b4: {  	[tilespmem:s5], [sflag:$0x8] =	stream.linear.gather [hbm4b:s4+s20], $0x400, $0x38;
	v63 =	vld [tilespmem:$0x0]  }
0x4b5: {  	s7 =	simm.s32 $0x1C400;
	s6 =	sadd.s32 $0x2080, s1  }
0x4b6: {  	[tilespmem:s7], [sflag:$0x8] =	stream.linear.gather [hbm4b:s6+s20], $0x400, $0x38;
	v63 =	vld [tilespmem:$0x0]  }
0x4b7: {  	s9 =	simm.s32 $0x1CC00;
	s8 =	sadd.s32 $0x2700, s1  }
0x4b8: {  	[tilespmem:s9], [sflag:$0x8] =	stream.linear.gather [hbm4b:s8+s20], $0x400, $0x38;
	v63 =	vld [tilespmem:$0x0]  }
0x4b9: {  	s12 =	simm.s32 $0x1D400;
	s16 =	simm.s32 $0x1DC00;
	s11 =	sadd.s32 $0x2D80, s1  }
0x4ba: {  	[tilespmem:s12], [sflag:$0x8] =	stream.linear.gather [hbm4b:s11+s20], $0x400, $0x38;
	v63 =	vld [tilespmem:$0x0]  }
0x4bb: {  	s21 =	simm.s32 $0x1E400;
	s24 =	simm.s32 $0x2200;
	s13 =	sadd.s32 $0x3400, s1  }
0x4bc: {  	[tilespmem:s16], [sflag:$0x8] =	stream.linear.gather [hbm4b:s13+s20], $0x400, $0x38;
	v63 =	vld [tilespmem:$0x0]  }
0x4bd: {  	s18 =	sadd.s32 $0x3A80, s1;
	s25 =	simm.s32 $0x4400;
	s8 =	simm.s32 $0x8  }
0x4be: {  	[tilespmem:s21], [sflag:$0x8] =	stream.linear.gather [hbm4b:s18+s20], $0x400, $0x38;
	v63 =	vld [tilespmem:$0x0]  }
0x4bf: {  	s0 =	sand.u32 $0x380, s24;
	s1 =	sand.u32 $0x7800, s25;
	_ =	swait.ge [sflag:s8], $0x2800  }
0x4c0: {  	s0 =	sor.u32 s0, s1;
	[sflag:s8] =	ssyncset.done $0x0  }
0x4c1: {  	s3 =	sadd.s32 $0x19800, s0;
	[sflag:s8] =	ssyncadd.s32 $0xFFFFD800  }
0x4c2: {  	v1 =	vld [tilespmem:s3+$0x400]  }
0x4c3: {  	s28 =	simm.s32 $0x4C00;
	s30 =	simm.s32 $0x2600  }
0x4c4: {  	s1 =	sand.u32 $0x380, s30;
	s0 =	sand.u32 $0x7800, s28  }
0x4c5: {  	s0 =	sor.u32 s1, s0  }
0x4c6: {  	s2 =	sadd.s32 $0x19800, s0  }
0x4c7: {  	[tilespmem:s2+$0x400] =	vst v1  }
0x4c8: {  	v1 =	vld [tilespmem:s3+$0x410];
	_ =	sdelay $0x4  }
0x4c9: {  	[tilespmem:s2+$0x410] =	vst v1  }
0x4ca: {  	v1 =	vld [tilespmem:s3+$0x420];
	_ =	sdelay $0x4  }
0x4cb: {  	[tilespmem:s2+$0x420] =	vst v1  }
0x4cc: {  	v1 =	vld [tilespmem:s3+$0x430];
	_ =	sdelay $0x1  }
0x4cd: {  	s1 =	simm.s32 $0x4300;
	s0 =	simm.s32 $0x2180  }
0x4ce: {  	s4 =	sand.u32 $0x7800, s1;
	s5 =	sand.u32 $0x380, s0;
	s3 =	simm.s32 $0x2100  }
.LBB2_13:
0x4cf: {  	p4 =	sne.s32 s3, $0x80;
	s4 =	sor.u32 s5, s4  }
0x4d0: {  	s4 =	sadd.s32 $0x19800, s4;
	[tilespmem:s2+$0x430] =	vst v1  }
0x4d1: {  	v1 =	vld [tilespmem:s4+$0x400]  }
0x4d2: {  	s5 =	sadd.s32 $0x400, s0;
	s0 =	smov.u32 s3;
	s2 =	sadd.s32 $0x800, s1  }
0x4d3: {  	s5 =	sand.u32 $0x380, s5;
	s2 =	sand.u32 $0x7800, s2  }
0x4d4: {  	s2 =	sor.u32 s5, s2  }
0x4d5: {  	s2 =	sadd.s32 $0x19800, s2  }
0x4d6: {  	[tilespmem:s2+$0x400] =	vst v1  }
0x4d7: {  	v1 =	vld [tilespmem:s4+$0x410];
	_ =	sdelay $0x4  }
0x4d8: {  	[tilespmem:s2+$0x410] =	vst v1  }
0x4d9: {  	v1 =	vld [tilespmem:s4+$0x420];
	_ =	sdelay $0x4  }
.Ltmp9:
0x4da: {  	[tilespmem:s2+$0x420] =	vst v1;
	(pc) =	sbr.rel @p4 .LBB2_13-.Ltmp9, $3  }
0x4db: {  	v1 =	vld [tilespmem:s4+$0x430];
	_ =	sdelay $0x1  }
0x4dc: {  	s1 =	sadd.s32 $0xFFFFFF00, s1  }
0x4dd: {  	s3 =	sadd.s32 $0xFFFFFF80, s3;
	s5 =	sand.u32 $0x380, s0;
	s4 =	sand.u32 $0x7800, s1  }
0x4de: {  	s3 =	sor.u32 s5, s4  }
0x4df: {  	s3 =	sadd.s32 $0x19800, s3;
	[tilespmem:s2+$0x430] =	vst v1  }
0x4e0: {  	v1 =	vld [tilespmem:s3+$0x400]  }
0x4e1: {  	s1 =	sadd.s32 $0x800, s1;
	s0 =	sadd.s32 $0x400, s0  }
0x4e2: {  	s1 =	sand.u32 $0x7800, s1;
	s0 =	sand.u32 $0x380, s0  }
0x4e3: {  	s0 =	sor.u32 s0, s1  }
0x4e4: {  	s0 =	sadd.s32 $0x19800, s0  }
0x4e5: {  	[tilespmem:s0+$0x400] =	vst v1  }
0x4e6: {  	v1 =	vld [tilespmem:s3+$0x410];
	_ =	sdelay $0x4  }
0x4e7: {  	[tilespmem:s0+$0x410] =	vst v1  }
0x4e8: {  	v1 =	vld [tilespmem:s3+$0x420];
	_ =	sdelay $0x4  }
0x4e9: {  	[tilespmem:s0+$0x420] =	vst v1  }
0x4ea: {  	v1 =	vld [tilespmem:s3+$0x430];
	_ =	sdelay $0x4  }
0x4eb: {  	[tilespmem:s0+$0x430] =	vst v1  }
0x4ec: {  	[tilespmem:$0x19C80] =	vst v0  }
0x4ed: {  	[tilespmem:$0x19C90] =	vst v0  }
0x4ee: {  	[tilespmem:$0x19CA0] =	vst v0  }
0x4ef: {  	[tilespmem:$0x19CB0] =	vst v0  }
0x4f0: {  	[tilespmem:$0x19D00] =	vst v0  }
0x4f1: {  	[tilespmem:$0x19D10] =	vst v0  }
0x4f2: {  	[tilespmem:$0x19D20] =	vst v0  }
0x4f3: {  	[tilespmem:$0x19D30] =	vst v0  }
0x4f4: {  	[tilespmem:$0x19D80] =	vst v0  }
0x4f5: {  	[tilespmem:$0x19D90] =	vst v0  }
0x4f6: {  	[tilespmem:$0x19DA0] =	vst v0  }
0x4f7: {  	[tilespmem:$0x19DB0] =	vst v0  }
0x4f8: {  	[tilespmem:$0x19E00] =	vst v0  }
0x4f9: {  	[tilespmem:$0x19E10] =	vst v0  }
0x4fa: {  	[tilespmem:$0x19E20] =	vst v0  }
0x4fb: {  	[tilespmem:$0x19E30] =	vst v0  }
0x4fc: {  	[tilespmem:$0x19E80] =	vst v0  }
0x4fd: {  	[tilespmem:$0x19E90] =	vst v0  }
0x4fe: {  	[tilespmem:$0x19EA0] =	vst v0  }
0x4ff: {  	[tilespmem:$0x19EB0] =	vst v0  }
0x500: {  	[tilespmem:$0x19F00] =	vst v0  }
0x501: {  	[tilespmem:$0x19F10] =	vst v0  }
0x502: {  	[tilespmem:$0x19F20] =	vst v0  }
0x503: {  	[tilespmem:$0x19F30] =	vst v0  }
0x504: {  	[tilespmem:$0x19F80] =	vst v0  }
0x505: {  	[tilespmem:$0x19F90] =	vst v0  }
0x506: {  	[tilespmem:$0x19FA0] =	vst v0  }
0x507: {  	[tilespmem:$0x19FB0] =	vst v0  }
0x508: {  	[tilespmem:$0x1A400] =	vst v0  }
0x509: {  	s1 =	sld [smem:$0x7FB];
	[tilespmem:$0x1A410] =	vst v0  }
0x50a: {  	[tilespmem:$0x1A420] =	vst v0  }
0x50b: {  	s25 =	simm.s32 $0x19C00;
	[tilespmem:$0x1A430] =	vst v0  }
0x50c: {  	[hbm4b:s1+s20] =	stream.linear.scatter [tilespmem:s25], [sflag:$0x8], $0x400, $0x38;
	v63 =	vld [tilespmem:$0x0]  }
0x50d: {  	s30 =	simm.s32 $0x1A400;
	s28 =	sadd.s32 $0x680, s1  }
0x50e: {  	[hbm4b:s28+s20] =	stream.linear.scatter [tilespmem:s30], [sflag:$0x8], $0x400, $0x38;
	v63 =	vld [tilespmem:$0x0]  }
0x50f: {  	s4 =	simm.s32 $0x1AC00;
	s3 =	sadd.s32 $0xD00, s1  }
0x510: {  	[hbm4b:s3+s20] =	stream.linear.scatter [tilespmem:s4], [sflag:$0x8], $0x400, $0x38;
	v63 =	vld [tilespmem:$0x0]  }
0x511: {  	s6 =	simm.s32 $0x1B400;
	s5 =	sadd.s32 $0x1380, s1  }
0x512: {  	[hbm4b:s5+s20] =	stream.linear.scatter [tilespmem:s6], [sflag:$0x8], $0x400, $0x38;
	v63 =	vld [tilespmem:$0x0]  }
0x513: {  	s9 =	simm.s32 $0x1BC00;
	s7 =	sadd.s32 $0x1A00, s1  }
0x514: {  	[hbm4b:s7+s20] =	stream.linear.scatter [tilespmem:s9], [sflag:$0x8], $0x400, $0x38;
	v63 =	vld [tilespmem:$0x0]  }
0x515: {  	s12 =	simm.s32 $0x1C400;
	s11 =	sadd.s32 $0x2080, s1  }
0x516: {  	[hbm4b:s11+s20] =	stream.linear.scatter [tilespmem:s12], [sflag:$0x8], $0x400, $0x38;
	v63 =	vld [tilespmem:$0x0]  }
0x517: {  	s16 =	simm.s32 $0x1CC00;
	s13 =	sadd.s32 $0x2700, s1  }
0x518: {  	[hbm4b:s13+s20] =	stream.linear.scatter [tilespmem:s16], [sflag:$0x8], $0x400, $0x38;
	v63 =	vld [tilespmem:$0x0]  }
0x519: {  	s21 =	simm.s32 $0x1D400;
	s18 =	sadd.s32 $0x2D80, s1  }
0x51a: {  	[hbm4b:s18+s20] =	stream.linear.scatter [tilespmem:s21], [sflag:$0x8], $0x400, $0x38;
	v63 =	vld [tilespmem:$0x0]  }
0x51b: {  	s24 =	sadd.s32 $0x3400, s1;
	s25 =	simm.s32 $0x1DC00  }
0x51c: {  	[hbm4b:s24+s20] =	stream.linear.scatter [tilespmem:s25], [sflag:$0x8], $0x400, $0x38;
	v63 =	vld [tilespmem:$0x0]  }
.Ltmp10:
0x51d: {  	s28 =	sadd.s32 $0x3A80, s1;
	s30 =	simm.s32 $0x1E400;
	(pc) =	sbr.rel .LBB2_15-.Ltmp10, $4  }
0x51e: {  	[hbm4b:s28+s20] =	stream.linear.scatter [tilespmem:s30], [sflag:$0x8], $0x400, $0x38;
	v63 =	vld [tilespmem:$0x0]  }
0x51f: {  	_ =	swait.ge [sflag:s8], $0x2800  }
0x520: {  	[sflag:s8] =	ssyncset.done $0x0  }
0x521: {  	s1 =	sld [smem:$0x7BE];
	[sflag:s8] =	ssyncadd.s32 $0xFFFFD800  }
.LBB2_16:
0x522: {  	_ =	sfence.sel $0x180000  }
0x523: {  	[bflag:$0x0] =	sbarrier.arrive $0xFFFF  }
0x524: {  	_ =	strace $0x90000047  }
0x525: {  	s0 =	stileid.u32;
	[bflag:$0x2] =	sbarrier.arrive $0xFFFF  }
0x526: {  	p0 =	sne.s32 s0, $0x0;
	s0 =	rddreg [dreg:$0x6]  }
0x527: {  	s0 =	sadd.s32 @!p0 $0x100000, s0  }
0x528: {  	[sflag:s0] =	ssyncadd.tile.s32 @!p0 $0x1;
	_ =	shalt  }
.Lfunc_end2:
_tile_overlayer_lowered:
.L_overlay_start_2:
0x529: {  	(tag) =	ssettag $0x2  }
0x52a: {  	s0 =	rddreg [dreg:$0x0];
	s2 =	stileid.u32  }
0x52b: {  	s1 =	rddreg [dreg:$0x1];
	p0 =	sne.s32 s2, $0x0  }
0x52c: {  	s3 =	rddreg [dreg:$0x2];
	[bflag:$0x3] =	sbarrier.arrive $0xFFFF;
	s2 =	simm.s32 @!p0 $0x1C09  }
0x52d: {  	[timem:s3], [sflag:s2] =	dma.local @!p0 [hbm:s0], s1  }
0x52e: {  	s0 =	simm.s32 @!p0 $0x9  }
0x52f: {  	_ =	swait.ge @!p0 [sflag:s0], s1  }
0x530: {  	s1 =	ssub.s32 @!p0 $0x0, s1;
	[sflag:s0] =	ssyncset.done @!p0 $0x0  }
0x531: {  	[sflag:s0] =	ssyncadd.s32 @!p0 s1  }
0x532: {  	[bflag:$0x3] =	sbarrier.arrive $0xFFFF  }
0x533: {  	_ =	shalt  }

</sc_bundles>
